<compile_context>
chip_gen: v7x
topology: tpu7x:2x2x1
jax: 0.10.2.dev20260603
libtpu: 0.0.44.dev20260713+nightly
codegen_flags: <defaults>
</compile_context>

<pallas_src>
import functools

import jax
import jax.numpy as jnp
from jax import lax
from jax.experimental import pallas as pl
from jax.experimental.pallas import tpu as pltpu
from jax.experimental.pallas import tpu_sc as plsc

B = 4096
L = 200
F = 4
NC, NS = 2, 16
NW = NC * NS
CW = B // NW
LCH = 40
NCHUNK = L // LCH
NV = CW // 16
WIDTHS = (12, 31, 7, 24)

_mesh = plsc.VectorSubcoreMesh(core_axis_name="c", subcore_axis_name="s")


@functools.partial(
    pl.kernel,
    out_type=jax.ShapeDtypeStruct((L, B), jnp.float32),
    mesh=_mesh,
    compiler_params=pltpu.CompilerParams(needs_layout_passes=False),
    scratch_types=[
        pltpu.VMEM((LCH, F, CW), jnp.int32),
        pltpu.VMEM((LCH, F, CW), jnp.int32),
        pltpu.VMEM((L, CW), jnp.float32),
        pltpu.SemaphoreType.DMA,
        pltpu.SemaphoreType.DMA,
        pltpu.SemaphoreType.DMA,
        pltpu.SemaphoreType.DMA,
    ],
)
def _t2v_sc(xs_hbm, out_hbm, in0, in1, cnt_v, si0, si1, so0, so1):
    wid = lax.axis_index("s") * NC + lax.axis_index("c")
    col = wid * CW
    inbufs, isems = (in0, in1), (si0, si1)

    one = jnp.full((16,), 1.0, jnp.float32)
    zero = jnp.full((16,), 0.0, jnp.float32)

    def start_in(c):
        return pltpu.async_copy(
            xs_hbm.at[pl.ds(c * LCH, LCH), wid],
            inbufs[c % 2], isems[c % 2])

    def process(c, acc):
        ib = inbufs[c % 2]

        def row_body(r, acc):
            out_acc = []
            for v in range(NV):
                ms = []
                for f, w in enumerate(WIDTHS):
                    vu = plsc.bitcast(
                        ib[r, f, pl.ds(v * 16, 16)], jnp.uint32)
                    ms.append(jnp.where(vu < jnp.uint32(w), one, zero))
                cnt = (ms[0] + ms[1]) + (ms[2] + ms[3])
                cnt_v[c * LCH + r, pl.ds(v * 16, 16)] = cnt
                out_acc.append(acc[v] + cnt * cnt)
            return tuple(out_acc)

        return lax.fori_loop(0, LCH, row_body, acc)

    cps = [None] * NCHUNK
    cps[0] = start_in(0)
    acc = (zero,) * NV
    for c in range(NCHUNK):
        if c + 1 < NCHUNK:
            cps[c + 1] = start_in(c + 1)
        cps[c].wait()
        acc = process(c, acc)

    gs = []
    for v in range(NV):
        t = acc[v]
        gi = jnp.int32(0x5F3759DF) - (plsc.bitcast(t, jnp.int32) >> 1)
        g = plsc.bitcast(gi, jnp.float32)
        for _ in range(3):
            g = g * (1.5 - 0.5 * t * g * g)
        gs.append(g)

    def scale_body(r, carry):
        for v in range(NV):
            sl = pl.ds(v * 16, 16)
            cnt_v[r, sl] = cnt_v[r, sl] * gs[v]
        return carry

    osems = (so0, so1)
    ops = [None] * NCHUNK
    for c in range(NCHUNK):
        lax.fori_loop(c * LCH, (c + 1) * LCH, scale_body, 0)
        if c >= 2:
            ops[c - 2].wait()
        ops[c] = pltpu.async_copy(
            cnt_v.at[pl.ds(c * LCH, LCH), :],
            out_hbm.at[pl.ds(c * LCH, LCH), pl.ds(col, CW)],
            osems[c % 2])
    ops[NCHUNK - 2].wait()
    ops[NCHUNK - 1].wait()


def kernel(x):
    xs = (x.astype(jnp.int32).reshape(NW, CW, L, F)
          .transpose(2, 0, 3, 1))
    return _t2v_sc(xs).T

# --- scband reference (transcript-rebuilt; emitter-appended) ---
"""Pipeline reference for scband-time2-vec-88055419503233 (READ-ONLY COPY).

The authoritative reference and input builder live on the scoring server;
editing this copy changes nothing except your own understanding.
"""

import jax, jax.numpy as jnp
import numpy as np


def setup_inputs(seed: int = 0) -> dict:
    key = jax.random.key(seed)
    # x[:, :, 0]=month(<12), 1=day(<31), 2=weekday(<7), 3=hour(<24).
    # fill_max=7 keeps every field in range for its respective one_hot width.
    x = jax.random.randint(key, (4096, 200, 4), 0, 7, dtype=jnp.int64)
    return {"x": x}


def reference(x) -> jnp.ndarray:
    x = x.astype(jnp.int64)
    hour_x = jax.nn.one_hot(x[:, :, 3], 24, dtype=jnp.float32)
    weekday_x = jax.nn.one_hot(x[:, :, 2], 7, dtype=jnp.float32)
    day_x = jax.nn.one_hot(x[:, :, 1], 31, dtype=jnp.float32)
    month_x = jax.nn.one_hot(x[:, :, 0], 12, dtype=jnp.float32)
    timestamp = jnp.concatenate([hour_x, weekday_x, day_x, month_x], axis=-1)  # [B, L, 74]
    timestamp = timestamp.mean(axis=2)  # [B, L]
    # F.normalize(p=2, dim=-1): v / max(||v||_2, eps), eps=1e-12
    norm = jnp.linalg.norm(timestamp, ord=2, axis=-1, keepdims=True)
    timestamp = timestamp / jnp.maximum(norm, 1e-12)
    return timestamp

if __name__ == "__main__":
    import jax
    _d = setup_inputs()
    print(jax.jit(kernel)(*tuple(_d.values())))

</pallas_src>

<mosaic_0001>
#map = affine_map<(d0, d1) -> (0, 0, 0, 0)>
#map1 = affine_map<(d0, d1) -> (0, 0)>
module attributes {stable_mosaic.version = 14 : i64} {
  func.func @_t2v_sc(%arg0: i32, %arg1: i32, %arg2: memref<200x32x4x128xi32, #tpu.memory_space<hbm>>, %arg3: memref<200x4096xf32, #tpu.memory_space<hbm>>, %arg4: memref<40x4x128xi32, #tpu.memory_space<vmem>>, %arg5: memref<40x4x128xi32, #tpu.memory_space<vmem>>, %arg6: memref<200x128xf32, #tpu.memory_space<vmem>>, %arg7: memref<!tpu.dma_semaphore, #tpu.memory_space<semaphore_mem>>, %arg8: memref<!tpu.dma_semaphore, #tpu.memory_space<semaphore_mem>>, %arg9: memref<!tpu.dma_semaphore, #tpu.memory_space<semaphore_mem>>, %arg10: memref<!tpu.dma_semaphore, #tpu.memory_space<semaphore_mem>>) attributes {dimension_semantics = [#tpu.dimension_semantics<core_parallel>, #tpu.dimension_semantics<subcore_parallel>], iteration_bounds = array<i64: 2, 16>, scalar_prefetch = 0 : i64, scratch_operands = 7 : i64, tpu.core_type = #tpu.core_type<sc_vector_subcore>, window_params = [{transform_indices = #map}, {transform_indices = #map1}]} {
    %mul3A = arith.constant 2 : i32
    %mul3A_0 = arith.muli %arg1, %mul3A : i32
    %add3A = arith.addi %mul3A_0, %arg0 : i32
    %mul3A_1 = arith.constant 128 : i32
    %mul3A_2 = arith.muli %add3A, %mul3A_1 : i32
    %broadcast_in_dim3A = arith.constant 1.000000e+00 : f32
    %broadcast_in_dim3A_3 = vector.broadcast %broadcast_in_dim3A : f32 to vector<16xf32>
    %broadcast_in_dim3A_4 = arith.constant 0.000000e+00 : f32
    %broadcast_in_dim3A_5 = vector.broadcast %broadcast_in_dim3A_4 : f32 to vector<16xf32>
    %dma_start3A = arith.constant 0 : i32
    %dma_start3A_6 = arith.constant 0 : i32
    %dma_start3A_7 = arith.constant 0 : i32
    %dma_start3A_8 = tpu.memref_slice %arg2[%dma_start3A, %add3A, %dma_start3A_6, %dma_start3A_7] : memref<200x32x4x128xi32, #tpu.memory_space<hbm>> -> memref<40x1x4x128xi32, #tpu.memory_space<hbm>>
    %dma_start3A_9 = tpu.memref_squeeze %dma_start3A_8 : memref<40x1x4x128xi32, #tpu.memory_space<hbm>> -> memref<40x4x128xi32, #tpu.memory_space<hbm>>
    %dma_start3A_10 = arith.constant 0 : i32
    %dma_start3A_11 = arith.constant 0 : i32
    %dma_start3A_12 = arith.constant 0 : i32
    %dma_start3A_13 = tpu.memref_slice %arg2[%dma_start3A_10, %add3A, %dma_start3A_11, %dma_start3A_12] : memref<200x32x4x128xi32, #tpu.memory_space<hbm>> -> memref<40x1x4x128xi32, #tpu.memory_space<hbm>>
    %dma_start3A_14 = tpu.memref_squeeze %dma_start3A_13 : memref<40x1x4x128xi32, #tpu.memory_space<hbm>> -> memref<40x4x128xi32, #tpu.memory_space<hbm>>
    tpu.enqueue_dma source(%dma_start3A_14 : memref<40x4x128xi32, #tpu.memory_space<hbm>>) target(%arg4 : memref<40x4x128xi32, #tpu.memory_space<vmem>>) target_semaphore(%arg7 : memref<!tpu.dma_semaphore, #tpu.memory_space<semaphore_mem>>)
    %dma_start3A_15 = arith.constant 40 : i32
    %dma_start3A_16 = arith.constant 0 : i32
    %dma_start3A_17 = arith.constant 0 : i32
    %dma_start3A_18 = tpu.memref_slice %arg2[%dma_start3A_15, %add3A, %dma_start3A_16, %dma_start3A_17] : memref<200x32x4x128xi32, #tpu.memory_space<hbm>> -> memref<40x1x4x128xi32, #tpu.memory_space<hbm>>
    %dma_start3A_19 = tpu.memref_squeeze %dma_start3A_18 : memref<40x1x4x128xi32, #tpu.memory_space<hbm>> -> memref<40x4x128xi32, #tpu.memory_space<hbm>>
    %dma_start3A_20 = arith.constant 40 : i32
    %dma_start3A_21 = arith.constant 0 : i32
    %dma_start3A_22 = arith.constant 0 : i32
    %dma_start3A_23 = tpu.memref_slice %arg2[%dma_start3A_20, %add3A, %dma_start3A_21, %dma_start3A_22] : memref<200x32x4x128xi32, #tpu.memory_space<hbm>> -> memref<40x1x4x128xi32, #tpu.memory_space<hbm>>
    %dma_start3A_24 = tpu.memref_squeeze %dma_start3A_23 : memref<40x1x4x128xi32, #tpu.memory_space<hbm>> -> memref<40x4x128xi32, #tpu.memory_space<hbm>>
    tpu.enqueue_dma source(%dma_start3A_24 : memref<40x4x128xi32, #tpu.memory_space<hbm>>) target(%arg5 : memref<40x4x128xi32, #tpu.memory_space<vmem>>) target_semaphore(%arg8 : memref<!tpu.dma_semaphore, #tpu.memory_space<semaphore_mem>>)
    %dma_wait3A = arith.constant 0 : i32
    %dma_wait3A_25 = arith.constant 0 : i32
    %dma_wait3A_26 = arith.constant 0 : i32
    %dma_wait3A_27 = tpu.memref_slice %arg2[%dma_wait3A, %add3A, %dma_wait3A_25, %dma_wait3A_26] : memref<200x32x4x128xi32, #tpu.memory_space<hbm>> -> memref<40x1x4x128xi32, #tpu.memory_space<hbm>>
    %dma_wait3A_28 = tpu.memref_squeeze %dma_wait3A_27 : memref<40x1x4x128xi32, #tpu.memory_space<hbm>> -> memref<40x4x128xi32, #tpu.memory_space<hbm>>
    %dma_wait3A_29 = arith.constant 0 : i32
    %dma_wait3A_30 = arith.constant 0 : i32
    %dma_wait3A_31 = arith.constant 0 : i32
    %dma_wait3A_32 = tpu.memref_slice %arg2[%dma_wait3A_29, %add3A, %dma_wait3A_30, %dma_wait3A_31] : memref<200x32x4x128xi32, #tpu.memory_space<hbm>> -> memref<40x1x4x128xi32, #tpu.memory_space<hbm>>
    %dma_wait3A_33 = tpu.memref_squeeze %dma_wait3A_32 : memref<40x1x4x128xi32, #tpu.memory_space<hbm>> -> memref<40x4x128xi32, #tpu.memory_space<hbm>>
    tpu.wait_dma2 semaphore(%arg7 : memref<!tpu.dma_semaphore, #tpu.memory_space<semaphore_mem>>) src(%dma_wait3A_33 : memref<40x4x128xi32, #tpu.memory_space<hbm>>) dst(%arg4 : memref<40x4x128xi32, #tpu.memory_space<vmem>>)
    %scan3A = arith.constant 0 : i32
    %scan3A_34 = arith.constant 40 : i32
    %scan3A_35 = arith.addi %scan3A, %scan3A_34 : i32
    %scan3A_36 = arith.constant 1 : i32
    %scan3A_37:8 = scf.for %scan3A_540 = %scan3A to %scan3A_35 step %scan3A_36 iter_args(%scan3A_541 = %broadcast_in_dim3A_5, %scan3A_542 = %broadcast_in_dim3A_5, %scan3A_543 = %broadcast_in_dim3A_5, %scan3A_544 = %broadcast_in_dim3A_5, %scan3A_545 = %broadcast_in_dim3A_5, %scan3A_546 = %broadcast_in_dim3A_5, %scan3A_547 = %broadcast_in_dim3A_5, %scan3A_548 = %broadcast_in_dim3A_5) -> (vector<16xf32>, vector<16xf32>, vector<16xf32>, vector<16xf32>, vector<16xf32>, vector<16xf32>, vector<16xf32>, vector<16xf32>)  : i32 {
      %get3A = arith.constant 0 : i32
      %get3A_549 = arith.index_cast %scan3A_540 : i32 to index
      %get3A_550 = arith.index_cast %get3A : i32 to index
      %get3A_551 = arith.constant 0 : index
      %get3A_552 = tpu.vector_load %arg4[%get3A_549, %get3A_550, %get3A_551] {strides = array<i32>} : memref<40x4x128xi32, #tpu.memory_space<vmem>>, vector<16xi32>,
      %bitcast3A_553 = vector.bitcast %get3A_552 : vector<16xi32> to vector<16xi32>
      %lt3A = arith.constant 12 : i32
      %lt3A_554 = vector.broadcast %lt3A : i32 to vector<16xi32>
      %lt3A_555 = arith.cmpi ult, %bitcast3A_553, %lt3A_554 : vector<16xi32>
      %select_n3A = arith.select %lt3A_555, %broadcast_in_dim3A_3, %broadcast_in_dim3A_5 : vector<16xi1>, vector<16xf32>
      %get3A_556 = arith.constant 1 : i32
      %get3A_557 = arith.index_cast %scan3A_540 : i32 to index
      %get3A_558 = arith.index_cast %get3A_556 : i32 to index
      %get3A_559 = arith.constant 0 : index
      %get3A_560 = tpu.vector_load %arg4[%get3A_557, %get3A_558, %get3A_559] {strides = array<i32>} : memref<40x4x128xi32, #tpu.memory_space<vmem>>, vector<16xi32>,
      %bitcast3A_561 = vector.bitcast %get3A_560 : vector<16xi32> to vector<16xi32>
      %lt3A_562 = arith.constant 31 : i32
      %lt3A_563 = vector.broadcast %lt3A_562 : i32 to vector<16xi32>
      %lt3A_564 = arith.cmpi ult, %bitcast3A_561, %lt3A_563 : vector<16xi32>
      %select_n3A_565 = arith.select %lt3A_564, %broadcast_in_dim3A_3, %broadcast_in_dim3A_5 : vector<16xi1>, vector<16xf32>
      %get3A_566 = arith.constant 2 : i32
      %get3A_567 = arith.index_cast %scan3A_540 : i32 to index
      %get3A_568 = arith.index_cast %get3A_566 : i32 to index
      %get3A_569 = arith.constant 0 : index
      %get3A_570 = tpu.vector_load %arg4[%get3A_567, %get3A_568, %get3A_569] {strides = array<i32>} : memref<40x4x128xi32, #tpu.memory_space<vmem>>, vector<16xi32>,
      %bitcast3A_571 = vector.bitcast %get3A_570 : vector<16xi32> to vector<16xi32>
      %lt3A_572 = arith.constant 7 : i32
      %lt3A_573 = vector.broadcast %lt3A_572 : i32 to vector<16xi32>
      %lt3A_574 = arith.cmpi ult, %bitcast3A_571, %lt3A_573 : vector<16xi32>
      %select_n3A_575 = arith.select %lt3A_574, %broadcast_in_dim3A_3, %broadcast_in_dim3A_5 : vector<16xi1>, vector<16xf32>
      %get3A_576 = arith.constant 3 : i32
      %get3A_577 = arith.index_cast %scan3A_540 : i32 to index
      %get3A_578 = arith.index_cast %get3A_576 : i32 to index
      %get3A_579 = arith.constant 0 : index
      %get3A_580 = tpu.vector_load %arg4[%get3A_577, %get3A_578, %get3A_579] {strides = array<i32>} : memref<40x4x128xi32, #tpu.memory_space<vmem>>, vector<16xi32>,
      %bitcast3A_581 = vector.bitcast %get3A_580 : vector<16xi32> to vector<16xi32>
      %lt3A_582 = arith.constant 24 : i32
      %lt3A_583 = vector.broadcast %lt3A_582 : i32 to vector<16xi32>
      %lt3A_584 = arith.cmpi ult, %bitcast3A_581, %lt3A_583 : vector<16xi32>
      %select_n3A_585 = arith.select %lt3A_584, %broadcast_in_dim3A_3, %broadcast_in_dim3A_5 : vector<16xi1>, vector<16xf32>
      %add3A_586 = arith.addf %select_n3A, %select_n3A_565 : vector<16xf32>
      %add3A_587 = arith.addf %select_n3A_575, %select_n3A_585 : vector<16xf32>
      %add3A_588 = arith.addf %add3A_586, %add3A_587 : vector<16xf32>
      %add3A_589 = arith.constant 0 : i32
      %add3A_590 = arith.addi %add3A_589, %scan3A_540 : i32
      %swap3A = arith.index_cast %add3A_590 : i32 to index
      %swap3A_591 = arith.constant 0 : index
      %swap3A_592 = tpu.vector_load %arg6[%swap3A, %swap3A_591] {strides = array<i32>} : memref<200x128xf32, #tpu.memory_space<vmem>>, vector<16xf32>,
      tpu.vector_store %arg6[%swap3A, %swap3A_591], %add3A_588 {strides = array<i32>} : memref<200x128xf32, #tpu.memory_space<vmem>>, vector<16xf32>,
      %mul3A_593 = arith.mulf %add3A_588, %add3A_588 : vector<16xf32>
      %add3A_594 = arith.addf %scan3A_541, %mul3A_593 : vector<16xf32>
      %get3A_595 = arith.constant 0 : i32
      %get3A_596 = arith.index_cast %scan3A_540 : i32 to index
      %get3A_597 = arith.index_cast %get3A_595 : i32 to index
      %get3A_598 = arith.constant 16 : index
      %get3A_599 = tpu.vector_load %arg4[%get3A_596, %get3A_597, %get3A_598] {strides = array<i32>} : memref<40x4x128xi32, #tpu.memory_space<vmem>>, vector<16xi32>,
      %bitcast3A_600 = vector.bitcast %get3A_599 : vector<16xi32> to vector<16xi32>
      %lt3A_601 = arith.constant 12 : i32
      %lt3A_602 = vector.broadcast %lt3A_601 : i32 to vector<16xi32>
      %lt3A_603 = arith.cmpi ult, %bitcast3A_600, %lt3A_602 : vector<16xi32>
      %select_n3A_604 = arith.select %lt3A_603, %broadcast_in_dim3A_3, %broadcast_in_dim3A_5 : vector<16xi1>, vector<16xf32>
      %get3A_605 = arith.constant 1 : i32
      %get3A_606 = arith.index_cast %scan3A_540 : i32 to index
      %get3A_607 = arith.index_cast %get3A_605 : i32 to index
      %get3A_608 = arith.constant 16 : index
      %get3A_609 = tpu.vector_load %arg4[%get3A_606, %get3A_607, %get3A_608] {strides = array<i32>} : memref<40x4x128xi32, #tpu.memory_space<vmem>>, vector<16xi32>,
      %bitcast3A_610 = vector.bitcast %get3A_609 : vector<16xi32> to vector<16xi32>
      %lt3A_611 = arith.constant 31 : i32
      %lt3A_612 = vector.broadcast %lt3A_611 : i32 to vector<16xi32>
      %lt3A_613 = arith.cmpi ult, %bitcast3A_610, %lt3A_612 : vector<16xi32>
      %select_n3A_614 = arith.select %lt3A_613, %broadcast_in_dim3A_3, %broadcast_in_dim3A_5 : vector<16xi1>, vector<16xf32>
      %get3A_615 = arith.constant 2 : i32
      %get3A_616 = arith.index_cast %scan3A_540 : i32 to index
      %get3A_617 = arith.index_cast %get3A_615 : i32 to index
      %get3A_618 = arith.constant 16 : index
      %get3A_619 = tpu.vector_load %arg4[%get3A_616, %get3A_617, %get3A_618] {strides = array<i32>} : memref<40x4x128xi32, #tpu.memory_space<vmem>>, vector<16xi32>,
      %bitcast3A_620 = vector.bitcast %get3A_619 : vector<16xi32> to vector<16xi32>
      %lt3A_621 = arith.constant 7 : i32
      %lt3A_622 = vector.broadcast %lt3A_621 : i32 to vector<16xi32>
      %lt3A_623 = arith.cmpi ult, %bitcast3A_620, %lt3A_622 : vector<16xi32>
      %select_n3A_624 = arith.select %lt3A_623, %broadcast_in_dim3A_3, %broadcast_in_dim3A_5 : vector<16xi1>, vector<16xf32>
      %get3A_625 = arith.constant 3 : i32
      %get3A_626 = arith.index_cast %scan3A_540 : i32 to index
      %get3A_627 = arith.index_cast %get3A_625 : i32 to index
      %get3A_628 = arith.constant 16 : index
      %get3A_629 = tpu.vector_load %arg4[%get3A_626, %get3A_627, %get3A_628] {strides = array<i32>} : memref<40x4x128xi32, #tpu.memory_space<vmem>>, vector<16xi32>,
      %bitcast3A_630 = vector.bitcast %get3A_629 : vector<16xi32> to vector<16xi32>
      %lt3A_631 = arith.constant 24 : i32
      %lt3A_632 = vector.broadcast %lt3A_631 : i32 to vector<16xi32>
      %lt3A_633 = arith.cmpi ult, %bitcast3A_630, %lt3A_632 : vector<16xi32>
      %select_n3A_634 = arith.select %lt3A_633, %broadcast_in_dim3A_3, %broadcast_in_dim3A_5 : vector<16xi1>, vector<16xf32>
      %add3A_635 = arith.addf %select_n3A_604, %select_n3A_614 : vector<16xf32>
      %add3A_636 = arith.addf %select_n3A_624, %select_n3A_634 : vector<16xf32>
      %add3A_637 = arith.addf %add3A_635, %add3A_636 : vector<16xf32>
      %add3A_638 = arith.constant 0 : i32
      %add3A_639 = arith.addi %add3A_638, %scan3A_540 : i32
      %swap3A_640 = arith.index_cast %add3A_639 : i32 to index
      %swap3A_641 = arith.constant 16 : index
      %swap3A_642 = tpu.vector_load %arg6[%swap3A_640, %swap3A_641] {strides = array<i32>} : memref<200x128xf32, #tpu.memory_space<vmem>>, vector<16xf32>,
      tpu.vector_store %arg6[%swap3A_640, %swap3A_641], %add3A_637 {strides = array<i32>} : memref<200x128xf32, #tpu.memory_space<vmem>>, vector<16xf32>,
      %mul3A_643 = arith.mulf %add3A_637, %add3A_637 : vector<16xf32>
      %add3A_644 = arith.addf %scan3A_542, %mul3A_643 : vector<16xf32>
      %get3A_645 = arith.constant 0 : i32
      %get3A_646 = arith.index_cast %scan3A_540 : i32 to index
      %get3A_647 = arith.index_cast %get3A_645 : i32 to index
      %get3A_648 = arith.constant 32 : index
      %get3A_649 = tpu.vector_load %arg4[%get3A_646, %get3A_647, %get3A_648] {strides = array<i32>} : memref<40x4x128xi32, #tpu.memory_space<vmem>>, vector<16xi32>,
      %bitcast3A_650 = vector.bitcast %get3A_649 : vector<16xi32> to vector<16xi32>
      %lt3A_651 = arith.constant 12 : i32
      %lt3A_652 = vector.broadcast %lt3A_651 : i32 to vector<16xi32>
      %lt3A_653 = arith.cmpi ult, %bitcast3A_650, %lt3A_652 : vector<16xi32>
      %select_n3A_654 = arith.select %lt3A_653, %broadcast_in_dim3A_3, %broadcast_in_dim3A_5 : vector<16xi1>, vector<16xf32>
      %get3A_655 = arith.constant 1 : i32
      %get3A_656 = arith.index_cast %scan3A_540 : i32 to index
      %get3A_657 = arith.index_cast %get3A_655 : i32 to index
      %get3A_658 = arith.constant 32 : index
      %get3A_659 = tpu.vector_load %arg4[%get3A_656, %get3A_657, %get3A_658] {strides = array<i32>} : memref<40x4x128xi32, #tpu.memory_space<vmem>>, vector<16xi32>,
      %bitcast3A_660 = vector.bitcast %get3A_659 : vector<16xi32> to vector<16xi32>
      %lt3A_661 = arith.constant 31 : i32
      %lt3A_662 = vector.broadcast %lt3A_661 : i32 to vector<16xi32>
      %lt3A_663 = arith.cmpi ult, %bitcast3A_660, %lt3A_662 : vector<16xi32>
      %select_n3A_664 = arith.select %lt3A_663, %broadcast_in_dim3A_3, %broadcast_in_dim3A_5 : vector<16xi1>, vector<16xf32>
      %get3A_665 = arith.constant 2 : i32
      %get3A_666 = arith.index_cast %scan3A_540 : i32 to index
      %get3A_667 = arith.index_cast %get3A_665 : i32 to index
      %get3A_668 = arith.constant 32 : index
      %get3A_669 = tpu.vector_load %arg4[%get3A_666, %get3A_667, %get3A_668] {strides = array<i32>} : memref<40x4x128xi32, #tpu.memory_space<vmem>>, vector<16xi32>,
      %bitcast3A_670 = vector.bitcast %get3A_669 : vector<16xi32> to vector<16xi32>
      %lt3A_671 = arith.constant 7 : i32
      %lt3A_672 = vector.broadcast %lt3A_671 : i32 to vector<16xi32>
      %lt3A_673 = arith.cmpi ult, %bitcast3A_670, %lt3A_672 : vector<16xi32>
      %select_n3A_674 = arith.select %lt3A_673, %broadcast_in_dim3A_3, %broadcast_in_dim3A_5 : vector<16xi1>, vector<16xf32>
      %get3A_675 = arith.constant 3 : i32
      %get3A_676 = arith.index_cast %scan3A_540 : i32 to index
      %get3A_677 = arith.index_cast %get3A_675 : i32 to index
      %get3A_678 = arith.constant 32 : index
      %get3A_679 = tpu.vector_load %arg4[%get3A_676, %get3A_677, %get3A_678] {strides = array<i32>} : memref<40x4x128xi32, #tpu.memory_space<vmem>>, vector<16xi32>,
      %bitcast3A_680 = vector.bitcast %get3A_679 : vector<16xi32> to vector<16xi32>
      %lt3A_681 = arith.constant 24 : i32
      %lt3A_682 = vector.broadcast %lt3A_681 : i32 to vector<16xi32>
      %lt3A_683 = arith.cmpi ult, %bitcast3A_680, %lt3A_682 : vector<16xi32>
      %select_n3A_684 = arith.select %lt3A_683, %broadcast_in_dim3A_3, %broadcast_in_dim3A_5 : vector<16xi1>, vector<16xf32>
      %add3A_685 = arith.addf %select_n3A_654, %select_n3A_664 : vector<16xf32>
      %add3A_686 = arith.addf %select_n3A_674, %select_n3A_684 : vector<16xf32>
      %add3A_687 = arith.addf %add3A_685, %add3A_686 : vector<16xf32>
      %add3A_688 = arith.constant 0 : i32
      %add3A_689 = arith.addi %add3A_688, %scan3A_540 : i32
      %swap3A_690 = arith.index_cast %add3A_689 : i32 to index
      %swap3A_691 = arith.constant 32 : index
      %swap3A_692 = tpu.vector_load %arg6[%swap3A_690, %swap3A_691] {strides = array<i32>} : memref<200x128xf32, #tpu.memory_space<vmem>>, vector<16xf32>,
      tpu.vector_store %arg6[%swap3A_690, %swap3A_691], %add3A_687 {strides = array<i32>} : memref<200x128xf32, #tpu.memory_space<vmem>>, vector<16xf32>,
      %mul3A_693 = arith.mulf %add3A_687, %add3A_687 : vector<16xf32>
      %add3A_694 = arith.addf %scan3A_543, %mul3A_693 : vector<16xf32>
      %get3A_695 = arith.constant 0 : i32
      %get3A_696 = arith.index_cast %scan3A_540 : i32 to index
      %get3A_697 = arith.index_cast %get3A_695 : i32 to index
      %get3A_698 = arith.constant 48 : index
      %get3A_699 = tpu.vector_load %arg4[%get3A_696, %get3A_697, %get3A_698] {strides = array<i32>} : memref<40x4x128xi32, #tpu.memory_space<vmem>>, vector<16xi32>,
      %bitcast3A_700 = vector.bitcast %get3A_699 : vector<16xi32> to vector<16xi32>
      %lt3A_701 = arith.constant 12 : i32
      %lt3A_702 = vector.broadcast %lt3A_701 : i32 to vector<16xi32>
      %lt3A_703 = arith.cmpi ult, %bitcast3A_700, %lt3A_702 : vector<16xi32>
      %select_n3A_704 = arith.select %lt3A_703, %broadcast_in_dim3A_3, %broadcast_in_dim3A_5 : vector<16xi1>, vector<16xf32>
      %get3A_705 = arith.constant 1 : i32
      %get3A_706 = arith.index_cast %scan3A_540 : i32 to index
      %get3A_707 = arith.index_cast %get3A_705 : i32 to index
      %get3A_708 = arith.constant 48 : index
      %get3A_709 = tpu.vector_load %arg4[%get3A_706, %get3A_707, %get3A_708] {strides = array<i32>} : memref<40x4x128xi32, #tpu.memory_space<vmem>>, vector<16xi32>,
      %bitcast3A_710 = vector.bitcast %get3A_709 : vector<16xi32> to vector<16xi32>
      %lt3A_711 = arith.constant 31 : i32
      %lt3A_712 = vector.broadcast %lt3A_711 : i32 to vector<16xi32>
      %lt3A_713 = arith.cmpi ult, %bitcast3A_710, %lt3A_712 : vector<16xi32>
      %select_n3A_714 = arith.select %lt3A_713, %broadcast_in_dim3A_3, %broadcast_in_dim3A_5 : vector<16xi1>, vector<16xf32>
      %get3A_715 = arith.constant 2 : i32
      %get3A_716 = arith.index_cast %scan3A_540 : i32 to index
      %get3A_717 = arith.index_cast %get3A_715 : i32 to index
      %get3A_718 = arith.constant 48 : index
      %get3A_719 = tpu.vector_load %arg4[%get3A_716, %get3A_717, %get3A_718] {strides = array<i32>} : memref<40x4x128xi32, #tpu.memory_space<vmem>>, vector<16xi32>,
      %bitcast3A_720 = vector.bitcast %get3A_719 : vector<16xi32> to vector<16xi32>
      %lt3A_721 = arith.constant 7 : i32
      %lt3A_722 = vector.broadcast %lt3A_721 : i32 to vector<16xi32>
      %lt3A_723 = arith.cmpi ult, %bitcast3A_720, %lt3A_722 : vector<16xi32>
      %select_n3A_724 = arith.select %lt3A_723, %broadcast_in_dim3A_3, %broadcast_in_dim3A_5 : vector<16xi1>, vector<16xf32>
      %get3A_725 = arith.constant 3 : i32
      %get3A_726 = arith.index_cast %scan3A_540 : i32 to index
      %get3A_727 = arith.index_cast %get3A_725 : i32 to index
      %get3A_728 = arith.constant 48 : index
      %get3A_729 = tpu.vector_load %arg4[%get3A_726, %get3A_727, %get3A_728] {strides = array<i32>} : memref<40x4x128xi32, #tpu.memory_space<vmem>>, vector<16xi32>,
      %bitcast3A_730 = vector.bitcast %get3A_729 : vector<16xi32> to vector<16xi32>
      %lt3A_731 = arith.constant 24 : i32
      %lt3A_732 = vector.broadcast %lt3A_731 : i32 to vector<16xi32>
      %lt3A_733 = arith.cmpi ult, %bitcast3A_730, %lt3A_732 : vector<16xi32>
      %select_n3A_734 = arith.select %lt3A_733, %broadcast_in_dim3A_3, %broadcast_in_dim3A_5 : vector<16xi1>, vector<16xf32>
      %add3A_735 = arith.addf %select_n3A_704, %select_n3A_714 : vector<16xf32>
      %add3A_736 = arith.addf %select_n3A_724, %select_n3A_734 : vector<16xf32>
      %add3A_737 = arith.addf %add3A_735, %add3A_736 : vector<16xf32>
      %add3A_738 = arith.constant 0 : i32
      %add3A_739 = arith.addi %add3A_738, %scan3A_540 : i32
      %swap3A_740 = arith.index_cast %add3A_739 : i32 to index
      %swap3A_741 = arith.constant 48 : index
      %swap3A_742 = tpu.vector_load %arg6[%swap3A_740, %swap3A_741] {strides = array<i32>} : memref<200x128xf32, #tpu.memory_space<vmem>>, vector<16xf32>,
      tpu.vector_store %arg6[%swap3A_740, %swap3A_741], %add3A_737 {strides = array<i32>} : memref<200x128xf32, #tpu.memory_space<vmem>>, vector<16xf32>,
      %mul3A_743 = arith.mulf %add3A_737, %add3A_737 : vector<16xf32>
      %add3A_744 = arith.addf %scan3A_544, %mul3A_743 : vector<16xf32>
      %get3A_745 = arith.constant 0 : i32
      %get3A_746 = arith.index_cast %scan3A_540 : i32 to index
      %get3A_747 = arith.index_cast %get3A_745 : i32 to index
      %get3A_748 = arith.constant 64 : index
      %get3A_749 = tpu.vector_load %arg4[%get3A_746, %get3A_747, %get3A_748] {strides = array<i32>} : memref<40x4x128xi32, #tpu.memory_space<vmem>>, vector<16xi32>,
      %bitcast3A_750 = vector.bitcast %get3A_749 : vector<16xi32> to vector<16xi32>
      %lt3A_751 = arith.constant 12 : i32
      %lt3A_752 = vector.broadcast %lt3A_751 : i32 to vector<16xi32>
      %lt3A_753 = arith.cmpi ult, %bitcast3A_750, %lt3A_752 : vector<16xi32>
      %select_n3A_754 = arith.select %lt3A_753, %broadcast_in_dim3A_3, %broadcast_in_dim3A_5 : vector<16xi1>, vector<16xf32>
      %get3A_755 = arith.constant 1 : i32
      %get3A_756 = arith.index_cast %scan3A_540 : i32 to index
      %get3A_757 = arith.index_cast %get3A_755 : i32 to index
      %get3A_758 = arith.constant 64 : index
      %get3A_759 = tpu.vector_load %arg4[%get3A_756, %get3A_757, %get3A_758] {strides = array<i32>} : memref<40x4x128xi32, #tpu.memory_space<vmem>>, vector<16xi32>,
      %bitcast3A_760 = vector.bitcast %get3A_759 : vector<16xi32> to vector<16xi32>
      %lt3A_761 = arith.constant 31 : i32
      %lt3A_762 = vector.broadcast %lt3A_761 : i32 to vector<16xi32>
      %lt3A_763 = arith.cmpi ult, %bitcast3A_760, %lt3A_762 : vector<16xi32>
      %select_n3A_764 = arith.select %lt3A_763, %broadcast_in_dim3A_3, %broadcast_in_dim3A_5 : vector<16xi1>, vector<16xf32>
      %get3A_765 = arith.constant 2 : i32
      %get3A_766 = arith.index_cast %scan3A_540 : i32 to index
      %get3A_767 = arith.index_cast %get3A_765 : i32 to index
      %get3A_768 = arith.constant 64 : index
      %get3A_769 = tpu.vector_load %arg4[%get3A_766, %get3A_767, %get3A_768] {strides = array<i32>} : memref<40x4x128xi32, #tpu.memory_space<vmem>>, vector<16xi32>,
      %bitcast3A_770 = vector.bitcast %get3A_769 : vector<16xi32> to vector<16xi32>
      %lt3A_771 = arith.constant 7 : i32
      %lt3A_772 = vector.broadcast %lt3A_771 : i32 to vector<16xi32>
      %lt3A_773 = arith.cmpi ult, %bitcast3A_770, %lt3A_772 : vector<16xi32>
      %select_n3A_774 = arith.select %lt3A_773, %broadcast_in_dim3A_3, %broadcast_in_dim3A_5 : vector<16xi1>, vector<16xf32>
      %get3A_775 = arith.constant 3 : i32
      %get3A_776 = arith.index_cast %scan3A_540 : i32 to index
      %get3A_777 = arith.index_cast %get3A_775 : i32 to index
      %get3A_778 = arith.constant 64 : index
      %get3A_779 = tpu.vector_load %arg4[%get3A_776, %get3A_777, %get3A_778] {strides = array<i32>} : memref<40x4x128xi32, #tpu.memory_space<vmem>>, vector<16xi32>,
      %bitcast3A_780 = vector.bitcast %get3A_779 : vector<16xi32> to vector<16xi32>
      %lt3A_781 = arith.constant 24 : i32
      %lt3A_782 = vector.broadcast %lt3A_781 : i32 to vector<16xi32>
      %lt3A_783 = arith.cmpi ult, %bitcast3A_780, %lt3A_782 : vector<16xi32>
      %select_n3A_784 = arith.select %lt3A_783, %broadcast_in_dim3A_3, %broadcast_in_dim3A_5 : vector<16xi1>, vector<16xf32>
      %add3A_785 = arith.addf %select_n3A_754, %select_n3A_764 : vector<16xf32>
      %add3A_786 = arith.addf %select_n3A_774, %select_n3A_784 : vector<16xf32>
      %add3A_787 = arith.addf %add3A_785, %add3A_786 : vector<16xf32>
      %add3A_788 = arith.constant 0 : i32
      %add3A_789 = arith.addi %add3A_788, %scan3A_540 : i32
      %swap3A_790 = arith.index_cast %add3A_789 : i32 to index
      %swap3A_791 = arith.constant 64 : index
      %swap3A_792 = tpu.vector_load %arg6[%swap3A_790, %swap3A_791] {strides = array<i32>} : memref<200x128xf32, #tpu.memory_space<vmem>>, vector<16xf32>,
      tpu.vector_store %arg6[%swap3A_790, %swap3A_791], %add3A_787 {strides = array<i32>} : memref<200x128xf32, #tpu.memory_space<vmem>>, vector<16xf32>,
      %mul3A_793 = arith.mulf %add3A_787, %add3A_787 : vector<16xf32>
      %add3A_794 = arith.addf %scan3A_545, %mul3A_793 : vector<16xf32>
      %get3A_795 = arith.constant 0 : i32
      %get3A_796 = arith.index_cast %scan3A_540 : i32 to index
      %get3A_797 = arith.index_cast %get3A_795 : i32 to index
      %get3A_798 = arith.constant 80 : index
      %get3A_799 = tpu.vector_load %arg4[%get3A_796, %get3A_797, %get3A_798] {strides = array<i32>} : memref<40x4x128xi32, #tpu.memory_space<vmem>>, vector<16xi32>,
      %bitcast3A_800 = vector.bitcast %get3A_799 : vector<16xi32> to vector<16xi32>
      %lt3A_801 = arith.constant 12 : i32
      %lt3A_802 = vector.broadcast %lt3A_801 : i32 to vector<16xi32>
      %lt3A_803 = arith.cmpi ult, %bitcast3A_800, %lt3A_802 : vector<16xi32>
      %select_n3A_804 = arith.select %lt3A_803, %broadcast_in_dim3A_3, %broadcast_in_dim3A_5 : vector<16xi1>, vector<16xf32>
      %get3A_805 = arith.constant 1 : i32
      %get3A_806 = arith.index_cast %scan3A_540 : i32 to index
      %get3A_807 = arith.index_cast %get3A_805 : i32 to index
      %get3A_808 = arith.constant 80 : index
      %get3A_809 = tpu.vector_load %arg4[%get3A_806, %get3A_807, %get3A_808] {strides = array<i32>} : memref<40x4x128xi32, #tpu.memory_space<vmem>>, vector<16xi32>,
      %bitcast3A_810 = vector.bitcast %get3A_809 : vector<16xi32> to vector<16xi32>
      %lt3A_811 = arith.constant 31 : i32
      %lt3A_812 = vector.broadcast %lt3A_811 : i32 to vector<16xi32>
      %lt3A_813 = arith.cmpi ult, %bitcast3A_810, %lt3A_812 : vector<16xi32>
      %select_n3A_814 = arith.select %lt3A_813, %broadcast_in_dim3A_3, %broadcast_in_dim3A_5 : vector<16xi1>, vector<16xf32>
      %get3A_815 = arith.constant 2 : i32
      %get3A_816 = arith.index_cast %scan3A_540 : i32 to index
      %get3A_817 = arith.index_cast %get3A_815 : i32 to index
      %get3A_818 = arith.constant 80 : index
      %get3A_819 = tpu.vector_load %arg4[%get3A_816, %get3A_817, %get3A_818] {strides = array<i32>} : memref<40x4x128xi32, #tpu.memory_space<vmem>>, vector<16xi32>,
      %bitcast3A_820 = vector.bitcast %get3A_819 : vector<16xi32> to vector<16xi32>
      %lt3A_821 = arith.constant 7 : i32
      %lt3A_822 = vector.broadcast %lt3A_821 : i32 to vector<16xi32>
      %lt3A_823 = arith.cmpi ult, %bitcast3A_820, %lt3A_822 : vector<16xi32>
      %select_n3A_824 = arith.select %lt3A_823, %broadcast_in_dim3A_3, %broadcast_in_dim3A_5 : vector<16xi1>, vector<16xf32>
      %get3A_825 = arith.constant 3 : i32
      %get3A_826 = arith.index_cast %scan3A_540 : i32 to index
      %get3A_827 = arith.index_cast %get3A_825 : i32 to index
      %get3A_828 = arith.constant 80 : index
      %get3A_829 = tpu.vector_load %arg4[%get3A_826, %get3A_827, %get3A_828] {strides = array<i32>} : memref<40x4x128xi32, #tpu.memory_space<vmem>>, vector<16xi32>,
      %bitcast3A_830 = vector.bitcast %get3A_829 : vector<16xi32> to vector<16xi32>
      %lt3A_831 = arith.constant 24 : i32
      %lt3A_832 = vector.broadcast %lt3A_831 : i32 to vector<16xi32>
      %lt3A_833 = arith.cmpi ult, %bitcast3A_830, %lt3A_832 : vector<16xi32>
      %select_n3A_834 = arith.select %lt3A_833, %broadcast_in_dim3A_3, %broadcast_in_dim3A_5 : vector<16xi1>, vector<16xf32>
      %add3A_835 = arith.addf %select_n3A_804, %select_n3A_814 : vector<16xf32>
      %add3A_836 = arith.addf %select_n3A_824, %select_n3A_834 : vector<16xf32>
      %add3A_837 = arith.addf %add3A_835, %add3A_836 : vector<16xf32>
      %add3A_838 = arith.constant 0 : i32
      %add3A_839 = arith.addi %add3A_838, %scan3A_540 : i32
      %swap3A_840 = arith.index_cast %add3A_839 : i32 to index
      %swap3A_841 = arith.constant 80 : index
      %swap3A_842 = tpu.vector_load %arg6[%swap3A_840, %swap3A_841] {strides = array<i32>} : memref<200x128xf32, #tpu.memory_space<vmem>>, vector<16xf32>,
      tpu.vector_store %arg6[%swap3A_840, %swap3A_841], %add3A_837 {strides = array<i32>} : memref<200x128xf32, #tpu.memory_space<vmem>>, vector<16xf32>,
      %mul3A_843 = arith.mulf %add3A_837, %add3A_837 : vector<16xf32>
      %add3A_844 = arith.addf %scan3A_546, %mul3A_843 : vector<16xf32>
      %get3A_845 = arith.constant 0 : i32
      %get3A_846 = arith.index_cast %scan3A_540 : i32 to index
      %get3A_847 = arith.index_cast %get3A_845 : i32 to index
      %get3A_848 = arith.constant 96 : index
      %get3A_849 = tpu.vector_load %arg4[%get3A_846, %get3A_847, %get3A_848] {strides = array<i32>} : memref<40x4x128xi32, #tpu.memory_space<vmem>>, vector<16xi32>,
      %bitcast3A_850 = vector.bitcast %get3A_849 : vector<16xi32> to vector<16xi32>
      %lt3A_851 = arith.constant 12 : i32
      %lt3A_852 = vector.broadcast %lt3A_851 : i32 to vector<16xi32>
      %lt3A_853 = arith.cmpi ult, %bitcast3A_850, %lt3A_852 : vector<16xi32>
      %select_n3A_854 = arith.select %lt3A_853, %broadcast_in_dim3A_3, %broadcast_in_dim3A_5 : vector<16xi1>, vector<16xf32>
      %get3A_855 = arith.constant 1 : i32
      %get3A_856 = arith.index_cast %scan3A_540 : i32 to index
      %get3A_857 = arith.index_cast %get3A_855 : i32 to index
      %get3A_858 = arith.constant 96 : index
      %get3A_859 = tpu.vector_load %arg4[%get3A_856, %get3A_857, %get3A_858] {strides = array<i32>} : memref<40x4x128xi32, #tpu.memory_space<vmem>>, vector<16xi32>,
      %bitcast3A_860 = vector.bitcast %get3A_859 : vector<16xi32> to vector<16xi32>
      %lt3A_861 = arith.constant 31 : i32
      %lt3A_862 = vector.broadcast %lt3A_861 : i32 to vector<16xi32>
      %lt3A_863 = arith.cmpi ult, %bitcast3A_860, %lt3A_862 : vector<16xi32>
      %select_n3A_864 = arith.select %lt3A_863, %broadcast_in_dim3A_3, %broadcast_in_dim3A_5 : vector<16xi1>, vector<16xf32>
      %get3A_865 = arith.constant 2 : i32
      %get3A_866 = arith.index_cast %scan3A_540 : i32 to index
      %get3A_867 = arith.index_cast %get3A_865 : i32 to index
      %get3A_868 = arith.constant 96 : index
      %get3A_869 = tpu.vector_load %arg4[%get3A_866, %get3A_867, %get3A_868] {strides = array<i32>} : memref<40x4x128xi32, #tpu.memory_space<vmem>>, vector<16xi32>,
      %bitcast3A_870 = vector.bitcast %get3A_869 : vector<16xi32> to vector<16xi32>
      %lt3A_871 = arith.constant 7 : i32
      %lt3A_872 = vector.broadcast %lt3A_871 : i32 to vector<16xi32>
      %lt3A_873 = arith.cmpi ult, %bitcast3A_870, %lt3A_872 : vector<16xi32>
      %select_n3A_874 = arith.select %lt3A_873, %broadcast_in_dim3A_3, %broadcast_in_dim3A_5 : vector<16xi1>, vector<16xf32>
      %get3A_875 = arith.constant 3 : i32
      %get3A_876 = arith.index_cast %scan3A_540 : i32 to index
      %get3A_877 = arith.index_cast %get3A_875 : i32 to index
      %get3A_878 = arith.constant 96 : index
      %get3A_879 = tpu.vector_load %arg4[%get3A_876, %get3A_877, %get3A_878] {strides = array<i32>} : memref<40x4x128xi32, #tpu.memory_space<vmem>>, vector<16xi32>,
      %bitcast3A_880 = vector.bitcast %get3A_879 : vector<16xi32> to vector<16xi32>
      %lt3A_881 = arith.constant 24 : i32
      %lt3A_882 = vector.broadcast %lt3A_881 : i32 to vector<16xi32>
      %lt3A_883 = arith.cmpi ult, %bitcast3A_880, %lt3A_882 : vector<16xi32>
      %select_n3A_884 = arith.select %lt3A_883, %broadcast_in_dim3A_3, %broadcast_in_dim3A_5 : vector<16xi1>, vector<16xf32>
      %add3A_885 = arith.addf %select_n3A_854, %select_n3A_864 : vector<16xf32>
      %add3A_886 = arith.addf %select_n3A_874, %select_n3A_884 : vector<16xf32>
      %add3A_887 = arith.addf %add3A_885, %add3A_886 : vector<16xf32>
      %add3A_888 = arith.constant 0 : i32
      %add3A_889 = arith.addi %add3A_888, %scan3A_540 : i32
      %swap3A_890 = arith.index_cast %add3A_889 : i32 to index
      %swap3A_891 = arith.constant 96 : index
      %swap3A_892 = tpu.vector_load %arg6[%swap3A_890, %swap3A_891] {strides = array<i32>} : memref<200x128xf32, #tpu.memory_space<vmem>>, vector<16xf32>,
      tpu.vector_store %arg6[%swap3A_890, %swap3A_891], %add3A_887 {strides = array<i32>} : memref<200x128xf32, #tpu.memory_space<vmem>>, vector<16xf32>,
      %mul3A_893 = arith.mulf %add3A_887, %add3A_887 : vector<16xf32>
      %add3A_894 = arith.addf %scan3A_547, %mul3A_893 : vector<16xf32>
      %get3A_895 = arith.constant 0 : i32
      %get3A_896 = arith.index_cast %scan3A_540 : i32 to index
      %get3A_897 = arith.index_cast %get3A_895 : i32 to index
      %get3A_898 = arith.constant 112 : index
      %get3A_899 = tpu.vector_load %arg4[%get3A_896, %get3A_897, %get3A_898] {strides = array<i32>} : memref<40x4x128xi32, #tpu.memory_space<vmem>>, vector<16xi32>,
      %bitcast3A_900 = vector.bitcast %get3A_899 : vector<16xi32> to vector<16xi32>
      %lt3A_901 = arith.constant 12 : i32
      %lt3A_902 = vector.broadcast %lt3A_901 : i32 to vector<16xi32>
      %lt3A_903 = arith.cmpi ult, %bitcast3A_900, %lt3A_902 : vector<16xi32>
      %select_n3A_904 = arith.select %lt3A_903, %broadcast_in_dim3A_3, %broadcast_in_dim3A_5 : vector<16xi1>, vector<16xf32>
      %get3A_905 = arith.constant 1 : i32
      %get3A_906 = arith.index_cast %scan3A_540 : i32 to index
      %get3A_907 = arith.index_cast %get3A_905 : i32 to index
      %get3A_908 = arith.constant 112 : index
      %get3A_909 = tpu.vector_load %arg4[%get3A_906, %get3A_907, %get3A_908] {strides = array<i32>} : memref<40x4x128xi32, #tpu.memory_space<vmem>>, vector<16xi32>,
      %bitcast3A_910 = vector.bitcast %get3A_909 : vector<16xi32> to vector<16xi32>
      %lt3A_911 = arith.constant 31 : i32
      %lt3A_912 = vector.broadcast %lt3A_911 : i32 to vector<16xi32>
      %lt3A_913 = arith.cmpi ult, %bitcast3A_910, %lt3A_912 : vector<16xi32>
      %select_n3A_914 = arith.select %lt3A_913, %broadcast_in_dim3A_3, %broadcast_in_dim3A_5 : vector<16xi1>, vector<16xf32>
      %get3A_915 = arith.constant 2 : i32
      %get3A_916 = arith.index_cast %scan3A_540 : i32 to index
      %get3A_917 = arith.index_cast %get3A_915 : i32 to index
      %get3A_918 = arith.constant 112 : index
      %get3A_919 = tpu.vector_load %arg4[%get3A_916, %get3A_917, %get3A_918] {strides = array<i32>} : memref<40x4x128xi32, #tpu.memory_space<vmem>>, vector<16xi32>,
      %bitcast3A_920 = vector.bitcast %get3A_919 : vector<16xi32> to vector<16xi32>
      %lt3A_921 = arith.constant 7 : i32
      %lt3A_922 = vector.broadcast %lt3A_921 : i32 to vector<16xi32>
      %lt3A_923 = arith.cmpi ult, %bitcast3A_920, %lt3A_922 : vector<16xi32>
      %select_n3A_924 = arith.select %lt3A_923, %broadcast_in_dim3A_3, %broadcast_in_dim3A_5 : vector<16xi1>, vector<16xf32>
      %get3A_925 = arith.constant 3 : i32
      %get3A_926 = arith.index_cast %scan3A_540 : i32 to index
      %get3A_927 = arith.index_cast %get3A_925 : i32 to index
      %get3A_928 = arith.constant 112 : index
      %get3A_929 = tpu.vector_load %arg4[%get3A_926, %get3A_927, %get3A_928] {strides = array<i32>} : memref<40x4x128xi32, #tpu.memory_space<vmem>>, vector<16xi32>,
      %bitcast3A_930 = vector.bitcast %get3A_929 : vector<16xi32> to vector<16xi32>
      %lt3A_931 = arith.constant 24 : i32
      %lt3A_932 = vector.broadcast %lt3A_931 : i32 to vector<16xi32>
      %lt3A_933 = arith.cmpi ult, %bitcast3A_930, %lt3A_932 : vector<16xi32>
      %select_n3A_934 = arith.select %lt3A_933, %broadcast_in_dim3A_3, %broadcast_in_dim3A_5 : vector<16xi1>, vector<16xf32>
      %add3A_935 = arith.addf %select_n3A_904, %select_n3A_914 : vector<16xf32>
      %add3A_936 = arith.addf %select_n3A_924, %select_n3A_934 : vector<16xf32>
      %add3A_937 = arith.addf %add3A_935, %add3A_936 : vector<16xf32>
      %add3A_938 = arith.constant 0 : i32
      %add3A_939 = arith.addi %add3A_938, %scan3A_540 : i32
      %swap3A_940 = arith.index_cast %add3A_939 : i32 to index
      %swap3A_941 = arith.constant 112 : index
      %swap3A_942 = tpu.vector_load %arg6[%swap3A_940, %swap3A_941] {strides = array<i32>} : memref<200x128xf32, #tpu.memory_space<vmem>>, vector<16xf32>,
      tpu.vector_store %arg6[%swap3A_940, %swap3A_941], %add3A_937 {strides = array<i32>} : memref<200x128xf32, #tpu.memory_space<vmem>>, vector<16xf32>,
      %mul3A_943 = arith.mulf %add3A_937, %add3A_937 : vector<16xf32>
      %add3A_944 = arith.addf %scan3A_548, %mul3A_943 : vector<16xf32>
      scf.yield %add3A_594, %add3A_644, %add3A_694, %add3A_744, %add3A_794, %add3A_844, %add3A_894, %add3A_944 : vector<16xf32>, vector<16xf32>, vector<16xf32>, vector<16xf32>, vector<16xf32>, vector<16xf32>, vector<16xf32>, vector<16xf32>
    }
    %scan3A_38 = arith.constant 40 : i32
    %dma_start3A_39 = arith.constant 80 : i32
    %dma_start3A_40 = arith.constant 0 : i32
    %dma_start3A_41 = arith.constant 0 : i32
    %dma_start3A_42 = tpu.memref_slice %arg2[%dma_start3A_39, %add3A, %dma_start3A_40, %dma_start3A_41] : memref<200x32x4x128xi32, #tpu.memory_space<hbm>> -> memref<40x1x4x128xi32, #tpu.memory_space<hbm>>
    %dma_start3A_43 = tpu.memref_squeeze %dma_start3A_42 : memref<40x1x4x128xi32, #tpu.memory_space<hbm>> -> memref<40x4x128xi32, #tpu.memory_space<hbm>>
    %dma_start3A_44 = arith.constant 80 : i32
    %dma_start3A_45 = arith.constant 0 : i32
    %dma_start3A_46 = arith.constant 0 : i32
    %dma_start3A_47 = tpu.memref_slice %arg2[%dma_start3A_44, %add3A, %dma_start3A_45, %dma_start3A_46] : memref<200x32x4x128xi32, #tpu.memory_space<hbm>> -> memref<40x1x4x128xi32, #tpu.memory_space<hbm>>
    %dma_start3A_48 = tpu.memref_squeeze %dma_start3A_47 : memref<40x1x4x128xi32, #tpu.memory_space<hbm>> -> memref<40x4x128xi32, #tpu.memory_space<hbm>>
    tpu.enqueue_dma source(%dma_start3A_48 : memref<40x4x128xi32, #tpu.memory_space<hbm>>) target(%arg4 : memref<40x4x128xi32, #tpu.memory_space<vmem>>) target_semaphore(%arg7 : memref<!tpu.dma_semaphore, #tpu.memory_space<semaphore_mem>>)
    %dma_wait3A_49 = arith.constant 40 : i32
    %dma_wait3A_50 = arith.constant 0 : i32
    %dma_wait3A_51 = arith.constant 0 : i32
    %dma_wait3A_52 = tpu.memref_slice %arg2[%dma_wait3A_49, %add3A, %dma_wait3A_50, %dma_wait3A_51] : memref<200x32x4x128xi32, #tpu.memory_space<hbm>> -> memref<40x1x4x128xi32, #tpu.memory_space<hbm>>
    %dma_wait3A_53 = tpu.memref_squeeze %dma_wait3A_52 : memref<40x1x4x128xi32, #tpu.memory_space<hbm>> -> memref<40x4x128xi32, #tpu.memory_space<hbm>>
    %dma_wait3A_54 = arith.constant 40 : i32
    %dma_wait3A_55 = arith.constant 0 : i32
    %dma_wait3A_56 = arith.constant 0 : i32
    %dma_wait3A_57 = tpu.memref_slice %arg2[%dma_wait3A_54, %add3A, %dma_wait3A_55, %dma_wait3A_56] : memref<200x32x4x128xi32, #tpu.memory_space<hbm>> -> memref<40x1x4x128xi32, #tpu.memory_space<hbm>>
    %dma_wait3A_58 = tpu.memref_squeeze %dma_wait3A_57 : memref<40x1x4x128xi32, #tpu.memory_space<hbm>> -> memref<40x4x128xi32, #tpu.memory_space<hbm>>
    tpu.wait_dma2 semaphore(%arg8 : memref<!tpu.dma_semaphore, #tpu.memory_space<semaphore_mem>>) src(%dma_wait3A_58 : memref<40x4x128xi32, #tpu.memory_space<hbm>>) dst(%arg5 : memref<40x4x128xi32, #tpu.memory_space<vmem>>)
    %scan3A_59 = arith.constant 0 : i32
    %scan3A_60 = arith.constant 40 : i32
    %scan3A_61 = arith.addi %scan3A_59, %scan3A_60 : i32
    %scan3A_62 = arith.constant 1 : i32
    %scan3A_63:8 = scf.for %scan3A_540 = %scan3A_59 to %scan3A_61 step %scan3A_62 iter_args(%scan3A_541 = %scan3A_37#0, %scan3A_542 = %scan3A_37#1, %scan3A_543 = %scan3A_37#2, %scan3A_544 = %scan3A_37#3, %scan3A_545 = %scan3A_37#4, %scan3A_546 = %scan3A_37#5, %scan3A_547 = %scan3A_37#6, %scan3A_548 = %scan3A_37#7) -> (vector<16xf32>, vector<16xf32>, vector<16xf32>, vector<16xf32>, vector<16xf32>, vector<16xf32>, vector<16xf32>, vector<16xf32>)  : i32 {
      %get3A = arith.constant 0 : i32
      %get3A_549 = arith.index_cast %scan3A_540 : i32 to index
      %get3A_550 = arith.index_cast %get3A : i32 to index
      %get3A_551 = arith.constant 0 : index
      %get3A_552 = tpu.vector_load %arg5[%get3A_549, %get3A_550, %get3A_551] {strides = array<i32>} : memref<40x4x128xi32, #tpu.memory_space<vmem>>, vector<16xi32>,
      %bitcast3A_553 = vector.bitcast %get3A_552 : vector<16xi32> to vector<16xi32>
      %lt3A = arith.constant 12 : i32
      %lt3A_554 = vector.broadcast %lt3A : i32 to vector<16xi32>
      %lt3A_555 = arith.cmpi ult, %bitcast3A_553, %lt3A_554 : vector<16xi32>
      %select_n3A = arith.select %lt3A_555, %broadcast_in_dim3A_3, %broadcast_in_dim3A_5 : vector<16xi1>, vector<16xf32>
      %get3A_556 = arith.constant 1 : i32
      %get3A_557 = arith.index_cast %scan3A_540 : i32 to index
      %get3A_558 = arith.index_cast %get3A_556 : i32 to index
      %get3A_559 = arith.constant 0 : index
      %get3A_560 = tpu.vector_load %arg5[%get3A_557, %get3A_558, %get3A_559] {strides = array<i32>} : memref<40x4x128xi32, #tpu.memory_space<vmem>>, vector<16xi32>,
      %bitcast3A_561 = vector.bitcast %get3A_560 : vector<16xi32> to vector<16xi32>
      %lt3A_562 = arith.constant 31 : i32
      %lt3A_563 = vector.broadcast %lt3A_562 : i32 to vector<16xi32>
      %lt3A_564 = arith.cmpi ult, %bitcast3A_561, %lt3A_563 : vector<16xi32>
      %select_n3A_565 = arith.select %lt3A_564, %broadcast_in_dim3A_3, %broadcast_in_dim3A_5 : vector<16xi1>, vector<16xf32>
      %get3A_566 = arith.constant 2 : i32
      %get3A_567 = arith.index_cast %scan3A_540 : i32 to index
      %get3A_568 = arith.index_cast %get3A_566 : i32 to index
      %get3A_569 = arith.constant 0 : index
      %get3A_570 = tpu.vector_load %arg5[%get3A_567, %get3A_568, %get3A_569] {strides = array<i32>} : memref<40x4x128xi32, #tpu.memory_space<vmem>>, vector<16xi32>,
      %bitcast3A_571 = vector.bitcast %get3A_570 : vector<16xi32> to vector<16xi32>
      %lt3A_572 = arith.constant 7 : i32
      %lt3A_573 = vector.broadcast %lt3A_572 : i32 to vector<16xi32>
      %lt3A_574 = arith.cmpi ult, %bitcast3A_571, %lt3A_573 : vector<16xi32>
      %select_n3A_575 = arith.select %lt3A_574, %broadcast_in_dim3A_3, %broadcast_in_dim3A_5 : vector<16xi1>, vector<16xf32>
      %get3A_576 = arith.constant 3 : i32
      %get3A_577 = arith.index_cast %scan3A_540 : i32 to index
      %get3A_578 = arith.index_cast %get3A_576 : i32 to index
      %get3A_579 = arith.constant 0 : index
      %get3A_580 = tpu.vector_load %arg5[%get3A_577, %get3A_578, %get3A_579] {strides = array<i32>} : memref<40x4x128xi32, #tpu.memory_space<vmem>>, vector<16xi32>,
      %bitcast3A_581 = vector.bitcast %get3A_580 : vector<16xi32> to vector<16xi32>
      %lt3A_582 = arith.constant 24 : i32
      %lt3A_583 = vector.broadcast %lt3A_582 : i32 to vector<16xi32>
      %lt3A_584 = arith.cmpi ult, %bitcast3A_581, %lt3A_583 : vector<16xi32>
      %select_n3A_585 = arith.select %lt3A_584, %broadcast_in_dim3A_3, %broadcast_in_dim3A_5 : vector<16xi1>, vector<16xf32>
      %add3A_586 = arith.addf %select_n3A, %select_n3A_565 : vector<16xf32>
      %add3A_587 = arith.addf %select_n3A_575, %select_n3A_585 : vector<16xf32>
      %add3A_588 = arith.addf %add3A_586, %add3A_587 : vector<16xf32>
      %add3A_589 = arith.constant 40 : i32
      %add3A_590 = arith.addi %add3A_589, %scan3A_540 : i32
      %swap3A = arith.index_cast %add3A_590 : i32 to index
      %swap3A_591 = arith.constant 0 : index
      %swap3A_592 = tpu.vector_load %arg6[%swap3A, %swap3A_591] {strides = array<i32>} : memref<200x128xf32, #tpu.memory_space<vmem>>, vector<16xf32>,
      tpu.vector_store %arg6[%swap3A, %swap3A_591], %add3A_588 {strides = array<i32>} : memref<200x128xf32, #tpu.memory_space<vmem>>, vector<16xf32>,
      %mul3A_593 = arith.mulf %add3A_588, %add3A_588 : vector<16xf32>
      %add3A_594 = arith.addf %scan3A_541, %mul3A_593 : vector<16xf32>
      %get3A_595 = arith.constant 0 : i32
      %get3A_596 = arith.index_cast %scan3A_540 : i32 to index
      %get3A_597 = arith.index_cast %get3A_595 : i32 to index
      %get3A_598 = arith.constant 16 : index
      %get3A_599 = tpu.vector_load %arg5[%get3A_596, %get3A_597, %get3A_598] {strides = array<i32>} : memref<40x4x128xi32, #tpu.memory_space<vmem>>, vector<16xi32>,
      %bitcast3A_600 = vector.bitcast %get3A_599 : vector<16xi32> to vector<16xi32>
      %lt3A_601 = arith.constant 12 : i32
      %lt3A_602 = vector.broadcast %lt3A_601 : i32 to vector<16xi32>
      %lt3A_603 = arith.cmpi ult, %bitcast3A_600, %lt3A_602 : vector<16xi32>
      %select_n3A_604 = arith.select %lt3A_603, %broadcast_in_dim3A_3, %broadcast_in_dim3A_5 : vector<16xi1>, vector<16xf32>
      %get3A_605 = arith.constant 1 : i32
      %get3A_606 = arith.index_cast %scan3A_540 : i32 to index
      %get3A_607 = arith.index_cast %get3A_605 : i32 to index
      %get3A_608 = arith.constant 16 : index
      %get3A_609 = tpu.vector_load %arg5[%get3A_606, %get3A_607, %get3A_608] {strides = array<i32>} : memref<40x4x128xi32, #tpu.memory_space<vmem>>, vector<16xi32>,
      %bitcast3A_610 = vector.bitcast %get3A_609 : vector<16xi32> to vector<16xi32>
      %lt3A_611 = arith.constant 31 : i32
      %lt3A_612 = vector.broadcast %lt3A_611 : i32 to vector<16xi32>
      %lt3A_613 = arith.cmpi ult, %bitcast3A_610, %lt3A_612 : vector<16xi32>
      %select_n3A_614 = arith.select %lt3A_613, %broadcast_in_dim3A_3, %broadcast_in_dim3A_5 : vector<16xi1>, vector<16xf32>
      %get3A_615 = arith.constant 2 : i32
      %get3A_616 = arith.index_cast %scan3A_540 : i32 to index
      %get3A_617 = arith.index_cast %get3A_615 : i32 to index
      %get3A_618 = arith.constant 16 : index
      %get3A_619 = tpu.vector_load %arg5[%get3A_616, %get3A_617, %get3A_618] {strides = array<i32>} : memref<40x4x128xi32, #tpu.memory_space<vmem>>, vector<16xi32>,
      %bitcast3A_620 = vector.bitcast %get3A_619 : vector<16xi32> to vector<16xi32>
      %lt3A_621 = arith.constant 7 : i32
      %lt3A_622 = vector.broadcast %lt3A_621 : i32 to vector<16xi32>
      %lt3A_623 = arith.cmpi ult, %bitcast3A_620, %lt3A_622 : vector<16xi32>
      %select_n3A_624 = arith.select %lt3A_623, %broadcast_in_dim3A_3, %broadcast_in_dim3A_5 : vector<16xi1>, vector<16xf32>
      %get3A_625 = arith.constant 3 : i32
      %get3A_626 = arith.index_cast %scan3A_540 : i32 to index
      %get3A_627 = arith.index_cast %get3A_625 : i32 to index
      %get3A_628 = arith.constant 16 : index
      %get3A_629 = tpu.vector_load %arg5[%get3A_626, %get3A_627, %get3A_628] {strides = array<i32>} : memref<40x4x128xi32, #tpu.memory_space<vmem>>, vector<16xi32>,
      %bitcast3A_630 = vector.bitcast %get3A_629 : vector<16xi32> to vector<16xi32>
      %lt3A_631 = arith.constant 24 : i32
      %lt3A_632 = vector.broadcast %lt3A_631 : i32 to vector<16xi32>
      %lt3A_633 = arith.cmpi ult, %bitcast3A_630, %lt3A_632 : vector<16xi32>
      %select_n3A_634 = arith.select %lt3A_633, %broadcast_in_dim3A_3, %broadcast_in_dim3A_5 : vector<16xi1>, vector<16xf32>
      %add3A_635 = arith.addf %select_n3A_604, %select_n3A_614 : vector<16xf32>
      %add3A_636 = arith.addf %select_n3A_624, %select_n3A_634 : vector<16xf32>
      %add3A_637 = arith.addf %add3A_635, %add3A_636 : vector<16xf32>
      %add3A_638 = arith.constant 40 : i32
      %add3A_639 = arith.addi %add3A_638, %scan3A_540 : i32
      %swap3A_640 = arith.index_cast %add3A_639 : i32 to index
      %swap3A_641 = arith.constant 16 : index
      %swap3A_642 = tpu.vector_load %arg6[%swap3A_640, %swap3A_641] {strides = array<i32>} : memref<200x128xf32, #tpu.memory_space<vmem>>, vector<16xf32>,
      tpu.vector_store %arg6[%swap3A_640, %swap3A_641], %add3A_637 {strides = array<i32>} : memref<200x128xf32, #tpu.memory_space<vmem>>, vector<16xf32>,
      %mul3A_643 = arith.mulf %add3A_637, %add3A_637 : vector<16xf32>
      %add3A_644 = arith.addf %scan3A_542, %mul3A_643 : vector<16xf32>
      %get3A_645 = arith.constant 0 : i32
      %get3A_646 = arith.index_cast %scan3A_540 : i32 to index
      %get3A_647 = arith.index_cast %get3A_645 : i32 to index
      %get3A_648 = arith.constant 32 : index
      %get3A_649 = tpu.vector_load %arg5[%get3A_646, %get3A_647, %get3A_648] {strides = array<i32>} : memref<40x4x128xi32, #tpu.memory_space<vmem>>, vector<16xi32>,
      %bitcast3A_650 = vector.bitcast %get3A_649 : vector<16xi32> to vector<16xi32>
      %lt3A_651 = arith.constant 12 : i32
      %lt3A_652 = vector.broadcast %lt3A_651 : i32 to vector<16xi32>
      %lt3A_653 = arith.cmpi ult, %bitcast3A_650, %lt3A_652 : vector<16xi32>
      %select_n3A_654 = arith.select %lt3A_653, %broadcast_in_dim3A_3, %broadcast_in_dim3A_5 : vector<16xi1>, vector<16xf32>
      %get3A_655 = arith.constant 1 : i32
      %get3A_656 = arith.index_cast %scan3A_540 : i32 to index
      %get3A_657 = arith.index_cast %get3A_655 : i32 to index
      %get3A_658 = arith.constant 32 : index
      %get3A_659 = tpu.vector_load %arg5[%get3A_656, %get3A_657, %get3A_658] {strides = array<i32>} : memref<40x4x128xi32, #tpu.memory_space<vmem>>, vector<16xi32>,
      %bitcast3A_660 = vector.bitcast %get3A_659 : vector<16xi32> to vector<16xi32>
      %lt3A_661 = arith.constant 31 : i32
      %lt3A_662 = vector.broadcast %lt3A_661 : i32 to vector<16xi32>
      %lt3A_663 = arith.cmpi ult, %bitcast3A_660, %lt3A_662 : vector<16xi32>
      %select_n3A_664 = arith.select %lt3A_663, %broadcast_in_dim3A_3, %broadcast_in_dim3A_5 : vector<16xi1>, vector<16xf32>
      %get3A_665 = arith.constant 2 : i32
      %get3A_666 = arith.index_cast %scan3A_540 : i32 to index
      %get3A_667 = arith.index_cast %get3A_665 : i32 to index
      %get3A_668 = arith.constant 32 : index
      %get3A_669 = tpu.vector_load %arg5[%get3A_666, %get3A_667, %get3A_668] {strides = array<i32>} : memref<40x4x128xi32, #tpu.memory_space<vmem>>, vector<16xi32>,
      %bitcast3A_670 = vector.bitcast %get3A_669 : vector<16xi32> to vector<16xi32>
      %lt3A_671 = arith.constant 7 : i32
      %lt3A_672 = vector.broadcast %lt3A_671 : i32 to vector<16xi32>
      %lt3A_673 = arith.cmpi ult, %bitcast3A_670, %lt3A_672 : vector<16xi32>
      %select_n3A_674 = arith.select %lt3A_673, %broadcast_in_dim3A_3, %broadcast_in_dim3A_5 : vector<16xi1>, vector<16xf32>
      %get3A_675 = arith.constant 3 : i32
      %get3A_676 = arith.index_cast %scan3A_540 : i32 to index
      %get3A_677 = arith.index_cast %get3A_675 : i32 to index
      %get3A_678 = arith.constant 32 : index
      %get3A_679 = tpu.vector_load %arg5[%get3A_676, %get3A_677, %get3A_678] {strides = array<i32>} : memref<40x4x128xi32, #tpu.memory_space<vmem>>, vector<16xi32>,
      %bitcast3A_680 = vector.bitcast %get3A_679 : vector<16xi32> to vector<16xi32>
      %lt3A_681 = arith.constant 24 : i32
      %lt3A_682 = vector.broadcast %lt3A_681 : i32 to vector<16xi32>
      %lt3A_683 = arith.cmpi ult, %bitcast3A_680, %lt3A_682 : vector<16xi32>
      %select_n3A_684 = arith.select %lt3A_683, %broadcast_in_dim3A_3, %broadcast_in_dim3A_5 : vector<16xi1>, vector<16xf32>
      %add3A_685 = arith.addf %select_n3A_654, %select_n3A_664 : vector<16xf32>
      %add3A_686 = arith.addf %select_n3A_674, %select_n3A_684 : vector<16xf32>
      %add3A_687 = arith.addf %add3A_685, %add3A_686 : vector<16xf32>
      %add3A_688 = arith.constant 40 : i32
      %add3A_689 = arith.addi %add3A_688, %scan3A_540 : i32
      %swap3A_690 = arith.index_cast %add3A_689 : i32 to index
      %swap3A_691 = arith.constant 32 : index
      %swap3A_692 = tpu.vector_load %arg6[%swap3A_690, %swap3A_691] {strides = array<i32>} : memref<200x128xf32, #tpu.memory_space<vmem>>, vector<16xf32>,
      tpu.vector_store %arg6[%swap3A_690, %swap3A_691], %add3A_687 {strides = array<i32>} : memref<200x128xf32, #tpu.memory_space<vmem>>, vector<16xf32>,
      %mul3A_693 = arith.mulf %add3A_687, %add3A_687 : vector<16xf32>
      %add3A_694 = arith.addf %scan3A_543, %mul3A_693 : vector<16xf32>
      %get3A_695 = arith.constant 0 : i32
      %get3A_696 = arith.index_cast %scan3A_540 : i32 to index
      %get3A_697 = arith.index_cast %get3A_695 : i32 to index
      %get3A_698 = arith.constant 48 : index
      %get3A_699 = tpu.vector_load %arg5[%get3A_696, %get3A_697, %get3A_698] {strides = array<i32>} : memref<40x4x128xi32, #tpu.memory_space<vmem>>, vector<16xi32>,
      %bitcast3A_700 = vector.bitcast %get3A_699 : vector<16xi32> to vector<16xi32>
      %lt3A_701 = arith.constant 12 : i32
      %lt3A_702 = vector.broadcast %lt3A_701 : i32 to vector<16xi32>
      %lt3A_703 = arith.cmpi ult, %bitcast3A_700, %lt3A_702 : vector<16xi32>
      %select_n3A_704 = arith.select %lt3A_703, %broadcast_in_dim3A_3, %broadcast_in_dim3A_5 : vector<16xi1>, vector<16xf32>
      %get3A_705 = arith.constant 1 : i32
      %get3A_706 = arith.index_cast %scan3A_540 : i32 to index
      %get3A_707 = arith.index_cast %get3A_705 : i32 to index
      %get3A_708 = arith.constant 48 : index
      %get3A_709 = tpu.vector_load %arg5[%get3A_706, %get3A_707, %get3A_708] {strides = array<i32>} : memref<40x4x128xi32, #tpu.memory_space<vmem>>, vector<16xi32>,
      %bitcast3A_710 = vector.bitcast %get3A_709 : vector<16xi32> to vector<16xi32>
      %lt3A_711 = arith.constant 31 : i32
      %lt3A_712 = vector.broadcast %lt3A_711 : i32 to vector<16xi32>
      %lt3A_713 = arith.cmpi ult, %bitcast3A_710, %lt3A_712 : vector<16xi32>
      %select_n3A_714 = arith.select %lt3A_713, %broadcast_in_dim3A_3, %broadcast_in_dim3A_5 : vector<16xi1>, vector<16xf32>
      %get3A_715 = arith.constant 2 : i32
      %get3A_716 = arith.index_cast %scan3A_540 : i32 to index
      %get3A_717 = arith.index_cast %get3A_715 : i32 to index
      %get3A_718 = arith.constant 48 : index
      %get3A_719 = tpu.vector_load %arg5[%get3A_716, %get3A_717, %get3A_718] {strides = array<i32>} : memref<40x4x128xi32, #tpu.memory_space<vmem>>, vector<16xi32>,
      %bitcast3A_720 = vector.bitcast %get3A_719 : vector<16xi32> to vector<16xi32>
      %lt3A_721 = arith.constant 7 : i32
      %lt3A_722 = vector.broadcast %lt3A_721 : i32 to vector<16xi32>
      %lt3A_723 = arith.cmpi ult, %bitcast3A_720, %lt3A_722 : vector<16xi32>
      %select_n3A_724 = arith.select %lt3A_723, %broadcast_in_dim3A_3, %broadcast_in_dim3A_5 : vector<16xi1>, vector<16xf32>
      %get3A_725 = arith.constant 3 : i32
      %get3A_726 = arith.index_cast %scan3A_540 : i32 to index
      %get3A_727 = arith.index_cast %get3A_725 : i32 to index
      %get3A_728 = arith.constant 48 : index
      %get3A_729 = tpu.vector_load %arg5[%get3A_726, %get3A_727, %get3A_728] {strides = array<i32>} : memref<40x4x128xi32, #tpu.memory_space<vmem>>, vector<16xi32>,
      %bitcast3A_730 = vector.bitcast %get3A_729 : vector<16xi32> to vector<16xi32>
      %lt3A_731 = arith.constant 24 : i32
      %lt3A_732 = vector.broadcast %lt3A_731 : i32 to vector<16xi32>
      %lt3A_733 = arith.cmpi ult, %bitcast3A_730, %lt3A_732 : vector<16xi32>
      %select_n3A_734 = arith.select %lt3A_733, %broadcast_in_dim3A_3, %broadcast_in_dim3A_5 : vector<16xi1>, vector<16xf32>
      %add3A_735 = arith.addf %select_n3A_704, %select_n3A_714 : vector<16xf32>
      %add3A_736 = arith.addf %select_n3A_724, %select_n3A_734 : vector<16xf32>
      %add3A_737 = arith.addf %add3A_735, %add3A_736 : vector<16xf32>
      %add3A_738 = arith.constant 40 : i32
      %add3A_739 = arith.addi %add3A_738, %scan3A_540 : i32
      %swap3A_740 = arith.index_cast %add3A_739 : i32 to index
      %swap3A_741 = arith.constant 48 : index
      %swap3A_742 = tpu.vector_load %arg6[%swap3A_740, %swap3A_741] {strides = array<i32>} : memref<200x128xf32, #tpu.memory_space<vmem>>, vector<16xf32>,
      tpu.vector_store %arg6[%swap3A_740, %swap3A_741], %add3A_737 {strides = array<i32>} : memref<200x128xf32, #tpu.memory_space<vmem>>, vector<16xf32>,
      %mul3A_743 = arith.mulf %add3A_737, %add3A_737 : vector<16xf32>
      %add3A_744 = arith.addf %scan3A_544, %mul3A_743 : vector<16xf32>
      %get3A_745 = arith.constant 0 : i32
      %get3A_746 = arith.index_cast %scan3A_540 : i32 to index
      %get3A_747 = arith.index_cast %get3A_745 : i32 to index
      %get3A_748 = arith.constant 64 : index
      %get3A_749 = tpu.vector_load %arg5[%get3A_746, %get3A_747, %get3A_748] {strides = array<i32>} : memref<40x4x128xi32, #tpu.memory_space<vmem>>, vector<16xi32>,
      %bitcast3A_750 = vector.bitcast %get3A_749 : vector<16xi32> to vector<16xi32>
      %lt3A_751 = arith.constant 12 : i32
      %lt3A_752 = vector.broadcast %lt3A_751 : i32 to vector<16xi32>
      %lt3A_753 = arith.cmpi ult, %bitcast3A_750, %lt3A_752 : vector<16xi32>
      %select_n3A_754 = arith.select %lt3A_753, %broadcast_in_dim3A_3, %broadcast_in_dim3A_5 : vector<16xi1>, vector<16xf32>
      %get3A_755 = arith.constant 1 : i32
      %get3A_756 = arith.index_cast %scan3A_540 : i32 to index
      %get3A_757 = arith.index_cast %get3A_755 : i32 to index
      %get3A_758 = arith.constant 64 : index
      %get3A_759 = tpu.vector_load %arg5[%get3A_756, %get3A_757, %get3A_758] {strides = array<i32>} : memref<40x4x128xi32, #tpu.memory_space<vmem>>, vector<16xi32>,
      %bitcast3A_760 = vector.bitcast %get3A_759 : vector<16xi32> to vector<16xi32>
      %lt3A_761 = arith.constant 31 : i32
      %lt3A_762 = vector.broadcast %lt3A_761 : i32 to vector<16xi32>
      %lt3A_763 = arith.cmpi ult, %bitcast3A_760, %lt3A_762 : vector<16xi32>
      %select_n3A_764 = arith.select %lt3A_763, %broadcast_in_dim3A_3, %broadcast_in_dim3A_5 : vector<16xi1>, vector<16xf32>
      %get3A_765 = arith.constant 2 : i32
      %get3A_766 = arith.index_cast %scan3A_540 : i32 to index
      %get3A_767 = arith.index_cast %get3A_765 : i32 to index
      %get3A_768 = arith.constant 64 : index
      %get3A_769 = tpu.vector_load %arg5[%get3A_766, %get3A_767, %get3A_768] {strides = array<i32>} : memref<40x4x128xi32, #tpu.memory_space<vmem>>, vector<16xi32>,
      %bitcast3A_770 = vector.bitcast %get3A_769 : vector<16xi32> to vector<16xi32>
      %lt3A_771 = arith.constant 7 : i32
      %lt3A_772 = vector.broadcast %lt3A_771 : i32 to vector<16xi32>
      %lt3A_773 = arith.cmpi ult, %bitcast3A_770, %lt3A_772 : vector<16xi32>
      %select_n3A_774 = arith.select %lt3A_773, %broadcast_in_dim3A_3, %broadcast_in_dim3A_5 : vector<16xi1>, vector<16xf32>
      %get3A_775 = arith.constant 3 : i32
      %get3A_776 = arith.index_cast %scan3A_540 : i32 to index
      %get3A_777 = arith.index_cast %get3A_775 : i32 to index
      %get3A_778 = arith.constant 64 : index
      %get3A_779 = tpu.vector_load %arg5[%get3A_776, %get3A_777, %get3A_778] {strides = array<i32>} : memref<40x4x128xi32, #tpu.memory_space<vmem>>, vector<16xi32>,
      %bitcast3A_780 = vector.bitcast %get3A_779 : vector<16xi32> to vector<16xi32>
      %lt3A_781 = arith.constant 24 : i32
      %lt3A_782 = vector.broadcast %lt3A_781 : i32 to vector<16xi32>
      %lt3A_783 = arith.cmpi ult, %bitcast3A_780, %lt3A_782 : vector<16xi32>
      %select_n3A_784 = arith.select %lt3A_783, %broadcast_in_dim3A_3, %broadcast_in_dim3A_5 : vector<16xi1>, vector<16xf32>
      %add3A_785 = arith.addf %select_n3A_754, %select_n3A_764 : vector<16xf32>
      %add3A_786 = arith.addf %select_n3A_774, %select_n3A_784 : vector<16xf32>
      %add3A_787 = arith.addf %add3A_785, %add3A_786 : vector<16xf32>
      %add3A_788 = arith.constant 40 : i32
      %add3A_789 = arith.addi %add3A_788, %scan3A_540 : i32
      %swap3A_790 = arith.index_cast %add3A_789 : i32 to index
      %swap3A_791 = arith.constant 64 : index
      %swap3A_792 = tpu.vector_load %arg6[%swap3A_790, %swap3A_791] {strides = array<i32>} : memref<200x128xf32, #tpu.memory_space<vmem>>, vector<16xf32>,
      tpu.vector_store %arg6[%swap3A_790, %swap3A_791], %add3A_787 {strides = array<i32>} : memref<200x128xf32, #tpu.memory_space<vmem>>, vector<16xf32>,
      %mul3A_793 = arith.mulf %add3A_787, %add3A_787 : vector<16xf32>
      %add3A_794 = arith.addf %scan3A_545, %mul3A_793 : vector<16xf32>
      %get3A_795 = arith.constant 0 : i32
      %get3A_796 = arith.index_cast %scan3A_540 : i32 to index
      %get3A_797 = arith.index_cast %get3A_795 : i32 to index
      %get3A_798 = arith.constant 80 : index
      %get3A_799 = tpu.vector_load %arg5[%get3A_796, %get3A_797, %get3A_798] {strides = array<i32>} : memref<40x4x128xi32, #tpu.memory_space<vmem>>, vector<16xi32>,
      %bitcast3A_800 = vector.bitcast %get3A_799 : vector<16xi32> to vector<16xi32>
      %lt3A_801 = arith.constant 12 : i32
      %lt3A_802 = vector.broadcast %lt3A_801 : i32 to vector<16xi32>
      %lt3A_803 = arith.cmpi ult, %bitcast3A_800, %lt3A_802 : vector<16xi32>
      %select_n3A_804 = arith.select %lt3A_803, %broadcast_in_dim3A_3, %broadcast_in_dim3A_5 : vector<16xi1>, vector<16xf32>
      %get3A_805 = arith.constant 1 : i32
      %get3A_806 = arith.index_cast %scan3A_540 : i32 to index
      %get3A_807 = arith.index_cast %get3A_805 : i32 to index
      %get3A_808 = arith.constant 80 : index
      %get3A_809 = tpu.vector_load %arg5[%get3A_806, %get3A_807, %get3A_808] {strides = array<i32>} : memref<40x4x128xi32, #tpu.memory_space<vmem>>, vector<16xi32>,
      %bitcast3A_810 = vector.bitcast %get3A_809 : vector<16xi32> to vector<16xi32>
      %lt3A_811 = arith.constant 31 : i32
      %lt3A_812 = vector.broadcast %lt3A_811 : i32 to vector<16xi32>
      %lt3A_813 = arith.cmpi ult, %bitcast3A_810, %lt3A_812 : vector<16xi32>
      %select_n3A_814 = arith.select %lt3A_813, %broadcast_in_dim3A_3, %broadcast_in_dim3A_5 : vector<16xi1>, vector<16xf32>
      %get3A_815 = arith.constant 2 : i32
      %get3A_816 = arith.index_cast %scan3A_540 : i32 to index
      %get3A_817 = arith.index_cast %get3A_815 : i32 to index
      %get3A_818 = arith.constant 80 : index
      %get3A_819 = tpu.vector_load %arg5[%get3A_816, %get3A_817, %get3A_818] {strides = array<i32>} : memref<40x4x128xi32, #tpu.memory_space<vmem>>, vector<16xi32>,
      %bitcast3A_820 = vector.bitcast %get3A_819 : vector<16xi32> to vector<16xi32>
      %lt3A_821 = arith.constant 7 : i32
      %lt3A_822 = vector.broadcast %lt3A_821 : i32 to vector<16xi32>
      %lt3A_823 = arith.cmpi ult, %bitcast3A_820, %lt3A_822 : vector<16xi32>
      %select_n3A_824 = arith.select %lt3A_823, %broadcast_in_dim3A_3, %broadcast_in_dim3A_5 : vector<16xi1>, vector<16xf32>
      %get3A_825 = arith.constant 3 : i32
      %get3A_826 = arith.index_cast %scan3A_540 : i32 to index
      %get3A_827 = arith.index_cast %get3A_825 : i32 to index
      %get3A_828 = arith.constant 80 : index
      %get3A_829 = tpu.vector_load %arg5[%get3A_826, %get3A_827, %get3A_828] {strides = array<i32>} : memref<40x4x128xi32, #tpu.memory_space<vmem>>, vector<16xi32>,
      %bitcast3A_830 = vector.bitcast %get3A_829 : vector<16xi32> to vector<16xi32>
      %lt3A_831 = arith.constant 24 : i32
      %lt3A_832 = vector.broadcast %lt3A_831 : i32 to vector<16xi32>
      %lt3A_833 = arith.cmpi ult, %bitcast3A_830, %lt3A_832 : vector<16xi32>
      %select_n3A_834 = arith.select %lt3A_833, %broadcast_in_dim3A_3, %broadcast_in_dim3A_5 : vector<16xi1>, vector<16xf32>
      %add3A_835 = arith.addf %select_n3A_804, %select_n3A_814 : vector<16xf32>
      %add3A_836 = arith.addf %select_n3A_824, %select_n3A_834 : vector<16xf32>
      %add3A_837 = arith.addf %add3A_835, %add3A_836 : vector<16xf32>
      %add3A_838 = arith.constant 40 : i32
      %add3A_839 = arith.addi %add3A_838, %scan3A_540 : i32
      %swap3A_840 = arith.index_cast %add3A_839 : i32 to index
      %swap3A_841 = arith.constant 80 : index
      %swap3A_842 = tpu.vector_load %arg6[%swap3A_840, %swap3A_841] {strides = array<i32>} : memref<200x128xf32, #tpu.memory_space<vmem>>, vector<16xf32>,
      tpu.vector_store %arg6[%swap3A_840, %swap3A_841], %add3A_837 {strides = array<i32>} : memref<200x128xf32, #tpu.memory_space<vmem>>, vector<16xf32>,
      %mul3A_843 = arith.mulf %add3A_837, %add3A_837 : vector<16xf32>
      %add3A_844 = arith.addf %scan3A_546, %mul3A_843 : vector<16xf32>
      %get3A_845 = arith.constant 0 : i32
      %get3A_846 = arith.index_cast %scan3A_540 : i32 to index
      %get3A_847 = arith.index_cast %get3A_845 : i32 to index
      %get3A_848 = arith.constant 96 : index
      %get3A_849 = tpu.vector_load %arg5[%get3A_846, %get3A_847, %get3A_848] {strides = array<i32>} : memref<40x4x128xi32, #tpu.memory_space<vmem>>, vector<16xi32>,
      %bitcast3A_850 = vector.bitcast %get3A_849 : vector<16xi32> to vector<16xi32>
      %lt3A_851 = arith.constant 12 : i32
      %lt3A_852 = vector.broadcast %lt3A_851 : i32 to vector<16xi32>
      %lt3A_853 = arith.cmpi ult, %bitcast3A_850, %lt3A_852 : vector<16xi32>
      %select_n3A_854 = arith.select %lt3A_853, %broadcast_in_dim3A_3, %broadcast_in_dim3A_5 : vector<16xi1>, vector<16xf32>
      %get3A_855 = arith.constant 1 : i32
      %get3A_856 = arith.index_cast %scan3A_540 : i32 to index
      %get3A_857 = arith.index_cast %get3A_855 : i32 to index
      %get3A_858 = arith.constant 96 : index
      %get3A_859 = tpu.vector_load %arg5[%get3A_856, %get3A_857, %get3A_858] {strides = array<i32>} : memref<40x4x128xi32, #tpu.memory_space<vmem>>, vector<16xi32>,
      %bitcast3A_860 = vector.bitcast %get3A_859 : vector<16xi32> to vector<16xi32>
      %lt3A_861 = arith.constant 31 : i32
      %lt3A_862 = vector.broadcast %lt3A_861 : i32 to vector<16xi32>
      %lt3A_863 = arith.cmpi ult, %bitcast3A_860, %lt3A_862 : vector<16xi32>
      %select_n3A_864 = arith.select %lt3A_863, %broadcast_in_dim3A_3, %broadcast_in_dim3A_5 : vector<16xi1>, vector<16xf32>
      %get3A_865 = arith.constant 2 : i32
      %get3A_866 = arith.index_cast %scan3A_540 : i32 to index
      %get3A_867 = arith.index_cast %get3A_865 : i32 to index
      %get3A_868 = arith.constant 96 : index
      %get3A_869 = tpu.vector_load %arg5[%get3A_866, %get3A_867, %get3A_868] {strides = array<i32>} : memref<40x4x128xi32, #tpu.memory_space<vmem>>, vector<16xi32>,
      %bitcast3A_870 = vector.bitcast %get3A_869 : vector<16xi32> to vector<16xi32>
      %lt3A_871 = arith.constant 7 : i32
      %lt3A_872 = vector.broadcast %lt3A_871 : i32 to vector<16xi32>
      %lt3A_873 = arith.cmpi ult, %bitcast3A_870, %lt3A_872 : vector<16xi32>
      %select_n3A_874 = arith.select %lt3A_873, %broadcast_in_dim3A_3, %broadcast_in_dim3A_5 : vector<16xi1>, vector<16xf32>
      %get3A_875 = arith.constant 3 : i32
      %get3A_876 = arith.index_cast %scan3A_540 : i32 to index
      %get3A_877 = arith.index_cast %get3A_875 : i32 to index
      %get3A_878 = arith.constant 96 : index
      %get3A_879 = tpu.vector_load %arg5[%get3A_876, %get3A_877, %get3A_878] {strides = array<i32>} : memref<40x4x128xi32, #tpu.memory_space<vmem>>, vector<16xi32>,
      %bitcast3A_880 = vector.bitcast %get3A_879 : vector<16xi32> to vector<16xi32>
      %lt3A_881 = arith.constant 24 : i32
      %lt3A_882 = vector.broadcast %lt3A_881 : i32 to vector<16xi32>
      %lt3A_883 = arith.cmpi ult, %bitcast3A_880, %lt3A_882 : vector<16xi32>
      %select_n3A_884 = arith.select %lt3A_883, %broadcast_in_dim3A_3, %broadcast_in_dim3A_5 : vector<16xi1>, vector<16xf32>
      %add3A_885 = arith.addf %select_n3A_854, %select_n3A_864 : vector<16xf32>
      %add3A_886 = arith.addf %select_n3A_874, %select_n3A_884 : vector<16xf32>
      %add3A_887 = arith.addf %add3A_885, %add3A_886 : vector<16xf32>
      %add3A_888 = arith.constant 40 : i32
      %add3A_889 = arith.addi %add3A_888, %scan3A_540 : i32
      %swap3A_890 = arith.index_cast %add3A_889 : i32 to index
      %swap3A_891 = arith.constant 96 : index
      %swap3A_892 = tpu.vector_load %arg6[%swap3A_890, %swap3A_891] {strides = array<i32>} : memref<200x128xf32, #tpu.memory_space<vmem>>, vector<16xf32>,
      tpu.vector_store %arg6[%swap3A_890, %swap3A_891], %add3A_887 {strides = array<i32>} : memref<200x128xf32, #tpu.memory_space<vmem>>, vector<16xf32>,
      %mul3A_893 = arith.mulf %add3A_887, %add3A_887 : vector<16xf32>
      %add3A_894 = arith.addf %scan3A_547, %mul3A_893 : vector<16xf32>
      %get3A_895 = arith.constant 0 : i32
      %get3A_896 = arith.index_cast %scan3A_540 : i32 to index
      %get3A_897 = arith.index_cast %get3A_895 : i32 to index
      %get3A_898 = arith.constant 112 : index
      %get3A_899 = tpu.vector_load %arg5[%get3A_896, %get3A_897, %get3A_898] {strides = array<i32>} : memref<40x4x128xi32, #tpu.memory_space<vmem>>, vector<16xi32>,
      %bitcast3A_900 = vector.bitcast %get3A_899 : vector<16xi32> to vector<16xi32>
      %lt3A_901 = arith.constant 12 : i32
      %lt3A_902 = vector.broadcast %lt3A_901 : i32 to vector<16xi32>
      %lt3A_903 = arith.cmpi ult, %bitcast3A_900, %lt3A_902 : vector<16xi32>
      %select_n3A_904 = arith.select %lt3A_903, %broadcast_in_dim3A_3, %broadcast_in_dim3A_5 : vector<16xi1>, vector<16xf32>
      %get3A_905 = arith.constant 1 : i32
      %get3A_906 = arith.index_cast %scan3A_540 : i32 to index
      %get3A_907 = arith.index_cast %get3A_905 : i32 to index
      %get3A_908 = arith.constant 112 : index
      %get3A_909 = tpu.vector_load %arg5[%get3A_906, %get3A_907, %get3A_908] {strides = array<i32>} : memref<40x4x128xi32, #tpu.memory_space<vmem>>, vector<16xi32>,
      %bitcast3A_910 = vector.bitcast %get3A_909 : vector<16xi32> to vector<16xi32>
      %lt3A_911 = arith.constant 31 : i32
      %lt3A_912 = vector.broadcast %lt3A_911 : i32 to vector<16xi32>
      %lt3A_913 = arith.cmpi ult, %bitcast3A_910, %lt3A_912 : vector<16xi32>
      %select_n3A_914 = arith.select %lt3A_913, %broadcast_in_dim3A_3, %broadcast_in_dim3A_5 : vector<16xi1>, vector<16xf32>
      %get3A_915 = arith.constant 2 : i32
      %get3A_916 = arith.index_cast %scan3A_540 : i32 to index
      %get3A_917 = arith.index_cast %get3A_915 : i32 to index
      %get3A_918 = arith.constant 112 : index
      %get3A_919 = tpu.vector_load %arg5[%get3A_916, %get3A_917, %get3A_918] {strides = array<i32>} : memref<40x4x128xi32, #tpu.memory_space<vmem>>, vector<16xi32>,
      %bitcast3A_920 = vector.bitcast %get3A_919 : vector<16xi32> to vector<16xi32>
      %lt3A_921 = arith.constant 7 : i32
      %lt3A_922 = vector.broadcast %lt3A_921 : i32 to vector<16xi32>
      %lt3A_923 = arith.cmpi ult, %bitcast3A_920, %lt3A_922 : vector<16xi32>
      %select_n3A_924 = arith.select %lt3A_923, %broadcast_in_dim3A_3, %broadcast_in_dim3A_5 : vector<16xi1>, vector<16xf32>
      %get3A_925 = arith.constant 3 : i32
      %get3A_926 = arith.index_cast %scan3A_540 : i32 to index
      %get3A_927 = arith.index_cast %get3A_925 : i32 to index
      %get3A_928 = arith.constant 112 : index
      %get3A_929 = tpu.vector_load %arg5[%get3A_926, %get3A_927, %get3A_928] {strides = array<i32>} : memref<40x4x128xi32, #tpu.memory_space<vmem>>, vector<16xi32>,
      %bitcast3A_930 = vector.bitcast %get3A_929 : vector<16xi32> to vector<16xi32>
      %lt3A_931 = arith.constant 24 : i32
      %lt3A_932 = vector.broadcast %lt3A_931 : i32 to vector<16xi32>
      %lt3A_933 = arith.cmpi ult, %bitcast3A_930, %lt3A_932 : vector<16xi32>
      %select_n3A_934 = arith.select %lt3A_933, %broadcast_in_dim3A_3, %broadcast_in_dim3A_5 : vector<16xi1>, vector<16xf32>
      %add3A_935 = arith.addf %select_n3A_904, %select_n3A_914 : vector<16xf32>
      %add3A_936 = arith.addf %select_n3A_924, %select_n3A_934 : vector<16xf32>
      %add3A_937 = arith.addf %add3A_935, %add3A_936 : vector<16xf32>
      %add3A_938 = arith.constant 40 : i32
      %add3A_939 = arith.addi %add3A_938, %scan3A_540 : i32
      %swap3A_940 = arith.index_cast %add3A_939 : i32 to index
      %swap3A_941 = arith.constant 112 : index
      %swap3A_942 = tpu.vector_load %arg6[%swap3A_940, %swap3A_941] {strides = array<i32>} : memref<200x128xf32, #tpu.memory_space<vmem>>, vector<16xf32>,
      tpu.vector_store %arg6[%swap3A_940, %swap3A_941], %add3A_937 {strides = array<i32>} : memref<200x128xf32, #tpu.memory_space<vmem>>, vector<16xf32>,
      %mul3A_943 = arith.mulf %add3A_937, %add3A_937 : vector<16xf32>
      %add3A_944 = arith.addf %scan3A_548, %mul3A_943 : vector<16xf32>
      scf.yield %add3A_594, %add3A_644, %add3A_694, %add3A_744, %add3A_794, %add3A_844, %add3A_894, %add3A_944 : vector<16xf32>, vector<16xf32>, vector<16xf32>, vector<16xf32>, vector<16xf32>, vector<16xf32>, vector<16xf32>, vector<16xf32>
    }
    %scan3A_64 = arith.constant 40 : i32
    %dma_start3A_65 = arith.constant 120 : i32
    %dma_start3A_66 = arith.constant 0 : i32
    %dma_start3A_67 = arith.constant 0 : i32
    %dma_start3A_68 = tpu.memref_slice %arg2[%dma_start3A_65, %add3A, %dma_start3A_66, %dma_start3A_67] : memref<200x32x4x128xi32, #tpu.memory_space<hbm>> -> memref<40x1x4x128xi32, #tpu.memory_space<hbm>>
    %dma_start3A_69 = tpu.memref_squeeze %dma_start3A_68 : memref<40x1x4x128xi32, #tpu.memory_space<hbm>> -> memref<40x4x128xi32, #tpu.memory_space<hbm>>
    %dma_start3A_70 = arith.constant 120 : i32
    %dma_start3A_71 = arith.constant 0 : i32
    %dma_start3A_72 = arith.constant 0 : i32
    %dma_start3A_73 = tpu.memref_slice %arg2[%dma_start3A_70, %add3A, %dma_start3A_71, %dma_start3A_72] : memref<200x32x4x128xi32, #tpu.memory_space<hbm>> -> memref<40x1x4x128xi32, #tpu.memory_space<hbm>>
    %dma_start3A_74 = tpu.memref_squeeze %dma_start3A_73 : memref<40x1x4x128xi32, #tpu.memory_space<hbm>> -> memref<40x4x128xi32, #tpu.memory_space<hbm>>
    tpu.enqueue_dma source(%dma_start3A_74 : memref<40x4x128xi32, #tpu.memory_space<hbm>>) target(%arg5 : memref<40x4x128xi32, #tpu.memory_space<vmem>>) target_semaphore(%arg8 : memref<!tpu.dma_semaphore, #tpu.memory_space<semaphore_mem>>)
    %dma_wait3A_75 = arith.constant 80 : i32
    %dma_wait3A_76 = arith.constant 0 : i32
    %dma_wait3A_77 = arith.constant 0 : i32
    %dma_wait3A_78 = tpu.memref_slice %arg2[%dma_wait3A_75, %add3A, %dma_wait3A_76, %dma_wait3A_77] : memref<200x32x4x128xi32, #tpu.memory_space<hbm>> -> memref<40x1x4x128xi32, #tpu.memory_space<hbm>>
    %dma_wait3A_79 = tpu.memref_squeeze %dma_wait3A_78 : memref<40x1x4x128xi32, #tpu.memory_space<hbm>> -> memref<40x4x128xi32, #tpu.memory_space<hbm>>
    %dma_wait3A_80 = arith.constant 80 : i32
    %dma_wait3A_81 = arith.constant 0 : i32
    %dma_wait3A_82 = arith.constant 0 : i32
    %dma_wait3A_83 = tpu.memref_slice %arg2[%dma_wait3A_80, %add3A, %dma_wait3A_81, %dma_wait3A_82] : memref<200x32x4x128xi32, #tpu.memory_space<hbm>> -> memref<40x1x4x128xi32, #tpu.memory_space<hbm>>
    %dma_wait3A_84 = tpu.memref_squeeze %dma_wait3A_83 : memref<40x1x4x128xi32, #tpu.memory_space<hbm>> -> memref<40x4x128xi32, #tpu.memory_space<hbm>>
    tpu.wait_dma2 semaphore(%arg7 : memref<!tpu.dma_semaphore, #tpu.memory_space<semaphore_mem>>) src(%dma_wait3A_84 : memref<40x4x128xi32, #tpu.memory_space<hbm>>) dst(%arg4 : memref<40x4x128xi32, #tpu.memory_space<vmem>>)
    %scan3A_85 = arith.constant 0 : i32
    %scan3A_86 = arith.constant 40 : i32
    %scan3A_87 = arith.addi %scan3A_85, %scan3A_86 : i32
    %scan3A_88 = arith.constant 1 : i32
    %scan3A_89:8 = scf.for %scan3A_540 = %scan3A_85 to %scan3A_87 step %scan3A_88 iter_args(%scan3A_541 = %scan3A_63#0, %scan3A_542 = %scan3A_63#1, %scan3A_543 = %scan3A_63#2, %scan3A_544 = %scan3A_63#3, %scan3A_545 = %scan3A_63#4, %scan3A_546 = %scan3A_63#5, %scan3A_547 = %scan3A_63#6, %scan3A_548 = %scan3A_63#7) -> (vector<16xf32>, vector<16xf32>, vector<16xf32>, vector<16xf32>, vector<16xf32>, vector<16xf32>, vector<16xf32>, vector<16xf32>)  : i32 {
      %get3A = arith.constant 0 : i32
      %get3A_549 = arith.index_cast %scan3A_540 : i32 to index
      %get3A_550 = arith.index_cast %get3A : i32 to index
      %get3A_551 = arith.constant 0 : index
      %get3A_552 = tpu.vector_load %arg4[%get3A_549, %get3A_550, %get3A_551] {strides = array<i32>} : memref<40x4x128xi32, #tpu.memory_space<vmem>>, vector<16xi32>,
      %bitcast3A_553 = vector.bitcast %get3A_552 : vector<16xi32> to vector<16xi32>
      %lt3A = arith.constant 12 : i32
      %lt3A_554 = vector.broadcast %lt3A : i32 to vector<16xi32>
      %lt3A_555 = arith.cmpi ult, %bitcast3A_553, %lt3A_554 : vector<16xi32>
      %select_n3A = arith.select %lt3A_555, %broadcast_in_dim3A_3, %broadcast_in_dim3A_5 : vector<16xi1>, vector<16xf32>
      %get3A_556 = arith.constant 1 : i32
      %get3A_557 = arith.index_cast %scan3A_540 : i32 to index
      %get3A_558 = arith.index_cast %get3A_556 : i32 to index
      %get3A_559 = arith.constant 0 : index
      %get3A_560 = tpu.vector_load %arg4[%get3A_557, %get3A_558, %get3A_559] {strides = array<i32>} : memref<40x4x128xi32, #tpu.memory_space<vmem>>, vector<16xi32>,
      %bitcast3A_561 = vector.bitcast %get3A_560 : vector<16xi32> to vector<16xi32>
      %lt3A_562 = arith.constant 31 : i32
      %lt3A_563 = vector.broadcast %lt3A_562 : i32 to vector<16xi32>
      %lt3A_564 = arith.cmpi ult, %bitcast3A_561, %lt3A_563 : vector<16xi32>
      %select_n3A_565 = arith.select %lt3A_564, %broadcast_in_dim3A_3, %broadcast_in_dim3A_5 : vector<16xi1>, vector<16xf32>
      %get3A_566 = arith.constant 2 : i32
      %get3A_567 = arith.index_cast %scan3A_540 : i32 to index
      %get3A_568 = arith.index_cast %get3A_566 : i32 to index
      %get3A_569 = arith.constant 0 : index
      %get3A_570 = tpu.vector_load %arg4[%get3A_567, %get3A_568, %get3A_569] {strides = array<i32>} : memref<40x4x128xi32, #tpu.memory_space<vmem>>, vector<16xi32>,
      %bitcast3A_571 = vector.bitcast %get3A_570 : vector<16xi32> to vector<16xi32>
      %lt3A_572 = arith.constant 7 : i32
      %lt3A_573 = vector.broadcast %lt3A_572 : i32 to vector<16xi32>
      %lt3A_574 = arith.cmpi ult, %bitcast3A_571, %lt3A_573 : vector<16xi32>
      %select_n3A_575 = arith.select %lt3A_574, %broadcast_in_dim3A_3, %broadcast_in_dim3A_5 : vector<16xi1>, vector<16xf32>
      %get3A_576 = arith.constant 3 : i32
      %get3A_577 = arith.index_cast %scan3A_540 : i32 to index
      %get3A_578 = arith.index_cast %get3A_576 : i32 to index
      %get3A_579 = arith.constant 0 : index
      %get3A_580 = tpu.vector_load %arg4[%get3A_577, %get3A_578, %get3A_579] {strides = array<i32>} : memref<40x4x128xi32, #tpu.memory_space<vmem>>, vector<16xi32>,
      %bitcast3A_581 = vector.bitcast %get3A_580 : vector<16xi32> to vector<16xi32>
      %lt3A_582 = arith.constant 24 : i32
      %lt3A_583 = vector.broadcast %lt3A_582 : i32 to vector<16xi32>
      %lt3A_584 = arith.cmpi ult, %bitcast3A_581, %lt3A_583 : vector<16xi32>
      %select_n3A_585 = arith.select %lt3A_584, %broadcast_in_dim3A_3, %broadcast_in_dim3A_5 : vector<16xi1>, vector<16xf32>
      %add3A_586 = arith.addf %select_n3A, %select_n3A_565 : vector<16xf32>
      %add3A_587 = arith.addf %select_n3A_575, %select_n3A_585 : vector<16xf32>
      %add3A_588 = arith.addf %add3A_586, %add3A_587 : vector<16xf32>
      %add3A_589 = arith.constant 80 : i32
      %add3A_590 = arith.addi %add3A_589, %scan3A_540 : i32
      %swap3A = arith.index_cast %add3A_590 : i32 to index
      %swap3A_591 = arith.constant 0 : index
      %swap3A_592 = tpu.vector_load %arg6[%swap3A, %swap3A_591] {strides = array<i32>} : memref<200x128xf32, #tpu.memory_space<vmem>>, vector<16xf32>,
      tpu.vector_store %arg6[%swap3A, %swap3A_591], %add3A_588 {strides = array<i32>} : memref<200x128xf32, #tpu.memory_space<vmem>>, vector<16xf32>,
      %mul3A_593 = arith.mulf %add3A_588, %add3A_588 : vector<16xf32>
      %add3A_594 = arith.addf %scan3A_541, %mul3A_593 : vector<16xf32>
      %get3A_595 = arith.constant 0 : i32
      %get3A_596 = arith.index_cast %scan3A_540 : i32 to index
      %get3A_597 = arith.index_cast %get3A_595 : i32 to index
      %get3A_598 = arith.constant 16 : index
      %get3A_599 = tpu.vector_load %arg4[%get3A_596, %get3A_597, %get3A_598] {strides = array<i32>} : memref<40x4x128xi32, #tpu.memory_space<vmem>>, vector<16xi32>,
      %bitcast3A_600 = vector.bitcast %get3A_599 : vector<16xi32> to vector<16xi32>
      %lt3A_601 = arith.constant 12 : i32
      %lt3A_602 = vector.broadcast %lt3A_601 : i32 to vector<16xi32>
      %lt3A_603 = arith.cmpi ult, %bitcast3A_600, %lt3A_602 : vector<16xi32>
      %select_n3A_604 = arith.select %lt3A_603, %broadcast_in_dim3A_3, %broadcast_in_dim3A_5 : vector<16xi1>, vector<16xf32>
      %get3A_605 = arith.constant 1 : i32
      %get3A_606 = arith.index_cast %scan3A_540 : i32 to index
      %get3A_607 = arith.index_cast %get3A_605 : i32 to index
      %get3A_608 = arith.constant 16 : index
      %get3A_609 = tpu.vector_load %arg4[%get3A_606, %get3A_607, %get3A_608] {strides = array<i32>} : memref<40x4x128xi32, #tpu.memory_space<vmem>>, vector<16xi32>,
      %bitcast3A_610 = vector.bitcast %get3A_609 : vector<16xi32> to vector<16xi32>
      %lt3A_611 = arith.constant 31 : i32
      %lt3A_612 = vector.broadcast %lt3A_611 : i32 to vector<16xi32>
      %lt3A_613 = arith.cmpi ult, %bitcast3A_610, %lt3A_612 : vector<16xi32>
      %select_n3A_614 = arith.select %lt3A_613, %broadcast_in_dim3A_3, %broadcast_in_dim3A_5 : vector<16xi1>, vector<16xf32>
      %get3A_615 = arith.constant 2 : i32
      %get3A_616 = arith.index_cast %scan3A_540 : i32 to index
      %get3A_617 = arith.index_cast %get3A_615 : i32 to index
      %get3A_618 = arith.constant 16 : index
      %get3A_619 = tpu.vector_load %arg4[%get3A_616, %get3A_617, %get3A_618] {strides = array<i32>} : memref<40x4x128xi32, #tpu.memory_space<vmem>>, vector<16xi32>,
      %bitcast3A_620 = vector.bitcast %get3A_619 : vector<16xi32> to vector<16xi32>
      %lt3A_621 = arith.constant 7 : i32
      %lt3A_622 = vector.broadcast %lt3A_621 : i32 to vector<16xi32>
      %lt3A_623 = arith.cmpi ult, %bitcast3A_620, %lt3A_622 : vector<16xi32>
      %select_n3A_624 = arith.select %lt3A_623, %broadcast_in_dim3A_3, %broadcast_in_dim3A_5 : vector<16xi1>, vector<16xf32>
      %get3A_625 = arith.constant 3 : i32
      %get3A_626 = arith.index_cast %scan3A_540 : i32 to index
      %get3A_627 = arith.index_cast %get3A_625 : i32 to index
      %get3A_628 = arith.constant 16 : index
      %get3A_629 = tpu.vector_load %arg4[%get3A_626, %get3A_627, %get3A_628] {strides = array<i32>} : memref<40x4x128xi32, #tpu.memory_space<vmem>>, vector<16xi32>,
      %bitcast3A_630 = vector.bitcast %get3A_629 : vector<16xi32> to vector<16xi32>
      %lt3A_631 = arith.constant 24 : i32
      %lt3A_632 = vector.broadcast %lt3A_631 : i32 to vector<16xi32>
      %lt3A_633 = arith.cmpi ult, %bitcast3A_630, %lt3A_632 : vector<16xi32>
      %select_n3A_634 = arith.select %lt3A_633, %broadcast_in_dim3A_3, %broadcast_in_dim3A_5 : vector<16xi1>, vector<16xf32>
      %add3A_635 = arith.addf %select_n3A_604, %select_n3A_614 : vector<16xf32>
      %add3A_636 = arith.addf %select_n3A_624, %select_n3A_634 : vector<16xf32>
      %add3A_637 = arith.addf %add3A_635, %add3A_636 : vector<16xf32>
      %add3A_638 = arith.constant 80 : i32
      %add3A_639 = arith.addi %add3A_638, %scan3A_540 : i32
      %swap3A_640 = arith.index_cast %add3A_639 : i32 to index
      %swap3A_641 = arith.constant 16 : index
      %swap3A_642 = tpu.vector_load %arg6[%swap3A_640, %swap3A_641] {strides = array<i32>} : memref<200x128xf32, #tpu.memory_space<vmem>>, vector<16xf32>,
      tpu.vector_store %arg6[%swap3A_640, %swap3A_641], %add3A_637 {strides = array<i32>} : memref<200x128xf32, #tpu.memory_space<vmem>>, vector<16xf32>,
      %mul3A_643 = arith.mulf %add3A_637, %add3A_637 : vector<16xf32>
      %add3A_644 = arith.addf %scan3A_542, %mul3A_643 : vector<16xf32>
      %get3A_645 = arith.constant 0 : i32
      %get3A_646 = arith.index_cast %scan3A_540 : i32 to index
      %get3A_647 = arith.index_cast %get3A_645 : i32 to index
      %get3A_648 = arith.constant 32 : index
      %get3A_649 = tpu.vector_load %arg4[%get3A_646, %get3A_647, %get3A_648] {strides = array<i32>} : memref<40x4x128xi32, #tpu.memory_space<vmem>>, vector<16xi32>,
      %bitcast3A_650 = vector.bitcast %get3A_649 : vector<16xi32> to vector<16xi32>
      %lt3A_651 = arith.constant 12 : i32
      %lt3A_652 = vector.broadcast %lt3A_651 : i32 to vector<16xi32>
      %lt3A_653 = arith.cmpi ult, %bitcast3A_650, %lt3A_652 : vector<16xi32>
      %select_n3A_654 = arith.select %lt3A_653, %broadcast_in_dim3A_3, %broadcast_in_dim3A_5 : vector<16xi1>, vector<16xf32>
      %get3A_655 = arith.constant 1 : i32
      %get3A_656 = arith.index_cast %scan3A_540 : i32 to index
      %get3A_657 = arith.index_cast %get3A_655 : i32 to index
      %get3A_658 = arith.constant 32 : index
      %get3A_659 = tpu.vector_load %arg4[%get3A_656, %get3A_657, %get3A_658] {strides = array<i32>} : memref<40x4x128xi32, #tpu.memory_space<vmem>>, vector<16xi32>,
      %bitcast3A_660 = vector.bitcast %get3A_659 : vector<16xi32> to vector<16xi32>
      %lt3A_661 = arith.constant 31 : i32
      %lt3A_662 = vector.broadcast %lt3A_661 : i32 to vector<16xi32>
      %lt3A_663 = arith.cmpi ult, %bitcast3A_660, %lt3A_662 : vector<16xi32>
      %select_n3A_664 = arith.select %lt3A_663, %broadcast_in_dim3A_3, %broadcast_in_dim3A_5 : vector<16xi1>, vector<16xf32>
      %get3A_665 = arith.constant 2 : i32
      %get3A_666 = arith.index_cast %scan3A_540 : i32 to index
      %get3A_667 = arith.index_cast %get3A_665 : i32 to index
      %get3A_668 = arith.constant 32 : index
      %get3A_669 = tpu.vector_load %arg4[%get3A_666, %get3A_667, %get3A_668] {strides = array<i32>} : memref<40x4x128xi32, #tpu.memory_space<vmem>>, vector<16xi32>,
      %bitcast3A_670 = vector.bitcast %get3A_669 : vector<16xi32> to vector<16xi32>
      %lt3A_671 = arith.constant 7 : i32
      %lt3A_672 = vector.broadcast %lt3A_671 : i32 to vector<16xi32>
      %lt3A_673 = arith.cmpi ult, %bitcast3A_670, %lt3A_672 : vector<16xi32>
      %select_n3A_674 = arith.select %lt3A_673, %broadcast_in_dim3A_3, %broadcast_in_dim3A_5 : vector<16xi1>, vector<16xf32>
      %get3A_675 = arith.constant 3 : i32
      %get3A_676 = arith.index_cast %scan3A_540 : i32 to index
      %get3A_677 = arith.index_cast %get3A_675 : i32 to index
      %get3A_678 = arith.constant 32 : index
      %get3A_679 = tpu.vector_load %arg4[%get3A_676, %get3A_677, %get3A_678] {strides = array<i32>} : memref<40x4x128xi32, #tpu.memory_space<vmem>>, vector<16xi32>,
      %bitcast3A_680 = vector.bitcast %get3A_679 : vector<16xi32> to vector<16xi32>
      %lt3A_681 = arith.constant 24 : i32
      %lt3A_682 = vector.broadcast %lt3A_681 : i32 to vector<16xi32>
      %lt3A_683 = arith.cmpi ult, %bitcast3A_680, %lt3A_682 : vector<16xi32>
      %select_n3A_684 = arith.select %lt3A_683, %broadcast_in_dim3A_3, %broadcast_in_dim3A_5 : vector<16xi1>, vector<16xf32>
      %add3A_685 = arith.addf %select_n3A_654, %select_n3A_664 : vector<16xf32>
      %add3A_686 = arith.addf %select_n3A_674, %select_n3A_684 : vector<16xf32>
      %add3A_687 = arith.addf %add3A_685, %add3A_686 : vector<16xf32>
      %add3A_688 = arith.constant 80 : i32
      %add3A_689 = arith.addi %add3A_688, %scan3A_540 : i32
      %swap3A_690 = arith.index_cast %add3A_689 : i32 to index
      %swap3A_691 = arith.constant 32 : index
      %swap3A_692 = tpu.vector_load %arg6[%swap3A_690, %swap3A_691] {strides = array<i32>} : memref<200x128xf32, #tpu.memory_space<vmem>>, vector<16xf32>,
      tpu.vector_store %arg6[%swap3A_690, %swap3A_691], %add3A_687 {strides = array<i32>} : memref<200x128xf32, #tpu.memory_space<vmem>>, vector<16xf32>,
      %mul3A_693 = arith.mulf %add3A_687, %add3A_687 : vector<16xf32>
      %add3A_694 = arith.addf %scan3A_543, %mul3A_693 : vector<16xf32>
      %get3A_695 = arith.constant 0 : i32
      %get3A_696 = arith.index_cast %scan3A_540 : i32 to index
      %get3A_697 = arith.index_cast %get3A_695 : i32 to index
      %get3A_698 = arith.constant 48 : index
      %get3A_699 = tpu.vector_load %arg4[%get3A_696, %get3A_697, %get3A_698] {strides = array<i32>} : memref<40x4x128xi32, #tpu.memory_space<vmem>>, vector<16xi32>,
      %bitcast3A_700 = vector.bitcast %get3A_699 : vector<16xi32> to vector<16xi32>
      %lt3A_701 = arith.constant 12 : i32
      %lt3A_702 = vector.broadcast %lt3A_701 : i32 to vector<16xi32>
      %lt3A_703 = arith.cmpi ult, %bitcast3A_700, %lt3A_702 : vector<16xi32>
      %select_n3A_704 = arith.select %lt3A_703, %broadcast_in_dim3A_3, %broadcast_in_dim3A_5 : vector<16xi1>, vector<16xf32>
      %get3A_705 = arith.constant 1 : i32
      %get3A_706 = arith.index_cast %scan3A_540 : i32 to index
      %get3A_707 = arith.index_cast %get3A_705 : i32 to index
      %get3A_708 = arith.constant 48 : index
      %get3A_709 = tpu.vector_load %arg4[%get3A_706, %get3A_707, %get3A_708] {strides = array<i32>} : memref<40x4x128xi32, #tpu.memory_space<vmem>>, vector<16xi32>,
      %bitcast3A_710 = vector.bitcast %get3A_709 : vector<16xi32> to vector<16xi32>
      %lt3A_711 = arith.constant 31 : i32
      %lt3A_712 = vector.broadcast %lt3A_711 : i32 to vector<16xi32>
      %lt3A_713 = arith.cmpi ult, %bitcast3A_710, %lt3A_712 : vector<16xi32>
      %select_n3A_714 = arith.select %lt3A_713, %broadcast_in_dim3A_3, %broadcast_in_dim3A_5 : vector<16xi1>, vector<16xf32>
      %get3A_715 = arith.constant 2 : i32
      %get3A_716 = arith.index_cast %scan3A_540 : i32 to index
      %get3A_717 = arith.index_cast %get3A_715 : i32 to index
      %get3A_718 = arith.constant 48 : index
      %get3A_719 = tpu.vector_load %arg4[%get3A_716, %get3A_717, %get3A_718] {strides = array<i32>} : memref<40x4x128xi32, #tpu.memory_space<vmem>>, vector<16xi32>,
      %bitcast3A_720 = vector.bitcast %get3A_719 : vector<16xi32> to vector<16xi32>
      %lt3A_721 = arith.constant 7 : i32
      %lt3A_722 = vector.broadcast %lt3A_721 : i32 to vector<16xi32>
      %lt3A_723 = arith.cmpi ult, %bitcast3A_720, %lt3A_722 : vector<16xi32>
      %select_n3A_724 = arith.select %lt3A_723, %broadcast_in_dim3A_3, %broadcast_in_dim3A_5 : vector<16xi1>, vector<16xf32>
      %get3A_725 = arith.constant 3 : i32
      %get3A_726 = arith.index_cast %scan3A_540 : i32 to index
      %get3A_727 = arith.index_cast %get3A_725 : i32 to index
      %get3A_728 = arith.constant 48 : index
      %get3A_729 = tpu.vector_load %arg4[%get3A_726, %get3A_727, %get3A_728] {strides = array<i32>} : memref<40x4x128xi32, #tpu.memory_space<vmem>>, vector<16xi32>,
      %bitcast3A_730 = vector.bitcast %get3A_729 : vector<16xi32> to vector<16xi32>
      %lt3A_731 = arith.constant 24 : i32
      %lt3A_732 = vector.broadcast %lt3A_731 : i32 to vector<16xi32>
      %lt3A_733 = arith.cmpi ult, %bitcast3A_730, %lt3A_732 : vector<16xi32>
      %select_n3A_734 = arith.select %lt3A_733, %broadcast_in_dim3A_3, %broadcast_in_dim3A_5 : vector<16xi1>, vector<16xf32>
      %add3A_735 = arith.addf %select_n3A_704, %select_n3A_714 : vector<16xf32>
      %add3A_736 = arith.addf %select_n3A_724, %select_n3A_734 : vector<16xf32>
      %add3A_737 = arith.addf %add3A_735, %add3A_736 : vector<16xf32>
      %add3A_738 = arith.constant 80 : i32
      %add3A_739 = arith.addi %add3A_738, %scan3A_540 : i32
      %swap3A_740 = arith.index_cast %add3A_739 : i32 to index
      %swap3A_741 = arith.constant 48 : index
      %swap3A_742 = tpu.vector_load %arg6[%swap3A_740, %swap3A_741] {strides = array<i32>} : memref<200x128xf32, #tpu.memory_space<vmem>>, vector<16xf32>,
      tpu.vector_store %arg6[%swap3A_740, %swap3A_741], %add3A_737 {strides = array<i32>} : memref<200x128xf32, #tpu.memory_space<vmem>>, vector<16xf32>,
      %mul3A_743 = arith.mulf %add3A_737, %add3A_737 : vector<16xf32>
      %add3A_744 = arith.addf %scan3A_544, %mul3A_743 : vector<16xf32>
      %get3A_745 = arith.constant 0 : i32
      %get3A_746 = arith.index_cast %scan3A_540 : i32 to index
      %get3A_747 = arith.index_cast %get3A_745 : i32 to index
      %get3A_748 = arith.constant 64 : index
      %get3A_749 = tpu.vector_load %arg4[%get3A_746, %get3A_747, %get3A_748] {strides = array<i32>} : memref<40x4x128xi32, #tpu.memory_space<vmem>>, vector<16xi32>,
      %bitcast3A_750 = vector.bitcast %get3A_749 : vector<16xi32> to vector<16xi32>
      %lt3A_751 = arith.constant 12 : i32
      %lt3A_752 = vector.broadcast %lt3A_751 : i32 to vector<16xi32>
      %lt3A_753 = arith.cmpi ult, %bitcast3A_750, %lt3A_752 : vector<16xi32>
      %select_n3A_754 = arith.select %lt3A_753, %broadcast_in_dim3A_3, %broadcast_in_dim3A_5 : vector<16xi1>, vector<16xf32>
      %get3A_755 = arith.constant 1 : i32
      %get3A_756 = arith.index_cast %scan3A_540 : i32 to index
      %get3A_757 = arith.index_cast %get3A_755 : i32 to index
      %get3A_758 = arith.constant 64 : index
      %get3A_759 = tpu.vector_load %arg4[%get3A_756, %get3A_757, %get3A_758] {strides = array<i32>} : memref<40x4x128xi32, #tpu.memory_space<vmem>>, vector<16xi32>,
      %bitcast3A_760 = vector.bitcast %get3A_759 : vector<16xi32> to vector<16xi32>
      %lt3A_761 = arith.constant 31 : i32
      %lt3A_762 = vector.broadcast %lt3A_761 : i32 to vector<16xi32>
      %lt3A_763 = arith.cmpi ult, %bitcast3A_760, %lt3A_762 : vector<16xi32>
      %select_n3A_764 = arith.select %lt3A_763, %broadcast_in_dim3A_3, %broadcast_in_dim3A_5 : vector<16xi1>, vector<16xf32>
      %get3A_765 = arith.constant 2 : i32
      %get3A_766 = arith.index_cast %scan3A_540 : i32 to index
      %get3A_767 = arith.index_cast %get3A_765 : i32 to index
      %get3A_768 = arith.constant 64 : index
      %get3A_769 = tpu.vector_load %arg4[%get3A_766, %get3A_767, %get3A_768] {strides = array<i32>} : memref<40x4x128xi32, #tpu.memory_space<vmem>>, vector<16xi32>,
      %bitcast3A_770 = vector.bitcast %get3A_769 : vector<16xi32> to vector<16xi32>
      %lt3A_771 = arith.constant 7 : i32
      %lt3A_772 = vector.broadcast %lt3A_771 : i32 to vector<16xi32>
      %lt3A_773 = arith.cmpi ult, %bitcast3A_770, %lt3A_772 : vector<16xi32>
      %select_n3A_774 = arith.select %lt3A_773, %broadcast_in_dim3A_3, %broadcast_in_dim3A_5 : vector<16xi1>, vector<16xf32>
      %get3A_775 = arith.constant 3 : i32
      %get3A_776 = arith.index_cast %scan3A_540 : i32 to index
      %get3A_777 = arith.index_cast %get3A_775 : i32 to index
      %get3A_778 = arith.constant 64 : index
      %get3A_779 = tpu.vector_load %arg4[%get3A_776, %get3A_777, %get3A_778] {strides = array<i32>} : memref<40x4x128xi32, #tpu.memory_space<vmem>>, vector<16xi32>,
      %bitcast3A_780 = vector.bitcast %get3A_779 : vector<16xi32> to vector<16xi32>
      %lt3A_781 = arith.constant 24 : i32
      %lt3A_782 = vector.broadcast %lt3A_781 : i32 to vector<16xi32>
      %lt3A_783 = arith.cmpi ult, %bitcast3A_780, %lt3A_782 : vector<16xi32>
      %select_n3A_784 = arith.select %lt3A_783, %broadcast_in_dim3A_3, %broadcast_in_dim3A_5 : vector<16xi1>, vector<16xf32>
      %add3A_785 = arith.addf %select_n3A_754, %select_n3A_764 : vector<16xf32>
      %add3A_786 = arith.addf %select_n3A_774, %select_n3A_784 : vector<16xf32>
      %add3A_787 = arith.addf %add3A_785, %add3A_786 : vector<16xf32>
      %add3A_788 = arith.constant 80 : i32
      %add3A_789 = arith.addi %add3A_788, %scan3A_540 : i32
      %swap3A_790 = arith.index_cast %add3A_789 : i32 to index
      %swap3A_791 = arith.constant 64 : index
      %swap3A_792 = tpu.vector_load %arg6[%swap3A_790, %swap3A_791] {strides = array<i32>} : memref<200x128xf32, #tpu.memory_space<vmem>>, vector<16xf32>,
      tpu.vector_store %arg6[%swap3A_790, %swap3A_791], %add3A_787 {strides = array<i32>} : memref<200x128xf32, #tpu.memory_space<vmem>>, vector<16xf32>,
      %mul3A_793 = arith.mulf %add3A_787, %add3A_787 : vector<16xf32>
      %add3A_794 = arith.addf %scan3A_545, %mul3A_793 : vector<16xf32>
      %get3A_795 = arith.constant 0 : i32
      %get3A_796 = arith.index_cast %scan3A_540 : i32 to index
      %get3A_797 = arith.index_cast %get3A_795 : i32 to index
      %get3A_798 = arith.constant 80 : index
      %get3A_799 = tpu.vector_load %arg4[%get3A_796, %get3A_797, %get3A_798] {strides = array<i32>} : memref<40x4x128xi32, #tpu.memory_space<vmem>>, vector<16xi32>,
      %bitcast3A_800 = vector.bitcast %get3A_799 : vector<16xi32> to vector<16xi32>
      %lt3A_801 = arith.constant 12 : i32
      %lt3A_802 = vector.broadcast %lt3A_801 : i32 to vector<16xi32>
      %lt3A_803 = arith.cmpi ult, %bitcast3A_800, %lt3A_802 : vector<16xi32>
      %select_n3A_804 = arith.select %lt3A_803, %broadcast_in_dim3A_3, %broadcast_in_dim3A_5 : vector<16xi1>, vector<16xf32>
      %get3A_805 = arith.constant 1 : i32
      %get3A_806 = arith.index_cast %scan3A_540 : i32 to index
      %get3A_807 = arith.index_cast %get3A_805 : i32 to index
      %get3A_808 = arith.constant 80 : index
      %get3A_809 = tpu.vector_load %arg4[%get3A_806, %get3A_807, %get3A_808] {strides = array<i32>} : memref<40x4x128xi32, #tpu.memory_space<vmem>>, vector<16xi32>,
      %bitcast3A_810 = vector.bitcast %get3A_809 : vector<16xi32> to vector<16xi32>
      %lt3A_811 = arith.constant 31 : i32
      %lt3A_812 = vector.broadcast %lt3A_811 : i32 to vector<16xi32>
      %lt3A_813 = arith.cmpi ult, %bitcast3A_810, %lt3A_812 : vector<16xi32>
      %select_n3A_814 = arith.select %lt3A_813, %broadcast_in_dim3A_3, %broadcast_in_dim3A_5 : vector<16xi1>, vector<16xf32>
      %get3A_815 = arith.constant 2 : i32
      %get3A_816 = arith.index_cast %scan3A_540 : i32 to index
      %get3A_817 = arith.index_cast %get3A_815 : i32 to index
      %get3A_818 = arith.constant 80 : index
      %get3A_819 = tpu.vector_load %arg4[%get3A_816, %get3A_817, %get3A_818] {strides = array<i32>} : memref<40x4x128xi32, #tpu.memory_space<vmem>>, vector<16xi32>,
      %bitcast3A_820 = vector.bitcast %get3A_819 : vector<16xi32> to vector<16xi32>
      %lt3A_821 = arith.constant 7 : i32
      %lt3A_822 = vector.broadcast %lt3A_821 : i32 to vector<16xi32>
      %lt3A_823 = arith.cmpi ult, %bitcast3A_820, %lt3A_822 : vector<16xi32>
      %select_n3A_824 = arith.select %lt3A_823, %broadcast_in_dim3A_3, %broadcast_in_dim3A_5 : vector<16xi1>, vector<16xf32>
      %get3A_825 = arith.constant 3 : i32
      %get3A_826 = arith.index_cast %scan3A_540 : i32 to index
      %get3A_827 = arith.index_cast %get3A_825 : i32 to index
      %get3A_828 = arith.constant 80 : index
      %get3A_829 = tpu.vector_load %arg4[%get3A_826, %get3A_827, %get3A_828] {strides = array<i32>} : memref<40x4x128xi32, #tpu.memory_space<vmem>>, vector<16xi32>,
      %bitcast3A_830 = vector.bitcast %get3A_829 : vector<16xi32> to vector<16xi32>
      %lt3A_831 = arith.constant 24 : i32
      %lt3A_832 = vector.broadcast %lt3A_831 : i32 to vector<16xi32>
      %lt3A_833 = arith.cmpi ult, %bitcast3A_830, %lt3A_832 : vector<16xi32>
      %select_n3A_834 = arith.select %lt3A_833, %broadcast_in_dim3A_3, %broadcast_in_dim3A_5 : vector<16xi1>, vector<16xf32>
      %add3A_835 = arith.addf %select_n3A_804, %select_n3A_814 : vector<16xf32>
      %add3A_836 = arith.addf %select_n3A_824, %select_n3A_834 : vector<16xf32>
      %add3A_837 = arith.addf %add3A_835, %add3A_836 : vector<16xf32>
      %add3A_838 = arith.constant 80 : i32
      %add3A_839 = arith.addi %add3A_838, %scan3A_540 : i32
      %swap3A_840 = arith.index_cast %add3A_839 : i32 to index
      %swap3A_841 = arith.constant 80 : index
      %swap3A_842 = tpu.vector_load %arg6[%swap3A_840, %swap3A_841] {strides = array<i32>} : memref<200x128xf32, #tpu.memory_space<vmem>>, vector<16xf32>,
      tpu.vector_store %arg6[%swap3A_840, %swap3A_841], %add3A_837 {strides = array<i32>} : memref<200x128xf32, #tpu.memory_space<vmem>>, vector<16xf32>,
      %mul3A_843 = arith.mulf %add3A_837, %add3A_837 : vector<16xf32>
      %add3A_844 = arith.addf %scan3A_546, %mul3A_843 : vector<16xf32>
      %get3A_845 = arith.constant 0 : i32
      %get3A_846 = arith.index_cast %scan3A_540 : i32 to index
      %get3A_847 = arith.index_cast %get3A_845 : i32 to index
      %get3A_848 = arith.constant 96 : index
      %get3A_849 = tpu.vector_load %arg4[%get3A_846, %get3A_847, %get3A_848] {strides = array<i32>} : memref<40x4x128xi32, #tpu.memory_space<vmem>>, vector<16xi32>,
      %bitcast3A_850 = vector.bitcast %get3A_849 : vector<16xi32> to vector<16xi32>
      %lt3A_851 = arith.constant 12 : i32
      %lt3A_852 = vector.broadcast %lt3A_851 : i32 to vector<16xi32>
      %lt3A_853 = arith.cmpi ult, %bitcast3A_850, %lt3A_852 : vector<16xi32>
      %select_n3A_854 = arith.select %lt3A_853, %broadcast_in_dim3A_3, %broadcast_in_dim3A_5 : vector<16xi1>, vector<16xf32>
      %get3A_855 = arith.constant 1 : i32
      %get3A_856 = arith.index_cast %scan3A_540 : i32 to index
      %get3A_857 = arith.index_cast %get3A_855 : i32 to index
      %get3A_858 = arith.constant 96 : index
      %get3A_859 = tpu.vector_load %arg4[%get3A_856, %get3A_857, %get3A_858] {strides = array<i32>} : memref<40x4x128xi32, #tpu.memory_space<vmem>>, vector<16xi32>,
      %bitcast3A_860 = vector.bitcast %get3A_859 : vector<16xi32> to vector<16xi32>
      %lt3A_861 = arith.constant 31 : i32
      %lt3A_862 = vector.broadcast %lt3A_861 : i32 to vector<16xi32>
      %lt3A_863 = arith.cmpi ult, %bitcast3A_860, %lt3A_862 : vector<16xi32>
      %select_n3A_864 = arith.select %lt3A_863, %broadcast_in_dim3A_3, %broadcast_in_dim3A_5 : vector<16xi1>, vector<16xf32>
      %get3A_865 = arith.constant 2 : i32
      %get3A_866 = arith.index_cast %scan3A_540 : i32 to index
      %get3A_867 = arith.index_cast %get3A_865 : i32 to index
      %get3A_868 = arith.constant 96 : index
      %get3A_869 = tpu.vector_load %arg4[%get3A_866, %get3A_867, %get3A_868] {strides = array<i32>} : memref<40x4x128xi32, #tpu.memory_space<vmem>>, vector<16xi32>,
      %bitcast3A_870 = vector.bitcast %get3A_869 : vector<16xi32> to vector<16xi32>
      %lt3A_871 = arith.constant 7 : i32
      %lt3A_872 = vector.broadcast %lt3A_871 : i32 to vector<16xi32>
      %lt3A_873 = arith.cmpi ult, %bitcast3A_870, %lt3A_872 : vector<16xi32>
      %select_n3A_874 = arith.select %lt3A_873, %broadcast_in_dim3A_3, %broadcast_in_dim3A_5 : vector<16xi1>, vector<16xf32>
      %get3A_875 = arith.constant 3 : i32
      %get3A_876 = arith.index_cast %scan3A_540 : i32 to index
      %get3A_877 = arith.index_cast %get3A_875 : i32 to index
      %get3A_878 = arith.constant 96 : index
      %get3A_879 = tpu.vector_load %arg4[%get3A_876, %get3A_877, %get3A_878] {strides = array<i32>} : memref<40x4x128xi32, #tpu.memory_space<vmem>>, vector<16xi32>,
      %bitcast3A_880 = vector.bitcast %get3A_879 : vector<16xi32> to vector<16xi32>
      %lt3A_881 = arith.constant 24 : i32
      %lt3A_882 = vector.broadcast %lt3A_881 : i32 to vector<16xi32>
      %lt3A_883 = arith.cmpi ult, %bitcast3A_880, %lt3A_882 : vector<16xi32>
      %select_n3A_884 = arith.select %lt3A_883, %broadcast_in_dim3A_3, %broadcast_in_dim3A_5 : vector<16xi1>, vector<16xf32>
      %add3A_885 = arith.addf %select_n3A_854, %select_n3A_864 : vector<16xf32>
      %add3A_886 = arith.addf %select_n3A_874, %select_n3A_884 : vector<16xf32>
      %add3A_887 = arith.addf %add3A_885, %add3A_886 : vector<16xf32>
      %add3A_888 = arith.constant 80 : i32
      %add3A_889 = arith.addi %add3A_888, %scan3A_540 : i32
      %swap3A_890 = arith.index_cast %add3A_889 : i32 to index
      %swap3A_891 = arith.constant 96 : index
      %swap3A_892 = tpu.vector_load %arg6[%swap3A_890, %swap3A_891] {strides = array<i32>} : memref<200x128xf32, #tpu.memory_space<vmem>>, vector<16xf32>,
      tpu.vector_store %arg6[%swap3A_890, %swap3A_891], %add3A_887 {strides = array<i32>} : memref<200x128xf32, #tpu.memory_space<vmem>>, vector<16xf32>,
      %mul3A_893 = arith.mulf %add3A_887, %add3A_887 : vector<16xf32>
      %add3A_894 = arith.addf %scan3A_547, %mul3A_893 : vector<16xf32>
      %get3A_895 = arith.constant 0 : i32
      %get3A_896 = arith.index_cast %scan3A_540 : i32 to index
      %get3A_897 = arith.index_cast %get3A_895 : i32 to index
      %get3A_898 = arith.constant 112 : index
      %get3A_899 = tpu.vector_load %arg4[%get3A_896, %get3A_897, %get3A_898] {strides = array<i32>} : memref<40x4x128xi32, #tpu.memory_space<vmem>>, vector<16xi32>,
      %bitcast3A_900 = vector.bitcast %get3A_899 : vector<16xi32> to vector<16xi32>
      %lt3A_901 = arith.constant 12 : i32
      %lt3A_902 = vector.broadcast %lt3A_901 : i32 to vector<16xi32>
      %lt3A_903 = arith.cmpi ult, %bitcast3A_900, %lt3A_902 : vector<16xi32>
      %select_n3A_904 = arith.select %lt3A_903, %broadcast_in_dim3A_3, %broadcast_in_dim3A_5 : vector<16xi1>, vector<16xf32>
      %get3A_905 = arith.constant 1 : i32
      %get3A_906 = arith.index_cast %scan3A_540 : i32 to index
      %get3A_907 = arith.index_cast %get3A_905 : i32 to index
      %get3A_908 = arith.constant 112 : index
      %get3A_909 = tpu.vector_load %arg4[%get3A_906, %get3A_907, %get3A_908] {strides = array<i32>} : memref<40x4x128xi32, #tpu.memory_space<vmem>>, vector<16xi32>,
      %bitcast3A_910 = vector.bitcast %get3A_909 : vector<16xi32> to vector<16xi32>
      %lt3A_911 = arith.constant 31 : i32
      %lt3A_912 = vector.broadcast %lt3A_911 : i32 to vector<16xi32>
      %lt3A_913 = arith.cmpi ult, %bitcast3A_910, %lt3A_912 : vector<16xi32>
      %select_n3A_914 = arith.select %lt3A_913, %broadcast_in_dim3A_3, %broadcast_in_dim3A_5 : vector<16xi1>, vector<16xf32>
      %get3A_915 = arith.constant 2 : i32
      %get3A_916 = arith.index_cast %scan3A_540 : i32 to index
      %get3A_917 = arith.index_cast %get3A_915 : i32 to index
      %get3A_918 = arith.constant 112 : index
      %get3A_919 = tpu.vector_load %arg4[%get3A_916, %get3A_917, %get3A_918] {strides = array<i32>} : memref<40x4x128xi32, #tpu.memory_space<vmem>>, vector<16xi32>,
      %bitcast3A_920 = vector.bitcast %get3A_919 : vector<16xi32> to vector<16xi32>
      %lt3A_921 = arith.constant 7 : i32
      %lt3A_922 = vector.broadcast %lt3A_921 : i32 to vector<16xi32>
      %lt3A_923 = arith.cmpi ult, %bitcast3A_920, %lt3A_922 : vector<16xi32>
      %select_n3A_924 = arith.select %lt3A_923, %broadcast_in_dim3A_3, %broadcast_in_dim3A_5 : vector<16xi1>, vector<16xf32>
      %get3A_925 = arith.constant 3 : i32
      %get3A_926 = arith.index_cast %scan3A_540 : i32 to index
      %get3A_927 = arith.index_cast %get3A_925 : i32 to index
      %get3A_928 = arith.constant 112 : index
      %get3A_929 = tpu.vector_load %arg4[%get3A_926, %get3A_927, %get3A_928] {strides = array<i32>} : memref<40x4x128xi32, #tpu.memory_space<vmem>>, vector<16xi32>,
      %bitcast3A_930 = vector.bitcast %get3A_929 : vector<16xi32> to vector<16xi32>
      %lt3A_931 = arith.constant 24 : i32
      %lt3A_932 = vector.broadcast %lt3A_931 : i32 to vector<16xi32>
      %lt3A_933 = arith.cmpi ult, %bitcast3A_930, %lt3A_932 : vector<16xi32>
      %select_n3A_934 = arith.select %lt3A_933, %broadcast_in_dim3A_3, %broadcast_in_dim3A_5 : vector<16xi1>, vector<16xf32>
      %add3A_935 = arith.addf %select_n3A_904, %select_n3A_914 : vector<16xf32>
      %add3A_936 = arith.addf %select_n3A_924, %select_n3A_934 : vector<16xf32>
      %add3A_937 = arith.addf %add3A_935, %add3A_936 : vector<16xf32>
      %add3A_938 = arith.constant 80 : i32
      %add3A_939 = arith.addi %add3A_938, %scan3A_540 : i32
      %swap3A_940 = arith.index_cast %add3A_939 : i32 to index
      %swap3A_941 = arith.constant 112 : index
      %swap3A_942 = tpu.vector_load %arg6[%swap3A_940, %swap3A_941] {strides = array<i32>} : memref<200x128xf32, #tpu.memory_space<vmem>>, vector<16xf32>,
      tpu.vector_store %arg6[%swap3A_940, %swap3A_941], %add3A_937 {strides = array<i32>} : memref<200x128xf32, #tpu.memory_space<vmem>>, vector<16xf32>,
      %mul3A_943 = arith.mulf %add3A_937, %add3A_937 : vector<16xf32>
      %add3A_944 = arith.addf %scan3A_548, %mul3A_943 : vector<16xf32>
      scf.yield %add3A_594, %add3A_644, %add3A_694, %add3A_744, %add3A_794, %add3A_844, %add3A_894, %add3A_944 : vector<16xf32>, vector<16xf32>, vector<16xf32>, vector<16xf32>, vector<16xf32>, vector<16xf32>, vector<16xf32>, vector<16xf32>
    }
    %scan3A_90 = arith.constant 40 : i32
    %dma_start3A_91 = arith.constant 160 : i32
    %dma_start3A_92 = arith.constant 0 : i32
    %dma_start3A_93 = arith.constant 0 : i32
    %dma_start3A_94 = tpu.memref_slice %arg2[%dma_start3A_91, %add3A, %dma_start3A_92, %dma_start3A_93] : memref<200x32x4x128xi32, #tpu.memory_space<hbm>> -> memref<40x1x4x128xi32, #tpu.memory_space<hbm>>
    %dma_start3A_95 = tpu.memref_squeeze %dma_start3A_94 : memref<40x1x4x128xi32, #tpu.memory_space<hbm>> -> memref<40x4x128xi32, #tpu.memory_space<hbm>>
    %dma_start3A_96 = arith.constant 160 : i32
    %dma_start3A_97 = arith.constant 0 : i32
    %dma_start3A_98 = arith.constant 0 : i32
    %dma_start3A_99 = tpu.memref_slice %arg2[%dma_start3A_96, %add3A, %dma_start3A_97, %dma_start3A_98] : memref<200x32x4x128xi32, #tpu.memory_space<hbm>> -> memref<40x1x4x128xi32, #tpu.memory_space<hbm>>
    %dma_start3A_100 = tpu.memref_squeeze %dma_start3A_99 : memref<40x1x4x128xi32, #tpu.memory_space<hbm>> -> memref<40x4x128xi32, #tpu.memory_space<hbm>>
    tpu.enqueue_dma source(%dma_start3A_100 : memref<40x4x128xi32, #tpu.memory_space<hbm>>) target(%arg4 : memref<40x4x128xi32, #tpu.memory_space<vmem>>) target_semaphore(%arg7 : memref<!tpu.dma_semaphore, #tpu.memory_space<semaphore_mem>>)
    %dma_wait3A_101 = arith.constant 120 : i32
    %dma_wait3A_102 = arith.constant 0 : i32
    %dma_wait3A_103 = arith.constant 0 : i32
    %dma_wait3A_104 = tpu.memref_slice %arg2[%dma_wait3A_101, %add3A, %dma_wait3A_102, %dma_wait3A_103] : memref<200x32x4x128xi32, #tpu.memory_space<hbm>> -> memref<40x1x4x128xi32, #tpu.memory_space<hbm>>
    %dma_wait3A_105 = tpu.memref_squeeze %dma_wait3A_104 : memref<40x1x4x128xi32, #tpu.memory_space<hbm>> -> memref<40x4x128xi32, #tpu.memory_space<hbm>>
    %dma_wait3A_106 = arith.constant 120 : i32
    %dma_wait3A_107 = arith.constant 0 : i32
    %dma_wait3A_108 = arith.constant 0 : i32
    %dma_wait3A_109 = tpu.memref_slice %arg2[%dma_wait3A_106, %add3A, %dma_wait3A_107, %dma_wait3A_108] : memref<200x32x4x128xi32, #tpu.memory_space<hbm>> -> memref<40x1x4x128xi32, #tpu.memory_space<hbm>>
    %dma_wait3A_110 = tpu.memref_squeeze %dma_wait3A_109 : memref<40x1x4x128xi32, #tpu.memory_space<hbm>> -> memref<40x4x128xi32, #tpu.memory_space<hbm>>
    tpu.wait_dma2 semaphore(%arg8 : memref<!tpu.dma_semaphore, #tpu.memory_space<semaphore_mem>>) src(%dma_wait3A_110 : memref<40x4x128xi32, #tpu.memory_space<hbm>>) dst(%arg5 : memref<40x4x128xi32, #tpu.memory_space<vmem>>)
    %scan3A_111 = arith.constant 0 : i32
    %scan3A_112 = arith.constant 40 : i32
    %scan3A_113 = arith.addi %scan3A_111, %scan3A_112 : i32
    %scan3A_114 = arith.constant 1 : i32
    %scan3A_115:8 = scf.for %scan3A_540 = %scan3A_111 to %scan3A_113 step %scan3A_114 iter_args(%scan3A_541 = %scan3A_89#0, %scan3A_542 = %scan3A_89#1, %scan3A_543 = %scan3A_89#2, %scan3A_544 = %scan3A_89#3, %scan3A_545 = %scan3A_89#4, %scan3A_546 = %scan3A_89#5, %scan3A_547 = %scan3A_89#6, %scan3A_548 = %scan3A_89#7) -> (vector<16xf32>, vector<16xf32>, vector<16xf32>, vector<16xf32>, vector<16xf32>, vector<16xf32>, vector<16xf32>, vector<16xf32>)  : i32 {
      %get3A = arith.constant 0 : i32
      %get3A_549 = arith.index_cast %scan3A_540 : i32 to index
      %get3A_550 = arith.index_cast %get3A : i32 to index
      %get3A_551 = arith.constant 0 : index
      %get3A_552 = tpu.vector_load %arg5[%get3A_549, %get3A_550, %get3A_551] {strides = array<i32>} : memref<40x4x128xi32, #tpu.memory_space<vmem>>, vector<16xi32>,
      %bitcast3A_553 = vector.bitcast %get3A_552 : vector<16xi32> to vector<16xi32>
      %lt3A = arith.constant 12 : i32
      %lt3A_554 = vector.broadcast %lt3A : i32 to vector<16xi32>
      %lt3A_555 = arith.cmpi ult, %bitcast3A_553, %lt3A_554 : vector<16xi32>
      %select_n3A = arith.select %lt3A_555, %broadcast_in_dim3A_3, %broadcast_in_dim3A_5 : vector<16xi1>, vector<16xf32>
      %get3A_556 = arith.constant 1 : i32
      %get3A_557 = arith.index_cast %scan3A_540 : i32 to index
      %get3A_558 = arith.index_cast %get3A_556 : i32 to index
      %get3A_559 = arith.constant 0 : index
      %get3A_560 = tpu.vector_load %arg5[%get3A_557, %get3A_558, %get3A_559] {strides = array<i32>} : memref<40x4x128xi32, #tpu.memory_space<vmem>>, vector<16xi32>,
      %bitcast3A_561 = vector.bitcast %get3A_560 : vector<16xi32> to vector<16xi32>
      %lt3A_562 = arith.constant 31 : i32
      %lt3A_563 = vector.broadcast %lt3A_562 : i32 to vector<16xi32>
      %lt3A_564 = arith.cmpi ult, %bitcast3A_561, %lt3A_563 : vector<16xi32>
      %select_n3A_565 = arith.select %lt3A_564, %broadcast_in_dim3A_3, %broadcast_in_dim3A_5 : vector<16xi1>, vector<16xf32>
      %get3A_566 = arith.constant 2 : i32
      %get3A_567 = arith.index_cast %scan3A_540 : i32 to index
      %get3A_568 = arith.index_cast %get3A_566 : i32 to index
      %get3A_569 = arith.constant 0 : index
      %get3A_570 = tpu.vector_load %arg5[%get3A_567, %get3A_568, %get3A_569] {strides = array<i32>} : memref<40x4x128xi32, #tpu.memory_space<vmem>>, vector<16xi32>,
      %bitcast3A_571 = vector.bitcast %get3A_570 : vector<16xi32> to vector<16xi32>
      %lt3A_572 = arith.constant 7 : i32
      %lt3A_573 = vector.broadcast %lt3A_572 : i32 to vector<16xi32>
      %lt3A_574 = arith.cmpi ult, %bitcast3A_571, %lt3A_573 : vector<16xi32>
      %select_n3A_575 = arith.select %lt3A_574, %broadcast_in_dim3A_3, %broadcast_in_dim3A_5 : vector<16xi1>, vector<16xf32>
      %get3A_576 = arith.constant 3 : i32
      %get3A_577 = arith.index_cast %scan3A_540 : i32 to index
      %get3A_578 = arith.index_cast %get3A_576 : i32 to index
      %get3A_579 = arith.constant 0 : index
      %get3A_580 = tpu.vector_load %arg5[%get3A_577, %get3A_578, %get3A_579] {strides = array<i32>} : memref<40x4x128xi32, #tpu.memory_space<vmem>>, vector<16xi32>,
      %bitcast3A_581 = vector.bitcast %get3A_580 : vector<16xi32> to vector<16xi32>
      %lt3A_582 = arith.constant 24 : i32
      %lt3A_583 = vector.broadcast %lt3A_582 : i32 to vector<16xi32>
      %lt3A_584 = arith.cmpi ult, %bitcast3A_581, %lt3A_583 : vector<16xi32>
      %select_n3A_585 = arith.select %lt3A_584, %broadcast_in_dim3A_3, %broadcast_in_dim3A_5 : vector<16xi1>, vector<16xf32>
      %add3A_586 = arith.addf %select_n3A, %select_n3A_565 : vector<16xf32>
      %add3A_587 = arith.addf %select_n3A_575, %select_n3A_585 : vector<16xf32>
      %add3A_588 = arith.addf %add3A_586, %add3A_587 : vector<16xf32>
      %add3A_589 = arith.constant 120 : i32
      %add3A_590 = arith.addi %add3A_589, %scan3A_540 : i32
      %swap3A = arith.index_cast %add3A_590 : i32 to index
      %swap3A_591 = arith.constant 0 : index
      %swap3A_592 = tpu.vector_load %arg6[%swap3A, %swap3A_591] {strides = array<i32>} : memref<200x128xf32, #tpu.memory_space<vmem>>, vector<16xf32>,
      tpu.vector_store %arg6[%swap3A, %swap3A_591], %add3A_588 {strides = array<i32>} : memref<200x128xf32, #tpu.memory_space<vmem>>, vector<16xf32>,
      %mul3A_593 = arith.mulf %add3A_588, %add3A_588 : vector<16xf32>
      %add3A_594 = arith.addf %scan3A_541, %mul3A_593 : vector<16xf32>
      %get3A_595 = arith.constant 0 : i32
      %get3A_596 = arith.index_cast %scan3A_540 : i32 to index
      %get3A_597 = arith.index_cast %get3A_595 : i32 to index
      %get3A_598 = arith.constant 16 : index
      %get3A_599 = tpu.vector_load %arg5[%get3A_596, %get3A_597, %get3A_598] {strides = array<i32>} : memref<40x4x128xi32, #tpu.memory_space<vmem>>, vector<16xi32>,
      %bitcast3A_600 = vector.bitcast %get3A_599 : vector<16xi32> to vector<16xi32>
      %lt3A_601 = arith.constant 12 : i32
      %lt3A_602 = vector.broadcast %lt3A_601 : i32 to vector<16xi32>
      %lt3A_603 = arith.cmpi ult, %bitcast3A_600, %lt3A_602 : vector<16xi32>
      %select_n3A_604 = arith.select %lt3A_603, %broadcast_in_dim3A_3, %broadcast_in_dim3A_5 : vector<16xi1>, vector<16xf32>
      %get3A_605 = arith.constant 1 : i32
      %get3A_606 = arith.index_cast %scan3A_540 : i32 to index
      %get3A_607 = arith.index_cast %get3A_605 : i32 to index
      %get3A_608 = arith.constant 16 : index
      %get3A_609 = tpu.vector_load %arg5[%get3A_606, %get3A_607, %get3A_608] {strides = array<i32>} : memref<40x4x128xi32, #tpu.memory_space<vmem>>, vector<16xi32>,
      %bitcast3A_610 = vector.bitcast %get3A_609 : vector<16xi32> to vector<16xi32>
      %lt3A_611 = arith.constant 31 : i32
      %lt3A_612 = vector.broadcast %lt3A_611 : i32 to vector<16xi32>
      %lt3A_613 = arith.cmpi ult, %bitcast3A_610, %lt3A_612 : vector<16xi32>
      %select_n3A_614 = arith.select %lt3A_613, %broadcast_in_dim3A_3, %broadcast_in_dim3A_5 : vector<16xi1>, vector<16xf32>
      %get3A_615 = arith.constant 2 : i32
      %get3A_616 = arith.index_cast %scan3A_540 : i32 to index
      %get3A_617 = arith.index_cast %get3A_615 : i32 to index
      %get3A_618 = arith.constant 16 : index
      %get3A_619 = tpu.vector_load %arg5[%get3A_616, %get3A_617, %get3A_618] {strides = array<i32>} : memref<40x4x128xi32, #tpu.memory_space<vmem>>, vector<16xi32>,
      %bitcast3A_620 = vector.bitcast %get3A_619 : vector<16xi32> to vector<16xi32>
      %lt3A_621 = arith.constant 7 : i32
      %lt3A_622 = vector.broadcast %lt3A_621 : i32 to vector<16xi32>
      %lt3A_623 = arith.cmpi ult, %bitcast3A_620, %lt3A_622 : vector<16xi32>
      %select_n3A_624 = arith.select %lt3A_623, %broadcast_in_dim3A_3, %broadcast_in_dim3A_5 : vector<16xi1>, vector<16xf32>
      %get3A_625 = arith.constant 3 : i32
      %get3A_626 = arith.index_cast %scan3A_540 : i32 to index
      %get3A_627 = arith.index_cast %get3A_625 : i32 to index
      %get3A_628 = arith.constant 16 : index
      %get3A_629 = tpu.vector_load %arg5[%get3A_626, %get3A_627, %get3A_628] {strides = array<i32>} : memref<40x4x128xi32, #tpu.memory_space<vmem>>, vector<16xi32>,
      %bitcast3A_630 = vector.bitcast %get3A_629 : vector<16xi32> to vector<16xi32>
      %lt3A_631 = arith.constant 24 : i32
      %lt3A_632 = vector.broadcast %lt3A_631 : i32 to vector<16xi32>
      %lt3A_633 = arith.cmpi ult, %bitcast3A_630, %lt3A_632 : vector<16xi32>
      %select_n3A_634 = arith.select %lt3A_633, %broadcast_in_dim3A_3, %broadcast_in_dim3A_5 : vector<16xi1>, vector<16xf32>
      %add3A_635 = arith.addf %select_n3A_604, %select_n3A_614 : vector<16xf32>
      %add3A_636 = arith.addf %select_n3A_624, %select_n3A_634 : vector<16xf32>
      %add3A_637 = arith.addf %add3A_635, %add3A_636 : vector<16xf32>
      %add3A_638 = arith.constant 120 : i32
      %add3A_639 = arith.addi %add3A_638, %scan3A_540 : i32
      %swap3A_640 = arith.index_cast %add3A_639 : i32 to index
      %swap3A_641 = arith.constant 16 : index
      %swap3A_642 = tpu.vector_load %arg6[%swap3A_640, %swap3A_641] {strides = array<i32>} : memref<200x128xf32, #tpu.memory_space<vmem>>, vector<16xf32>,
      tpu.vector_store %arg6[%swap3A_640, %swap3A_641], %add3A_637 {strides = array<i32>} : memref<200x128xf32, #tpu.memory_space<vmem>>, vector<16xf32>,
      %mul3A_643 = arith.mulf %add3A_637, %add3A_637 : vector<16xf32>
      %add3A_644 = arith.addf %scan3A_542, %mul3A_643 : vector<16xf32>
      %get3A_645 = arith.constant 0 : i32
      %get3A_646 = arith.index_cast %scan3A_540 : i32 to index
      %get3A_647 = arith.index_cast %get3A_645 : i32 to index
      %get3A_648 = arith.constant 32 : index
      %get3A_649 = tpu.vector_load %arg5[%get3A_646, %get3A_647, %get3A_648] {strides = array<i32>} : memref<40x4x128xi32, #tpu.memory_space<vmem>>, vector<16xi32>,
      %bitcast3A_650 = vector.bitcast %get3A_649 : vector<16xi32> to vector<16xi32>
      %lt3A_651 = arith.constant 12 : i32
      %lt3A_652 = vector.broadcast %lt3A_651 : i32 to vector<16xi32>
      %lt3A_653 = arith.cmpi ult, %bitcast3A_650, %lt3A_652 : vector<16xi32>
      %select_n3A_654 = arith.select %lt3A_653, %broadcast_in_dim3A_3, %broadcast_in_dim3A_5 : vector<16xi1>, vector<16xf32>
      %get3A_655 = arith.constant 1 : i32
      %get3A_656 = arith.index_cast %scan3A_540 : i32 to index
      %get3A_657 = arith.index_cast %get3A_655 : i32 to index
      %get3A_658 = arith.constant 32 : index
      %get3A_659 = tpu.vector_load %arg5[%get3A_656, %get3A_657, %get3A_658] {strides = array<i32>} : memref<40x4x128xi32, #tpu.memory_space<vmem>>, vector<16xi32>,
      %bitcast3A_660 = vector.bitcast %get3A_659 : vector<16xi32> to vector<16xi32>
      %lt3A_661 = arith.constant 31 : i32
      %lt3A_662 = vector.broadcast %lt3A_661 : i32 to vector<16xi32>
      %lt3A_663 = arith.cmpi ult, %bitcast3A_660, %lt3A_662 : vector<16xi32>
      %select_n3A_664 = arith.select %lt3A_663, %broadcast_in_dim3A_3, %broadcast_in_dim3A_5 : vector<16xi1>, vector<16xf32>
      %get3A_665 = arith.constant 2 : i32
      %get3A_666 = arith.index_cast %scan3A_540 : i32 to index
      %get3A_667 = arith.index_cast %get3A_665 : i32 to index
      %get3A_668 = arith.constant 32 : index
      %get3A_669 = tpu.vector_load %arg5[%get3A_666, %get3A_667, %get3A_668] {strides = array<i32>} : memref<40x4x128xi32, #tpu.memory_space<vmem>>, vector<16xi32>,
      %bitcast3A_670 = vector.bitcast %get3A_669 : vector<16xi32> to vector<16xi32>
      %lt3A_671 = arith.constant 7 : i32
      %lt3A_672 = vector.broadcast %lt3A_671 : i32 to vector<16xi32>
      %lt3A_673 = arith.cmpi ult, %bitcast3A_670, %lt3A_672 : vector<16xi32>
      %select_n3A_674 = arith.select %lt3A_673, %broadcast_in_dim3A_3, %broadcast_in_dim3A_5 : vector<16xi1>, vector<16xf32>
      %get3A_675 = arith.constant 3 : i32
      %get3A_676 = arith.index_cast %scan3A_540 : i32 to index
      %get3A_677 = arith.index_cast %get3A_675 : i32 to index
      %get3A_678 = arith.constant 32 : index
      %get3A_679 = tpu.vector_load %arg5[%get3A_676, %get3A_677, %get3A_678] {strides = array<i32>} : memref<40x4x128xi32, #tpu.memory_space<vmem>>, vector<16xi32>,
      %bitcast3A_680 = vector.bitcast %get3A_679 : vector<16xi32> to vector<16xi32>
      %lt3A_681 = arith.constant 24 : i32
      %lt3A_682 = vector.broadcast %lt3A_681 : i32 to vector<16xi32>
      %lt3A_683 = arith.cmpi ult, %bitcast3A_680, %lt3A_682 : vector<16xi32>
      %select_n3A_684 = arith.select %lt3A_683, %broadcast_in_dim3A_3, %broadcast_in_dim3A_5 : vector<16xi1>, vector<16xf32>
      %add3A_685 = arith.addf %select_n3A_654, %select_n3A_664 : vector<16xf32>
      %add3A_686 = arith.addf %select_n3A_674, %select_n3A_684 : vector<16xf32>
      %add3A_687 = arith.addf %add3A_685, %add3A_686 : vector<16xf32>
      %add3A_688 = arith.constant 120 : i32
      %add3A_689 = arith.addi %add3A_688, %scan3A_540 : i32
      %swap3A_690 = arith.index_cast %add3A_689 : i32 to index
      %swap3A_691 = arith.constant 32 : index
      %swap3A_692 = tpu.vector_load %arg6[%swap3A_690, %swap3A_691] {strides = array<i32>} : memref<200x128xf32, #tpu.memory_space<vmem>>, vector<16xf32>,
      tpu.vector_store %arg6[%swap3A_690, %swap3A_691], %add3A_687 {strides = array<i32>} : memref<200x128xf32, #tpu.memory_space<vmem>>, vector<16xf32>,
      %mul3A_693 = arith.mulf %add3A_687, %add3A_687 : vector<16xf32>
      %add3A_694 = arith.addf %scan3A_543, %mul3A_693 : vector<16xf32>
      %get3A_695 = arith.constant 0 : i32
      %get3A_696 = arith.index_cast %scan3A_540 : i32 to index
      %get3A_697 = arith.index_cast %get3A_695 : i32 to index
      %get3A_698 = arith.constant 48 : index
      %get3A_699 = tpu.vector_load %arg5[%get3A_696, %get3A_697, %get3A_698] {strides = array<i32>} : memref<40x4x128xi32, #tpu.memory_space<vmem>>, vector<16xi32>,
      %bitcast3A_700 = vector.bitcast %get3A_699 : vector<16xi32> to vector<16xi32>
      %lt3A_701 = arith.constant 12 : i32
      %lt3A_702 = vector.broadcast %lt3A_701 : i32 to vector<16xi32>
      %lt3A_703 = arith.cmpi ult, %bitcast3A_700, %lt3A_702 : vector<16xi32>
      %select_n3A_704 = arith.select %lt3A_703, %broadcast_in_dim3A_3, %broadcast_in_dim3A_5 : vector<16xi1>, vector<16xf32>
      %get3A_705 = arith.constant 1 : i32
      %get3A_706 = arith.index_cast %scan3A_540 : i32 to index
      %get3A_707 = arith.index_cast %get3A_705 : i32 to index
      %get3A_708 = arith.constant 48 : index
      %get3A_709 = tpu.vector_load %arg5[%get3A_706, %get3A_707, %get3A_708] {strides = array<i32>} : memref<40x4x128xi32, #tpu.memory_space<vmem>>, vector<16xi32>,
      %bitcast3A_710 = vector.bitcast %get3A_709 : vector<16xi32> to vector<16xi32>
      %lt3A_711 = arith.constant 31 : i32
      %lt3A_712 = vector.broadcast %lt3A_711 : i32 to vector<16xi32>
      %lt3A_713 = arith.cmpi ult, %bitcast3A_710, %lt3A_712 : vector<16xi32>
      %select_n3A_714 = arith.select %lt3A_713, %broadcast_in_dim3A_3, %broadcast_in_dim3A_5 : vector<16xi1>, vector<16xf32>
      %get3A_715 = arith.constant 2 : i32
      %get3A_716 = arith.index_cast %scan3A_540 : i32 to index
      %get3A_717 = arith.index_cast %get3A_715 : i32 to index
      %get3A_718 = arith.constant 48 : index
      %get3A_719 = tpu.vector_load %arg5[%get3A_716, %get3A_717, %get3A_718] {strides = array<i32>} : memref<40x4x128xi32, #tpu.memory_space<vmem>>, vector<16xi32>,
      %bitcast3A_720 = vector.bitcast %get3A_719 : vector<16xi32> to vector<16xi32>
      %lt3A_721 = arith.constant 7 : i32
      %lt3A_722 = vector.broadcast %lt3A_721 : i32 to vector<16xi32>
      %lt3A_723 = arith.cmpi ult, %bitcast3A_720, %lt3A_722 : vector<16xi32>
      %select_n3A_724 = arith.select %lt3A_723, %broadcast_in_dim3A_3, %broadcast_in_dim3A_5 : vector<16xi1>, vector<16xf32>
      %get3A_725 = arith.constant 3 : i32
      %get3A_726 = arith.index_cast %scan3A_540 : i32 to index
      %get3A_727 = arith.index_cast %get3A_725 : i32 to index
      %get3A_728 = arith.constant 48 : index
      %get3A_729 = tpu.vector_load %arg5[%get3A_726, %get3A_727, %get3A_728] {strides = array<i32>} : memref<40x4x128xi32, #tpu.memory_space<vmem>>, vector<16xi32>,
      %bitcast3A_730 = vector.bitcast %get3A_729 : vector<16xi32> to vector<16xi32>
      %lt3A_731 = arith.constant 24 : i32
      %lt3A_732 = vector.broadcast %lt3A_731 : i32 to vector<16xi32>
      %lt3A_733 = arith.cmpi ult, %bitcast3A_730, %lt3A_732 : vector<16xi32>
      %select_n3A_734 = arith.select %lt3A_733, %broadcast_in_dim3A_3, %broadcast_in_dim3A_5 : vector<16xi1>, vector<16xf32>
      %add3A_735 = arith.addf %select_n3A_704, %select_n3A_714 : vector<16xf32>
      %add3A_736 = arith.addf %select_n3A_724, %select_n3A_734 : vector<16xf32>
      %add3A_737 = arith.addf %add3A_735, %add3A_736 : vector<16xf32>
      %add3A_738 = arith.constant 120 : i32
      %add3A_739 = arith.addi %add3A_738, %scan3A_540 : i32
      %swap3A_740 = arith.index_cast %add3A_739 : i32 to index
      %swap3A_741 = arith.constant 48 : index
      %swap3A_742 = tpu.vector_load %arg6[%swap3A_740, %swap3A_741] {strides = array<i32>} : memref<200x128xf32, #tpu.memory_space<vmem>>, vector<16xf32>,
      tpu.vector_store %arg6[%swap3A_740, %swap3A_741], %add3A_737 {strides = array<i32>} : memref<200x128xf32, #tpu.memory_space<vmem>>, vector<16xf32>,
      %mul3A_743 = arith.mulf %add3A_737, %add3A_737 : vector<16xf32>
      %add3A_744 = arith.addf %scan3A_544, %mul3A_743 : vector<16xf32>
      %get3A_745 = arith.constant 0 : i32
      %get3A_746 = arith.index_cast %scan3A_540 : i32 to index
      %get3A_747 = arith.index_cast %get3A_745 : i32 to index
      %get3A_748 = arith.constant 64 : index
      %get3A_749 = tpu.vector_load %arg5[%get3A_746, %get3A_747, %get3A_748] {strides = array<i32>} : memref<40x4x128xi32, #tpu.memory_space<vmem>>, vector<16xi32>,
      %bitcast3A_750 = vector.bitcast %get3A_749 : vector<16xi32> to vector<16xi32>
      %lt3A_751 = arith.constant 12 : i32
      %lt3A_752 = vector.broadcast %lt3A_751 : i32 to vector<16xi32>
      %lt3A_753 = arith.cmpi ult, %bitcast3A_750, %lt3A_752 : vector<16xi32>
      %select_n3A_754 = arith.select %lt3A_753, %broadcast_in_dim3A_3, %broadcast_in_dim3A_5 : vector<16xi1>, vector<16xf32>
      %get3A_755 = arith.constant 1 : i32
      %get3A_756 = arith.index_cast %scan3A_540 : i32 to index
      %get3A_757 = arith.index_cast %get3A_755 : i32 to index
      %get3A_758 = arith.constant 64 : index
      %get3A_759 = tpu.vector_load %arg5[%get3A_756, %get3A_757, %get3A_758] {strides = array<i32>} : memref<40x4x128xi32, #tpu.memory_space<vmem>>, vector<16xi32>,
      %bitcast3A_760 = vector.bitcast %get3A_759 : vector<16xi32> to vector<16xi32>
      %lt3A_761 = arith.constant 31 : i32
      %lt3A_762 = vector.broadcast %lt3A_761 : i32 to vector<16xi32>
      %lt3A_763 = arith.cmpi ult, %bitcast3A_760, %lt3A_762 : vector<16xi32>
      %select_n3A_764 = arith.select %lt3A_763, %broadcast_in_dim3A_3, %broadcast_in_dim3A_5 : vector<16xi1>, vector<16xf32>
      %get3A_765 = arith.constant 2 : i32
      %get3A_766 = arith.index_cast %scan3A_540 : i32 to index
      %get3A_767 = arith.index_cast %get3A_765 : i32 to index
      %get3A_768 = arith.constant 64 : index
      %get3A_769 = tpu.vector_load %arg5[%get3A_766, %get3A_767, %get3A_768] {strides = array<i32>} : memref<40x4x128xi32, #tpu.memory_space<vmem>>, vector<16xi32>,
      %bitcast3A_770 = vector.bitcast %get3A_769 : vector<16xi32> to vector<16xi32>
      %lt3A_771 = arith.constant 7 : i32
      %lt3A_772 = vector.broadcast %lt3A_771 : i32 to vector<16xi32>
      %lt3A_773 = arith.cmpi ult, %bitcast3A_770, %lt3A_772 : vector<16xi32>
      %select_n3A_774 = arith.select %lt3A_773, %broadcast_in_dim3A_3, %broadcast_in_dim3A_5 : vector<16xi1>, vector<16xf32>
      %get3A_775 = arith.constant 3 : i32
      %get3A_776 = arith.index_cast %scan3A_540 : i32 to index
      %get3A_777 = arith.index_cast %get3A_775 : i32 to index
      %get3A_778 = arith.constant 64 : index
      %get3A_779 = tpu.vector_load %arg5[%get3A_776, %get3A_777, %get3A_778] {strides = array<i32>} : memref<40x4x128xi32, #tpu.memory_space<vmem>>, vector<16xi32>,
      %bitcast3A_780 = vector.bitcast %get3A_779 : vector<16xi32> to vector<16xi32>
      %lt3A_781 = arith.constant 24 : i32
      %lt3A_782 = vector.broadcast %lt3A_781 : i32 to vector<16xi32>
      %lt3A_783 = arith.cmpi ult, %bitcast3A_780, %lt3A_782 : vector<16xi32>
      %select_n3A_784 = arith.select %lt3A_783, %broadcast_in_dim3A_3, %broadcast_in_dim3A_5 : vector<16xi1>, vector<16xf32>
      %add3A_785 = arith.addf %select_n3A_754, %select_n3A_764 : vector<16xf32>
      %add3A_786 = arith.addf %select_n3A_774, %select_n3A_784 : vector<16xf32>
      %add3A_787 = arith.addf %add3A_785, %add3A_786 : vector<16xf32>
      %add3A_788 = arith.constant 120 : i32
      %add3A_789 = arith.addi %add3A_788, %scan3A_540 : i32
      %swap3A_790 = arith.index_cast %add3A_789 : i32 to index
      %swap3A_791 = arith.constant 64 : index
      %swap3A_792 = tpu.vector_load %arg6[%swap3A_790, %swap3A_791] {strides = array<i32>} : memref<200x128xf32, #tpu.memory_space<vmem>>, vector<16xf32>,
      tpu.vector_store %arg6[%swap3A_790, %swap3A_791], %add3A_787 {strides = array<i32>} : memref<200x128xf32, #tpu.memory_space<vmem>>, vector<16xf32>,
      %mul3A_793 = arith.mulf %add3A_787, %add3A_787 : vector<16xf32>
      %add3A_794 = arith.addf %scan3A_545, %mul3A_793 : vector<16xf32>
      %get3A_795 = arith.constant 0 : i32
      %get3A_796 = arith.index_cast %scan3A_540 : i32 to index
      %get3A_797 = arith.index_cast %get3A_795 : i32 to index
      %get3A_798 = arith.constant 80 : index
      %get3A_799 = tpu.vector_load %arg5[%get3A_796, %get3A_797, %get3A_798] {strides = array<i32>} : memref<40x4x128xi32, #tpu.memory_space<vmem>>, vector<16xi32>,
      %bitcast3A_800 = vector.bitcast %get3A_799 : vector<16xi32> to vector<16xi32>
      %lt3A_801 = arith.constant 12 : i32
      %lt3A_802 = vector.broadcast %lt3A_801 : i32 to vector<16xi32>
      %lt3A_803 = arith.cmpi ult, %bitcast3A_800, %lt3A_802 : vector<16xi32>
      %select_n3A_804 = arith.select %lt3A_803, %broadcast_in_dim3A_3, %broadcast_in_dim3A_5 : vector<16xi1>, vector<16xf32>
      %get3A_805 = arith.constant 1 : i32
      %get3A_806 = arith.index_cast %scan3A_540 : i32 to index
      %get3A_807 = arith.index_cast %get3A_805 : i32 to index
      %get3A_808 = arith.constant 80 : index
      %get3A_809 = tpu.vector_load %arg5[%get3A_806, %get3A_807, %get3A_808] {strides = array<i32>} : memref<40x4x128xi32, #tpu.memory_space<vmem>>, vector<16xi32>,
      %bitcast3A_810 = vector.bitcast %get3A_809 : vector<16xi32> to vector<16xi32>
      %lt3A_811 = arith.constant 31 : i32
      %lt3A_812 = vector.broadcast %lt3A_811 : i32 to vector<16xi32>
      %lt3A_813 = arith.cmpi ult, %bitcast3A_810, %lt3A_812 : vector<16xi32>
      %select_n3A_814 = arith.select %lt3A_813, %broadcast_in_dim3A_3, %broadcast_in_dim3A_5 : vector<16xi1>, vector<16xf32>
      %get3A_815 = arith.constant 2 : i32
      %get3A_816 = arith.index_cast %scan3A_540 : i32 to index
      %get3A_817 = arith.index_cast %get3A_815 : i32 to index
      %get3A_818 = arith.constant 80 : index
      %get3A_819 = tpu.vector_load %arg5[%get3A_816, %get3A_817, %get3A_818] {strides = array<i32>} : memref<40x4x128xi32, #tpu.memory_space<vmem>>, vector<16xi32>,
      %bitcast3A_820 = vector.bitcast %get3A_819 : vector<16xi32> to vector<16xi32>
      %lt3A_821 = arith.constant 7 : i32
      %lt3A_822 = vector.broadcast %lt3A_821 : i32 to vector<16xi32>
      %lt3A_823 = arith.cmpi ult, %bitcast3A_820, %lt3A_822 : vector<16xi32>
      %select_n3A_824 = arith.select %lt3A_823, %broadcast_in_dim3A_3, %broadcast_in_dim3A_5 : vector<16xi1>, vector<16xf32>
      %get3A_825 = arith.constant 3 : i32
      %get3A_826 = arith.index_cast %scan3A_540 : i32 to index
      %get3A_827 = arith.index_cast %get3A_825 : i32 to index
      %get3A_828 = arith.constant 80 : index
      %get3A_829 = tpu.vector_load %arg5[%get3A_826, %get3A_827, %get3A_828] {strides = array<i32>} : memref<40x4x128xi32, #tpu.memory_space<vmem>>, vector<16xi32>,
      %bitcast3A_830 = vector.bitcast %get3A_829 : vector<16xi32> to vector<16xi32>
      %lt3A_831 = arith.constant 24 : i32
      %lt3A_832 = vector.broadcast %lt3A_831 : i32 to vector<16xi32>
      %lt3A_833 = arith.cmpi ult, %bitcast3A_830, %lt3A_832 : vector<16xi32>
      %select_n3A_834 = arith.select %lt3A_833, %broadcast_in_dim3A_3, %broadcast_in_dim3A_5 : vector<16xi1>, vector<16xf32>
      %add3A_835 = arith.addf %select_n3A_804, %select_n3A_814 : vector<16xf32>
      %add3A_836 = arith.addf %select_n3A_824, %select_n3A_834 : vector<16xf32>
      %add3A_837 = arith.addf %add3A_835, %add3A_836 : vector<16xf32>
      %add3A_838 = arith.constant 120 : i32
      %add3A_839 = arith.addi %add3A_838, %scan3A_540 : i32
      %swap3A_840 = arith.index_cast %add3A_839 : i32 to index
      %swap3A_841 = arith.constant 80 : index
      %swap3A_842 = tpu.vector_load %arg6[%swap3A_840, %swap3A_841] {strides = array<i32>} : memref<200x128xf32, #tpu.memory_space<vmem>>, vector<16xf32>,
      tpu.vector_store %arg6[%swap3A_840, %swap3A_841], %add3A_837 {strides = array<i32>} : memref<200x128xf32, #tpu.memory_space<vmem>>, vector<16xf32>,
      %mul3A_843 = arith.mulf %add3A_837, %add3A_837 : vector<16xf32>
      %add3A_844 = arith.addf %scan3A_546, %mul3A_843 : vector<16xf32>
      %get3A_845 = arith.constant 0 : i32
      %get3A_846 = arith.index_cast %scan3A_540 : i32 to index
      %get3A_847 = arith.index_cast %get3A_845 : i32 to index
      %get3A_848 = arith.constant 96 : index
      %get3A_849 = tpu.vector_load %arg5[%get3A_846, %get3A_847, %get3A_848] {strides = array<i32>} : memref<40x4x128xi32, #tpu.memory_space<vmem>>, vector<16xi32>,
      %bitcast3A_850 = vector.bitcast %get3A_849 : vector<16xi32> to vector<16xi32>
      %lt3A_851 = arith.constant 12 : i32
      %lt3A_852 = vector.broadcast %lt3A_851 : i32 to vector<16xi32>
      %lt3A_853 = arith.cmpi ult, %bitcast3A_850, %lt3A_852 : vector<16xi32>
      %select_n3A_854 = arith.select %lt3A_853, %broadcast_in_dim3A_3, %broadcast_in_dim3A_5 : vector<16xi1>, vector<16xf32>
      %get3A_855 = arith.constant 1 : i32
      %get3A_856 = arith.index_cast %scan3A_540 : i32 to index
      %get3A_857 = arith.index_cast %get3A_855 : i32 to index
      %get3A_858 = arith.constant 96 : index
      %get3A_859 = tpu.vector_load %arg5[%get3A_856, %get3A_857, %get3A_858] {strides = array<i32>} : memref<40x4x128xi32, #tpu.memory_space<vmem>>, vector<16xi32>,
      %bitcast3A_860 = vector.bitcast %get3A_859 : vector<16xi32> to vector<16xi32>
      %lt3A_861 = arith.constant 31 : i32
      %lt3A_862 = vector.broadcast %lt3A_861 : i32 to vector<16xi32>
      %lt3A_863 = arith.cmpi ult, %bitcast3A_860, %lt3A_862 : vector<16xi32>
      %select_n3A_864 = arith.select %lt3A_863, %broadcast_in_dim3A_3, %broadcast_in_dim3A_5 : vector<16xi1>, vector<16xf32>
      %get3A_865 = arith.constant 2 : i32
      %get3A_866 = arith.index_cast %scan3A_540 : i32 to index
      %get3A_867 = arith.index_cast %get3A_865 : i32 to index
      %get3A_868 = arith.constant 96 : index
      %get3A_869 = tpu.vector_load %arg5[%get3A_866, %get3A_867, %get3A_868] {strides = array<i32>} : memref<40x4x128xi32, #tpu.memory_space<vmem>>, vector<16xi32>,
      %bitcast3A_870 = vector.bitcast %get3A_869 : vector<16xi32> to vector<16xi32>
      %lt3A_871 = arith.constant 7 : i32
      %lt3A_872 = vector.broadcast %lt3A_871 : i32 to vector<16xi32>
      %lt3A_873 = arith.cmpi ult, %bitcast3A_870, %lt3A_872 : vector<16xi32>
      %select_n3A_874 = arith.select %lt3A_873, %broadcast_in_dim3A_3, %broadcast_in_dim3A_5 : vector<16xi1>, vector<16xf32>
      %get3A_875 = arith.constant 3 : i32
      %get3A_876 = arith.index_cast %scan3A_540 : i32 to index
      %get3A_877 = arith.index_cast %get3A_875 : i32 to index
      %get3A_878 = arith.constant 96 : index
      %get3A_879 = tpu.vector_load %arg5[%get3A_876, %get3A_877, %get3A_878] {strides = array<i32>} : memref<40x4x128xi32, #tpu.memory_space<vmem>>, vector<16xi32>,
      %bitcast3A_880 = vector.bitcast %get3A_879 : vector<16xi32> to vector<16xi32>
      %lt3A_881 = arith.constant 24 : i32
      %lt3A_882 = vector.broadcast %lt3A_881 : i32 to vector<16xi32>
      %lt3A_883 = arith.cmpi ult, %bitcast3A_880, %lt3A_882 : vector<16xi32>
      %select_n3A_884 = arith.select %lt3A_883, %broadcast_in_dim3A_3, %broadcast_in_dim3A_5 : vector<16xi1>, vector<16xf32>
      %add3A_885 = arith.addf %select_n3A_854, %select_n3A_864 : vector<16xf32>
      %add3A_886 = arith.addf %select_n3A_874, %select_n3A_884 : vector<16xf32>
      %add3A_887 = arith.addf %add3A_885, %add3A_886 : vector<16xf32>
      %add3A_888 = arith.constant 120 : i32
      %add3A_889 = arith.addi %add3A_888, %scan3A_540 : i32
      %swap3A_890 = arith.index_cast %add3A_889 : i32 to index
      %swap3A_891 = arith.constant 96 : index
      %swap3A_892 = tpu.vector_load %arg6[%swap3A_890, %swap3A_891] {strides = array<i32>} : memref<200x128xf32, #tpu.memory_space<vmem>>, vector<16xf32>,
      tpu.vector_store %arg6[%swap3A_890, %swap3A_891], %add3A_887 {strides = array<i32>} : memref<200x128xf32, #tpu.memory_space<vmem>>, vector<16xf32>,
      %mul3A_893 = arith.mulf %add3A_887, %add3A_887 : vector<16xf32>
      %add3A_894 = arith.addf %scan3A_547, %mul3A_893 : vector<16xf32>
      %get3A_895 = arith.constant 0 : i32
      %get3A_896 = arith.index_cast %scan3A_540 : i32 to index
      %get3A_897 = arith.index_cast %get3A_895 : i32 to index
      %get3A_898 = arith.constant 112 : index
      %get3A_899 = tpu.vector_load %arg5[%get3A_896, %get3A_897, %get3A_898] {strides = array<i32>} : memref<40x4x128xi32, #tpu.memory_space<vmem>>, vector<16xi32>,
      %bitcast3A_900 = vector.bitcast %get3A_899 : vector<16xi32> to vector<16xi32>
      %lt3A_901 = arith.constant 12 : i32
      %lt3A_902 = vector.broadcast %lt3A_901 : i32 to vector<16xi32>
      %lt3A_903 = arith.cmpi ult, %bitcast3A_900, %lt3A_902 : vector<16xi32>
      %select_n3A_904 = arith.select %lt3A_903, %broadcast_in_dim3A_3, %broadcast_in_dim3A_5 : vector<16xi1>, vector<16xf32>
      %get3A_905 = arith.constant 1 : i32
      %get3A_906 = arith.index_cast %scan3A_540 : i32 to index
      %get3A_907 = arith.index_cast %get3A_905 : i32 to index
      %get3A_908 = arith.constant 112 : index
      %get3A_909 = tpu.vector_load %arg5[%get3A_906, %get3A_907, %get3A_908] {strides = array<i32>} : memref<40x4x128xi32, #tpu.memory_space<vmem>>, vector<16xi32>,
      %bitcast3A_910 = vector.bitcast %get3A_909 : vector<16xi32> to vector<16xi32>
      %lt3A_911 = arith.constant 31 : i32
      %lt3A_912 = vector.broadcast %lt3A_911 : i32 to vector<16xi32>
      %lt3A_913 = arith.cmpi ult, %bitcast3A_910, %lt3A_912 : vector<16xi32>
      %select_n3A_914 = arith.select %lt3A_913, %broadcast_in_dim3A_3, %broadcast_in_dim3A_5 : vector<16xi1>, vector<16xf32>
      %get3A_915 = arith.constant 2 : i32
      %get3A_916 = arith.index_cast %scan3A_540 : i32 to index
      %get3A_917 = arith.index_cast %get3A_915 : i32 to index
      %get3A_918 = arith.constant 112 : index
      %get3A_919 = tpu.vector_load %arg5[%get3A_916, %get3A_917, %get3A_918] {strides = array<i32>} : memref<40x4x128xi32, #tpu.memory_space<vmem>>, vector<16xi32>,
      %bitcast3A_920 = vector.bitcast %get3A_919 : vector<16xi32> to vector<16xi32>
      %lt3A_921 = arith.constant 7 : i32
      %lt3A_922 = vector.broadcast %lt3A_921 : i32 to vector<16xi32>
      %lt3A_923 = arith.cmpi ult, %bitcast3A_920, %lt3A_922 : vector<16xi32>
      %select_n3A_924 = arith.select %lt3A_923, %broadcast_in_dim3A_3, %broadcast_in_dim3A_5 : vector<16xi1>, vector<16xf32>
      %get3A_925 = arith.constant 3 : i32
      %get3A_926 = arith.index_cast %scan3A_540 : i32 to index
      %get3A_927 = arith.index_cast %get3A_925 : i32 to index
      %get3A_928 = arith.constant 112 : index
      %get3A_929 = tpu.vector_load %arg5[%get3A_926, %get3A_927, %get3A_928] {strides = array<i32>} : memref<40x4x128xi32, #tpu.memory_space<vmem>>, vector<16xi32>,
      %bitcast3A_930 = vector.bitcast %get3A_929 : vector<16xi32> to vector<16xi32>
      %lt3A_931 = arith.constant 24 : i32
      %lt3A_932 = vector.broadcast %lt3A_931 : i32 to vector<16xi32>
      %lt3A_933 = arith.cmpi ult, %bitcast3A_930, %lt3A_932 : vector<16xi32>
      %select_n3A_934 = arith.select %lt3A_933, %broadcast_in_dim3A_3, %broadcast_in_dim3A_5 : vector<16xi1>, vector<16xf32>
      %add3A_935 = arith.addf %select_n3A_904, %select_n3A_914 : vector<16xf32>
      %add3A_936 = arith.addf %select_n3A_924, %select_n3A_934 : vector<16xf32>
      %add3A_937 = arith.addf %add3A_935, %add3A_936 : vector<16xf32>
      %add3A_938 = arith.constant 120 : i32
      %add3A_939 = arith.addi %add3A_938, %scan3A_540 : i32
      %swap3A_940 = arith.index_cast %add3A_939 : i32 to index
      %swap3A_941 = arith.constant 112 : index
      %swap3A_942 = tpu.vector_load %arg6[%swap3A_940, %swap3A_941] {strides = array<i32>} : memref<200x128xf32, #tpu.memory_space<vmem>>, vector<16xf32>,
      tpu.vector_store %arg6[%swap3A_940, %swap3A_941], %add3A_937 {strides = array<i32>} : memref<200x128xf32, #tpu.memory_space<vmem>>, vector<16xf32>,
      %mul3A_943 = arith.mulf %add3A_937, %add3A_937 : vector<16xf32>
      %add3A_944 = arith.addf %scan3A_548, %mul3A_943 : vector<16xf32>
      scf.yield %add3A_594, %add3A_644, %add3A_694, %add3A_744, %add3A_794, %add3A_844, %add3A_894, %add3A_944 : vector<16xf32>, vector<16xf32>, vector<16xf32>, vector<16xf32>, vector<16xf32>, vector<16xf32>, vector<16xf32>, vector<16xf32>
    }
    %scan3A_116 = arith.constant 40 : i32
    %dma_wait3A_117 = arith.constant 160 : i32
    %dma_wait3A_118 = arith.constant 0 : i32
    %dma_wait3A_119 = arith.constant 0 : i32
    %dma_wait3A_120 = tpu.memref_slice %arg2[%dma_wait3A_117, %add3A, %dma_wait3A_118, %dma_wait3A_119] : memref<200x32x4x128xi32, #tpu.memory_space<hbm>> -> memref<40x1x4x128xi32, #tpu.memory_space<hbm>>
    %dma_wait3A_121 = tpu.memref_squeeze %dma_wait3A_120 : memref<40x1x4x128xi32, #tpu.memory_space<hbm>> -> memref<40x4x128xi32, #tpu.memory_space<hbm>>
    %dma_wait3A_122 = arith.constant 160 : i32
    %dma_wait3A_123 = arith.constant 0 : i32
    %dma_wait3A_124 = arith.constant 0 : i32
    %dma_wait3A_125 = tpu.memref_slice %arg2[%dma_wait3A_122, %add3A, %dma_wait3A_123, %dma_wait3A_124] : memref<200x32x4x128xi32, #tpu.memory_space<hbm>> -> memref<40x1x4x128xi32, #tpu.memory_space<hbm>>
    %dma_wait3A_126 = tpu.memref_squeeze %dma_wait3A_125 : memref<40x1x4x128xi32, #tpu.memory_space<hbm>> -> memref<40x4x128xi32, #tpu.memory_space<hbm>>
    tpu.wait_dma2 semaphore(%arg7 : memref<!tpu.dma_semaphore, #tpu.memory_space<semaphore_mem>>) src(%dma_wait3A_126 : memref<40x4x128xi32, #tpu.memory_space<hbm>>) dst(%arg4 : memref<40x4x128xi32, #tpu.memory_space<vmem>>)
    %scan3A_127 = arith.constant 0 : i32
    %scan3A_128 = arith.constant 40 : i32
    %scan3A_129 = arith.addi %scan3A_127, %scan3A_128 : i32
    %scan3A_130 = arith.constant 1 : i32
    %scan3A_131:8 = scf.for %scan3A_540 = %scan3A_127 to %scan3A_129 step %scan3A_130 iter_args(%scan3A_541 = %scan3A_115#0, %scan3A_542 = %scan3A_115#1, %scan3A_543 = %scan3A_115#2, %scan3A_544 = %scan3A_115#3, %scan3A_545 = %scan3A_115#4, %scan3A_546 = %scan3A_115#5, %scan3A_547 = %scan3A_115#6, %scan3A_548 = %scan3A_115#7) -> (vector<16xf32>, vector<16xf32>, vector<16xf32>, vector<16xf32>, vector<16xf32>, vector<16xf32>, vector<16xf32>, vector<16xf32>)  : i32 {
      %get3A = arith.constant 0 : i32
      %get3A_549 = arith.index_cast %scan3A_540 : i32 to index
      %get3A_550 = arith.index_cast %get3A : i32 to index
      %get3A_551 = arith.constant 0 : index
      %get3A_552 = tpu.vector_load %arg4[%get3A_549, %get3A_550, %get3A_551] {strides = array<i32>} : memref<40x4x128xi32, #tpu.memory_space<vmem>>, vector<16xi32>,
      %bitcast3A_553 = vector.bitcast %get3A_552 : vector<16xi32> to vector<16xi32>
      %lt3A = arith.constant 12 : i32
      %lt3A_554 = vector.broadcast %lt3A : i32 to vector<16xi32>
      %lt3A_555 = arith.cmpi ult, %bitcast3A_553, %lt3A_554 : vector<16xi32>
      %select_n3A = arith.select %lt3A_555, %broadcast_in_dim3A_3, %broadcast_in_dim3A_5 : vector<16xi1>, vector<16xf32>
      %get3A_556 = arith.constant 1 : i32
      %get3A_557 = arith.index_cast %scan3A_540 : i32 to index
      %get3A_558 = arith.index_cast %get3A_556 : i32 to index
      %get3A_559 = arith.constant 0 : index
      %get3A_560 = tpu.vector_load %arg4[%get3A_557, %get3A_558, %get3A_559] {strides = array<i32>} : memref<40x4x128xi32, #tpu.memory_space<vmem>>, vector<16xi32>,
      %bitcast3A_561 = vector.bitcast %get3A_560 : vector<16xi32> to vector<16xi32>
      %lt3A_562 = arith.constant 31 : i32
      %lt3A_563 = vector.broadcast %lt3A_562 : i32 to vector<16xi32>
      %lt3A_564 = arith.cmpi ult, %bitcast3A_561, %lt3A_563 : vector<16xi32>
      %select_n3A_565 = arith.select %lt3A_564, %broadcast_in_dim3A_3, %broadcast_in_dim3A_5 : vector<16xi1>, vector<16xf32>
      %get3A_566 = arith.constant 2 : i32
      %get3A_567 = arith.index_cast %scan3A_540 : i32 to index
      %get3A_568 = arith.index_cast %get3A_566 : i32 to index
      %get3A_569 = arith.constant 0 : index
      %get3A_570 = tpu.vector_load %arg4[%get3A_567, %get3A_568, %get3A_569] {strides = array<i32>} : memref<40x4x128xi32, #tpu.memory_space<vmem>>, vector<16xi32>,
      %bitcast3A_571 = vector.bitcast %get3A_570 : vector<16xi32> to vector<16xi32>
      %lt3A_572 = arith.constant 7 : i32
      %lt3A_573 = vector.broadcast %lt3A_572 : i32 to vector<16xi32>
      %lt3A_574 = arith.cmpi ult, %bitcast3A_571, %lt3A_573 : vector<16xi32>
      %select_n3A_575 = arith.select %lt3A_574, %broadcast_in_dim3A_3, %broadcast_in_dim3A_5 : vector<16xi1>, vector<16xf32>
      %get3A_576 = arith.constant 3 : i32
      %get3A_577 = arith.index_cast %scan3A_540 : i32 to index
      %get3A_578 = arith.index_cast %get3A_576 : i32 to index
      %get3A_579 = arith.constant 0 : index
      %get3A_580 = tpu.vector_load %arg4[%get3A_577, %get3A_578, %get3A_579] {strides = array<i32>} : memref<40x4x128xi32, #tpu.memory_space<vmem>>, vector<16xi32>,
      %bitcast3A_581 = vector.bitcast %get3A_580 : vector<16xi32> to vector<16xi32>
      %lt3A_582 = arith.constant 24 : i32
      %lt3A_583 = vector.broadcast %lt3A_582 : i32 to vector<16xi32>
      %lt3A_584 = arith.cmpi ult, %bitcast3A_581, %lt3A_583 : vector<16xi32>
      %select_n3A_585 = arith.select %lt3A_584, %broadcast_in_dim3A_3, %broadcast_in_dim3A_5 : vector<16xi1>, vector<16xf32>
      %add3A_586 = arith.addf %select_n3A, %select_n3A_565 : vector<16xf32>
      %add3A_587 = arith.addf %select_n3A_575, %select_n3A_585 : vector<16xf32>
      %add3A_588 = arith.addf %add3A_586, %add3A_587 : vector<16xf32>
      %add3A_589 = arith.constant 160 : i32
      %add3A_590 = arith.addi %add3A_589, %scan3A_540 : i32
      %swap3A = arith.index_cast %add3A_590 : i32 to index
      %swap3A_591 = arith.constant 0 : index
      %swap3A_592 = tpu.vector_load %arg6[%swap3A, %swap3A_591] {strides = array<i32>} : memref<200x128xf32, #tpu.memory_space<vmem>>, vector<16xf32>,
      tpu.vector_store %arg6[%swap3A, %swap3A_591], %add3A_588 {strides = array<i32>} : memref<200x128xf32, #tpu.memory_space<vmem>>, vector<16xf32>,
      %mul3A_593 = arith.mulf %add3A_588, %add3A_588 : vector<16xf32>
      %add3A_594 = arith.addf %scan3A_541, %mul3A_593 : vector<16xf32>
      %get3A_595 = arith.constant 0 : i32
      %get3A_596 = arith.index_cast %scan3A_540 : i32 to index
      %get3A_597 = arith.index_cast %get3A_595 : i32 to index
      %get3A_598 = arith.constant 16 : index
      %get3A_599 = tpu.vector_load %arg4[%get3A_596, %get3A_597, %get3A_598] {strides = array<i32>} : memref<40x4x128xi32, #tpu.memory_space<vmem>>, vector<16xi32>,
      %bitcast3A_600 = vector.bitcast %get3A_599 : vector<16xi32> to vector<16xi32>
      %lt3A_601 = arith.constant 12 : i32
      %lt3A_602 = vector.broadcast %lt3A_601 : i32 to vector<16xi32>
      %lt3A_603 = arith.cmpi ult, %bitcast3A_600, %lt3A_602 : vector<16xi32>
      %select_n3A_604 = arith.select %lt3A_603, %broadcast_in_dim3A_3, %broadcast_in_dim3A_5 : vector<16xi1>, vector<16xf32>
      %get3A_605 = arith.constant 1 : i32
      %get3A_606 = arith.index_cast %scan3A_540 : i32 to index
      %get3A_607 = arith.index_cast %get3A_605 : i32 to index
      %get3A_608 = arith.constant 16 : index
      %get3A_609 = tpu.vector_load %arg4[%get3A_606, %get3A_607, %get3A_608] {strides = array<i32>} : memref<40x4x128xi32, #tpu.memory_space<vmem>>, vector<16xi32>,
      %bitcast3A_610 = vector.bitcast %get3A_609 : vector<16xi32> to vector<16xi32>
      %lt3A_611 = arith.constant 31 : i32
      %lt3A_612 = vector.broadcast %lt3A_611 : i32 to vector<16xi32>
      %lt3A_613 = arith.cmpi ult, %bitcast3A_610, %lt3A_612 : vector<16xi32>
      %select_n3A_614 = arith.select %lt3A_613, %broadcast_in_dim3A_3, %broadcast_in_dim3A_5 : vector<16xi1>, vector<16xf32>
      %get3A_615 = arith.constant 2 : i32
      %get3A_616 = arith.index_cast %scan3A_540 : i32 to index
      %get3A_617 = arith.index_cast %get3A_615 : i32 to index
      %get3A_618 = arith.constant 16 : index
      %get3A_619 = tpu.vector_load %arg4[%get3A_616, %get3A_617, %get3A_618] {strides = array<i32>} : memref<40x4x128xi32, #tpu.memory_space<vmem>>, vector<16xi32>,
      %bitcast3A_620 = vector.bitcast %get3A_619 : vector<16xi32> to vector<16xi32>
      %lt3A_621 = arith.constant 7 : i32
      %lt3A_622 = vector.broadcast %lt3A_621 : i32 to vector<16xi32>
      %lt3A_623 = arith.cmpi ult, %bitcast3A_620, %lt3A_622 : vector<16xi32>
      %select_n3A_624 = arith.select %lt3A_623, %broadcast_in_dim3A_3, %broadcast_in_dim3A_5 : vector<16xi1>, vector<16xf32>
      %get3A_625 = arith.constant 3 : i32
      %get3A_626 = arith.index_cast %scan3A_540 : i32 to index
      %get3A_627 = arith.index_cast %get3A_625 : i32 to index
      %get3A_628 = arith.constant 16 : index
      %get3A_629 = tpu.vector_load %arg4[%get3A_626, %get3A_627, %get3A_628] {strides = array<i32>} : memref<40x4x128xi32, #tpu.memory_space<vmem>>, vector<16xi32>,
      %bitcast3A_630 = vector.bitcast %get3A_629 : vector<16xi32> to vector<16xi32>
      %lt3A_631 = arith.constant 24 : i32
      %lt3A_632 = vector.broadcast %lt3A_631 : i32 to vector<16xi32>
      %lt3A_633 = arith.cmpi ult, %bitcast3A_630, %lt3A_632 : vector<16xi32>
      %select_n3A_634 = arith.select %lt3A_633, %broadcast_in_dim3A_3, %broadcast_in_dim3A_5 : vector<16xi1>, vector<16xf32>
      %add3A_635 = arith.addf %select_n3A_604, %select_n3A_614 : vector<16xf32>
      %add3A_636 = arith.addf %select_n3A_624, %select_n3A_634 : vector<16xf32>
      %add3A_637 = arith.addf %add3A_635, %add3A_636 : vector<16xf32>
      %add3A_638 = arith.constant 160 : i32
      %add3A_639 = arith.addi %add3A_638, %scan3A_540 : i32
      %swap3A_640 = arith.index_cast %add3A_639 : i32 to index
      %swap3A_641 = arith.constant 16 : index
      %swap3A_642 = tpu.vector_load %arg6[%swap3A_640, %swap3A_641] {strides = array<i32>} : memref<200x128xf32, #tpu.memory_space<vmem>>, vector<16xf32>,
      tpu.vector_store %arg6[%swap3A_640, %swap3A_641], %add3A_637 {strides = array<i32>} : memref<200x128xf32, #tpu.memory_space<vmem>>, vector<16xf32>,
      %mul3A_643 = arith.mulf %add3A_637, %add3A_637 : vector<16xf32>
      %add3A_644 = arith.addf %scan3A_542, %mul3A_643 : vector<16xf32>
      %get3A_645 = arith.constant 0 : i32
      %get3A_646 = arith.index_cast %scan3A_540 : i32 to index
      %get3A_647 = arith.index_cast %get3A_645 : i32 to index
      %get3A_648 = arith.constant 32 : index
      %get3A_649 = tpu.vector_load %arg4[%get3A_646, %get3A_647, %get3A_648] {strides = array<i32>} : memref<40x4x128xi32, #tpu.memory_space<vmem>>, vector<16xi32>,
      %bitcast3A_650 = vector.bitcast %get3A_649 : vector<16xi32> to vector<16xi32>
      %lt3A_651 = arith.constant 12 : i32
      %lt3A_652 = vector.broadcast %lt3A_651 : i32 to vector<16xi32>
      %lt3A_653 = arith.cmpi ult, %bitcast3A_650, %lt3A_652 : vector<16xi32>
      %select_n3A_654 = arith.select %lt3A_653, %broadcast_in_dim3A_3, %broadcast_in_dim3A_5 : vector<16xi1>, vector<16xf32>
      %get3A_655 = arith.constant 1 : i32
      %get3A_656 = arith.index_cast %scan3A_540 : i32 to index
      %get3A_657 = arith.index_cast %get3A_655 : i32 to index
      %get3A_658 = arith.constant 32 : index
      %get3A_659 = tpu.vector_load %arg4[%get3A_656, %get3A_657, %get3A_658] {strides = array<i32>} : memref<40x4x128xi32, #tpu.memory_space<vmem>>, vector<16xi32>,
      %bitcast3A_660 = vector.bitcast %get3A_659 : vector<16xi32> to vector<16xi32>
      %lt3A_661 = arith.constant 31 : i32
      %lt3A_662 = vector.broadcast %lt3A_661 : i32 to vector<16xi32>
      %lt3A_663 = arith.cmpi ult, %bitcast3A_660, %lt3A_662 : vector<16xi32>
      %select_n3A_664 = arith.select %lt3A_663, %broadcast_in_dim3A_3, %broadcast_in_dim3A_5 : vector<16xi1>, vector<16xf32>
      %get3A_665 = arith.constant 2 : i32
      %get3A_666 = arith.index_cast %scan3A_540 : i32 to index
      %get3A_667 = arith.index_cast %get3A_665 : i32 to index
      %get3A_668 = arith.constant 32 : index
      %get3A_669 = tpu.vector_load %arg4[%get3A_666, %get3A_667, %get3A_668] {strides = array<i32>} : memref<40x4x128xi32, #tpu.memory_space<vmem>>, vector<16xi32>,
      %bitcast3A_670 = vector.bitcast %get3A_669 : vector<16xi32> to vector<16xi32>
      %lt3A_671 = arith.constant 7 : i32
      %lt3A_672 = vector.broadcast %lt3A_671 : i32 to vector<16xi32>
      %lt3A_673 = arith.cmpi ult, %bitcast3A_670, %lt3A_672 : vector<16xi32>
      %select_n3A_674 = arith.select %lt3A_673, %broadcast_in_dim3A_3, %broadcast_in_dim3A_5 : vector<16xi1>, vector<16xf32>
      %get3A_675 = arith.constant 3 : i32
      %get3A_676 = arith.index_cast %scan3A_540 : i32 to index
      %get3A_677 = arith.index_cast %get3A_675 : i32 to index
      %get3A_678 = arith.constant 32 : index
      %get3A_679 = tpu.vector_load %arg4[%get3A_676, %get3A_677, %get3A_678] {strides = array<i32>} : memref<40x4x128xi32, #tpu.memory_space<vmem>>, vector<16xi32>,
      %bitcast3A_680 = vector.bitcast %get3A_679 : vector<16xi32> to vector<16xi32>
      %lt3A_681 = arith.constant 24 : i32
      %lt3A_682 = vector.broadcast %lt3A_681 : i32 to vector<16xi32>
      %lt3A_683 = arith.cmpi ult, %bitcast3A_680, %lt3A_682 : vector<16xi32>
      %select_n3A_684 = arith.select %lt3A_683, %broadcast_in_dim3A_3, %broadcast_in_dim3A_5 : vector<16xi1>, vector<16xf32>
      %add3A_685 = arith.addf %select_n3A_654, %select_n3A_664 : vector<16xf32>
      %add3A_686 = arith.addf %select_n3A_674, %select_n3A_684 : vector<16xf32>
      %add3A_687 = arith.addf %add3A_685, %add3A_686 : vector<16xf32>
      %add3A_688 = arith.constant 160 : i32
      %add3A_689 = arith.addi %add3A_688, %scan3A_540 : i32
      %swap3A_690 = arith.index_cast %add3A_689 : i32 to index
      %swap3A_691 = arith.constant 32 : index
      %swap3A_692 = tpu.vector_load %arg6[%swap3A_690, %swap3A_691] {strides = array<i32>} : memref<200x128xf32, #tpu.memory_space<vmem>>, vector<16xf32>,
      tpu.vector_store %arg6[%swap3A_690, %swap3A_691], %add3A_687 {strides = array<i32>} : memref<200x128xf32, #tpu.memory_space<vmem>>, vector<16xf32>,
      %mul3A_693 = arith.mulf %add3A_687, %add3A_687 : vector<16xf32>
      %add3A_694 = arith.addf %scan3A_543, %mul3A_693 : vector<16xf32>
      %get3A_695 = arith.constant 0 : i32
      %get3A_696 = arith.index_cast %scan3A_540 : i32 to index
      %get3A_697 = arith.index_cast %get3A_695 : i32 to index
      %get3A_698 = arith.constant 48 : index
      %get3A_699 = tpu.vector_load %arg4[%get3A_696, %get3A_697, %get3A_698] {strides = array<i32>} : memref<40x4x128xi32, #tpu.memory_space<vmem>>, vector<16xi32>,
      %bitcast3A_700 = vector.bitcast %get3A_699 : vector<16xi32> to vector<16xi32>
      %lt3A_701 = arith.constant 12 : i32
      %lt3A_702 = vector.broadcast %lt3A_701 : i32 to vector<16xi32>
      %lt3A_703 = arith.cmpi ult, %bitcast3A_700, %lt3A_702 : vector<16xi32>
      %select_n3A_704 = arith.select %lt3A_703, %broadcast_in_dim3A_3, %broadcast_in_dim3A_5 : vector<16xi1>, vector<16xf32>
      %get3A_705 = arith.constant 1 : i32
      %get3A_706 = arith.index_cast %scan3A_540 : i32 to index
      %get3A_707 = arith.index_cast %get3A_705 : i32 to index
      %get3A_708 = arith.constant 48 : index
      %get3A_709 = tpu.vector_load %arg4[%get3A_706, %get3A_707, %get3A_708] {strides = array<i32>} : memref<40x4x128xi32, #tpu.memory_space<vmem>>, vector<16xi32>,
      %bitcast3A_710 = vector.bitcast %get3A_709 : vector<16xi32> to vector<16xi32>
      %lt3A_711 = arith.constant 31 : i32
      %lt3A_712 = vector.broadcast %lt3A_711 : i32 to vector<16xi32>
      %lt3A_713 = arith.cmpi ult, %bitcast3A_710, %lt3A_712 : vector<16xi32>
      %select_n3A_714 = arith.select %lt3A_713, %broadcast_in_dim3A_3, %broadcast_in_dim3A_5 : vector<16xi1>, vector<16xf32>
      %get3A_715 = arith.constant 2 : i32
      %get3A_716 = arith.index_cast %scan3A_540 : i32 to index
      %get3A_717 = arith.index_cast %get3A_715 : i32 to index
      %get3A_718 = arith.constant 48 : index
      %get3A_719 = tpu.vector_load %arg4[%get3A_716, %get3A_717, %get3A_718] {strides = array<i32>} : memref<40x4x128xi32, #tpu.memory_space<vmem>>, vector<16xi32>,
      %bitcast3A_720 = vector.bitcast %get3A_719 : vector<16xi32> to vector<16xi32>
      %lt3A_721 = arith.constant 7 : i32
      %lt3A_722 = vector.broadcast %lt3A_721 : i32 to vector<16xi32>
      %lt3A_723 = arith.cmpi ult, %bitcast3A_720, %lt3A_722 : vector<16xi32>
      %select_n3A_724 = arith.select %lt3A_723, %broadcast_in_dim3A_3, %broadcast_in_dim3A_5 : vector<16xi1>, vector<16xf32>
      %get3A_725 = arith.constant 3 : i32
      %get3A_726 = arith.index_cast %scan3A_540 : i32 to index
      %get3A_727 = arith.index_cast %get3A_725 : i32 to index
      %get3A_728 = arith.constant 48 : index
      %get3A_729 = tpu.vector_load %arg4[%get3A_726, %get3A_727, %get3A_728] {strides = array<i32>} : memref<40x4x128xi32, #tpu.memory_space<vmem>>, vector<16xi32>,
      %bitcast3A_730 = vector.bitcast %get3A_729 : vector<16xi32> to vector<16xi32>
      %lt3A_731 = arith.constant 24 : i32
      %lt3A_732 = vector.broadcast %lt3A_731 : i32 to vector<16xi32>
      %lt3A_733 = arith.cmpi ult, %bitcast3A_730, %lt3A_732 : vector<16xi32>
      %select_n3A_734 = arith.select %lt3A_733, %broadcast_in_dim3A_3, %broadcast_in_dim3A_5 : vector<16xi1>, vector<16xf32>
      %add3A_735 = arith.addf %select_n3A_704, %select_n3A_714 : vector<16xf32>
      %add3A_736 = arith.addf %select_n3A_724, %select_n3A_734 : vector<16xf32>
      %add3A_737 = arith.addf %add3A_735, %add3A_736 : vector<16xf32>
      %add3A_738 = arith.constant 160 : i32
      %add3A_739 = arith.addi %add3A_738, %scan3A_540 : i32
      %swap3A_740 = arith.index_cast %add3A_739 : i32 to index
      %swap3A_741 = arith.constant 48 : index
      %swap3A_742 = tpu.vector_load %arg6[%swap3A_740, %swap3A_741] {strides = array<i32>} : memref<200x128xf32, #tpu.memory_space<vmem>>, vector<16xf32>,
      tpu.vector_store %arg6[%swap3A_740, %swap3A_741], %add3A_737 {strides = array<i32>} : memref<200x128xf32, #tpu.memory_space<vmem>>, vector<16xf32>,
      %mul3A_743 = arith.mulf %add3A_737, %add3A_737 : vector<16xf32>
      %add3A_744 = arith.addf %scan3A_544, %mul3A_743 : vector<16xf32>
      %get3A_745 = arith.constant 0 : i32
      %get3A_746 = arith.index_cast %scan3A_540 : i32 to index
      %get3A_747 = arith.index_cast %get3A_745 : i32 to index
      %get3A_748 = arith.constant 64 : index
      %get3A_749 = tpu.vector_load %arg4[%get3A_746, %get3A_747, %get3A_748] {strides = array<i32>} : memref<40x4x128xi32, #tpu.memory_space<vmem>>, vector<16xi32>,
      %bitcast3A_750 = vector.bitcast %get3A_749 : vector<16xi32> to vector<16xi32>
      %lt3A_751 = arith.constant 12 : i32
      %lt3A_752 = vector.broadcast %lt3A_751 : i32 to vector<16xi32>
      %lt3A_753 = arith.cmpi ult, %bitcast3A_750, %lt3A_752 : vector<16xi32>
      %select_n3A_754 = arith.select %lt3A_753, %broadcast_in_dim3A_3, %broadcast_in_dim3A_5 : vector<16xi1>, vector<16xf32>
      %get3A_755 = arith.constant 1 : i32
      %get3A_756 = arith.index_cast %scan3A_540 : i32 to index
      %get3A_757 = arith.index_cast %get3A_755 : i32 to index
      %get3A_758 = arith.constant 64 : index
      %get3A_759 = tpu.vector_load %arg4[%get3A_756, %get3A_757, %get3A_758] {strides = array<i32>} : memref<40x4x128xi32, #tpu.memory_space<vmem>>, vector<16xi32>,
      %bitcast3A_760 = vector.bitcast %get3A_759 : vector<16xi32> to vector<16xi32>
      %lt3A_761 = arith.constant 31 : i32
      %lt3A_762 = vector.broadcast %lt3A_761 : i32 to vector<16xi32>
      %lt3A_763 = arith.cmpi ult, %bitcast3A_760, %lt3A_762 : vector<16xi32>
      %select_n3A_764 = arith.select %lt3A_763, %broadcast_in_dim3A_3, %broadcast_in_dim3A_5 : vector<16xi1>, vector<16xf32>
      %get3A_765 = arith.constant 2 : i32
      %get3A_766 = arith.index_cast %scan3A_540 : i32 to index
      %get3A_767 = arith.index_cast %get3A_765 : i32 to index
      %get3A_768 = arith.constant 64 : index
      %get3A_769 = tpu.vector_load %arg4[%get3A_766, %get3A_767, %get3A_768] {strides = array<i32>} : memref<40x4x128xi32, #tpu.memory_space<vmem>>, vector<16xi32>,
      %bitcast3A_770 = vector.bitcast %get3A_769 : vector<16xi32> to vector<16xi32>
      %lt3A_771 = arith.constant 7 : i32
      %lt3A_772 = vector.broadcast %lt3A_771 : i32 to vector<16xi32>
      %lt3A_773 = arith.cmpi ult, %bitcast3A_770, %lt3A_772 : vector<16xi32>
      %select_n3A_774 = arith.select %lt3A_773, %broadcast_in_dim3A_3, %broadcast_in_dim3A_5 : vector<16xi1>, vector<16xf32>
      %get3A_775 = arith.constant 3 : i32
      %get3A_776 = arith.index_cast %scan3A_540 : i32 to index
      %get3A_777 = arith.index_cast %get3A_775 : i32 to index
      %get3A_778 = arith.constant 64 : index
      %get3A_779 = tpu.vector_load %arg4[%get3A_776, %get3A_777, %get3A_778] {strides = array<i32>} : memref<40x4x128xi32, #tpu.memory_space<vmem>>, vector<16xi32>,
      %bitcast3A_780 = vector.bitcast %get3A_779 : vector<16xi32> to vector<16xi32>
      %lt3A_781 = arith.constant 24 : i32
      %lt3A_782 = vector.broadcast %lt3A_781 : i32 to vector<16xi32>
      %lt3A_783 = arith.cmpi ult, %bitcast3A_780, %lt3A_782 : vector<16xi32>
      %select_n3A_784 = arith.select %lt3A_783, %broadcast_in_dim3A_3, %broadcast_in_dim3A_5 : vector<16xi1>, vector<16xf32>
      %add3A_785 = arith.addf %select_n3A_754, %select_n3A_764 : vector<16xf32>
      %add3A_786 = arith.addf %select_n3A_774, %select_n3A_784 : vector<16xf32>
      %add3A_787 = arith.addf %add3A_785, %add3A_786 : vector<16xf32>
      %add3A_788 = arith.constant 160 : i32
      %add3A_789 = arith.addi %add3A_788, %scan3A_540 : i32
      %swap3A_790 = arith.index_cast %add3A_789 : i32 to index
      %swap3A_791 = arith.constant 64 : index
      %swap3A_792 = tpu.vector_load %arg6[%swap3A_790, %swap3A_791] {strides = array<i32>} : memref<200x128xf32, #tpu.memory_space<vmem>>, vector<16xf32>,
      tpu.vector_store %arg6[%swap3A_790, %swap3A_791], %add3A_787 {strides = array<i32>} : memref<200x128xf32, #tpu.memory_space<vmem>>, vector<16xf32>,
      %mul3A_793 = arith.mulf %add3A_787, %add3A_787 : vector<16xf32>
      %add3A_794 = arith.addf %scan3A_545, %mul3A_793 : vector<16xf32>
      %get3A_795 = arith.constant 0 : i32
      %get3A_796 = arith.index_cast %scan3A_540 : i32 to index
      %get3A_797 = arith.index_cast %get3A_795 : i32 to index
      %get3A_798 = arith.constant 80 : index
      %get3A_799 = tpu.vector_load %arg4[%get3A_796, %get3A_797, %get3A_798] {strides = array<i32>} : memref<40x4x128xi32, #tpu.memory_space<vmem>>, vector<16xi32>,
      %bitcast3A_800 = vector.bitcast %get3A_799 : vector<16xi32> to vector<16xi32>
      %lt3A_801 = arith.constant 12 : i32
      %lt3A_802 = vector.broadcast %lt3A_801 : i32 to vector<16xi32>
      %lt3A_803 = arith.cmpi ult, %bitcast3A_800, %lt3A_802 : vector<16xi32>
      %select_n3A_804 = arith.select %lt3A_803, %broadcast_in_dim3A_3, %broadcast_in_dim3A_5 : vector<16xi1>, vector<16xf32>
      %get3A_805 = arith.constant 1 : i32
      %get3A_806 = arith.index_cast %scan3A_540 : i32 to index
      %get3A_807 = arith.index_cast %get3A_805 : i32 to index
      %get3A_808 = arith.constant 80 : index
      %get3A_809 = tpu.vector_load %arg4[%get3A_806, %get3A_807, %get3A_808] {strides = array<i32>} : memref<40x4x128xi32, #tpu.memory_space<vmem>>, vector<16xi32>,
      %bitcast3A_810 = vector.bitcast %get3A_809 : vector<16xi32> to vector<16xi32>
      %lt3A_811 = arith.constant 31 : i32
      %lt3A_812 = vector.broadcast %lt3A_811 : i32 to vector<16xi32>
      %lt3A_813 = arith.cmpi ult, %bitcast3A_810, %lt3A_812 : vector<16xi32>
      %select_n3A_814 = arith.select %lt3A_813, %broadcast_in_dim3A_3, %broadcast_in_dim3A_5 : vector<16xi1>, vector<16xf32>
      %get3A_815 = arith.constant 2 : i32
      %get3A_816 = arith.index_cast %scan3A_540 : i32 to index
      %get3A_817 = arith.index_cast %get3A_815 : i32 to index
      %get3A_818 = arith.constant 80 : index
      %get3A_819 = tpu.vector_load %arg4[%get3A_816, %get3A_817, %get3A_818] {strides = array<i32>} : memref<40x4x128xi32, #tpu.memory_space<vmem>>, vector<16xi32>,
      %bitcast3A_820 = vector.bitcast %get3A_819 : vector<16xi32> to vector<16xi32>
      %lt3A_821 = arith.constant 7 : i32
      %lt3A_822 = vector.broadcast %lt3A_821 : i32 to vector<16xi32>
      %lt3A_823 = arith.cmpi ult, %bitcast3A_820, %lt3A_822 : vector<16xi32>
      %select_n3A_824 = arith.select %lt3A_823, %broadcast_in_dim3A_3, %broadcast_in_dim3A_5 : vector<16xi1>, vector<16xf32>
      %get3A_825 = arith.constant 3 : i32
      %get3A_826 = arith.index_cast %scan3A_540 : i32 to index
      %get3A_827 = arith.index_cast %get3A_825 : i32 to index
      %get3A_828 = arith.constant 80 : index
      %get3A_829 = tpu.vector_load %arg4[%get3A_826, %get3A_827, %get3A_828] {strides = array<i32>} : memref<40x4x128xi32, #tpu.memory_space<vmem>>, vector<16xi32>,
      %bitcast3A_830 = vector.bitcast %get3A_829 : vector<16xi32> to vector<16xi32>
      %lt3A_831 = arith.constant 24 : i32
      %lt3A_832 = vector.broadcast %lt3A_831 : i32 to vector<16xi32>
      %lt3A_833 = arith.cmpi ult, %bitcast3A_830, %lt3A_832 : vector<16xi32>
      %select_n3A_834 = arith.select %lt3A_833, %broadcast_in_dim3A_3, %broadcast_in_dim3A_5 : vector<16xi1>, vector<16xf32>
      %add3A_835 = arith.addf %select_n3A_804, %select_n3A_814 : vector<16xf32>
      %add3A_836 = arith.addf %select_n3A_824, %select_n3A_834 : vector<16xf32>
      %add3A_837 = arith.addf %add3A_835, %add3A_836 : vector<16xf32>
      %add3A_838 = arith.constant 160 : i32
      %add3A_839 = arith.addi %add3A_838, %scan3A_540 : i32
      %swap3A_840 = arith.index_cast %add3A_839 : i32 to index
      %swap3A_841 = arith.constant 80 : index
      %swap3A_842 = tpu.vector_load %arg6[%swap3A_840, %swap3A_841] {strides = array<i32>} : memref<200x128xf32, #tpu.memory_space<vmem>>, vector<16xf32>,
      tpu.vector_store %arg6[%swap3A_840, %swap3A_841], %add3A_837 {strides = array<i32>} : memref<200x128xf32, #tpu.memory_space<vmem>>, vector<16xf32>,
      %mul3A_843 = arith.mulf %add3A_837, %add3A_837 : vector<16xf32>
      %add3A_844 = arith.addf %scan3A_546, %mul3A_843 : vector<16xf32>
      %get3A_845 = arith.constant 0 : i32
      %get3A_846 = arith.index_cast %scan3A_540 : i32 to index
      %get3A_847 = arith.index_cast %get3A_845 : i32 to index
      %get3A_848 = arith.constant 96 : index
      %get3A_849 = tpu.vector_load %arg4[%get3A_846, %get3A_847, %get3A_848] {strides = array<i32>} : memref<40x4x128xi32, #tpu.memory_space<vmem>>, vector<16xi32>,
      %bitcast3A_850 = vector.bitcast %get3A_849 : vector<16xi32> to vector<16xi32>
      %lt3A_851 = arith.constant 12 : i32
      %lt3A_852 = vector.broadcast %lt3A_851 : i32 to vector<16xi32>
      %lt3A_853 = arith.cmpi ult, %bitcast3A_850, %lt3A_852 : vector<16xi32>
      %select_n3A_854 = arith.select %lt3A_853, %broadcast_in_dim3A_3, %broadcast_in_dim3A_5 : vector<16xi1>, vector<16xf32>
      %get3A_855 = arith.constant 1 : i32
      %get3A_856 = arith.index_cast %scan3A_540 : i32 to index
      %get3A_857 = arith.index_cast %get3A_855 : i32 to index
      %get3A_858 = arith.constant 96 : index
      %get3A_859 = tpu.vector_load %arg4[%get3A_856, %get3A_857, %get3A_858] {strides = array<i32>} : memref<40x4x128xi32, #tpu.memory_space<vmem>>, vector<16xi32>,
      %bitcast3A_860 = vector.bitcast %get3A_859 : vector<16xi32> to vector<16xi32>
      %lt3A_861 = arith.constant 31 : i32
      %lt3A_862 = vector.broadcast %lt3A_861 : i32 to vector<16xi32>
      %lt3A_863 = arith.cmpi ult, %bitcast3A_860, %lt3A_862 : vector<16xi32>
      %select_n3A_864 = arith.select %lt3A_863, %broadcast_in_dim3A_3, %broadcast_in_dim3A_5 : vector<16xi1>, vector<16xf32>
      %get3A_865 = arith.constant 2 : i32
      %get3A_866 = arith.index_cast %scan3A_540 : i32 to index
      %get3A_867 = arith.index_cast %get3A_865 : i32 to index
      %get3A_868 = arith.constant 96 : index
      %get3A_869 = tpu.vector_load %arg4[%get3A_866, %get3A_867, %get3A_868] {strides = array<i32>} : memref<40x4x128xi32, #tpu.memory_space<vmem>>, vector<16xi32>,
      %bitcast3A_870 = vector.bitcast %get3A_869 : vector<16xi32> to vector<16xi32>
      %lt3A_871 = arith.constant 7 : i32
      %lt3A_872 = vector.broadcast %lt3A_871 : i32 to vector<16xi32>
      %lt3A_873 = arith.cmpi ult, %bitcast3A_870, %lt3A_872 : vector<16xi32>
      %select_n3A_874 = arith.select %lt3A_873, %broadcast_in_dim3A_3, %broadcast_in_dim3A_5 : vector<16xi1>, vector<16xf32>
      %get3A_875 = arith.constant 3 : i32
      %get3A_876 = arith.index_cast %scan3A_540 : i32 to index
      %get3A_877 = arith.index_cast %get3A_875 : i32 to index
      %get3A_878 = arith.constant 96 : index
      %get3A_879 = tpu.vector_load %arg4[%get3A_876, %get3A_877, %get3A_878] {strides = array<i32>} : memref<40x4x128xi32, #tpu.memory_space<vmem>>, vector<16xi32>,
      %bitcast3A_880 = vector.bitcast %get3A_879 : vector<16xi32> to vector<16xi32>
      %lt3A_881 = arith.constant 24 : i32
      %lt3A_882 = vector.broadcast %lt3A_881 : i32 to vector<16xi32>
      %lt3A_883 = arith.cmpi ult, %bitcast3A_880, %lt3A_882 : vector<16xi32>
      %select_n3A_884 = arith.select %lt3A_883, %broadcast_in_dim3A_3, %broadcast_in_dim3A_5 : vector<16xi1>, vector<16xf32>
      %add3A_885 = arith.addf %select_n3A_854, %select_n3A_864 : vector<16xf32>
      %add3A_886 = arith.addf %select_n3A_874, %select_n3A_884 : vector<16xf32>
      %add3A_887 = arith.addf %add3A_885, %add3A_886 : vector<16xf32>
      %add3A_888 = arith.constant 160 : i32
      %add3A_889 = arith.addi %add3A_888, %scan3A_540 : i32
      %swap3A_890 = arith.index_cast %add3A_889 : i32 to index
      %swap3A_891 = arith.constant 96 : index
      %swap3A_892 = tpu.vector_load %arg6[%swap3A_890, %swap3A_891] {strides = array<i32>} : memref<200x128xf32, #tpu.memory_space<vmem>>, vector<16xf32>,
      tpu.vector_store %arg6[%swap3A_890, %swap3A_891], %add3A_887 {strides = array<i32>} : memref<200x128xf32, #tpu.memory_space<vmem>>, vector<16xf32>,
      %mul3A_893 = arith.mulf %add3A_887, %add3A_887 : vector<16xf32>
      %add3A_894 = arith.addf %scan3A_547, %mul3A_893 : vector<16xf32>
      %get3A_895 = arith.constant 0 : i32
      %get3A_896 = arith.index_cast %scan3A_540 : i32 to index
      %get3A_897 = arith.index_cast %get3A_895 : i32 to index
      %get3A_898 = arith.constant 112 : index
      %get3A_899 = tpu.vector_load %arg4[%get3A_896, %get3A_897, %get3A_898] {strides = array<i32>} : memref<40x4x128xi32, #tpu.memory_space<vmem>>, vector<16xi32>,
      %bitcast3A_900 = vector.bitcast %get3A_899 : vector<16xi32> to vector<16xi32>
      %lt3A_901 = arith.constant 12 : i32
      %lt3A_902 = vector.broadcast %lt3A_901 : i32 to vector<16xi32>
      %lt3A_903 = arith.cmpi ult, %bitcast3A_900, %lt3A_902 : vector<16xi32>
      %select_n3A_904 = arith.select %lt3A_903, %broadcast_in_dim3A_3, %broadcast_in_dim3A_5 : vector<16xi1>, vector<16xf32>
      %get3A_905 = arith.constant 1 : i32
      %get3A_906 = arith.index_cast %scan3A_540 : i32 to index
      %get3A_907 = arith.index_cast %get3A_905 : i32 to index
      %get3A_908 = arith.constant 112 : index
      %get3A_909 = tpu.vector_load %arg4[%get3A_906, %get3A_907, %get3A_908] {strides = array<i32>} : memref<40x4x128xi32, #tpu.memory_space<vmem>>, vector<16xi32>,
      %bitcast3A_910 = vector.bitcast %get3A_909 : vector<16xi32> to vector<16xi32>
      %lt3A_911 = arith.constant 31 : i32
      %lt3A_912 = vector.broadcast %lt3A_911 : i32 to vector<16xi32>
      %lt3A_913 = arith.cmpi ult, %bitcast3A_910, %lt3A_912 : vector<16xi32>
      %select_n3A_914 = arith.select %lt3A_913, %broadcast_in_dim3A_3, %broadcast_in_dim3A_5 : vector<16xi1>, vector<16xf32>
      %get3A_915 = arith.constant 2 : i32
      %get3A_916 = arith.index_cast %scan3A_540 : i32 to index
      %get3A_917 = arith.index_cast %get3A_915 : i32 to index
      %get3A_918 = arith.constant 112 : index
      %get3A_919 = tpu.vector_load %arg4[%get3A_916, %get3A_917, %get3A_918] {strides = array<i32>} : memref<40x4x128xi32, #tpu.memory_space<vmem>>, vector<16xi32>,
      %bitcast3A_920 = vector.bitcast %get3A_919 : vector<16xi32> to vector<16xi32>
      %lt3A_921 = arith.constant 7 : i32
      %lt3A_922 = vector.broadcast %lt3A_921 : i32 to vector<16xi32>
      %lt3A_923 = arith.cmpi ult, %bitcast3A_920, %lt3A_922 : vector<16xi32>
      %select_n3A_924 = arith.select %lt3A_923, %broadcast_in_dim3A_3, %broadcast_in_dim3A_5 : vector<16xi1>, vector<16xf32>
      %get3A_925 = arith.constant 3 : i32
      %get3A_926 = arith.index_cast %scan3A_540 : i32 to index
      %get3A_927 = arith.index_cast %get3A_925 : i32 to index
      %get3A_928 = arith.constant 112 : index
      %get3A_929 = tpu.vector_load %arg4[%get3A_926, %get3A_927, %get3A_928] {strides = array<i32>} : memref<40x4x128xi32, #tpu.memory_space<vmem>>, vector<16xi32>,
      %bitcast3A_930 = vector.bitcast %get3A_929 : vector<16xi32> to vector<16xi32>
      %lt3A_931 = arith.constant 24 : i32
      %lt3A_932 = vector.broadcast %lt3A_931 : i32 to vector<16xi32>
      %lt3A_933 = arith.cmpi ult, %bitcast3A_930, %lt3A_932 : vector<16xi32>
      %select_n3A_934 = arith.select %lt3A_933, %broadcast_in_dim3A_3, %broadcast_in_dim3A_5 : vector<16xi1>, vector<16xf32>
      %add3A_935 = arith.addf %select_n3A_904, %select_n3A_914 : vector<16xf32>
      %add3A_936 = arith.addf %select_n3A_924, %select_n3A_934 : vector<16xf32>
      %add3A_937 = arith.addf %add3A_935, %add3A_936 : vector<16xf32>
      %add3A_938 = arith.constant 160 : i32
      %add3A_939 = arith.addi %add3A_938, %scan3A_540 : i32
      %swap3A_940 = arith.index_cast %add3A_939 : i32 to index
      %swap3A_941 = arith.constant 112 : index
      %swap3A_942 = tpu.vector_load %arg6[%swap3A_940, %swap3A_941] {strides = array<i32>} : memref<200x128xf32, #tpu.memory_space<vmem>>, vector<16xf32>,
      tpu.vector_store %arg6[%swap3A_940, %swap3A_941], %add3A_937 {strides = array<i32>} : memref<200x128xf32, #tpu.memory_space<vmem>>, vector<16xf32>,
      %mul3A_943 = arith.mulf %add3A_937, %add3A_937 : vector<16xf32>
      %add3A_944 = arith.addf %scan3A_548, %mul3A_943 : vector<16xf32>
      scf.yield %add3A_594, %add3A_644, %add3A_694, %add3A_744, %add3A_794, %add3A_844, %add3A_894, %add3A_944 : vector<16xf32>, vector<16xf32>, vector<16xf32>, vector<16xf32>, vector<16xf32>, vector<16xf32>, vector<16xf32>, vector<16xf32>
    }
    %scan3A_132 = arith.constant 40 : i32
    %bitcast3A = vector.bitcast %scan3A_131#0 : vector<16xf32> to vector<16xi32>
    %shift_right_arithmetic3A = arith.constant 1 : i32
    %shift_right_arithmetic3A_133 = vector.broadcast %shift_right_arithmetic3A : i32 to vector<16xi32>
    %shift_right_arithmetic3A_134 = arith.shrsi %bitcast3A, %shift_right_arithmetic3A_133 : vector<16xi32>
    %sub3A = arith.constant 1597463007 : i32
    %sub3A_135 = vector.broadcast %sub3A : i32 to vector<16xi32>
    %sub3A_136 = arith.subi %sub3A_135, %shift_right_arithmetic3A_134 : vector<16xi32>
    %bitcast3A_137 = vector.bitcast %sub3A_136 : vector<16xi32> to vector<16xf32>
    %mul3A_138 = arith.constant 5.000000e-01 : f32
    %mul3A_139 = vector.broadcast %mul3A_138 : f32 to vector<16xf32>
    %mul3A_140 = arith.mulf %mul3A_139, %scan3A_131#0 : vector<16xf32>
    %mul3A_141 = arith.mulf %mul3A_140, %bitcast3A_137 : vector<16xf32>
    %mul3A_142 = arith.mulf %mul3A_141, %bitcast3A_137 : vector<16xf32>
    %sub3A_143 = arith.constant 1.500000e+00 : f32
    %sub3A_144 = vector.broadcast %sub3A_143 : f32 to vector<16xf32>
    %sub3A_145 = arith.subf %sub3A_144, %mul3A_142 : vector<16xf32>
    %mul3A_146 = arith.mulf %bitcast3A_137, %sub3A_145 : vector<16xf32>
    %mul3A_147 = arith.constant 5.000000e-01 : f32
    %mul3A_148 = vector.broadcast %mul3A_147 : f32 to vector<16xf32>
    %mul3A_149 = arith.mulf %mul3A_148, %scan3A_131#0 : vector<16xf32>
    %mul3A_150 = arith.mulf %mul3A_149, %mul3A_146 : vector<16xf32>
    %mul3A_151 = arith.mulf %mul3A_150, %mul3A_146 : vector<16xf32>
    %sub3A_152 = arith.constant 1.500000e+00 : f32
    %sub3A_153 = vector.broadcast %sub3A_152 : f32 to vector<16xf32>
    %sub3A_154 = arith.subf %sub3A_153, %mul3A_151 : vector<16xf32>
    %mul3A_155 = arith.mulf %mul3A_146, %sub3A_154 : vector<16xf32>
    %mul3A_156 = arith.constant 5.000000e-01 : f32
    %mul3A_157 = vector.broadcast %mul3A_156 : f32 to vector<16xf32>
    %mul3A_158 = arith.mulf %mul3A_157, %scan3A_131#0 : vector<16xf32>
    %mul3A_159 = arith.mulf %mul3A_158, %mul3A_155 : vector<16xf32>
    %mul3A_160 = arith.mulf %mul3A_159, %mul3A_155 : vector<16xf32>
    %sub3A_161 = arith.constant 1.500000e+00 : f32
    %sub3A_162 = vector.broadcast %sub3A_161 : f32 to vector<16xf32>
    %sub3A_163 = arith.subf %sub3A_162, %mul3A_160 : vector<16xf32>
    %mul3A_164 = arith.mulf %mul3A_155, %sub3A_163 : vector<16xf32>
    %bitcast3A_165 = vector.bitcast %scan3A_131#1 : vector<16xf32> to vector<16xi32>
    %shift_right_arithmetic3A_166 = arith.constant 1 : i32
    %shift_right_arithmetic3A_167 = vector.broadcast %shift_right_arithmetic3A_166 : i32 to vector<16xi32>
    %shift_right_arithmetic3A_168 = arith.shrsi %bitcast3A_165, %shift_right_arithmetic3A_167 : vector<16xi32>
    %sub3A_169 = arith.constant 1597463007 : i32
    %sub3A_170 = vector.broadcast %sub3A_169 : i32 to vector<16xi32>
    %sub3A_171 = arith.subi %sub3A_170, %shift_right_arithmetic3A_168 : vector<16xi32>
    %bitcast3A_172 = vector.bitcast %sub3A_171 : vector<16xi32> to vector<16xf32>
    %mul3A_173 = arith.constant 5.000000e-01 : f32
    %mul3A_174 = vector.broadcast %mul3A_173 : f32 to vector<16xf32>
    %mul3A_175 = arith.mulf %mul3A_174, %scan3A_131#1 : vector<16xf32>
    %mul3A_176 = arith.mulf %mul3A_175, %bitcast3A_172 : vector<16xf32>
    %mul3A_177 = arith.mulf %mul3A_176, %bitcast3A_172 : vector<16xf32>
    %sub3A_178 = arith.constant 1.500000e+00 : f32
    %sub3A_179 = vector.broadcast %sub3A_178 : f32 to vector<16xf32>
    %sub3A_180 = arith.subf %sub3A_179, %mul3A_177 : vector<16xf32>
    %mul3A_181 = arith.mulf %bitcast3A_172, %sub3A_180 : vector<16xf32>
    %mul3A_182 = arith.constant 5.000000e-01 : f32
    %mul3A_183 = vector.broadcast %mul3A_182 : f32 to vector<16xf32>
    %mul3A_184 = arith.mulf %mul3A_183, %scan3A_131#1 : vector<16xf32>
    %mul3A_185 = arith.mulf %mul3A_184, %mul3A_181 : vector<16xf32>
    %mul3A_186 = arith.mulf %mul3A_185, %mul3A_181 : vector<16xf32>
    %sub3A_187 = arith.constant 1.500000e+00 : f32
    %sub3A_188 = vector.broadcast %sub3A_187 : f32 to vector<16xf32>
    %sub3A_189 = arith.subf %sub3A_188, %mul3A_186 : vector<16xf32>
    %mul3A_190 = arith.mulf %mul3A_181, %sub3A_189 : vector<16xf32>
    %mul3A_191 = arith.constant 5.000000e-01 : f32
    %mul3A_192 = vector.broadcast %mul3A_191 : f32 to vector<16xf32>
    %mul3A_193 = arith.mulf %mul3A_192, %scan3A_131#1 : vector<16xf32>
    %mul3A_194 = arith.mulf %mul3A_193, %mul3A_190 : vector<16xf32>
    %mul3A_195 = arith.mulf %mul3A_194, %mul3A_190 : vector<16xf32>
    %sub3A_196 = arith.constant 1.500000e+00 : f32
    %sub3A_197 = vector.broadcast %sub3A_196 : f32 to vector<16xf32>
    %sub3A_198 = arith.subf %sub3A_197, %mul3A_195 : vector<16xf32>
    %mul3A_199 = arith.mulf %mul3A_190, %sub3A_198 : vector<16xf32>
    %bitcast3A_200 = vector.bitcast %scan3A_131#2 : vector<16xf32> to vector<16xi32>
    %shift_right_arithmetic3A_201 = arith.constant 1 : i32
    %shift_right_arithmetic3A_202 = vector.broadcast %shift_right_arithmetic3A_201 : i32 to vector<16xi32>
    %shift_right_arithmetic3A_203 = arith.shrsi %bitcast3A_200, %shift_right_arithmetic3A_202 : vector<16xi32>
    %sub3A_204 = arith.constant 1597463007 : i32
    %sub3A_205 = vector.broadcast %sub3A_204 : i32 to vector<16xi32>
    %sub3A_206 = arith.subi %sub3A_205, %shift_right_arithmetic3A_203 : vector<16xi32>
    %bitcast3A_207 = vector.bitcast %sub3A_206 : vector<16xi32> to vector<16xf32>
    %mul3A_208 = arith.constant 5.000000e-01 : f32
    %mul3A_209 = vector.broadcast %mul3A_208 : f32 to vector<16xf32>
    %mul3A_210 = arith.mulf %mul3A_209, %scan3A_131#2 : vector<16xf32>
    %mul3A_211 = arith.mulf %mul3A_210, %bitcast3A_207 : vector<16xf32>
    %mul3A_212 = arith.mulf %mul3A_211, %bitcast3A_207 : vector<16xf32>
    %sub3A_213 = arith.constant 1.500000e+00 : f32
    %sub3A_214 = vector.broadcast %sub3A_213 : f32 to vector<16xf32>
    %sub3A_215 = arith.subf %sub3A_214, %mul3A_212 : vector<16xf32>
    %mul3A_216 = arith.mulf %bitcast3A_207, %sub3A_215 : vector<16xf32>
    %mul3A_217 = arith.constant 5.000000e-01 : f32
    %mul3A_218 = vector.broadcast %mul3A_217 : f32 to vector<16xf32>
    %mul3A_219 = arith.mulf %mul3A_218, %scan3A_131#2 : vector<16xf32>
    %mul3A_220 = arith.mulf %mul3A_219, %mul3A_216 : vector<16xf32>
    %mul3A_221 = arith.mulf %mul3A_220, %mul3A_216 : vector<16xf32>
    %sub3A_222 = arith.constant 1.500000e+00 : f32
    %sub3A_223 = vector.broadcast %sub3A_222 : f32 to vector<16xf32>
    %sub3A_224 = arith.subf %sub3A_223, %mul3A_221 : vector<16xf32>
    %mul3A_225 = arith.mulf %mul3A_216, %sub3A_224 : vector<16xf32>
    %mul3A_226 = arith.constant 5.000000e-01 : f32
    %mul3A_227 = vector.broadcast %mul3A_226 : f32 to vector<16xf32>
    %mul3A_228 = arith.mulf %mul3A_227, %scan3A_131#2 : vector<16xf32>
    %mul3A_229 = arith.mulf %mul3A_228, %mul3A_225 : vector<16xf32>
    %mul3A_230 = arith.mulf %mul3A_229, %mul3A_225 : vector<16xf32>
    %sub3A_231 = arith.constant 1.500000e+00 : f32
    %sub3A_232 = vector.broadcast %sub3A_231 : f32 to vector<16xf32>
    %sub3A_233 = arith.subf %sub3A_232, %mul3A_230 : vector<16xf32>
    %mul3A_234 = arith.mulf %mul3A_225, %sub3A_233 : vector<16xf32>
    %bitcast3A_235 = vector.bitcast %scan3A_131#3 : vector<16xf32> to vector<16xi32>
    %shift_right_arithmetic3A_236 = arith.constant 1 : i32
    %shift_right_arithmetic3A_237 = vector.broadcast %shift_right_arithmetic3A_236 : i32 to vector<16xi32>
    %shift_right_arithmetic3A_238 = arith.shrsi %bitcast3A_235, %shift_right_arithmetic3A_237 : vector<16xi32>
    %sub3A_239 = arith.constant 1597463007 : i32
    %sub3A_240 = vector.broadcast %sub3A_239 : i32 to vector<16xi32>
    %sub3A_241 = arith.subi %sub3A_240, %shift_right_arithmetic3A_238 : vector<16xi32>
    %bitcast3A_242 = vector.bitcast %sub3A_241 : vector<16xi32> to vector<16xf32>
    %mul3A_243 = arith.constant 5.000000e-01 : f32
    %mul3A_244 = vector.broadcast %mul3A_243 : f32 to vector<16xf32>
    %mul3A_245 = arith.mulf %mul3A_244, %scan3A_131#3 : vector<16xf32>
    %mul3A_246 = arith.mulf %mul3A_245, %bitcast3A_242 : vector<16xf32>
    %mul3A_247 = arith.mulf %mul3A_246, %bitcast3A_242 : vector<16xf32>
    %sub3A_248 = arith.constant 1.500000e+00 : f32
    %sub3A_249 = vector.broadcast %sub3A_248 : f32 to vector<16xf32>
    %sub3A_250 = arith.subf %sub3A_249, %mul3A_247 : vector<16xf32>
    %mul3A_251 = arith.mulf %bitcast3A_242, %sub3A_250 : vector<16xf32>
    %mul3A_252 = arith.constant 5.000000e-01 : f32
    %mul3A_253 = vector.broadcast %mul3A_252 : f32 to vector<16xf32>
    %mul3A_254 = arith.mulf %mul3A_253, %scan3A_131#3 : vector<16xf32>
    %mul3A_255 = arith.mulf %mul3A_254, %mul3A_251 : vector<16xf32>
    %mul3A_256 = arith.mulf %mul3A_255, %mul3A_251 : vector<16xf32>
    %sub3A_257 = arith.constant 1.500000e+00 : f32
    %sub3A_258 = vector.broadcast %sub3A_257 : f32 to vector<16xf32>
    %sub3A_259 = arith.subf %sub3A_258, %mul3A_256 : vector<16xf32>
    %mul3A_260 = arith.mulf %mul3A_251, %sub3A_259 : vector<16xf32>
    %mul3A_261 = arith.constant 5.000000e-01 : f32
    %mul3A_262 = vector.broadcast %mul3A_261 : f32 to vector<16xf32>
    %mul3A_263 = arith.mulf %mul3A_262, %scan3A_131#3 : vector<16xf32>
    %mul3A_264 = arith.mulf %mul3A_263, %mul3A_260 : vector<16xf32>
    %mul3A_265 = arith.mulf %mul3A_264, %mul3A_260 : vector<16xf32>
    %sub3A_266 = arith.constant 1.500000e+00 : f32
    %sub3A_267 = vector.broadcast %sub3A_266 : f32 to vector<16xf32>
    %sub3A_268 = arith.subf %sub3A_267, %mul3A_265 : vector<16xf32>
    %mul3A_269 = arith.mulf %mul3A_260, %sub3A_268 : vector<16xf32>
    %bitcast3A_270 = vector.bitcast %scan3A_131#4 : vector<16xf32> to vector<16xi32>
    %shift_right_arithmetic3A_271 = arith.constant 1 : i32
    %shift_right_arithmetic3A_272 = vector.broadcast %shift_right_arithmetic3A_271 : i32 to vector<16xi32>
    %shift_right_arithmetic3A_273 = arith.shrsi %bitcast3A_270, %shift_right_arithmetic3A_272 : vector<16xi32>
    %sub3A_274 = arith.constant 1597463007 : i32
    %sub3A_275 = vector.broadcast %sub3A_274 : i32 to vector<16xi32>
    %sub3A_276 = arith.subi %sub3A_275, %shift_right_arithmetic3A_273 : vector<16xi32>
    %bitcast3A_277 = vector.bitcast %sub3A_276 : vector<16xi32> to vector<16xf32>
    %mul3A_278 = arith.constant 5.000000e-01 : f32
    %mul3A_279 = vector.broadcast %mul3A_278 : f32 to vector<16xf32>
    %mul3A_280 = arith.mulf %mul3A_279, %scan3A_131#4 : vector<16xf32>
    %mul3A_281 = arith.mulf %mul3A_280, %bitcast3A_277 : vector<16xf32>
    %mul3A_282 = arith.mulf %mul3A_281, %bitcast3A_277 : vector<16xf32>
    %sub3A_283 = arith.constant 1.500000e+00 : f32
    %sub3A_284 = vector.broadcast %sub3A_283 : f32 to vector<16xf32>
    %sub3A_285 = arith.subf %sub3A_284, %mul3A_282 : vector<16xf32>
    %mul3A_286 = arith.mulf %bitcast3A_277, %sub3A_285 : vector<16xf32>
    %mul3A_287 = arith.constant 5.000000e-01 : f32
    %mul3A_288 = vector.broadcast %mul3A_287 : f32 to vector<16xf32>
    %mul3A_289 = arith.mulf %mul3A_288, %scan3A_131#4 : vector<16xf32>
    %mul3A_290 = arith.mulf %mul3A_289, %mul3A_286 : vector<16xf32>
    %mul3A_291 = arith.mulf %mul3A_290, %mul3A_286 : vector<16xf32>
    %sub3A_292 = arith.constant 1.500000e+00 : f32
    %sub3A_293 = vector.broadcast %sub3A_292 : f32 to vector<16xf32>
    %sub3A_294 = arith.subf %sub3A_293, %mul3A_291 : vector<16xf32>
    %mul3A_295 = arith.mulf %mul3A_286, %sub3A_294 : vector<16xf32>
    %mul3A_296 = arith.constant 5.000000e-01 : f32
    %mul3A_297 = vector.broadcast %mul3A_296 : f32 to vector<16xf32>
    %mul3A_298 = arith.mulf %mul3A_297, %scan3A_131#4 : vector<16xf32>
    %mul3A_299 = arith.mulf %mul3A_298, %mul3A_295 : vector<16xf32>
    %mul3A_300 = arith.mulf %mul3A_299, %mul3A_295 : vector<16xf32>
    %sub3A_301 = arith.constant 1.500000e+00 : f32
    %sub3A_302 = vector.broadcast %sub3A_301 : f32 to vector<16xf32>
    %sub3A_303 = arith.subf %sub3A_302, %mul3A_300 : vector<16xf32>
    %mul3A_304 = arith.mulf %mul3A_295, %sub3A_303 : vector<16xf32>
    %bitcast3A_305 = vector.bitcast %scan3A_131#5 : vector<16xf32> to vector<16xi32>
    %shift_right_arithmetic3A_306 = arith.constant 1 : i32
    %shift_right_arithmetic3A_307 = vector.broadcast %shift_right_arithmetic3A_306 : i32 to vector<16xi32>
    %shift_right_arithmetic3A_308 = arith.shrsi %bitcast3A_305, %shift_right_arithmetic3A_307 : vector<16xi32>
    %sub3A_309 = arith.constant 1597463007 : i32
    %sub3A_310 = vector.broadcast %sub3A_309 : i32 to vector<16xi32>
    %sub3A_311 = arith.subi %sub3A_310, %shift_right_arithmetic3A_308 : vector<16xi32>
    %bitcast3A_312 = vector.bitcast %sub3A_311 : vector<16xi32> to vector<16xf32>
    %mul3A_313 = arith.constant 5.000000e-01 : f32
    %mul3A_314 = vector.broadcast %mul3A_313 : f32 to vector<16xf32>
    %mul3A_315 = arith.mulf %mul3A_314, %scan3A_131#5 : vector<16xf32>
    %mul3A_316 = arith.mulf %mul3A_315, %bitcast3A_312 : vector<16xf32>
    %mul3A_317 = arith.mulf %mul3A_316, %bitcast3A_312 : vector<16xf32>
    %sub3A_318 = arith.constant 1.500000e+00 : f32
    %sub3A_319 = vector.broadcast %sub3A_318 : f32 to vector<16xf32>
    %sub3A_320 = arith.subf %sub3A_319, %mul3A_317 : vector<16xf32>
    %mul3A_321 = arith.mulf %bitcast3A_312, %sub3A_320 : vector<16xf32>
    %mul3A_322 = arith.constant 5.000000e-01 : f32
    %mul3A_323 = vector.broadcast %mul3A_322 : f32 to vector<16xf32>
    %mul3A_324 = arith.mulf %mul3A_323, %scan3A_131#5 : vector<16xf32>
    %mul3A_325 = arith.mulf %mul3A_324, %mul3A_321 : vector<16xf32>
    %mul3A_326 = arith.mulf %mul3A_325, %mul3A_321 : vector<16xf32>
    %sub3A_327 = arith.constant 1.500000e+00 : f32
    %sub3A_328 = vector.broadcast %sub3A_327 : f32 to vector<16xf32>
    %sub3A_329 = arith.subf %sub3A_328, %mul3A_326 : vector<16xf32>
    %mul3A_330 = arith.mulf %mul3A_321, %sub3A_329 : vector<16xf32>
    %mul3A_331 = arith.constant 5.000000e-01 : f32
    %mul3A_332 = vector.broadcast %mul3A_331 : f32 to vector<16xf32>
    %mul3A_333 = arith.mulf %mul3A_332, %scan3A_131#5 : vector<16xf32>
    %mul3A_334 = arith.mulf %mul3A_333, %mul3A_330 : vector<16xf32>
    %mul3A_335 = arith.mulf %mul3A_334, %mul3A_330 : vector<16xf32>
    %sub3A_336 = arith.constant 1.500000e+00 : f32
    %sub3A_337 = vector.broadcast %sub3A_336 : f32 to vector<16xf32>
    %sub3A_338 = arith.subf %sub3A_337, %mul3A_335 : vector<16xf32>
    %mul3A_339 = arith.mulf %mul3A_330, %sub3A_338 : vector<16xf32>
    %bitcast3A_340 = vector.bitcast %scan3A_131#6 : vector<16xf32> to vector<16xi32>
    %shift_right_arithmetic3A_341 = arith.constant 1 : i32
    %shift_right_arithmetic3A_342 = vector.broadcast %shift_right_arithmetic3A_341 : i32 to vector<16xi32>
    %shift_right_arithmetic3A_343 = arith.shrsi %bitcast3A_340, %shift_right_arithmetic3A_342 : vector<16xi32>
    %sub3A_344 = arith.constant 1597463007 : i32
    %sub3A_345 = vector.broadcast %sub3A_344 : i32 to vector<16xi32>
    %sub3A_346 = arith.subi %sub3A_345, %shift_right_arithmetic3A_343 : vector<16xi32>
    %bitcast3A_347 = vector.bitcast %sub3A_346 : vector<16xi32> to vector<16xf32>
    %mul3A_348 = arith.constant 5.000000e-01 : f32
    %mul3A_349 = vector.broadcast %mul3A_348 : f32 to vector<16xf32>
    %mul3A_350 = arith.mulf %mul3A_349, %scan3A_131#6 : vector<16xf32>
    %mul3A_351 = arith.mulf %mul3A_350, %bitcast3A_347 : vector<16xf32>
    %mul3A_352 = arith.mulf %mul3A_351, %bitcast3A_347 : vector<16xf32>
    %sub3A_353 = arith.constant 1.500000e+00 : f32
    %sub3A_354 = vector.broadcast %sub3A_353 : f32 to vector<16xf32>
    %sub3A_355 = arith.subf %sub3A_354, %mul3A_352 : vector<16xf32>
    %mul3A_356 = arith.mulf %bitcast3A_347, %sub3A_355 : vector<16xf32>
    %mul3A_357 = arith.constant 5.000000e-01 : f32
    %mul3A_358 = vector.broadcast %mul3A_357 : f32 to vector<16xf32>
    %mul3A_359 = arith.mulf %mul3A_358, %scan3A_131#6 : vector<16xf32>
    %mul3A_360 = arith.mulf %mul3A_359, %mul3A_356 : vector<16xf32>
    %mul3A_361 = arith.mulf %mul3A_360, %mul3A_356 : vector<16xf32>
    %sub3A_362 = arith.constant 1.500000e+00 : f32
    %sub3A_363 = vector.broadcast %sub3A_362 : f32 to vector<16xf32>
    %sub3A_364 = arith.subf %sub3A_363, %mul3A_361 : vector<16xf32>
    %mul3A_365 = arith.mulf %mul3A_356, %sub3A_364 : vector<16xf32>
    %mul3A_366 = arith.constant 5.000000e-01 : f32
    %mul3A_367 = vector.broadcast %mul3A_366 : f32 to vector<16xf32>
    %mul3A_368 = arith.mulf %mul3A_367, %scan3A_131#6 : vector<16xf32>
    %mul3A_369 = arith.mulf %mul3A_368, %mul3A_365 : vector<16xf32>
    %mul3A_370 = arith.mulf %mul3A_369, %mul3A_365 : vector<16xf32>
    %sub3A_371 = arith.constant 1.500000e+00 : f32
    %sub3A_372 = vector.broadcast %sub3A_371 : f32 to vector<16xf32>
    %sub3A_373 = arith.subf %sub3A_372, %mul3A_370 : vector<16xf32>
    %mul3A_374 = arith.mulf %mul3A_365, %sub3A_373 : vector<16xf32>
    %bitcast3A_375 = vector.bitcast %scan3A_131#7 : vector<16xf32> to vector<16xi32>
    %shift_right_arithmetic3A_376 = arith.constant 1 : i32
    %shift_right_arithmetic3A_377 = vector.broadcast %shift_right_arithmetic3A_376 : i32 to vector<16xi32>
    %shift_right_arithmetic3A_378 = arith.shrsi %bitcast3A_375, %shift_right_arithmetic3A_377 : vector<16xi32>
    %sub3A_379 = arith.constant 1597463007 : i32
    %sub3A_380 = vector.broadcast %sub3A_379 : i32 to vector<16xi32>
    %sub3A_381 = arith.subi %sub3A_380, %shift_right_arithmetic3A_378 : vector<16xi32>
    %bitcast3A_382 = vector.bitcast %sub3A_381 : vector<16xi32> to vector<16xf32>
    %mul3A_383 = arith.constant 5.000000e-01 : f32
    %mul3A_384 = vector.broadcast %mul3A_383 : f32 to vector<16xf32>
    %mul3A_385 = arith.mulf %mul3A_384, %scan3A_131#7 : vector<16xf32>
    %mul3A_386 = arith.mulf %mul3A_385, %bitcast3A_382 : vector<16xf32>
    %mul3A_387 = arith.mulf %mul3A_386, %bitcast3A_382 : vector<16xf32>
    %sub3A_388 = arith.constant 1.500000e+00 : f32
    %sub3A_389 = vector.broadcast %sub3A_388 : f32 to vector<16xf32>
    %sub3A_390 = arith.subf %sub3A_389, %mul3A_387 : vector<16xf32>
    %mul3A_391 = arith.mulf %bitcast3A_382, %sub3A_390 : vector<16xf32>
    %mul3A_392 = arith.constant 5.000000e-01 : f32
    %mul3A_393 = vector.broadcast %mul3A_392 : f32 to vector<16xf32>
    %mul3A_394 = arith.mulf %mul3A_393, %scan3A_131#7 : vector<16xf32>
    %mul3A_395 = arith.mulf %mul3A_394, %mul3A_391 : vector<16xf32>
    %mul3A_396 = arith.mulf %mul3A_395, %mul3A_391 : vector<16xf32>
    %sub3A_397 = arith.constant 1.500000e+00 : f32
    %sub3A_398 = vector.broadcast %sub3A_397 : f32 to vector<16xf32>
    %sub3A_399 = arith.subf %sub3A_398, %mul3A_396 : vector<16xf32>
    %mul3A_400 = arith.mulf %mul3A_391, %sub3A_399 : vector<16xf32>
    %mul3A_401 = arith.constant 5.000000e-01 : f32
    %mul3A_402 = vector.broadcast %mul3A_401 : f32 to vector<16xf32>
    %mul3A_403 = arith.mulf %mul3A_402, %scan3A_131#7 : vector<16xf32>
    %mul3A_404 = arith.mulf %mul3A_403, %mul3A_400 : vector<16xf32>
    %mul3A_405 = arith.mulf %mul3A_404, %mul3A_400 : vector<16xf32>
    %sub3A_406 = arith.constant 1.500000e+00 : f32
    %sub3A_407 = vector.broadcast %sub3A_406 : f32 to vector<16xf32>
    %sub3A_408 = arith.subf %sub3A_407, %mul3A_405 : vector<16xf32>
    %mul3A_409 = arith.mulf %mul3A_400, %sub3A_408 : vector<16xf32>
    %scan3A_410 = arith.constant 0 : i32
    %scan3A_411 = arith.constant 0 : i32
    %scan3A_412 = arith.constant 40 : i32
    %scan3A_413 = arith.addi %scan3A_411, %scan3A_412 : i32
    %scan3A_414 = arith.constant 1 : i32
    scf.for %scan3A_540 = %scan3A_411 to %scan3A_413 step %scan3A_414  : i32 {
      %get3A = arith.index_cast %scan3A_540 : i32 to index
      %get3A_541 = arith.constant 0 : index
      %get3A_542 = tpu.vector_load %arg6[%get3A, %get3A_541] {strides = array<i32>} : memref<200x128xf32, #tpu.memory_space<vmem>>, vector<16xf32>,
      %mul3A_543 = arith.mulf %get3A_542, %mul3A_164 : vector<16xf32>
      %swap3A = arith.index_cast %scan3A_540 : i32 to index
      %swap3A_544 = arith.constant 0 : index
      %swap3A_545 = tpu.vector_load %arg6[%swap3A, %swap3A_544] {strides = array<i32>} : memref<200x128xf32, #tpu.memory_space<vmem>>, vector<16xf32>,
      tpu.vector_store %arg6[%swap3A, %swap3A_544], %mul3A_543 {strides = array<i32>} : memref<200x128xf32, #tpu.memory_space<vmem>>, vector<16xf32>,
      %get3A_546 = arith.index_cast %scan3A_540 : i32 to index
      %get3A_547 = arith.constant 16 : index
      %get3A_548 = tpu.vector_load %arg6[%get3A_546, %get3A_547] {strides = array<i32>} : memref<200x128xf32, #tpu.memory_space<vmem>>, vector<16xf32>,
      %mul3A_549 = arith.mulf %get3A_548, %mul3A_199 : vector<16xf32>
      %swap3A_550 = arith.index_cast %scan3A_540 : i32 to index
      %swap3A_551 = arith.constant 16 : index
      %swap3A_552 = tpu.vector_load %arg6[%swap3A_550, %swap3A_551] {strides = array<i32>} : memref<200x128xf32, #tpu.memory_space<vmem>>, vector<16xf32>,
      tpu.vector_store %arg6[%swap3A_550, %swap3A_551], %mul3A_549 {strides = array<i32>} : memref<200x128xf32, #tpu.memory_space<vmem>>, vector<16xf32>,
      %get3A_553 = arith.index_cast %scan3A_540 : i32 to index
      %get3A_554 = arith.constant 32 : index
      %get3A_555 = tpu.vector_load %arg6[%get3A_553, %get3A_554] {strides = array<i32>} : memref<200x128xf32, #tpu.memory_space<vmem>>, vector<16xf32>,
      %mul3A_556 = arith.mulf %get3A_555, %mul3A_234 : vector<16xf32>
      %swap3A_557 = arith.index_cast %scan3A_540 : i32 to index
      %swap3A_558 = arith.constant 32 : index
      %swap3A_559 = tpu.vector_load %arg6[%swap3A_557, %swap3A_558] {strides = array<i32>} : memref<200x128xf32, #tpu.memory_space<vmem>>, vector<16xf32>,
      tpu.vector_store %arg6[%swap3A_557, %swap3A_558], %mul3A_556 {strides = array<i32>} : memref<200x128xf32, #tpu.memory_space<vmem>>, vector<16xf32>,
      %get3A_560 = arith.index_cast %scan3A_540 : i32 to index
      %get3A_561 = arith.constant 48 : index
      %get3A_562 = tpu.vector_load %arg6[%get3A_560, %get3A_561] {strides = array<i32>} : memref<200x128xf32, #tpu.memory_space<vmem>>, vector<16xf32>,
      %mul3A_563 = arith.mulf %get3A_562, %mul3A_269 : vector<16xf32>
      %swap3A_564 = arith.index_cast %scan3A_540 : i32 to index
      %swap3A_565 = arith.constant 48 : index
      %swap3A_566 = tpu.vector_load %arg6[%swap3A_564, %swap3A_565] {strides = array<i32>} : memref<200x128xf32, #tpu.memory_space<vmem>>, vector<16xf32>,
      tpu.vector_store %arg6[%swap3A_564, %swap3A_565], %mul3A_563 {strides = array<i32>} : memref<200x128xf32, #tpu.memory_space<vmem>>, vector<16xf32>,
      %get3A_567 = arith.index_cast %scan3A_540 : i32 to index
      %get3A_568 = arith.constant 64 : index
      %get3A_569 = tpu.vector_load %arg6[%get3A_567, %get3A_568] {strides = array<i32>} : memref<200x128xf32, #tpu.memory_space<vmem>>, vector<16xf32>,
      %mul3A_570 = arith.mulf %get3A_569, %mul3A_304 : vector<16xf32>
      %swap3A_571 = arith.index_cast %scan3A_540 : i32 to index
      %swap3A_572 = arith.constant 64 : index
      %swap3A_573 = tpu.vector_load %arg6[%swap3A_571, %swap3A_572] {strides = array<i32>} : memref<200x128xf32, #tpu.memory_space<vmem>>, vector<16xf32>,
      tpu.vector_store %arg6[%swap3A_571, %swap3A_572], %mul3A_570 {strides = array<i32>} : memref<200x128xf32, #tpu.memory_space<vmem>>, vector<16xf32>,
      %get3A_574 = arith.index_cast %scan3A_540 : i32 to index
      %get3A_575 = arith.constant 80 : index
      %get3A_576 = tpu.vector_load %arg6[%get3A_574, %get3A_575] {strides = array<i32>} : memref<200x128xf32, #tpu.memory_space<vmem>>, vector<16xf32>,
      %mul3A_577 = arith.mulf %get3A_576, %mul3A_339 : vector<16xf32>
      %swap3A_578 = arith.index_cast %scan3A_540 : i32 to index
      %swap3A_579 = arith.constant 80 : index
      %swap3A_580 = tpu.vector_load %arg6[%swap3A_578, %swap3A_579] {strides = array<i32>} : memref<200x128xf32, #tpu.memory_space<vmem>>, vector<16xf32>,
      tpu.vector_store %arg6[%swap3A_578, %swap3A_579], %mul3A_577 {strides = array<i32>} : memref<200x128xf32, #tpu.memory_space<vmem>>, vector<16xf32>,
      %get3A_581 = arith.index_cast %scan3A_540 : i32 to index
      %get3A_582 = arith.constant 96 : index
      %get3A_583 = tpu.vector_load %arg6[%get3A_581, %get3A_582] {strides = array<i32>} : memref<200x128xf32, #tpu.memory_space<vmem>>, vector<16xf32>,
      %mul3A_584 = arith.mulf %get3A_583, %mul3A_374 : vector<16xf32>
      %swap3A_585 = arith.index_cast %scan3A_540 : i32 to index
      %swap3A_586 = arith.constant 96 : index
      %swap3A_587 = tpu.vector_load %arg6[%swap3A_585, %swap3A_586] {strides = array<i32>} : memref<200x128xf32, #tpu.memory_space<vmem>>, vector<16xf32>,
      tpu.vector_store %arg6[%swap3A_585, %swap3A_586], %mul3A_584 {strides = array<i32>} : memref<200x128xf32, #tpu.memory_space<vmem>>, vector<16xf32>,
      %get3A_588 = arith.index_cast %scan3A_540 : i32 to index
      %get3A_589 = arith.constant 112 : index
      %get3A_590 = tpu.vector_load %arg6[%get3A_588, %get3A_589] {strides = array<i32>} : memref<200x128xf32, #tpu.memory_space<vmem>>, vector<16xf32>,
      %mul3A_591 = arith.mulf %get3A_590, %mul3A_409 : vector<16xf32>
      %swap3A_592 = arith.index_cast %scan3A_540 : i32 to index
      %swap3A_593 = arith.constant 112 : index
      %swap3A_594 = tpu.vector_load %arg6[%swap3A_592, %swap3A_593] {strides = array<i32>} : memref<200x128xf32, #tpu.memory_space<vmem>>, vector<16xf32>,
      tpu.vector_store %arg6[%swap3A_592, %swap3A_593], %mul3A_591 {strides = array<i32>} : memref<200x128xf32, #tpu.memory_space<vmem>>, vector<16xf32>,
    }
    %scan3A_415 = arith.constant 40 : i32
    %dma_start3A_416 = arith.constant 0 : i32
    %dma_start3A_417 = arith.constant 0 : i32
    %dma_start3A_418 = tpu.memref_slice %arg6[%dma_start3A_416, %dma_start3A_417] : memref<200x128xf32, #tpu.memory_space<vmem>> -> memref<40x128xf32, #tpu.memory_space<vmem>>
    %dma_start3A_419 = arith.constant 0 : i32
    %dma_start3A_420 = tpu.memref_slice %arg3[%dma_start3A_419, %mul3A_2] : memref<200x4096xf32, #tpu.memory_space<hbm>> -> memref<40x128xf32, #tpu.memory_space<hbm>>
    %dma_start3A_421 = arith.constant 0 : i32
    %dma_start3A_422 = tpu.memref_slice %arg3[%dma_start3A_421, %mul3A_2] : memref<200x4096xf32, #tpu.memory_space<hbm>> -> memref<40x128xf32, #tpu.memory_space<hbm>>
    %dma_start3A_423 = arith.constant 0 : i32
    %dma_start3A_424 = arith.constant 0 : i32
    %dma_start3A_425 = tpu.memref_slice %arg6[%dma_start3A_423, %dma_start3A_424] : memref<200x128xf32, #tpu.memory_space<vmem>> -> memref<40x128xf32, #tpu.memory_space<vmem>>
    tpu.enqueue_dma source(%dma_start3A_425 : memref<40x128xf32, #tpu.memory_space<vmem>>) target(%dma_start3A_422 : memref<40x128xf32, #tpu.memory_space<hbm>>) target_semaphore(%arg9 : memref<!tpu.dma_semaphore, #tpu.memory_space<semaphore_mem>>)
    %scan3A_426 = arith.constant 0 : i32
    %scan3A_427 = arith.constant 40 : i32
    %scan3A_428 = arith.constant 40 : i32
    %scan3A_429 = arith.addi %scan3A_427, %scan3A_428 : i32
    %scan3A_430 = arith.constant 1 : i32
    scf.for %scan3A_540 = %scan3A_427 to %scan3A_429 step %scan3A_430  : i32 {
      %get3A = arith.index_cast %scan3A_540 : i32 to index
      %get3A_541 = arith.constant 0 : index
      %get3A_542 = tpu.vector_load %arg6[%get3A, %get3A_541] {strides = array<i32>} : memref<200x128xf32, #tpu.memory_space<vmem>>, vector<16xf32>,
      %mul3A_543 = arith.mulf %get3A_542, %mul3A_164 : vector<16xf32>
      %swap3A = arith.index_cast %scan3A_540 : i32 to index
      %swap3A_544 = arith.constant 0 : index
      %swap3A_545 = tpu.vector_load %arg6[%swap3A, %swap3A_544] {strides = array<i32>} : memref<200x128xf32, #tpu.memory_space<vmem>>, vector<16xf32>,
      tpu.vector_store %arg6[%swap3A, %swap3A_544], %mul3A_543 {strides = array<i32>} : memref<200x128xf32, #tpu.memory_space<vmem>>, vector<16xf32>,
      %get3A_546 = arith.index_cast %scan3A_540 : i32 to index
      %get3A_547 = arith.constant 16 : index
      %get3A_548 = tpu.vector_load %arg6[%get3A_546, %get3A_547] {strides = array<i32>} : memref<200x128xf32, #tpu.memory_space<vmem>>, vector<16xf32>,
      %mul3A_549 = arith.mulf %get3A_548, %mul3A_199 : vector<16xf32>
      %swap3A_550 = arith.index_cast %scan3A_540 : i32 to index
      %swap3A_551 = arith.constant 16 : index
      %swap3A_552 = tpu.vector_load %arg6[%swap3A_550, %swap3A_551] {strides = array<i32>} : memref<200x128xf32, #tpu.memory_space<vmem>>, vector<16xf32>,
      tpu.vector_store %arg6[%swap3A_550, %swap3A_551], %mul3A_549 {strides = array<i32>} : memref<200x128xf32, #tpu.memory_space<vmem>>, vector<16xf32>,
      %get3A_553 = arith.index_cast %scan3A_540 : i32 to index
      %get3A_554 = arith.constant 32 : index
      %get3A_555 = tpu.vector_load %arg6[%get3A_553, %get3A_554] {strides = array<i32>} : memref<200x128xf32, #tpu.memory_space<vmem>>, vector<16xf32>,
      %mul3A_556 = arith.mulf %get3A_555, %mul3A_234 : vector<16xf32>
      %swap3A_557 = arith.index_cast %scan3A_540 : i32 to index
      %swap3A_558 = arith.constant 32 : index
      %swap3A_559 = tpu.vector_load %arg6[%swap3A_557, %swap3A_558] {strides = array<i32>} : memref<200x128xf32, #tpu.memory_space<vmem>>, vector<16xf32>,
      tpu.vector_store %arg6[%swap3A_557, %swap3A_558], %mul3A_556 {strides = array<i32>} : memref<200x128xf32, #tpu.memory_space<vmem>>, vector<16xf32>,
      %get3A_560 = arith.index_cast %scan3A_540 : i32 to index
      %get3A_561 = arith.constant 48 : index
      %get3A_562 = tpu.vector_load %arg6[%get3A_560, %get3A_561] {strides = array<i32>} : memref<200x128xf32, #tpu.memory_space<vmem>>, vector<16xf32>,
      %mul3A_563 = arith.mulf %get3A_562, %mul3A_269 : vector<16xf32>
      %swap3A_564 = arith.index_cast %scan3A_540 : i32 to index
      %swap3A_565 = arith.constant 48 : index
      %swap3A_566 = tpu.vector_load %arg6[%swap3A_564, %swap3A_565] {strides = array<i32>} : memref<200x128xf32, #tpu.memory_space<vmem>>, vector<16xf32>,
      tpu.vector_store %arg6[%swap3A_564, %swap3A_565], %mul3A_563 {strides = array<i32>} : memref<200x128xf32, #tpu.memory_space<vmem>>, vector<16xf32>,
      %get3A_567 = arith.index_cast %scan3A_540 : i32 to index
      %get3A_568 = arith.constant 64 : index
      %get3A_569 = tpu.vector_load %arg6[%get3A_567, %get3A_568] {strides = array<i32>} : memref<200x128xf32, #tpu.memory_space<vmem>>, vector<16xf32>,
      %mul3A_570 = arith.mulf %get3A_569, %mul3A_304 : vector<16xf32>
      %swap3A_571 = arith.index_cast %scan3A_540 : i32 to index
      %swap3A_572 = arith.constant 64 : index
      %swap3A_573 = tpu.vector_load %arg6[%swap3A_571, %swap3A_572] {strides = array<i32>} : memref<200x128xf32, #tpu.memory_space<vmem>>, vector<16xf32>,
      tpu.vector_store %arg6[%swap3A_571, %swap3A_572], %mul3A_570 {strides = array<i32>} : memref<200x128xf32, #tpu.memory_space<vmem>>, vector<16xf32>,
      %get3A_574 = arith.index_cast %scan3A_540 : i32 to index
      %get3A_575 = arith.constant 80 : index
      %get3A_576 = tpu.vector_load %arg6[%get3A_574, %get3A_575] {strides = array<i32>} : memref<200x128xf32, #tpu.memory_space<vmem>>, vector<16xf32>,
      %mul3A_577 = arith.mulf %get3A_576, %mul3A_339 : vector<16xf32>
      %swap3A_578 = arith.index_cast %scan3A_540 : i32 to index
      %swap3A_579 = arith.constant 80 : index
      %swap3A_580 = tpu.vector_load %arg6[%swap3A_578, %swap3A_579] {strides = array<i32>} : memref<200x128xf32, #tpu.memory_space<vmem>>, vector<16xf32>,
      tpu.vector_store %arg6[%swap3A_578, %swap3A_579], %mul3A_577 {strides = array<i32>} : memref<200x128xf32, #tpu.memory_space<vmem>>, vector<16xf32>,
      %get3A_581 = arith.index_cast %scan3A_540 : i32 to index
      %get3A_582 = arith.constant 96 : index
      %get3A_583 = tpu.vector_load %arg6[%get3A_581, %get3A_582] {strides = array<i32>} : memref<200x128xf32, #tpu.memory_space<vmem>>, vector<16xf32>,
      %mul3A_584 = arith.mulf %get3A_583, %mul3A_374 : vector<16xf32>
      %swap3A_585 = arith.index_cast %scan3A_540 : i32 to index
      %swap3A_586 = arith.constant 96 : index
      %swap3A_587 = tpu.vector_load %arg6[%swap3A_585, %swap3A_586] {strides = array<i32>} : memref<200x128xf32, #tpu.memory_space<vmem>>, vector<16xf32>,
      tpu.vector_store %arg6[%swap3A_585, %swap3A_586], %mul3A_584 {strides = array<i32>} : memref<200x128xf32, #tpu.memory_space<vmem>>, vector<16xf32>,
      %get3A_588 = arith.index_cast %scan3A_540 : i32 to index
      %get3A_589 = arith.constant 112 : index
      %get3A_590 = tpu.vector_load %arg6[%get3A_588, %get3A_589] {strides = array<i32>} : memref<200x128xf32, #tpu.memory_space<vmem>>, vector<16xf32>,
      %mul3A_591 = arith.mulf %get3A_590, %mul3A_409 : vector<16xf32>
      %swap3A_592 = arith.index_cast %scan3A_540 : i32 to index
      %swap3A_593 = arith.constant 112 : index
      %swap3A_594 = tpu.vector_load %arg6[%swap3A_592, %swap3A_593] {strides = array<i32>} : memref<200x128xf32, #tpu.memory_space<vmem>>, vector<16xf32>,
      tpu.vector_store %arg6[%swap3A_592, %swap3A_593], %mul3A_591 {strides = array<i32>} : memref<200x128xf32, #tpu.memory_space<vmem>>, vector<16xf32>,
    }
    %scan3A_431 = arith.constant 40 : i32
    %dma_start3A_432 = arith.constant 40 : i32
    %dma_start3A_433 = arith.constant 0 : i32
    %dma_start3A_434 = tpu.memref_slice %arg6[%dma_start3A_432, %dma_start3A_433] : memref<200x128xf32, #tpu.memory_space<vmem>> -> memref<40x128xf32, #tpu.memory_space<vmem>>
    %dma_start3A_435 = arith.constant 40 : i32
    %dma_start3A_436 = tpu.memref_slice %arg3[%dma_start3A_435, %mul3A_2] : memref<200x4096xf32, #tpu.memory_space<hbm>> -> memref<40x128xf32, #tpu.memory_space<hbm>>
    %dma_start3A_437 = arith.constant 40 : i32
    %dma_start3A_438 = tpu.memref_slice %arg3[%dma_start3A_437, %mul3A_2] : memref<200x4096xf32, #tpu.memory_space<hbm>> -> memref<40x128xf32, #tpu.memory_space<hbm>>
    %dma_start3A_439 = arith.constant 40 : i32
    %dma_start3A_440 = arith.constant 0 : i32
    %dma_start3A_441 = tpu.memref_slice %arg6[%dma_start3A_439, %dma_start3A_440] : memref<200x128xf32, #tpu.memory_space<vmem>> -> memref<40x128xf32, #tpu.memory_space<vmem>>
    tpu.enqueue_dma source(%dma_start3A_441 : memref<40x128xf32, #tpu.memory_space<vmem>>) target(%dma_start3A_438 : memref<40x128xf32, #tpu.memory_space<hbm>>) target_semaphore(%arg10 : memref<!tpu.dma_semaphore, #tpu.memory_space<semaphore_mem>>)
    %scan3A_442 = arith.constant 0 : i32
    %scan3A_443 = arith.constant 80 : i32
    %scan3A_444 = arith.constant 40 : i32
    %scan3A_445 = arith.addi %scan3A_443, %scan3A_444 : i32
    %scan3A_446 = arith.constant 1 : i32
    scf.for %scan3A_540 = %scan3A_443 to %scan3A_445 step %scan3A_446  : i32 {
      %get3A = arith.index_cast %scan3A_540 : i32 to index
      %get3A_541 = arith.constant 0 : index
      %get3A_542 = tpu.vector_load %arg6[%get3A, %get3A_541] {strides = array<i32>} : memref<200x128xf32, #tpu.memory_space<vmem>>, vector<16xf32>,
      %mul3A_543 = arith.mulf %get3A_542, %mul3A_164 : vector<16xf32>
      %swap3A = arith.index_cast %scan3A_540 : i32 to index
      %swap3A_544 = arith.constant 0 : index
      %swap3A_545 = tpu.vector_load %arg6[%swap3A, %swap3A_544] {strides = array<i32>} : memref<200x128xf32, #tpu.memory_space<vmem>>, vector<16xf32>,
      tpu.vector_store %arg6[%swap3A, %swap3A_544], %mul3A_543 {strides = array<i32>} : memref<200x128xf32, #tpu.memory_space<vmem>>, vector<16xf32>,
      %get3A_546 = arith.index_cast %scan3A_540 : i32 to index
      %get3A_547 = arith.constant 16 : index
      %get3A_548 = tpu.vector_load %arg6[%get3A_546, %get3A_547] {strides = array<i32>} : memref<200x128xf32, #tpu.memory_space<vmem>>, vector<16xf32>,
      %mul3A_549 = arith.mulf %get3A_548, %mul3A_199 : vector<16xf32>
      %swap3A_550 = arith.index_cast %scan3A_540 : i32 to index
      %swap3A_551 = arith.constant 16 : index
      %swap3A_552 = tpu.vector_load %arg6[%swap3A_550, %swap3A_551] {strides = array<i32>} : memref<200x128xf32, #tpu.memory_space<vmem>>, vector<16xf32>,
      tpu.vector_store %arg6[%swap3A_550, %swap3A_551], %mul3A_549 {strides = array<i32>} : memref<200x128xf32, #tpu.memory_space<vmem>>, vector<16xf32>,
      %get3A_553 = arith.index_cast %scan3A_540 : i32 to index
      %get3A_554 = arith.constant 32 : index
      %get3A_555 = tpu.vector_load %arg6[%get3A_553, %get3A_554] {strides = array<i32>} : memref<200x128xf32, #tpu.memory_space<vmem>>, vector<16xf32>,
      %mul3A_556 = arith.mulf %get3A_555, %mul3A_234 : vector<16xf32>
      %swap3A_557 = arith.index_cast %scan3A_540 : i32 to index
      %swap3A_558 = arith.constant 32 : index
      %swap3A_559 = tpu.vector_load %arg6[%swap3A_557, %swap3A_558] {strides = array<i32>} : memref<200x128xf32, #tpu.memory_space<vmem>>, vector<16xf32>,
      tpu.vector_store %arg6[%swap3A_557, %swap3A_558], %mul3A_556 {strides = array<i32>} : memref<200x128xf32, #tpu.memory_space<vmem>>, vector<16xf32>,
      %get3A_560 = arith.index_cast %scan3A_540 : i32 to index
      %get3A_561 = arith.constant 48 : index
      %get3A_562 = tpu.vector_load %arg6[%get3A_560, %get3A_561] {strides = array<i32>} : memref<200x128xf32, #tpu.memory_space<vmem>>, vector<16xf32>,
      %mul3A_563 = arith.mulf %get3A_562, %mul3A_269 : vector<16xf32>
      %swap3A_564 = arith.index_cast %scan3A_540 : i32 to index
      %swap3A_565 = arith.constant 48 : index
      %swap3A_566 = tpu.vector_load %arg6[%swap3A_564, %swap3A_565] {strides = array<i32>} : memref<200x128xf32, #tpu.memory_space<vmem>>, vector<16xf32>,
      tpu.vector_store %arg6[%swap3A_564, %swap3A_565], %mul3A_563 {strides = array<i32>} : memref<200x128xf32, #tpu.memory_space<vmem>>, vector<16xf32>,
      %get3A_567 = arith.index_cast %scan3A_540 : i32 to index
      %get3A_568 = arith.constant 64 : index
      %get3A_569 = tpu.vector_load %arg6[%get3A_567, %get3A_568] {strides = array<i32>} : memref<200x128xf32, #tpu.memory_space<vmem>>, vector<16xf32>,
      %mul3A_570 = arith.mulf %get3A_569, %mul3A_304 : vector<16xf32>
      %swap3A_571 = arith.index_cast %scan3A_540 : i32 to index
      %swap3A_572 = arith.constant 64 : index
      %swap3A_573 = tpu.vector_load %arg6[%swap3A_571, %swap3A_572] {strides = array<i32>} : memref<200x128xf32, #tpu.memory_space<vmem>>, vector<16xf32>,
      tpu.vector_store %arg6[%swap3A_571, %swap3A_572], %mul3A_570 {strides = array<i32>} : memref<200x128xf32, #tpu.memory_space<vmem>>, vector<16xf32>,
      %get3A_574 = arith.index_cast %scan3A_540 : i32 to index
      %get3A_575 = arith.constant 80 : index
      %get3A_576 = tpu.vector_load %arg6[%get3A_574, %get3A_575] {strides = array<i32>} : memref<200x128xf32, #tpu.memory_space<vmem>>, vector<16xf32>,
      %mul3A_577 = arith.mulf %get3A_576, %mul3A_339 : vector<16xf32>
      %swap3A_578 = arith.index_cast %scan3A_540 : i32 to index
      %swap3A_579 = arith.constant 80 : index
      %swap3A_580 = tpu.vector_load %arg6[%swap3A_578, %swap3A_579] {strides = array<i32>} : memref<200x128xf32, #tpu.memory_space<vmem>>, vector<16xf32>,
      tpu.vector_store %arg6[%swap3A_578, %swap3A_579], %mul3A_577 {strides = array<i32>} : memref<200x128xf32, #tpu.memory_space<vmem>>, vector<16xf32>,
      %get3A_581 = arith.index_cast %scan3A_540 : i32 to index
      %get3A_582 = arith.constant 96 : index
      %get3A_583 = tpu.vector_load %arg6[%get3A_581, %get3A_582] {strides = array<i32>} : memref<200x128xf32, #tpu.memory_space<vmem>>, vector<16xf32>,
      %mul3A_584 = arith.mulf %get3A_583, %mul3A_374 : vector<16xf32>
      %swap3A_585 = arith.index_cast %scan3A_540 : i32 to index
      %swap3A_586 = arith.constant 96 : index
      %swap3A_587 = tpu.vector_load %arg6[%swap3A_585, %swap3A_586] {strides = array<i32>} : memref<200x128xf32, #tpu.memory_space<vmem>>, vector<16xf32>,
      tpu.vector_store %arg6[%swap3A_585, %swap3A_586], %mul3A_584 {strides = array<i32>} : memref<200x128xf32, #tpu.memory_space<vmem>>, vector<16xf32>,
      %get3A_588 = arith.index_cast %scan3A_540 : i32 to index
      %get3A_589 = arith.constant 112 : index
      %get3A_590 = tpu.vector_load %arg6[%get3A_588, %get3A_589] {strides = array<i32>} : memref<200x128xf32, #tpu.memory_space<vmem>>, vector<16xf32>,
      %mul3A_591 = arith.mulf %get3A_590, %mul3A_409 : vector<16xf32>
      %swap3A_592 = arith.index_cast %scan3A_540 : i32 to index
      %swap3A_593 = arith.constant 112 : index
      %swap3A_594 = tpu.vector_load %arg6[%swap3A_592, %swap3A_593] {strides = array<i32>} : memref<200x128xf32, #tpu.memory_space<vmem>>, vector<16xf32>,
      tpu.vector_store %arg6[%swap3A_592, %swap3A_593], %mul3A_591 {strides = array<i32>} : memref<200x128xf32, #tpu.memory_space<vmem>>, vector<16xf32>,
    }
    %scan3A_447 = arith.constant 40 : i32
    %dma_wait3A_448 = arith.constant 0 : i32
    %dma_wait3A_449 = arith.constant 0 : i32
    %dma_wait3A_450 = tpu.memref_slice %arg6[%dma_wait3A_448, %dma_wait3A_449] : memref<200x128xf32, #tpu.memory_space<vmem>> -> memref<40x128xf32, #tpu.memory_space<vmem>>
    %dma_wait3A_451 = arith.constant 0 : i32
    %dma_wait3A_452 = tpu.memref_slice %arg3[%dma_wait3A_451, %mul3A_2] : memref<200x4096xf32, #tpu.memory_space<hbm>> -> memref<40x128xf32, #tpu.memory_space<hbm>>
    %dma_wait3A_453 = arith.constant 0 : i32
    %dma_wait3A_454 = tpu.memref_slice %arg3[%dma_wait3A_453, %mul3A_2] : memref<200x4096xf32, #tpu.memory_space<hbm>> -> memref<40x128xf32, #tpu.memory_space<hbm>>
    %dma_wait3A_455 = arith.constant 0 : i32
    %dma_wait3A_456 = arith.constant 0 : i32
    %dma_wait3A_457 = tpu.memref_slice %arg6[%dma_wait3A_455, %dma_wait3A_456] : memref<200x128xf32, #tpu.memory_space<vmem>> -> memref<40x128xf32, #tpu.memory_space<vmem>>
    tpu.wait_dma2 semaphore(%arg9 : memref<!tpu.dma_semaphore, #tpu.memory_space<semaphore_mem>>) src(%dma_wait3A_457 : memref<40x128xf32, #tpu.memory_space<vmem>>) dst(%dma_wait3A_454 : memref<40x128xf32, #tpu.memory_space<hbm>>)
    %dma_start3A_458 = arith.constant 80 : i32
    %dma_start3A_459 = arith.constant 0 : i32
    %dma_start3A_460 = tpu.memref_slice %arg6[%dma_start3A_458, %dma_start3A_459] : memref<200x128xf32, #tpu.memory_space<vmem>> -> memref<40x128xf32, #tpu.memory_space<vmem>>
    %dma_start3A_461 = arith.constant 80 : i32
    %dma_start3A_462 = tpu.memref_slice %arg3[%dma_start3A_461, %mul3A_2] : memref<200x4096xf32, #tpu.memory_space<hbm>> -> memref<40x128xf32, #tpu.memory_space<hbm>>
    %dma_start3A_463 = arith.constant 80 : i32
    %dma_start3A_464 = tpu.memref_slice %arg3[%dma_start3A_463, %mul3A_2] : memref<200x4096xf32, #tpu.memory_space<hbm>> -> memref<40x128xf32, #tpu.memory_space<hbm>>
    %dma_start3A_465 = arith.constant 80 : i32
    %dma_start3A_466 = arith.constant 0 : i32
    %dma_start3A_467 = tpu.memref_slice %arg6[%dma_start3A_465, %dma_start3A_466] : memref<200x128xf32, #tpu.memory_space<vmem>> -> memref<40x128xf32, #tpu.memory_space<vmem>>
    tpu.enqueue_dma source(%dma_start3A_467 : memref<40x128xf32, #tpu.memory_space<vmem>>) target(%dma_start3A_464 : memref<40x128xf32, #tpu.memory_space<hbm>>) target_semaphore(%arg9 : memref<!tpu.dma_semaphore, #tpu.memory_space<semaphore_mem>>)
    %scan3A_468 = arith.constant 0 : i32
    %scan3A_469 = arith.constant 120 : i32
    %scan3A_470 = arith.constant 40 : i32
    %scan3A_471 = arith.addi %scan3A_469, %scan3A_470 : i32
    %scan3A_472 = arith.constant 1 : i32
    scf.for %scan3A_540 = %scan3A_469 to %scan3A_471 step %scan3A_472  : i32 {
      %get3A = arith.index_cast %scan3A_540 : i32 to index
      %get3A_541 = arith.constant 0 : index
      %get3A_542 = tpu.vector_load %arg6[%get3A, %get3A_541] {strides = array<i32>} : memref<200x128xf32, #tpu.memory_space<vmem>>, vector<16xf32>,
      %mul3A_543 = arith.mulf %get3A_542, %mul3A_164 : vector<16xf32>
      %swap3A = arith.index_cast %scan3A_540 : i32 to index
      %swap3A_544 = arith.constant 0 : index
      %swap3A_545 = tpu.vector_load %arg6[%swap3A, %swap3A_544] {strides = array<i32>} : memref<200x128xf32, #tpu.memory_space<vmem>>, vector<16xf32>,
      tpu.vector_store %arg6[%swap3A, %swap3A_544], %mul3A_543 {strides = array<i32>} : memref<200x128xf32, #tpu.memory_space<vmem>>, vector<16xf32>,
      %get3A_546 = arith.index_cast %scan3A_540 : i32 to index
      %get3A_547 = arith.constant 16 : index
      %get3A_548 = tpu.vector_load %arg6[%get3A_546, %get3A_547] {strides = array<i32>} : memref<200x128xf32, #tpu.memory_space<vmem>>, vector<16xf32>,
      %mul3A_549 = arith.mulf %get3A_548, %mul3A_199 : vector<16xf32>
      %swap3A_550 = arith.index_cast %scan3A_540 : i32 to index
      %swap3A_551 = arith.constant 16 : index
      %swap3A_552 = tpu.vector_load %arg6[%swap3A_550, %swap3A_551] {strides = array<i32>} : memref<200x128xf32, #tpu.memory_space<vmem>>, vector<16xf32>,
      tpu.vector_store %arg6[%swap3A_550, %swap3A_551], %mul3A_549 {strides = array<i32>} : memref<200x128xf32, #tpu.memory_space<vmem>>, vector<16xf32>,
      %get3A_553 = arith.index_cast %scan3A_540 : i32 to index
      %get3A_554 = arith.constant 32 : index
      %get3A_555 = tpu.vector_load %arg6[%get3A_553, %get3A_554] {strides = array<i32>} : memref<200x128xf32, #tpu.memory_space<vmem>>, vector<16xf32>,
      %mul3A_556 = arith.mulf %get3A_555, %mul3A_234 : vector<16xf32>
      %swap3A_557 = arith.index_cast %scan3A_540 : i32 to index
      %swap3A_558 = arith.constant 32 : index
      %swap3A_559 = tpu.vector_load %arg6[%swap3A_557, %swap3A_558] {strides = array<i32>} : memref<200x128xf32, #tpu.memory_space<vmem>>, vector<16xf32>,
      tpu.vector_store %arg6[%swap3A_557, %swap3A_558], %mul3A_556 {strides = array<i32>} : memref<200x128xf32, #tpu.memory_space<vmem>>, vector<16xf32>,
      %get3A_560 = arith.index_cast %scan3A_540 : i32 to index
      %get3A_561 = arith.constant 48 : index
      %get3A_562 = tpu.vector_load %arg6[%get3A_560, %get3A_561] {strides = array<i32>} : memref<200x128xf32, #tpu.memory_space<vmem>>, vector<16xf32>,
      %mul3A_563 = arith.mulf %get3A_562, %mul3A_269 : vector<16xf32>
      %swap3A_564 = arith.index_cast %scan3A_540 : i32 to index
      %swap3A_565 = arith.constant 48 : index
      %swap3A_566 = tpu.vector_load %arg6[%swap3A_564, %swap3A_565] {strides = array<i32>} : memref<200x128xf32, #tpu.memory_space<vmem>>, vector<16xf32>,
      tpu.vector_store %arg6[%swap3A_564, %swap3A_565], %mul3A_563 {strides = array<i32>} : memref<200x128xf32, #tpu.memory_space<vmem>>, vector<16xf32>,
      %get3A_567 = arith.index_cast %scan3A_540 : i32 to index
      %get3A_568 = arith.constant 64 : index
      %get3A_569 = tpu.vector_load %arg6[%get3A_567, %get3A_568] {strides = array<i32>} : memref<200x128xf32, #tpu.memory_space<vmem>>, vector<16xf32>,
      %mul3A_570 = arith.mulf %get3A_569, %mul3A_304 : vector<16xf32>
      %swap3A_571 = arith.index_cast %scan3A_540 : i32 to index
      %swap3A_572 = arith.constant 64 : index
      %swap3A_573 = tpu.vector_load %arg6[%swap3A_571, %swap3A_572] {strides = array<i32>} : memref<200x128xf32, #tpu.memory_space<vmem>>, vector<16xf32>,
      tpu.vector_store %arg6[%swap3A_571, %swap3A_572], %mul3A_570 {strides = array<i32>} : memref<200x128xf32, #tpu.memory_space<vmem>>, vector<16xf32>,
      %get3A_574 = arith.index_cast %scan3A_540 : i32 to index
      %get3A_575 = arith.constant 80 : index
      %get3A_576 = tpu.vector_load %arg6[%get3A_574, %get3A_575] {strides = array<i32>} : memref<200x128xf32, #tpu.memory_space<vmem>>, vector<16xf32>,
      %mul3A_577 = arith.mulf %get3A_576, %mul3A_339 : vector<16xf32>
      %swap3A_578 = arith.index_cast %scan3A_540 : i32 to index
      %swap3A_579 = arith.constant 80 : index
      %swap3A_580 = tpu.vector_load %arg6[%swap3A_578, %swap3A_579] {strides = array<i32>} : memref<200x128xf32, #tpu.memory_space<vmem>>, vector<16xf32>,
      tpu.vector_store %arg6[%swap3A_578, %swap3A_579], %mul3A_577 {strides = array<i32>} : memref<200x128xf32, #tpu.memory_space<vmem>>, vector<16xf32>,
      %get3A_581 = arith.index_cast %scan3A_540 : i32 to index
      %get3A_582 = arith.constant 96 : index
      %get3A_583 = tpu.vector_load %arg6[%get3A_581, %get3A_582] {strides = array<i32>} : memref<200x128xf32, #tpu.memory_space<vmem>>, vector<16xf32>,
      %mul3A_584 = arith.mulf %get3A_583, %mul3A_374 : vector<16xf32>
      %swap3A_585 = arith.index_cast %scan3A_540 : i32 to index
      %swap3A_586 = arith.constant 96 : index
      %swap3A_587 = tpu.vector_load %arg6[%swap3A_585, %swap3A_586] {strides = array<i32>} : memref<200x128xf32, #tpu.memory_space<vmem>>, vector<16xf32>,
      tpu.vector_store %arg6[%swap3A_585, %swap3A_586], %mul3A_584 {strides = array<i32>} : memref<200x128xf32, #tpu.memory_space<vmem>>, vector<16xf32>,
      %get3A_588 = arith.index_cast %scan3A_540 : i32 to index
      %get3A_589 = arith.constant 112 : index
      %get3A_590 = tpu.vector_load %arg6[%get3A_588, %get3A_589] {strides = array<i32>} : memref<200x128xf32, #tpu.memory_space<vmem>>, vector<16xf32>,
      %mul3A_591 = arith.mulf %get3A_590, %mul3A_409 : vector<16xf32>
      %swap3A_592 = arith.index_cast %scan3A_540 : i32 to index
      %swap3A_593 = arith.constant 112 : index
      %swap3A_594 = tpu.vector_load %arg6[%swap3A_592, %swap3A_593] {strides = array<i32>} : memref<200x128xf32, #tpu.memory_space<vmem>>, vector<16xf32>,
      tpu.vector_store %arg6[%swap3A_592, %swap3A_593], %mul3A_591 {strides = array<i32>} : memref<200x128xf32, #tpu.memory_space<vmem>>, vector<16xf32>,
    }
    %scan3A_473 = arith.constant 40 : i32
    %dma_wait3A_474 = arith.constant 40 : i32
    %dma_wait3A_475 = arith.constant 0 : i32
    %dma_wait3A_476 = tpu.memref_slice %arg6[%dma_wait3A_474, %dma_wait3A_475] : memref<200x128xf32, #tpu.memory_space<vmem>> -> memref<40x128xf32, #tpu.memory_space<vmem>>
    %dma_wait3A_477 = arith.constant 40 : i32
    %dma_wait3A_478 = tpu.memref_slice %arg3[%dma_wait3A_477, %mul3A_2] : memref<200x4096xf32, #tpu.memory_space<hbm>> -> memref<40x128xf32, #tpu.memory_space<hbm>>
    %dma_wait3A_479 = arith.constant 40 : i32
    %dma_wait3A_480 = tpu.memref_slice %arg3[%dma_wait3A_479, %mul3A_2] : memref<200x4096xf32, #tpu.memory_space<hbm>> -> memref<40x128xf32, #tpu.memory_space<hbm>>
    %dma_wait3A_481 = arith.constant 40 : i32
    %dma_wait3A_482 = arith.constant 0 : i32
    %dma_wait3A_483 = tpu.memref_slice %arg6[%dma_wait3A_481, %dma_wait3A_482] : memref<200x128xf32, #tpu.memory_space<vmem>> -> memref<40x128xf32, #tpu.memory_space<vmem>>
    tpu.wait_dma2 semaphore(%arg10 : memref<!tpu.dma_semaphore, #tpu.memory_space<semaphore_mem>>) src(%dma_wait3A_483 : memref<40x128xf32, #tpu.memory_space<vmem>>) dst(%dma_wait3A_480 : memref<40x128xf32, #tpu.memory_space<hbm>>)
    %dma_start3A_484 = arith.constant 120 : i32
    %dma_start3A_485 = arith.constant 0 : i32
    %dma_start3A_486 = tpu.memref_slice %arg6[%dma_start3A_484, %dma_start3A_485] : memref<200x128xf32, #tpu.memory_space<vmem>> -> memref<40x128xf32, #tpu.memory_space<vmem>>
    %dma_start3A_487 = arith.constant 120 : i32
    %dma_start3A_488 = tpu.memref_slice %arg3[%dma_start3A_487, %mul3A_2] : memref<200x4096xf32, #tpu.memory_space<hbm>> -> memref<40x128xf32, #tpu.memory_space<hbm>>
    %dma_start3A_489 = arith.constant 120 : i32
    %dma_start3A_490 = tpu.memref_slice %arg3[%dma_start3A_489, %mul3A_2] : memref<200x4096xf32, #tpu.memory_space<hbm>> -> memref<40x128xf32, #tpu.memory_space<hbm>>
    %dma_start3A_491 = arith.constant 120 : i32
    %dma_start3A_492 = arith.constant 0 : i32
    %dma_start3A_493 = tpu.memref_slice %arg6[%dma_start3A_491, %dma_start3A_492] : memref<200x128xf32, #tpu.memory_space<vmem>> -> memref<40x128xf32, #tpu.memory_space<vmem>>
    tpu.enqueue_dma source(%dma_start3A_493 : memref<40x128xf32, #tpu.memory_space<vmem>>) target(%dma_start3A_490 : memref<40x128xf32, #tpu.memory_space<hbm>>) target_semaphore(%arg10 : memref<!tpu.dma_semaphore, #tpu.memory_space<semaphore_mem>>)
    %scan3A_494 = arith.constant 0 : i32
    %scan3A_495 = arith.constant 160 : i32
    %scan3A_496 = arith.constant 40 : i32
    %scan3A_497 = arith.addi %scan3A_495, %scan3A_496 : i32
    %scan3A_498 = arith.constant 1 : i32
    scf.for %scan3A_540 = %scan3A_495 to %scan3A_497 step %scan3A_498  : i32 {
      %get3A = arith.index_cast %scan3A_540 : i32 to index
      %get3A_541 = arith.constant 0 : index
      %get3A_542 = tpu.vector_load %arg6[%get3A, %get3A_541] {strides = array<i32>} : memref<200x128xf32, #tpu.memory_space<vmem>>, vector<16xf32>,
      %mul3A_543 = arith.mulf %get3A_542, %mul3A_164 : vector<16xf32>
      %swap3A = arith.index_cast %scan3A_540 : i32 to index
      %swap3A_544 = arith.constant 0 : index
      %swap3A_545 = tpu.vector_load %arg6[%swap3A, %swap3A_544] {strides = array<i32>} : memref<200x128xf32, #tpu.memory_space<vmem>>, vector<16xf32>,
      tpu.vector_store %arg6[%swap3A, %swap3A_544], %mul3A_543 {strides = array<i32>} : memref<200x128xf32, #tpu.memory_space<vmem>>, vector<16xf32>,
      %get3A_546 = arith.index_cast %scan3A_540 : i32 to index
      %get3A_547 = arith.constant 16 : index
      %get3A_548 = tpu.vector_load %arg6[%get3A_546, %get3A_547] {strides = array<i32>} : memref<200x128xf32, #tpu.memory_space<vmem>>, vector<16xf32>,
      %mul3A_549 = arith.mulf %get3A_548, %mul3A_199 : vector<16xf32>
      %swap3A_550 = arith.index_cast %scan3A_540 : i32 to index
      %swap3A_551 = arith.constant 16 : index
      %swap3A_552 = tpu.vector_load %arg6[%swap3A_550, %swap3A_551] {strides = array<i32>} : memref<200x128xf32, #tpu.memory_space<vmem>>, vector<16xf32>,
      tpu.vector_store %arg6[%swap3A_550, %swap3A_551], %mul3A_549 {strides = array<i32>} : memref<200x128xf32, #tpu.memory_space<vmem>>, vector<16xf32>,
      %get3A_553 = arith.index_cast %scan3A_540 : i32 to index
      %get3A_554 = arith.constant 32 : index
      %get3A_555 = tpu.vector_load %arg6[%get3A_553, %get3A_554] {strides = array<i32>} : memref<200x128xf32, #tpu.memory_space<vmem>>, vector<16xf32>,
      %mul3A_556 = arith.mulf %get3A_555, %mul3A_234 : vector<16xf32>
      %swap3A_557 = arith.index_cast %scan3A_540 : i32 to index
      %swap3A_558 = arith.constant 32 : index
      %swap3A_559 = tpu.vector_load %arg6[%swap3A_557, %swap3A_558] {strides = array<i32>} : memref<200x128xf32, #tpu.memory_space<vmem>>, vector<16xf32>,
      tpu.vector_store %arg6[%swap3A_557, %swap3A_558], %mul3A_556 {strides = array<i32>} : memref<200x128xf32, #tpu.memory_space<vmem>>, vector<16xf32>,
      %get3A_560 = arith.index_cast %scan3A_540 : i32 to index
      %get3A_561 = arith.constant 48 : index
      %get3A_562 = tpu.vector_load %arg6[%get3A_560, %get3A_561] {strides = array<i32>} : memref<200x128xf32, #tpu.memory_space<vmem>>, vector<16xf32>,
      %mul3A_563 = arith.mulf %get3A_562, %mul3A_269 : vector<16xf32>
      %swap3A_564 = arith.index_cast %scan3A_540 : i32 to index
      %swap3A_565 = arith.constant 48 : index
      %swap3A_566 = tpu.vector_load %arg6[%swap3A_564, %swap3A_565] {strides = array<i32>} : memref<200x128xf32, #tpu.memory_space<vmem>>, vector<16xf32>,
      tpu.vector_store %arg6[%swap3A_564, %swap3A_565], %mul3A_563 {strides = array<i32>} : memref<200x128xf32, #tpu.memory_space<vmem>>, vector<16xf32>,
      %get3A_567 = arith.index_cast %scan3A_540 : i32 to index
      %get3A_568 = arith.constant 64 : index
      %get3A_569 = tpu.vector_load %arg6[%get3A_567, %get3A_568] {strides = array<i32>} : memref<200x128xf32, #tpu.memory_space<vmem>>, vector<16xf32>,
      %mul3A_570 = arith.mulf %get3A_569, %mul3A_304 : vector<16xf32>
      %swap3A_571 = arith.index_cast %scan3A_540 : i32 to index
      %swap3A_572 = arith.constant 64 : index
      %swap3A_573 = tpu.vector_load %arg6[%swap3A_571, %swap3A_572] {strides = array<i32>} : memref<200x128xf32, #tpu.memory_space<vmem>>, vector<16xf32>,
      tpu.vector_store %arg6[%swap3A_571, %swap3A_572], %mul3A_570 {strides = array<i32>} : memref<200x128xf32, #tpu.memory_space<vmem>>, vector<16xf32>,
      %get3A_574 = arith.index_cast %scan3A_540 : i32 to index
      %get3A_575 = arith.constant 80 : index
      %get3A_576 = tpu.vector_load %arg6[%get3A_574, %get3A_575] {strides = array<i32>} : memref<200x128xf32, #tpu.memory_space<vmem>>, vector<16xf32>,
      %mul3A_577 = arith.mulf %get3A_576, %mul3A_339 : vector<16xf32>
      %swap3A_578 = arith.index_cast %scan3A_540 : i32 to index
      %swap3A_579 = arith.constant 80 : index
      %swap3A_580 = tpu.vector_load %arg6[%swap3A_578, %swap3A_579] {strides = array<i32>} : memref<200x128xf32, #tpu.memory_space<vmem>>, vector<16xf32>,
      tpu.vector_store %arg6[%swap3A_578, %swap3A_579], %mul3A_577 {strides = array<i32>} : memref<200x128xf32, #tpu.memory_space<vmem>>, vector<16xf32>,
      %get3A_581 = arith.index_cast %scan3A_540 : i32 to index
      %get3A_582 = arith.constant 96 : index
      %get3A_583 = tpu.vector_load %arg6[%get3A_581, %get3A_582] {strides = array<i32>} : memref<200x128xf32, #tpu.memory_space<vmem>>, vector<16xf32>,
      %mul3A_584 = arith.mulf %get3A_583, %mul3A_374 : vector<16xf32>
      %swap3A_585 = arith.index_cast %scan3A_540 : i32 to index
      %swap3A_586 = arith.constant 96 : index
      %swap3A_587 = tpu.vector_load %arg6[%swap3A_585, %swap3A_586] {strides = array<i32>} : memref<200x128xf32, #tpu.memory_space<vmem>>, vector<16xf32>,
      tpu.vector_store %arg6[%swap3A_585, %swap3A_586], %mul3A_584 {strides = array<i32>} : memref<200x128xf32, #tpu.memory_space<vmem>>, vector<16xf32>,
      %get3A_588 = arith.index_cast %scan3A_540 : i32 to index
      %get3A_589 = arith.constant 112 : index
      %get3A_590 = tpu.vector_load %arg6[%get3A_588, %get3A_589] {strides = array<i32>} : memref<200x128xf32, #tpu.memory_space<vmem>>, vector<16xf32>,
      %mul3A_591 = arith.mulf %get3A_590, %mul3A_409 : vector<16xf32>
      %swap3A_592 = arith.index_cast %scan3A_540 : i32 to index
      %swap3A_593 = arith.constant 112 : index
      %swap3A_594 = tpu.vector_load %arg6[%swap3A_592, %swap3A_593] {strides = array<i32>} : memref<200x128xf32, #tpu.memory_space<vmem>>, vector<16xf32>,
      tpu.vector_store %arg6[%swap3A_592, %swap3A_593], %mul3A_591 {strides = array<i32>} : memref<200x128xf32, #tpu.memory_space<vmem>>, vector<16xf32>,
    }
    %scan3A_499 = arith.constant 40 : i32
    %dma_wait3A_500 = arith.constant 80 : i32
    %dma_wait3A_501 = arith.constant 0 : i32
    %dma_wait3A_502 = tpu.memref_slice %arg6[%dma_wait3A_500, %dma_wait3A_501] : memref<200x128xf32, #tpu.memory_space<vmem>> -> memref<40x128xf32, #tpu.memory_space<vmem>>
    %dma_wait3A_503 = arith.constant 80 : i32
    %dma_wait3A_504 = tpu.memref_slice %arg3[%dma_wait3A_503, %mul3A_2] : memref<200x4096xf32, #tpu.memory_space<hbm>> -> memref<40x128xf32, #tpu.memory_space<hbm>>
    %dma_wait3A_505 = arith.constant 80 : i32
    %dma_wait3A_506 = tpu.memref_slice %arg3[%dma_wait3A_505, %mul3A_2] : memref<200x4096xf32, #tpu.memory_space<hbm>> -> memref<40x128xf32, #tpu.memory_space<hbm>>
    %dma_wait3A_507 = arith.constant 80 : i32
    %dma_wait3A_508 = arith.constant 0 : i32
    %dma_wait3A_509 = tpu.memref_slice %arg6[%dma_wait3A_507, %dma_wait3A_508] : memref<200x128xf32, #tpu.memory_space<vmem>> -> memref<40x128xf32, #tpu.memory_space<vmem>>
    tpu.wait_dma2 semaphore(%arg9 : memref<!tpu.dma_semaphore, #tpu.memory_space<semaphore_mem>>) src(%dma_wait3A_509 : memref<40x128xf32, #tpu.memory_space<vmem>>) dst(%dma_wait3A_506 : memref<40x128xf32, #tpu.memory_space<hbm>>)
    %dma_start3A_510 = arith.constant 160 : i32
    %dma_start3A_511 = arith.constant 0 : i32
    %dma_start3A_512 = tpu.memref_slice %arg6[%dma_start3A_510, %dma_start3A_511] : memref<200x128xf32, #tpu.memory_space<vmem>> -> memref<40x128xf32, #tpu.memory_space<vmem>>
    %dma_start3A_513 = arith.constant 160 : i32
    %dma_start3A_514 = tpu.memref_slice %arg3[%dma_start3A_513, %mul3A_2] : memref<200x4096xf32, #tpu.memory_space<hbm>> -> memref<40x128xf32, #tpu.memory_space<hbm>>
    %dma_start3A_515 = arith.constant 160 : i32
    %dma_start3A_516 = tpu.memref_slice %arg3[%dma_start3A_515, %mul3A_2] : memref<200x4096xf32, #tpu.memory_space<hbm>> -> memref<40x128xf32, #tpu.memory_space<hbm>>
    %dma_start3A_517 = arith.constant 160 : i32
    %dma_start3A_518 = arith.constant 0 : i32
    %dma_start3A_519 = tpu.memref_slice %arg6[%dma_start3A_517, %dma_start3A_518] : memref<200x128xf32, #tpu.memory_space<vmem>> -> memref<40x128xf32, #tpu.memory_space<vmem>>
    tpu.enqueue_dma source(%dma_start3A_519 : memref<40x128xf32, #tpu.memory_space<vmem>>) target(%dma_start3A_516 : memref<40x128xf32, #tpu.memory_space<hbm>>) target_semaphore(%arg9 : memref<!tpu.dma_semaphore, #tpu.memory_space<semaphore_mem>>)
    %dma_wait3A_520 = arith.constant 120 : i32
    %dma_wait3A_521 = arith.constant 0 : i32
    %dma_wait3A_522 = tpu.memref_slice %arg6[%dma_wait3A_520, %dma_wait3A_521] : memref<200x128xf32, #tpu.memory_space<vmem>> -> memref<40x128xf32, #tpu.memory_space<vmem>>
    %dma_wait3A_523 = arith.constant 120 : i32
    %dma_wait3A_524 = tpu.memref_slice %arg3[%dma_wait3A_523, %mul3A_2] : memref<200x4096xf32, #tpu.memory_space<hbm>> -> memref<40x128xf32, #tpu.memory_space<hbm>>
    %dma_wait3A_525 = arith.constant 120 : i32
    %dma_wait3A_526 = tpu.memref_slice %arg3[%dma_wait3A_525, %mul3A_2] : memref<200x4096xf32, #tpu.memory_space<hbm>> -> memref<40x128xf32, #tpu.memory_space<hbm>>
    %dma_wait3A_527 = arith.constant 120 : i32
    %dma_wait3A_528 = arith.constant 0 : i32
    %dma_wait3A_529 = tpu.memref_slice %arg6[%dma_wait3A_527, %dma_wait3A_528] : memref<200x128xf32, #tpu.memory_space<vmem>> -> memref<40x128xf32, #tpu.memory_space<vmem>>
    tpu.wait_dma2 semaphore(%arg10 : memref<!tpu.dma_semaphore, #tpu.memory_space<semaphore_mem>>) src(%dma_wait3A_529 : memref<40x128xf32, #tpu.memory_space<vmem>>) dst(%dma_wait3A_526 : memref<40x128xf32, #tpu.memory_space<hbm>>)
    %dma_wait3A_530 = arith.constant 160 : i32
    %dma_wait3A_531 = arith.constant 0 : i32
    %dma_wait3A_532 = tpu.memref_slice %arg6[%dma_wait3A_530, %dma_wait3A_531] : memref<200x128xf32, #tpu.memory_space<vmem>> -> memref<40x128xf32, #tpu.memory_space<vmem>>
    %dma_wait3A_533 = arith.constant 160 : i32
    %dma_wait3A_534 = tpu.memref_slice %arg3[%dma_wait3A_533, %mul3A_2] : memref<200x4096xf32, #tpu.memory_space<hbm>> -> memref<40x128xf32, #tpu.memory_space<hbm>>
    %dma_wait3A_535 = arith.constant 160 : i32
    %dma_wait3A_536 = tpu.memref_slice %arg3[%dma_wait3A_535, %mul3A_2] : memref<200x4096xf32, #tpu.memory_space<hbm>> -> memref<40x128xf32, #tpu.memory_space<hbm>>
    %dma_wait3A_537 = arith.constant 160 : i32
    %dma_wait3A_538 = arith.constant 0 : i32
    %dma_wait3A_539 = tpu.memref_slice %arg6[%dma_wait3A_537, %dma_wait3A_538] : memref<200x128xf32, #tpu.memory_space<vmem>> -> memref<40x128xf32, #tpu.memory_space<vmem>>
    tpu.wait_dma2 semaphore(%arg9 : memref<!tpu.dma_semaphore, #tpu.memory_space<semaphore_mem>>) src(%dma_wait3A_539 : memref<40x128xf32, #tpu.memory_space<vmem>>) dst(%dma_wait3A_536 : memref<40x128xf32, #tpu.memory_space<hbm>>)
    return
  }
}

</mosaic_0001>

<sc_bundles>
// kernel: kernel.3.cloned.1.call-start
scs
__scs_entry_jumppad:
0x0: {  	(pc) =	sbr.rel $0x88, $3  }
0x1: {  	(tag) =	ssettag $0x0;
	lr =	simm.s32 $0x1  }
0x2: {  	[smem:$0x3FA0] =	sst lr;
	_ =	strace $0xD0000000  }
0x3: {  	_ = 	snop  }
0x4: {  	_ = 	snop  }
0x5: {  	_ = 	snop  }
0x6: {  	_ = 	snop  }
0x7: {  	_ = 	snop  }
__scs_overlays_trampoline_lowered:
0x8: {  	[smem:$0x3FAF] =	sst s0  }
0x9: {  	[smem:$0x3FB0] =	sst s1  }
0xa: {  	[smem:$0x3FB1] =	sst s2  }
0xb: {  	[smem:$0x3FB2] =	sst s3  }
0xc: {  	[smem:$0x3FB3] =	sst s4  }
0xd: {  	[smem:$0x3FB4] =	sst s5  }
0xe: {  	[smem:$0x3FB5] =	sst s6  }
0xf: {  	[smem:$0x3FB6] =	sst s7  }
0x10: {  	[smem:$0x3FB7] =	sst s8  }
0x11: {  	[smem:$0x3FB8] =	sst s9;
	s0 =	simm.s32 @!p0 $0x0  }
0x12: {  	s1 =	sld [smem:$0x3F9E];
	s0 =	simm.s32 @p0 $0x1  }
0x13: {  	[smem:$0x3FB9] =	sst s0;
	s0 =	simm.s32 @!p1 $0x0  }
0x14: {  	s2 =	sld [smem:$0x3F9D];
	s0 =	simm.s32 @p1 $0x1  }
0x15: {  	[smem:$0x3FBA] =	sst s0;
	s0 =	simm.s32 @!p2 $0x0  }
0x16: {  	s3 =	sld [smem:$0x3FDB];
	s0 =	simm.s32 @p2 $0x1  }
0x17: {  	s4 =	simm.s32 $0x1BF5;
	[smem:$0x3FBC] =	sst s0  }
0x18: {  	s0 =	sld [smem:$0x3F9F];
	_ =	swait.ge [sflag:s4], $0x0  }
0x19: {  	s7 =	sld [smem:$0x3FA0]  }
0x1a: {  	s8 =	sadd.s32 $0xFFFFE003, lr  }
0x1b: {  	s9 =	sadd.s32 $0xFFFFFEF7, lr;
	s5 =	simm.s32 $0xFFFFFFFF;
	p2 =	slt.u32 s8, $0xFFFFF086  }
0x1c: {  	p1 =	slt.u32 s9, $0xF7A;
	s5 =	simm.s32 @!p2 $0x0  }
0x1d: {  	s5 =	simm.s32 @p1 $0x1;
	p0 =	seq.s32 s7, s2  }
0x1e: {  	s7 =	smul.u32 @!p0 $0xF7A, s2;
	p2 =	seq.s32 @!p0 s5, $0x0  }
0x1f: {  	s9 =	smul.u32 $0xF7A, s1;
	s8 =	simm.s32 @!p0 $0x1BF5;
	p2 =	por !p2, p0  }
0x20: {  	[sflag:s8] =	ssyncset.s32 @!p0 $0xFFFFF086;
	s6 =	sadd.s32 @!p0 s3, s7;
	s7 =	simm.s32 @!p0 $0x108  }
0x21: {  	s3 =	sadd.s32 s3, s9;
	s6 =	sadd.s32 @!p0 $0x88, s6;
	s7 =	simm.s32 @p2 $0x1082  }
0x22: {  	[simem:s7], [sflag:s8] =	dma.local @!p0 [hbm:s6], $0xF7A  }
0x23: {  	s9 =	sor.u32 $0xD0000000, s2;
	s6 =	simm.s32 $0x108;
	_ =	swait.ge @!p0 [sflag:s8], $0x0  }
0x24: {  	s3 =	sadd.s32 $0x88, s3;
	s6 =	simm.s32 @!p1 $0x1082;
	[sflag:s4] =	ssyncset.s32 $0xFFFFF086  }
0x25: {  	[simem:s6], [sflag:s4] =	dma.local [hbm:s3], $0xF7A  }
0x26: {  	[smem:$0x3FA0] =	sst s1;
	(tag) =	ssettag s2;
	_ =	strace s9  }
0x27: {  	s1 =	sld [smem:$0x3FB0]  }
0x28: {  	s2 =	sld [smem:$0x3FB1]  }
0x29: {  	s4 =	sld [smem:$0x3FB3]  }
0x2a: {  	p0 =	seq.s32 s5, $0x0;
	s5 =	sld [smem:$0x3FB4]  }
0x2b: {  	s6 =	sld [smem:$0x3FB5]  }
0x2c: {  	s7 =	sld [smem:$0x3FB6]  }
0x2d: {  	s3 =	simm.s32 $0x108;
	s8 =	sld [smem:$0x3FB7]  }
0x2e: {  	s3 =	simm.s32 @!p0 $0x1082;
	s9 =	sld [smem:$0x3FB8]  }
0x2f: {  	lr =	sadd.s32 s0, s3;
	s0 =	sld [smem:$0x3FAF]  }
0x30: {  	s3 =	sld [smem:$0x3FB2]  }
0x31: {  	[smem:$0x3FBB] =	sst s10  }
0x32: {  	s10 =	sld [smem:$0x3FB9];
	_ =	sdelay $0x3  }
0x33: {  	p0 =	seq.s32 s10, $0x1;
	s10 =	sld [smem:$0x3FBB];
	_ =	sdelay $0x3  }
0x34: {  	[smem:$0x3FBB] =	sst s10  }
0x35: {  	s10 =	sld [smem:$0x3FBA];
	_ =	sdelay $0x3  }
0x36: {  	p1 =	seq.s32 s10, $0x1;
	s10 =	sld [smem:$0x3FBB];
	_ =	sdelay $0x3  }
0x37: {  	[smem:$0x3FBB] =	sst s10  }
0x38: {  	s10 =	sld [smem:$0x3FBC]  }
0x39: {  	_ = 	snop;
	(pc) =	sbr.ind lr, $3  }
0x3a: {  	_ = 	snop  }
0x3b: {  	_ = 	snop  }
0x3c: {  	p2 =	seq.s32 s10, $0x1;
	s10 =	sld [smem:$0x3FBB]  }
0x3d: {  	_ =	shalt  }
0x3e: {  	_ =	shalt  }
0x3f: {  	_ =	shalt  }
0x40: {  	_ =	shalt  }
0x41: {  	_ =	shalt  }
0x42: {  	_ =	shalt  }
0x43: {  	_ =	shalt  }
0x44: {  	_ =	shalt  }
0x45: {  	_ =	shalt  }
0x46: {  	_ =	shalt  }
0x47: {  	_ =	shalt  }
0x48: {  	_ =	shalt  }
0x49: {  	_ =	shalt  }
0x4a: {  	_ =	shalt  }
0x4b: {  	_ =	shalt  }
0x4c: {  	_ =	shalt  }
0x4d: {  	_ =	shalt  }
0x4e: {  	_ =	shalt  }
0x4f: {  	_ =	shalt  }
0x50: {  	_ =	shalt  }
0x51: {  	_ =	shalt  }
0x52: {  	_ =	shalt  }
0x53: {  	_ =	shalt  }
0x54: {  	_ =	shalt  }
0x55: {  	_ =	shalt  }
0x56: {  	_ =	shalt  }
0x57: {  	_ =	shalt  }
0x58: {  	_ =	shalt  }
0x59: {  	_ =	shalt  }
0x5a: {  	_ =	shalt  }
0x5b: {  	_ =	shalt  }
0x5c: {  	_ =	shalt  }
0x5d: {  	_ =	shalt  }
0x5e: {  	_ =	shalt  }
0x5f: {  	_ =	shalt  }
0x60: {  	_ =	shalt  }
0x61: {  	_ =	shalt  }
0x62: {  	_ =	shalt  }
0x63: {  	_ =	shalt  }
0x64: {  	_ =	shalt  }
0x65: {  	_ =	shalt  }
0x66: {  	_ =	shalt  }
0x67: {  	_ =	shalt  }
0x68: {  	_ =	shalt  }
0x69: {  	_ =	shalt  }
0x6a: {  	_ =	shalt  }
0x6b: {  	_ =	shalt  }
0x6c: {  	_ =	shalt  }
0x6d: {  	_ =	shalt  }
0x6e: {  	_ =	shalt  }
0x6f: {  	_ =	shalt  }
0x70: {  	_ =	shalt  }
0x71: {  	_ =	shalt  }
0x72: {  	_ =	shalt  }
0x73: {  	_ =	shalt  }
0x74: {  	_ =	shalt  }
0x75: {  	_ =	shalt  }
0x76: {  	_ =	shalt  }
0x77: {  	_ =	shalt  }
0x78: {  	_ =	shalt  }
0x79: {  	_ =	shalt  }
0x7a: {  	_ =	shalt  }
0x7b: {  	_ =	shalt  }
0x7c: {  	_ =	shalt  }
0x7d: {  	_ =	shalt  }
0x7e: {  	_ =	shalt  }
0x7f: {  	_ =	shalt  }
0x80: {  	_ =	shalt  }
0x81: {  	_ =	shalt  }
0x82: {  	_ =	shalt  }
0x83: {  	_ =	shalt  }
0x84: {  	_ =	shalt  }
0x85: {  	_ =	shalt  }
0x86: {  	_ =	shalt  }
0x87: {  	_ =	shalt  }
.Lfunc_end0:
.L_simem_size_0:
called_computation_lowered:
.L_overlay_start_0:
0x88: {  	s2 =	sld [smem:$0x3FD9]  }
0x89: {  	s3 =	sld [smem:$0x3FFE];
	_ =	sdelay $0x1  }
0x8a: {  	s1 =	srdreg.scid  }
0x8b: {  	s0 =	sand.u32 $0x1, s1  }
0x8c: {  	s18 =	sshll.u32 s0, $0xA;
	s2 =	sadd.s32 s3, s2  }
0x8d: {  	s2 =	sadd.s32 s2, s18  }
0x8e: {  	[smem:$0x3FC7] =	sst s2  }
0x8f: {  	_ = 	snop  }
0x90: {  	s2 =	sld [smem:$0x3FC9]  }
0x91: {  	s19 =	sld [smem:$0x3FD0];
	(tm) =	ssettm $0x1  }
0x92: {  	s4 =	sld [smem:$0x3FFB];
	_ =	sdelay $0x3  }
0x93: {  	_ =	strace s4  }
0x94: {  	s4 =	sld [smem:$0x3FFC];
	_ =	sdelay $0x3  }
0x95: {  	_ =	strace s4  }
0x96: {  	s4 =	sld [smem:$0x3FFD];
	_ =	sdelay $0x3  }
0x97: {  	_ =	strace s4  }
0x98: {  	_ =	strace $0x8FFFFFFF  }
0x99: {  	s20 =	sld [smem:$0x3FDB];
	_ =	sdelay $0x1  }
0x9a: {  	s5 =	simm.s32 $_scs_section_size  }
0x9b: {  	s6 =	simm.s32 $_size__tile_overlayer_lowered;
	s7 =	simm.s32 $_tile_overlayer_lowered  }
0x9c: {  	s23 =	simm.s32 $0x1BFF;
	s22 =	sshll.u32 s7, $0x1;
	s4 =	sadd.s32 s5, s20  }
0x9d: {  	s8 =	simm.s32 $0x0;
	s21 =	sshll.u32 s6, $0x1;
	s6 =	sadd.s32 s22, s4  }
0x9e: {  	[timem:s8], [sflag:s23] =	dma.local [hbm:s6], s21  }
0x9f: {  	_ =	swait.ge [sflag:s23], s21  }
0xa0: {  	s5 =	ssub.s32 $0x0, s21;
	[sflag:s23] =	ssyncset.done $0x0  }
0xa1: {  	[sflag:s23] =	ssyncadd.s32 s5;
	_ =	sdelay $0x1  }
0xa2: {  	s24 =	simm.s32 $0x1B8B  }
0xa3: {  	_ =	swait.ge [sflag:s24], $0x1  }
0xa4: {  	[sflag:s24] =	ssyncset.done $0x0  }
0xa5: {  	s25 =	simm.s32 $0x1B8E;
	[sflag:s24] =	ssyncadd.s32 $0xFFFFFFFF  }
0xa6: {  	s26 =	simm.s32 $execute0_lowered;
	[smem:$0x3FD2] =	sst s25  }
0xa7: {  	s5 =	sshll.u32 s26, $0x1;
	_ =	strace $0x80000046;
	[dreg:$0x1] =	wrdreg $0xFFFFFFFF  }
0xa8: {  	s28 =	simm.s32 $_size_execute0_lowered;
	s4 =	sadd.s32 s4, s5;
	[dreg:$0x0] =	wrdreg $0x0  }
0xa9: {  	s5 =	sshll.u32 s28, $0x1;
	[dreg:$0x2] =	wrdreg s4  }
0xaa: {  	[dreg:$0x3] =	wrdreg s5  }
0xab: {  	[dreg:$0x4] =	wrdreg $0xC0  }
0xac: {  	_ =	task [dreg:s8], $0x5FFFF  }
0xad: {  	[dreg:$0x1] =	wrdreg $0xFFFFFFFF  }
0xae: {  	[dreg:$0x0] =	wrdreg $0x60  }
0xaf: {  	[dreg:$0x2] =	wrdreg s2  }
0xb0: {  	[dreg:$0x3] =	wrdreg s19  }
0xb1: {  	[dreg:$0x4] =	wrdreg $0x9  }
0xb2: {  	_ =	task.clear_ibuf [dreg:s8], $0x5FFFF;
	_ =	strace $0x90000046  }
0xb3: {  	s29 =	simm.s32 $0x9;
	_ =	strace $0x80000048  }
0xb4: {  	_ =	swait.ge [sflag:s29], $0x1  }
0xb5: {  	[sflag:s29] =	ssyncadd.s32 $0xFFFFFFFF  }
0xb6: {  	_ =	strace $0x90000048  }
0xb7: {  	_ =	sfence  }
0xb8: {  	s30 =	sld [smem:$0x0];
	_ =	sdelay $0x2  }
0xb9: {  	s31 =	sshll.u32 s1, $0xD;
	s1 =	sshrl.u32 s1, $0x2  }
0xba: {  	s3 =	sand.u32 $0x4000, s31;
	s1 =	sadd.s32 s1, s30  }
0xbb: {  	s0 =	sor.u32 s3, s0;
	s1 =	sshll.u32 s1, $0x11  }
0xbc: {  	s0 =	sor.u32 s1, s0  }
0xbd: {  	s0 =	sadd.s32 $0x8F2B, s0  }
0xbe: {  	[sflag:s0] =	ssyncadd.remote.s32 $0x1  }
0xbf: {  	_ =	sfence.sel $0xFFFF  }
0xc0: {  	[dreg:$0x0] =	wrdreg $0xFFFFFFFF;
	(pc) =	sbr.abs _section_cstart, $3  }
0xc1: {  	[dreg:$0x1] =	wrdreg $0xFFFFFFFF  }
0xc2: {  	_ =	task.clear_ibuf [dreg:s8], $0x2FFFF;
	_ =	strace $0x9FFFFFFF  }
0xc3: {  	(tm) =	ssettm $0x7FFFFFFF  }
tec
execute0_lowered:
.L_overlay_start_1:
0x0: {  	(tag) =	ssettag $0x1  }
0x1: {  	s0 =	rddreg [dreg:$0x0];
	s1 =	srdreg.scid  }
0x2: {  	s2 =	stileid.u32;
	s7 =	rddreg [dreg:$0x1]  }
0x3: {  	s14 =	simm.s32 $0x200;
	s15 =	simm.s32 $0x4000;
	s16 =	simm.s32 $0x5000  }
0x4: {  	s17 =	simm.s32 $0x1;
	s18 =	simm.s32 $0x2;
	s19 =	simm.s32 $0x400  }
0x5: {  	s20 =	simm.s32 $0x8000;
	s22 =	simm.s32 $0xB400;
	s23 =	simm.s32 $0x3  }
0x6: {  	s24 =	simm.s32 $0xC800;
	s25 =	simm.s32 $0x4;
	s26 =	simm.s32 $0xDC00  }
0x7: {  	s28 =	simm.s32 $0xF000;
	s1 =	sand.u32 $0x1, s1;
	s3 =	sshll.u32 s2, $0x1  }
0x8: {  	s29 =	simm.s32 $0x0;
	s2 =	simm.s32 $0x0;
	s5 =	sor.u32 s1, s3  }
0x9: {  	[smem:$0x7FF] =	sst s2;
	s1 =	ssub.s32 $0x2, s1;
	s3 =	sshll.u32 s5, $0x6  }
0xa: {  	_ =	strace $0x80000047;
	s4 =	sshrl.u32 s1, $0x1;
	s31 =	sshll.u32 s5, $0x7  }
0xb: {  	s3 =	sadd.s32 s0, s3;
	s30 =	ssub.s32 s1, s4;
	s7 =	sadd.s32 s7, s31  }
0xc: {  	s4 =	sadd.s32 $0x14000, s3;
	s5 =	sadd.s32 $0x28000, s3;
	s6 =	sadd.s32 $0x3C000, s3  }
0xd: {  	s8 =	sadd.s32 $0x50000, s3;
	s9 =	sadd.s32 $0x5000, s7;
	s10 =	sadd.s32 $0xA000, s7  }
0xe: {  	v0 =	vimm.f32 $0.0e+00;
	s11 =	sadd.s32 $0xF000, s7;
	s12 =	sadd.s32 $0x14000, s7;
	s13 =	smax.u32 s30, $0x1  }
.LBB2_1:
0xf: {  	[tilespmem:s2], [sflag:$0x1] =	stream.strided.gather [hbm4b:s3+s14], $0x5000, s15, s14, $0x38;
	[tilespmem:$0x10400] =	vst v63  }
0x10: {  	_ = 	snop  }
0x11: {  	[tilespmem:s16], [sflag:$0x2] =	stream.strided.gather [hbm4b:s4+s14], $0x5000, s15, s14, $0x38;
	[tilespmem:$0x10400] =	vst v63  }
0x12: {  	_ =	swait.ge [sflag:s17], $0x5000  }
0x13: {  	[sflag:s17] =	ssyncset.done $0x0  }
0x14: {  	s30 =	simm.s32 $0x100;
	[sflag:s17] =	ssyncadd.s32 $0xFFFFB000  }
0x15: {  	v1 =	vld [tilespmem:s30+$0xFFFFFF00]  }
0x16: {  	v2 =	vld [tilespmem:s30+$0x80]  }
0x17: {  	v3 =	vld [tilespmem:s30+$0x0]  }
0x18: {  	v4 =	vld [tilespmem:s30+$0xFFFFFF80];
	_ =	sdelay $0x3  }
0x19: {  	vm0 =	vlt.u32 v1, $0xC;
	vm1 =	vlt.u32 v3, $0x7  }
0x1a: {  	vm2 =	vlt.u32 v2, $0x18;
	vm3 =	vlt.u32 v4, $0x1F;
	v1 =	vsel vm1, $0x3F800000, v0  }
0x1b: {  	v2 =	vsel vm0, $0x3F800000, v0;
	v3 =	vsel vm3, $0x3F800000, v0;
	v4 =	vsel vm2, $0x3F800000, v0  }
0x1c: {  	v2 =	vadd.f32 v3, v2;
	v1 =	vadd.f32 v4, v1;
	_ =	sdelay $0x1  }
0x1d: {  	v1 =	vadd.f32 v1, v2  }
0x1e: {  	s31 =	simm.s32 $0x0  }
0x1f: {  	[tilespmem:s31+$0xA000] =	vst v1  }
0x20: {  	v2 =	vld [tilespmem:s30+$0x90]  }
0x21: {  	v3 =	vld [tilespmem:s30+$0xFFFFFF90]  }
0x22: {  	v4 =	vld [tilespmem:s30+$0x10]  }
0x23: {  	v5 =	vld [tilespmem:s30+$0xFFFFFF10];
	_ =	sdelay $0x3  }
0x24: {  	vm4 =	vlt.u32 v2, $0x18;
	vm5 =	vlt.u32 v3, $0x1F  }
0x25: {  	vm6 =	vlt.u32 v4, $0x7;
	vm7 =	vlt.u32 v5, $0xC;
	v2 =	vsel vm4, $0x3F800000, v0  }
0x26: {  	v3 =	vsel vm5, $0x3F800000, v0;
	v4 =	vsel vm6, $0x3F800000, v0;
	v5 =	vsel vm7, $0x3F800000, v0  }
0x27: {  	v2 =	vadd.f32 v2, v4;
	v3 =	vadd.f32 v3, v5;
	_ =	sdelay $0x1  }
0x28: {  	v2 =	vadd.f32 v2, v3;
	_ =	sdelay $0x1  }
0x29: {  	[tilespmem:s31+$0xA010] =	vst v2  }
0x2a: {  	v3 =	vld [tilespmem:s30+$0x20]  }
0x2b: {  	v4 =	vld [tilespmem:s30+$0xFFFFFFA0]  }
0x2c: {  	v5 =	vld [tilespmem:s30+$0xFFFFFF20]  }
0x2d: {  	v6 =	vld [tilespmem:s30+$0xA0];
	_ =	sdelay $0x3  }
0x2e: {  	vm8 =	vlt.u32 v4, $0x1F;
	vm9 =	vlt.u32 v5, $0xC  }
0x2f: {  	vm10 =	vlt.u32 v3, $0x7;
	vm11 =	vlt.u32 v6, $0x18;
	v4 =	vsel vm8, $0x3F800000, v0  }
0x30: {  	v3 =	vsel vm9, $0x3F800000, v0;
	v5 =	vsel vm10, $0x3F800000, v0;
	v6 =	vsel vm11, $0x3F800000, v0  }
0x31: {  	v3 =	vadd.f32 v4, v3;
	v4 =	vadd.f32 v6, v5;
	_ =	sdelay $0x1  }
0x32: {  	v3 =	vadd.f32 v4, v3;
	_ =	sdelay $0x1  }
0x33: {  	[tilespmem:s31+$0xA020] =	vst v3  }
0x34: {  	v4 =	vld [tilespmem:s30+$0xFFFFFF30]  }
0x35: {  	v5 =	vld [tilespmem:s30+$0xFFFFFFB0]  }
0x36: {  	v6 =	vld [tilespmem:s30+$0x30]  }
0x37: {  	v7 =	vld [tilespmem:s30+$0xB0];
	_ =	sdelay $0x3  }
0x38: {  	vm12 =	vlt.u32 v4, $0xC;
	vm13 =	vlt.u32 v5, $0x1F  }
0x39: {  	vm14 =	vlt.u32 v6, $0x7;
	vm15 =	vlt.u32 v7, $0x18;
	v4 =	vsel vm13, $0x3F800000, v0  }
0x3a: {  	v5 =	vsel vm14, $0x3F800000, v0;
	v6 =	vsel vm12, $0x3F800000, v0;
	v7 =	vsel vm15, $0x3F800000, v0  }
0x3b: {  	v4 =	vadd.f32 v4, v6;
	v5 =	vadd.f32 v7, v5;
	_ =	sdelay $0x1  }
0x3c: {  	v4 =	vadd.f32 v5, v4;
	_ =	sdelay $0x1  }
0x3d: {  	[tilespmem:s31+$0xA030] =	vst v4  }
0x3e: {  	v5 =	vld [tilespmem:s30+$0xC0]  }
0x3f: {  	v6 =	vld [tilespmem:s30+$0xFFFFFF40]  }
0x40: {  	v7 =	vld [tilespmem:s30+$0x40]  }
0x41: {  	v8 =	vld [tilespmem:s30+$0xFFFFFFC0];
	_ =	sdelay $0x3  }
0x42: {  	vm4 =	vlt.u32 v5, $0x18;
	vm5 =	vlt.u32 v6, $0xC  }
0x43: {  	vm6 =	vlt.u32 v7, $0x7;
	vm7 =	vlt.u32 v8, $0x1F;
	v5 =	vsel vm4, $0x3F800000, v0  }
0x44: {  	v6 =	vsel vm5, $0x3F800000, v0;
	v7 =	vsel vm6, $0x3F800000, v0;
	v8 =	vsel vm7, $0x3F800000, v0  }
0x45: {  	v5 =	vadd.f32 v5, v7;
	v6 =	vadd.f32 v8, v6;
	_ =	sdelay $0x1  }
0x46: {  	v5 =	vadd.f32 v5, v6;
	_ =	sdelay $0x1  }
0x47: {  	[tilespmem:s31+$0xA040] =	vst v5  }
0x48: {  	v6 =	vld [tilespmem:s30+$0xD0]  }
0x49: {  	v7 =	vld [tilespmem:s30+$0xFFFFFFD0]  }
0x4a: {  	v8 =	vld [tilespmem:s30+$0xFFFFFF50]  }
0x4b: {  	v9 =	vld [tilespmem:s30+$0x50];
	_ =	sdelay $0x3  }
0x4c: {  	vm8 =	vlt.u32 v6, $0x18;
	vm9 =	vlt.u32 v7, $0x1F  }
0x4d: {  	vm10 =	vlt.u32 v8, $0xC;
	vm11 =	vlt.u32 v9, $0x7;
	v6 =	vsel vm9, $0x3F800000, v0  }
0x4e: {  	v7 =	vsel vm10, $0x3F800000, v0;
	v8 =	vsel vm11, $0x3F800000, v0;
	v9 =	vsel vm8, $0x3F800000, v0  }
0x4f: {  	v6 =	vadd.f32 v6, v7;
	v7 =	vadd.f32 v9, v8;
	_ =	sdelay $0x1  }
0x50: {  	v6 =	vadd.f32 v7, v6;
	_ =	sdelay $0x1  }
0x51: {  	[tilespmem:s31+$0xA050] =	vst v6  }
0x52: {  	v7 =	vld [tilespmem:s30+$0xFFFFFF60]  }
0x53: {  	v8 =	vld [tilespmem:s30+$0xFFFFFFE0]  }
0x54: {  	v1 =	vmul.f32 v1, v1;
	v9 =	vld [tilespmem:s30+$0xE0]  }
0x55: {  	v10 =	vmul.f32 v2, v2;
	v11 =	vmul.f32 v3, v3;
	v12 =	vld [tilespmem:s30+$0x60]  }
0x56: {  	v2 =	vadd.f32 v1, v0;
	v1 =	vmul.f32 v4, v4;
	v13 =	vmul.f32 v5, v5  }
0x57: {  	v3 =	vadd.f32 v10, v0;
	v4 =	vadd.f32 v11, v0;
	v10 =	vmul.f32 v6, v6  }
0x58: {  	v5 =	vadd.f32 v1, v0;
	v6 =	vadd.f32 v13, v0  }
0x59: {  	v1 =	vadd.f32 v10, v0;
	vm12 =	vlt.u32 v7, $0xC;
	vm13 =	vlt.u32 v8, $0x1F  }
0x5a: {  	vm14 =	vlt.u32 v9, $0x18;
	vm15 =	vlt.u32 v12, $0x7;
	v7 =	vsel vm12, $0x3F800000, v0  }
0x5b: {  	v8 =	vsel vm13, $0x3F800000, v0;
	v9 =	vsel vm14, $0x3F800000, v0;
	v11 =	vsel vm15, $0x3F800000, v0  }
0x5c: {  	s0 =	simm.s32 $0x200;
	s1 =	simm.s32 $0x100;
	v10 =	vadd.f32 v8, v7;
	v7 =	vimm.f32 $0.0e+00;
	v8 =	vimm.f32 $0.0e+00  }
.LBB2_2:
0x5d: {  	p0 =	sne.s32 s0, $0x4E00  }
0x5e: {  	s30 =	sadd.s32 $0x200, s30;
	s21 =	smov.u32 s0;
	s0 =	sadd.s32 $0x200, s0  }
0x5f: {  	v9 =	vadd.f32 v9, v11;
	_ =	sdelay $0x1  }
0x60: {  	v9 =	vadd.f32 v9, v10;
	_ =	sdelay $0x1  }
0x61: {  	[tilespmem:s31+$0xA060] =	vst v9;
	v9 =	vmul.f32 v9, v9  }
0x62: {  	v10 =	vld [tilespmem:s1+$0xFFFFFF70]  }
0x63: {  	v7 =	vadd.f32 v9, v7;
	v9 =	vld [tilespmem:s1+$0xF0]  }
0x64: {  	v11 =	vld [tilespmem:s1+$0x70]  }
0x65: {  	v12 =	vld [tilespmem:s1+$0xFFFFFFF0];
	s1 =	smov.u32 s30;
	_ =	sdelay $0x1  }
0x66: {  	vm0 =	vlt.u32 v10, $0xC  }
0x67: {  	v10 =	vsel vm0, $0x3F800000, v0;
	vm0 =	vlt.u32 v9, $0x18  }
0x68: {  	vm1 =	vlt.u32 v11, $0x7;
	v9 =	vsel vm0, $0x3F800000, v0  }
0x69: {  	vm0 =	vlt.u32 v12, $0x1F;
	v11 =	vsel vm1, $0x3F800000, v0  }
0x6a: {  	v12 =	vsel vm0, $0x3F800000, v0;
	v9 =	vadd.f32 v9, v11  }
0x6b: {  	v10 =	vadd.f32 v12, v10;
	_ =	sdelay $0x1  }
0x6c: {  	v9 =	vadd.f32 v9, v10;
	_ =	sdelay $0x1  }
0x6d: {  	[tilespmem:s31+$0xA070] =	vst v9;
	v9 =	vmul.f32 v9, v9  }
0x6e: {  	v10 =	vld [tilespmem:s30+$0xFFFFFF00]  }
0x6f: {  	v11 =	vld [tilespmem:s30+$0x80];
	v8 =	vadd.f32 v9, v8  }
0x70: {  	v9 =	vld [tilespmem:s30+$0x0]  }
0x71: {  	v12 =	vld [tilespmem:s30+$0xFFFFFF80];
	_ =	sdelay $0x1  }
0x72: {  	vm0 =	vlt.u32 v10, $0xC  }
0x73: {  	vm1 =	vlt.u32 v11, $0x18  }
0x74: {  	vm2 =	vlt.u32 v9, $0x7  }
0x75: {  	vm3 =	vlt.u32 v12, $0x1F;
	v9 =	vsel vm2, $0x3F800000, v0  }
0x76: {  	v10 =	vsel vm0, $0x3F800000, v0;
	v12 =	vsel vm1, $0x3F800000, v0;
	v11 =	vsel vm3, $0x3F800000, v0  }
0x77: {  	v9 =	vadd.f32 v12, v9;
	v10 =	vadd.f32 v11, v10;
	_ =	sdelay $0x1  }
0x78: {  	v9 =	vadd.f32 v9, v10  }
0x79: {  	s31 =	sshra.s32 s21, $0x2  }
0x7a: {  	[tilespmem:s31+$0xA000] =	vst v9;
	v9 =	vmul.f32 v9, v9  }
0x7b: {  	v10 =	vld [tilespmem:s30+$0x90]  }
0x7c: {  	v2 =	vadd.f32 v9, v2;
	v9 =	vld [tilespmem:s30+$0xFFFFFF90]  }
0x7d: {  	v11 =	vld [tilespmem:s30+$0x10]  }
0x7e: {  	v12 =	vld [tilespmem:s30+$0xFFFFFF10];
	_ =	sdelay $0x1  }
0x7f: {  	vm0 =	vlt.u32 v10, $0x18  }
0x80: {  	vm1 =	vlt.u32 v9, $0x1F;
	v9 =	vsel vm0, $0x3F800000, v0  }
0x81: {  	v10 =	vsel vm1, $0x3F800000, v0;
	vm0 =	vlt.u32 v11, $0x7  }
0x82: {  	vm1 =	vlt.u32 v12, $0xC;
	v11 =	vsel vm0, $0x3F800000, v0  }
0x83: {  	v12 =	vsel vm1, $0x3F800000, v0;
	v9 =	vadd.f32 v9, v11  }
0x84: {  	v10 =	vadd.f32 v10, v12;
	_ =	sdelay $0x1  }
0x85: {  	v9 =	vadd.f32 v9, v10;
	_ =	sdelay $0x1  }
0x86: {  	[tilespmem:s31+$0xA010] =	vst v9;
	v9 =	vmul.f32 v9, v9  }
0x87: {  	v10 =	vld [tilespmem:s30+$0x20]  }
0x88: {  	v3 =	vadd.f32 v9, v3;
	v9 =	vld [tilespmem:s30+$0xFFFFFFA0]  }
0x89: {  	v11 =	vld [tilespmem:s30+$0xFFFFFF20]  }
0x8a: {  	v12 =	vld [tilespmem:s30+$0xA0];
	_ =	sdelay $0x2  }
0x8b: {  	vm0 =	vlt.u32 v9, $0x1F  }
0x8c: {  	vm1 =	vlt.u32 v11, $0xC;
	v9 =	vsel vm0, $0x3F800000, v0;
	vm0 =	vlt.u32 v10, $0x7  }
0x8d: {  	v10 =	vsel vm1, $0x3F800000, v0;
	v11 =	vsel vm0, $0x3F800000, v0;
	vm0 =	vlt.u32 v12, $0x18  }
0x8e: {  	v12 =	vsel vm0, $0x3F800000, v0;
	v9 =	vadd.f32 v9, v10  }
0x8f: {  	v10 =	vadd.f32 v12, v11;
	_ =	sdelay $0x1  }
0x90: {  	v9 =	vadd.f32 v10, v9;
	_ =	sdelay $0x1  }
0x91: {  	[tilespmem:s31+$0xA020] =	vst v9;
	v9 =	vmul.f32 v9, v9  }
0x92: {  	v10 =	vld [tilespmem:s30+$0xFFFFFF30]  }
0x93: {  	v4 =	vadd.f32 v9, v4;
	v9 =	vld [tilespmem:s30+$0xFFFFFFB0]  }
0x94: {  	v11 =	vld [tilespmem:s30+$0x30]  }
0x95: {  	v12 =	vld [tilespmem:s30+$0xB0];
	_ =	sdelay $0x1  }
0x96: {  	vm0 =	vlt.u32 v10, $0xC  }
0x97: {  	vm1 =	vlt.u32 v9, $0x1F  }
0x98: {  	v9 =	vsel vm1, $0x3F800000, v0;
	vm1 =	vlt.u32 v11, $0x7  }
0x99: {  	v10 =	vsel vm1, $0x3F800000, v0;
	vm1 =	vlt.u32 v12, $0x18  }
0x9a: {  	v11 =	vsel vm0, $0x3F800000, v0;
	v12 =	vsel vm1, $0x3F800000, v0  }
0x9b: {  	v9 =	vadd.f32 v9, v11;
	v10 =	vadd.f32 v12, v10;
	_ =	sdelay $0x1  }
0x9c: {  	v9 =	vadd.f32 v10, v9;
	_ =	sdelay $0x1  }
0x9d: {  	[tilespmem:s31+$0xA030] =	vst v9;
	v9 =	vmul.f32 v9, v9  }
0x9e: {  	v10 =	vld [tilespmem:s30+$0xC0]  }
0x9f: {  	v5 =	vadd.f32 v9, v5;
	v9 =	vld [tilespmem:s30+$0xFFFFFF40]  }
0xa0: {  	v11 =	vld [tilespmem:s30+$0x40]  }
0xa1: {  	v12 =	vld [tilespmem:s30+$0xFFFFFFC0];
	_ =	sdelay $0x1  }
0xa2: {  	vm0 =	vlt.u32 v10, $0x18  }
0xa3: {  	vm1 =	vlt.u32 v9, $0xC;
	v9 =	vsel vm0, $0x3F800000, v0  }
0xa4: {  	v10 =	vsel vm1, $0x3F800000, v0;
	vm0 =	vlt.u32 v11, $0x7  }
0xa5: {  	vm1 =	vlt.u32 v12, $0x1F;
	v11 =	vsel vm0, $0x3F800000, v0  }
0xa6: {  	v12 =	vsel vm1, $0x3F800000, v0;
	v9 =	vadd.f32 v9, v11  }
0xa7: {  	v10 =	vadd.f32 v12, v10;
	_ =	sdelay $0x1  }
0xa8: {  	v9 =	vadd.f32 v9, v10;
	_ =	sdelay $0x1  }
0xa9: {  	[tilespmem:s31+$0xA040] =	vst v9;
	v9 =	vmul.f32 v9, v9  }
0xaa: {  	v10 =	vld [tilespmem:s30+$0xD0]  }
0xab: {  	v6 =	vadd.f32 v9, v6;
	v9 =	vld [tilespmem:s30+$0xFFFFFFD0]  }
0xac: {  	v11 =	vld [tilespmem:s30+$0xFFFFFF50]  }
0xad: {  	v12 =	vld [tilespmem:s30+$0x50];
	_ =	sdelay $0x1  }
0xae: {  	vm0 =	vlt.u32 v10, $0x18  }
0xaf: {  	vm1 =	vlt.u32 v9, $0x1F  }
0xb0: {  	vm2 =	vlt.u32 v11, $0xC;
	v9 =	vsel vm1, $0x3F800000, v0  }
0xb1: {  	v10 =	vsel vm2, $0x3F800000, v0;
	vm1 =	vlt.u32 v12, $0x7  }
0xb2: {  	v12 =	vsel vm0, $0x3F800000, v0;
	v11 =	vsel vm1, $0x3F800000, v0;
	v9 =	vadd.f32 v9, v10  }
0xb3: {  	v10 =	vadd.f32 v12, v11;
	_ =	sdelay $0x1  }
0xb4: {  	v9 =	vadd.f32 v10, v9;
	_ =	sdelay $0x1  }
0xb5: {  	[tilespmem:s31+$0xA050] =	vst v9;
	v9 =	vmul.f32 v9, v9  }
0xb6: {  	v10 =	vld [tilespmem:s30+$0xFFFFFF60]  }
0xb7: {  	v1 =	vadd.f32 v9, v1;
	v9 =	vld [tilespmem:s30+$0xFFFFFFE0]  }
0xb8: {  	v11 =	vld [tilespmem:s30+$0xE0]  }
0xb9: {  	v12 =	vld [tilespmem:s30+$0x60];
	_ =	sdelay $0x1  }
.Ltmp0:
0xba: {  	vm0 =	vlt.u32 v10, $0xC;
	(pc) =	sbr.rel @p0 .LBB2_2-.Ltmp0, $4  }
0xbb: {  	vm1 =	vlt.u32 v9, $0x1F  }
0xbc: {  	v10 =	vsel vm0, $0x3F800000, v0;
	vm0 =	vlt.u32 v11, $0x18  }
0xbd: {  	v13 =	vsel vm1, $0x3F800000, v0;
	vm1 =	vlt.u32 v12, $0x7;
	v9 =	vsel vm0, $0x3F800000, v0  }
0xbe: {  	v10 =	vadd.f32 v13, v10;
	v11 =	vsel vm1, $0x3F800000, v0  }
0xbf: {  	v9 =	vadd.f32 v9, v11;
	_ =	sdelay $0x1  }
0xc0: {  	v9 =	vadd.f32 v9, v10;
	_ =	sdelay $0x1  }
0xc1: {  	[tilespmem:s31+$0xA060] =	vst v9  }
0xc2: {  	v10 =	vld [tilespmem:s1+$0xFFFFFF70]  }
0xc3: {  	v11 =	vld [tilespmem:s1+$0xF0]  }
0xc4: {  	v12 =	vld [tilespmem:s1+$0x70]  }
0xc5: {  	v13 =	vld [tilespmem:s1+$0xFFFFFFF0];
	_ =	sdelay $0x3  }
0xc6: {  	vm0 =	vlt.u32 v10, $0xC;
	vm12 =	vlt.u32 v11, $0x18  }
0xc7: {  	vm1 =	vlt.u32 v12, $0x7;
	vm2 =	vlt.u32 v13, $0x1F;
	v10 =	vsel vm0, $0x3F800000, v0  }
0xc8: {  	v11 =	vsel vm12, $0x3F800000, v0;
	v12 =	vsel vm1, $0x3F800000, v0;
	v13 =	vsel vm2, $0x3F800000, v0  }
0xc9: {  	v11 =	vadd.f32 v11, v12;
	v10 =	vadd.f32 v13, v10;
	_ =	sdelay $0x1  }
0xca: {  	v10 =	vadd.f32 v11, v10;
	_ =	sdelay $0x1  }
0xcb: {  	s0 =	simm.s32 $0x0;
	[tilespmem:s31+$0xA070] =	vst v10  }
0xcc: {  	[tilespmem:s0], [sflag:$0x1] =	stream.strided.gather [hbm4b:s5+s14], $0x5000, s15, s14, $0x38;
	[tilespmem:$0x10400] =	vst v63  }
0xcd: {  	_ =	swait.ge [sflag:s18], $0x5000  }
0xce: {  	[sflag:s18] =	ssyncset.done $0x0  }
0xcf: {  	s30 =	simm.s32 $0x5100;
	[sflag:s18] =	ssyncadd.s32 $0xFFFFB000  }
0xd0: {  	v11 =	vld [tilespmem:s30+$0xFFFFFF00]  }
0xd1: {  	v12 =	vld [tilespmem:s30+$0x80]  }
0xd2: {  	v13 =	vld [tilespmem:s30+$0x0]  }
0xd3: {  	v14 =	vld [tilespmem:s30+$0xFFFFFF80];
	_ =	sdelay $0x3  }
0xd4: {  	vm13 =	vlt.u32 v11, $0xC;
	vm14 =	vlt.u32 v13, $0x7  }
0xd5: {  	vm15 =	vlt.u32 v12, $0x18;
	vm3 =	vlt.u32 v14, $0x1F;
	v11 =	vsel vm14, $0x3F800000, v0  }
0xd6: {  	v12 =	vsel vm13, $0x3F800000, v0;
	v13 =	vsel vm3, $0x3F800000, v0;
	v14 =	vsel vm15, $0x3F800000, v0  }
0xd7: {  	v12 =	vadd.f32 v13, v12;
	v11 =	vadd.f32 v14, v11;
	_ =	sdelay $0x1  }
0xd8: {  	v11 =	vadd.f32 v11, v12  }
0xd9: {  	s31 =	simm.s32 $0x0  }
0xda: {  	[tilespmem:s31+$0xB400] =	vst v11  }
0xdb: {  	v12 =	vld [tilespmem:s30+$0x90]  }
0xdc: {  	v13 =	vld [tilespmem:s30+$0xFFFFFF90]  }
0xdd: {  	v14 =	vld [tilespmem:s30+$0x10]  }
0xde: {  	v15 =	vld [tilespmem:s30+$0xFFFFFF10];
	_ =	sdelay $0x3  }
0xdf: {  	vm4 =	vlt.u32 v12, $0x18;
	vm5 =	vlt.u32 v13, $0x1F  }
0xe0: {  	vm6 =	vlt.u32 v14, $0x7;
	vm7 =	vlt.u32 v15, $0xC;
	v12 =	vsel vm4, $0x3F800000, v0  }
0xe1: {  	v13 =	vsel vm5, $0x3F800000, v0;
	v14 =	vsel vm6, $0x3F800000, v0;
	v15 =	vsel vm7, $0x3F800000, v0  }
0xe2: {  	v12 =	vadd.f32 v12, v14;
	v13 =	vadd.f32 v13, v15;
	_ =	sdelay $0x1  }
0xe3: {  	v12 =	vadd.f32 v12, v13;
	_ =	sdelay $0x1  }
0xe4: {  	[tilespmem:s31+$0xB410] =	vst v12  }
0xe5: {  	v13 =	vld [tilespmem:s30+$0x20]  }
0xe6: {  	v14 =	vld [tilespmem:s30+$0xFFFFFFA0]  }
0xe7: {  	v15 =	vld [tilespmem:s30+$0xFFFFFF20]  }
0xe8: {  	v16 =	vld [tilespmem:s30+$0xA0];
	_ =	sdelay $0x3  }
0xe9: {  	vm8 =	vlt.u32 v14, $0x1F;
	vm9 =	vlt.u32 v15, $0xC  }
0xea: {  	vm10 =	vlt.u32 v13, $0x7;
	vm11 =	vlt.u32 v16, $0x18;
	v14 =	vsel vm8, $0x3F800000, v0  }
0xeb: {  	v13 =	vsel vm9, $0x3F800000, v0;
	v15 =	vsel vm10, $0x3F800000, v0;
	v16 =	vsel vm11, $0x3F800000, v0  }
0xec: {  	v13 =	vadd.f32 v14, v13;
	v14 =	vadd.f32 v16, v15;
	_ =	sdelay $0x1  }
0xed: {  	v13 =	vadd.f32 v14, v13;
	_ =	sdelay $0x1  }
0xee: {  	[tilespmem:s31+$0xB420] =	vst v13  }
0xef: {  	v14 =	vld [tilespmem:s30+$0xFFFFFF30]  }
0xf0: {  	v15 =	vld [tilespmem:s30+$0xFFFFFFB0]  }
0xf1: {  	v49 =	vld [tilespmem:s30+$0x30]  }
0xf2: {  	v17 =	vld [tilespmem:s30+$0xB0];
	_ =	sdelay $0x3  }
0xf3: {  	vm12 =	vlt.u32 v14, $0xC;
	vm13 =	vlt.u32 v15, $0x1F  }
0xf4: {  	vm14 =	vlt.u32 v49, $0x7;
	vm15 =	vlt.u32 v17, $0x18;
	v14 =	vsel vm13, $0x3F800000, v0  }
0xf5: {  	v15 =	vsel vm14, $0x3F800000, v0;
	v50 =	vsel vm12, $0x3F800000, v0;
	v17 =	vsel vm15, $0x3F800000, v0  }
0xf6: {  	v14 =	vadd.f32 v14, v50;
	v15 =	vadd.f32 v17, v15;
	_ =	sdelay $0x1  }
0xf7: {  	v14 =	vadd.f32 v15, v14;
	_ =	sdelay $0x1  }
0xf8: {  	[tilespmem:s31+$0xB430] =	vst v14  }
0xf9: {  	v15 =	vld [tilespmem:s30+$0xC0]  }
0xfa: {  	v51 =	vld [tilespmem:s30+$0xFFFFFF40]  }
0xfb: {  	v52 =	vld [tilespmem:s30+$0x40]  }
0xfc: {  	v18 =	vld [tilespmem:s30+$0xFFFFFFC0];
	_ =	sdelay $0x3  }
0xfd: {  	vm4 =	vlt.u32 v15, $0x18;
	vm5 =	vlt.u32 v51, $0xC  }
0xfe: {  	vm6 =	vlt.u32 v52, $0x7;
	vm7 =	vlt.u32 v18, $0x1F;
	v15 =	vsel vm4, $0x3F800000, v0  }
0xff: {  	v16 =	vsel vm5, $0x3F800000, v0;
	v17 =	vsel vm6, $0x3F800000, v0;
	v18 =	vsel vm7, $0x3F800000, v0  }
0x100: {  	v15 =	vadd.f32 v15, v17;
	v16 =	vadd.f32 v18, v16;
	_ =	sdelay $0x1  }
0x101: {  	v15 =	vadd.f32 v15, v16;
	_ =	sdelay $0x1  }
0x102: {  	[tilespmem:s31+$0xB440] =	vst v15  }
0x103: {  	v53 =	vld [tilespmem:s30+$0xD0]  }
0x104: {  	v54 =	vld [tilespmem:s30+$0xFFFFFFD0]  }
0x105: {  	v55 =	vld [tilespmem:s30+$0xFFFFFF50]  }
0x106: {  	v19 =	vld [tilespmem:s30+$0x50];
	_ =	sdelay $0x3  }
0x107: {  	vm8 =	vlt.u32 v53, $0x18;
	vm9 =	vlt.u32 v54, $0x1F  }
0x108: {  	vm10 =	vlt.u32 v55, $0xC;
	vm11 =	vlt.u32 v19, $0x7;
	v56 =	vsel vm9, $0x3F800000, v0  }
0x109: {  	v57 =	vsel vm10, $0x3F800000, v0;
	v58 =	vsel vm11, $0x3F800000, v0;
	v59 =	vsel vm8, $0x3F800000, v0  }
0x10a: {  	v16 =	vadd.f32 v56, v57;
	v60 =	vadd.f32 v59, v58;
	_ =	sdelay $0x1  }
0x10b: {  	v16 =	vadd.f32 v60, v16;
	_ =	sdelay $0x1  }
0x10c: {  	v9 =	vmul.f32 v9, v9;
	[tilespmem:s31+$0xB450] =	vst v16  }
0x10d: {  	v10 =	vmul.f32 v10, v10;
	v61 =	vld [tilespmem:s30+$0xFFFFFF60]  }
0x10e: {  	v7 =	vadd.f32 v9, v7;
	v9 =	vmul.f32 v11, v11;
	v62 =	vld [tilespmem:s30+$0xFFFFFFE0]  }
0x10f: {  	v8 =	vadd.f32 v10, v8;
	v10 =	vmul.f32 v12, v12;
	v63 =	vld [tilespmem:s30+$0xE0]  }
0x110: {  	v9 =	vadd.f32 v9, v2;
	v11 =	vmul.f32 v13, v13;
	v2 =	vmul.f32 v14, v14;
	v20 =	vld [tilespmem:s30+$0x60]  }
0x111: {  	v10 =	vadd.f32 v10, v3;
	v13 =	vmul.f32 v15, v15;
	v3 =	vmul.f32 v16, v16  }
0x112: {  	v11 =	vadd.f32 v11, v4;
	v12 =	vadd.f32 v2, v5  }
0x113: {  	v13 =	vadd.f32 v13, v6;
	v14 =	vadd.f32 v3, v1  }
0x114: {  	vm12 =	vlt.u32 v61, $0xC;
	vm13 =	vlt.u32 v62, $0x1F;
	vm14 =	vlt.u32 v63, $0x18  }
0x115: {  	vm15 =	vlt.u32 v20, $0x7;
	v2 =	vsel vm12, $0x3F800000, v0;
	v4 =	vsel vm13, $0x3F800000, v0  }
0x116: {  	s1 =	simm.s32 $0x5100;
	s0 =	simm.s32 $0x200;
	v1 =	vsel vm14, $0x3F800000, v0;
	v3 =	vsel vm15, $0x3F800000, v0;
	v2 =	vadd.f32 v4, v2  }
.LBB2_4:
0x117: {  	p0 =	sne.s32 s0, $0x4E00  }
0x118: {  	s30 =	sadd.s32 $0x200, s30;
	s21 =	smov.u32 s0;
	s0 =	sadd.s32 $0x200, s0  }
0x119: {  	v1 =	vadd.f32 v1, v3;
	_ =	sdelay $0x1  }
0x11a: {  	v1 =	vadd.f32 v1, v2;
	_ =	sdelay $0x1  }
0x11b: {  	[tilespmem:s31+$0xB460] =	vst v1;
	v1 =	vmul.f32 v1, v1  }
0x11c: {  	v2 =	vld [tilespmem:s1+$0xFFFFFF70]  }
0x11d: {  	v7 =	vadd.f32 v1, v7;
	v1 =	vld [tilespmem:s1+$0xF0]  }
0x11e: {  	v3 =	vld [tilespmem:s1+$0x70]  }
0x11f: {  	v4 =	vld [tilespmem:s1+$0xFFFFFFF0];
	s1 =	smov.u32 s30;
	_ =	sdelay $0x1  }
0x120: {  	vm0 =	vlt.u32 v2, $0xC  }
0x121: {  	v2 =	vsel vm0, $0x3F800000, v0;
	vm0 =	vlt.u32 v1, $0x18  }
0x122: {  	vm1 =	vlt.u32 v3, $0x7;
	v1 =	vsel vm0, $0x3F800000, v0  }
0x123: {  	vm0 =	vlt.u32 v4, $0x1F;
	v3 =	vsel vm1, $0x3F800000, v0  }
0x124: {  	v4 =	vsel vm0, $0x3F800000, v0;
	v1 =	vadd.f32 v1, v3  }
0x125: {  	v2 =	vadd.f32 v4, v2;
	_ =	sdelay $0x1  }
0x126: {  	v1 =	vadd.f32 v1, v2;
	_ =	sdelay $0x1  }
0x127: {  	[tilespmem:s31+$0xB470] =	vst v1;
	v1 =	vmul.f32 v1, v1  }
0x128: {  	v2 =	vld [tilespmem:s30+$0xFFFFFF00]  }
0x129: {  	v3 =	vld [tilespmem:s30+$0x80];
	v8 =	vadd.f32 v1, v8  }
0x12a: {  	v1 =	vld [tilespmem:s30+$0x0]  }
0x12b: {  	v4 =	vld [tilespmem:s30+$0xFFFFFF80];
	_ =	sdelay $0x1  }
0x12c: {  	vm0 =	vlt.u32 v2, $0xC  }
0x12d: {  	vm1 =	vlt.u32 v3, $0x18  }
0x12e: {  	vm2 =	vlt.u32 v1, $0x7  }
0x12f: {  	vm3 =	vlt.u32 v4, $0x1F;
	v1 =	vsel vm2, $0x3F800000, v0  }
0x130: {  	v2 =	vsel vm0, $0x3F800000, v0;
	v4 =	vsel vm1, $0x3F800000, v0;
	v3 =	vsel vm3, $0x3F800000, v0  }
0x131: {  	v1 =	vadd.f32 v4, v1;
	v2 =	vadd.f32 v3, v2;
	_ =	sdelay $0x1  }
0x132: {  	v1 =	vadd.f32 v1, v2  }
0x133: {  	s31 =	sshra.s32 s21, $0x2  }
0x134: {  	[tilespmem:s31+$0xB400] =	vst v1;
	v1 =	vmul.f32 v1, v1  }
0x135: {  	v2 =	vld [tilespmem:s30+$0x90]  }
0x136: {  	v9 =	vadd.f32 v1, v9;
	v1 =	vld [tilespmem:s30+$0xFFFFFF90]  }
0x137: {  	v3 =	vld [tilespmem:s30+$0x10]  }
0x138: {  	v4 =	vld [tilespmem:s30+$0xFFFFFF10];
	_ =	sdelay $0x1  }
0x139: {  	vm0 =	vlt.u32 v2, $0x18  }
0x13a: {  	vm1 =	vlt.u32 v1, $0x1F;
	v1 =	vsel vm0, $0x3F800000, v0  }
0x13b: {  	v2 =	vsel vm1, $0x3F800000, v0;
	vm0 =	vlt.u32 v3, $0x7  }
0x13c: {  	vm1 =	vlt.u32 v4, $0xC;
	v3 =	vsel vm0, $0x3F800000, v0  }
0x13d: {  	v4 =	vsel vm1, $0x3F800000, v0;
	v1 =	vadd.f32 v1, v3  }
0x13e: {  	v2 =	vadd.f32 v2, v4;
	_ =	sdelay $0x1  }
0x13f: {  	v1 =	vadd.f32 v1, v2;
	_ =	sdelay $0x1  }
0x140: {  	[tilespmem:s31+$0xB410] =	vst v1;
	v1 =	vmul.f32 v1, v1  }
0x141: {  	v2 =	vld [tilespmem:s30+$0x20]  }
0x142: {  	v10 =	vadd.f32 v1, v10;
	v1 =	vld [tilespmem:s30+$0xFFFFFFA0]  }
0x143: {  	v3 =	vld [tilespmem:s30+$0xFFFFFF20]  }
0x144: {  	v4 =	vld [tilespmem:s30+$0xA0];
	_ =	sdelay $0x2  }
0x145: {  	vm0 =	vlt.u32 v1, $0x1F  }
0x146: {  	vm1 =	vlt.u32 v3, $0xC;
	v1 =	vsel vm0, $0x3F800000, v0;
	vm0 =	vlt.u32 v2, $0x7  }
0x147: {  	v2 =	vsel vm1, $0x3F800000, v0;
	v3 =	vsel vm0, $0x3F800000, v0;
	vm0 =	vlt.u32 v4, $0x18  }
0x148: {  	v4 =	vsel vm0, $0x3F800000, v0;
	v1 =	vadd.f32 v1, v2  }
0x149: {  	v2 =	vadd.f32 v4, v3;
	_ =	sdelay $0x1  }
0x14a: {  	v1 =	vadd.f32 v2, v1;
	_ =	sdelay $0x1  }
0x14b: {  	[tilespmem:s31+$0xB420] =	vst v1;
	v1 =	vmul.f32 v1, v1  }
0x14c: {  	v2 =	vld [tilespmem:s30+$0xFFFFFF30]  }
0x14d: {  	v11 =	vadd.f32 v1, v11;
	v1 =	vld [tilespmem:s30+$0xFFFFFFB0]  }
0x14e: {  	v3 =	vld [tilespmem:s30+$0x30]  }
0x14f: {  	v4 =	vld [tilespmem:s30+$0xB0];
	_ =	sdelay $0x1  }
0x150: {  	vm0 =	vlt.u32 v2, $0xC  }
0x151: {  	vm1 =	vlt.u32 v1, $0x1F  }
0x152: {  	v1 =	vsel vm1, $0x3F800000, v0;
	vm1 =	vlt.u32 v3, $0x7  }
0x153: {  	v2 =	vsel vm1, $0x3F800000, v0;
	vm1 =	vlt.u32 v4, $0x18  }
0x154: {  	v3 =	vsel vm0, $0x3F800000, v0;
	v4 =	vsel vm1, $0x3F800000, v0  }
0x155: {  	v1 =	vadd.f32 v1, v3;
	v2 =	vadd.f32 v4, v2;
	_ =	sdelay $0x1  }
0x156: {  	v1 =	vadd.f32 v2, v1;
	_ =	sdelay $0x1  }
0x157: {  	[tilespmem:s31+$0xB430] =	vst v1;
	v1 =	vmul.f32 v1, v1  }
0x158: {  	v2 =	vld [tilespmem:s30+$0xC0]  }
0x159: {  	v12 =	vadd.f32 v1, v12;
	v1 =	vld [tilespmem:s30+$0xFFFFFF40]  }
0x15a: {  	v3 =	vld [tilespmem:s30+$0x40]  }
0x15b: {  	v4 =	vld [tilespmem:s30+$0xFFFFFFC0];
	_ =	sdelay $0x1  }
0x15c: {  	vm0 =	vlt.u32 v2, $0x18  }
0x15d: {  	vm1 =	vlt.u32 v1, $0xC;
	v1 =	vsel vm0, $0x3F800000, v0  }
0x15e: {  	v2 =	vsel vm1, $0x3F800000, v0;
	vm0 =	vlt.u32 v3, $0x7  }
0x15f: {  	vm1 =	vlt.u32 v4, $0x1F;
	v3 =	vsel vm0, $0x3F800000, v0  }
0x160: {  	v4 =	vsel vm1, $0x3F800000, v0;
	v1 =	vadd.f32 v1, v3  }
0x161: {  	v2 =	vadd.f32 v4, v2;
	_ =	sdelay $0x1  }
0x162: {  	v1 =	vadd.f32 v1, v2;
	_ =	sdelay $0x1  }
0x163: {  	[tilespmem:s31+$0xB440] =	vst v1;
	v1 =	vmul.f32 v1, v1  }
0x164: {  	v2 =	vld [tilespmem:s30+$0xD0]  }
0x165: {  	v13 =	vadd.f32 v1, v13;
	v1 =	vld [tilespmem:s30+$0xFFFFFFD0]  }
0x166: {  	v3 =	vld [tilespmem:s30+$0xFFFFFF50]  }
0x167: {  	v4 =	vld [tilespmem:s30+$0x50];
	_ =	sdelay $0x1  }
0x168: {  	vm0 =	vlt.u32 v2, $0x18  }
0x169: {  	vm1 =	vlt.u32 v1, $0x1F  }
0x16a: {  	vm2 =	vlt.u32 v3, $0xC;
	v1 =	vsel vm1, $0x3F800000, v0  }
0x16b: {  	v2 =	vsel vm2, $0x3F800000, v0;
	vm1 =	vlt.u32 v4, $0x7  }
0x16c: {  	v4 =	vsel vm0, $0x3F800000, v0;
	v3 =	vsel vm1, $0x3F800000, v0;
	v1 =	vadd.f32 v1, v2  }
0x16d: {  	v2 =	vadd.f32 v4, v3;
	_ =	sdelay $0x1  }
0x16e: {  	v1 =	vadd.f32 v2, v1;
	_ =	sdelay $0x1  }
0x16f: {  	[tilespmem:s31+$0xB450] =	vst v1;
	v1 =	vmul.f32 v1, v1  }
0x170: {  	v2 =	vld [tilespmem:s30+$0xFFFFFF60]  }
0x171: {  	v14 =	vadd.f32 v1, v14;
	v1 =	vld [tilespmem:s30+$0xFFFFFFE0]  }
0x172: {  	v3 =	vld [tilespmem:s30+$0xE0]  }
0x173: {  	v4 =	vld [tilespmem:s30+$0x60];
	_ =	sdelay $0x1  }
.Ltmp1:
0x174: {  	vm0 =	vlt.u32 v2, $0xC;
	(pc) =	sbr.rel @p0 .LBB2_4-.Ltmp1, $4  }
0x175: {  	vm1 =	vlt.u32 v1, $0x1F  }
0x176: {  	v2 =	vsel vm0, $0x3F800000, v0;
	vm0 =	vlt.u32 v3, $0x18  }
0x177: {  	v5 =	vsel vm1, $0x3F800000, v0;
	vm1 =	vlt.u32 v4, $0x7;
	v1 =	vsel vm0, $0x3F800000, v0  }
0x178: {  	v2 =	vadd.f32 v5, v2;
	v3 =	vsel vm1, $0x3F800000, v0  }
0x179: {  	v1 =	vadd.f32 v1, v3;
	_ =	sdelay $0x1  }
0x17a: {  	v1 =	vadd.f32 v1, v2;
	_ =	sdelay $0x1  }
0x17b: {  	[tilespmem:s31+$0xB460] =	vst v1  }
0x17c: {  	v2 =	vld [tilespmem:s1+$0xFFFFFF70]  }
0x17d: {  	v3 =	vld [tilespmem:s1+$0xF0]  }
0x17e: {  	v4 =	vld [tilespmem:s1+$0x70]  }
0x17f: {  	v5 =	vld [tilespmem:s1+$0xFFFFFFF0];
	_ =	sdelay $0x3  }
0x180: {  	vm0 =	vlt.u32 v2, $0xC;
	vm12 =	vlt.u32 v3, $0x18  }
0x181: {  	vm1 =	vlt.u32 v4, $0x7;
	vm2 =	vlt.u32 v5, $0x1F;
	v2 =	vsel vm0, $0x3F800000, v0  }
0x182: {  	v3 =	vsel vm12, $0x3F800000, v0;
	v4 =	vsel vm1, $0x3F800000, v0;
	v5 =	vsel vm2, $0x3F800000, v0  }
0x183: {  	v3 =	vadd.f32 v3, v4;
	v2 =	vadd.f32 v5, v2;
	_ =	sdelay $0x1  }
0x184: {  	v2 =	vadd.f32 v3, v2;
	_ =	sdelay $0x1  }
0x185: {  	[tilespmem:s31+$0xB470] =	vst v2  }
0x186: {  	[tilespmem:s16], [sflag:$0x2] =	stream.strided.gather [hbm4b:s6+s14], $0x5000, s15, s14, $0x38;
	[tilespmem:$0x10400] =	vst v63  }
0x187: {  	_ =	swait.ge [sflag:s17], $0x5000  }
0x188: {  	[sflag:s17] =	ssyncset.done $0x0  }
0x189: {  	s30 =	simm.s32 $0x100;
	[sflag:s17] =	ssyncadd.s32 $0xFFFFB000  }
0x18a: {  	v3 =	vld [tilespmem:s30+$0xFFFFFF00]  }
0x18b: {  	v4 =	vld [tilespmem:s30+$0x80]  }
0x18c: {  	v5 =	vld [tilespmem:s30+$0x0]  }
0x18d: {  	v6 =	vld [tilespmem:s30+$0xFFFFFF80];
	_ =	sdelay $0x3  }
0x18e: {  	vm13 =	vlt.u32 v3, $0xC;
	vm14 =	vlt.u32 v5, $0x7  }
0x18f: {  	vm15 =	vlt.u32 v4, $0x18;
	vm3 =	vlt.u32 v6, $0x1F;
	v3 =	vsel vm14, $0x3F800000, v0  }
0x190: {  	v4 =	vsel vm13, $0x3F800000, v0;
	v5 =	vsel vm3, $0x3F800000, v0;
	v6 =	vsel vm15, $0x3F800000, v0  }
0x191: {  	v4 =	vadd.f32 v5, v4;
	v3 =	vadd.f32 v6, v3;
	_ =	sdelay $0x1  }
0x192: {  	v3 =	vadd.f32 v3, v4  }
0x193: {  	s31 =	simm.s32 $0x0  }
0x194: {  	[tilespmem:s31+$0xC800] =	vst v3  }
0x195: {  	v4 =	vld [tilespmem:s30+$0x90]  }
0x196: {  	v5 =	vld [tilespmem:s30+$0xFFFFFF90]  }
0x197: {  	v6 =	vld [tilespmem:s30+$0x10]  }
0x198: {  	v15 =	vld [tilespmem:s30+$0xFFFFFF10];
	_ =	sdelay $0x3  }
0x199: {  	vm4 =	vlt.u32 v4, $0x18;
	vm5 =	vlt.u32 v5, $0x1F  }
0x19a: {  	vm6 =	vlt.u32 v6, $0x7;
	vm7 =	vlt.u32 v15, $0xC;
	v4 =	vsel vm4, $0x3F800000, v0  }
0x19b: {  	v5 =	vsel vm5, $0x3F800000, v0;
	v6 =	vsel vm6, $0x3F800000, v0;
	v15 =	vsel vm7, $0x3F800000, v0  }
0x19c: {  	v4 =	vadd.f32 v4, v6;
	v5 =	vadd.f32 v5, v15;
	_ =	sdelay $0x1  }
0x19d: {  	v4 =	vadd.f32 v4, v5;
	_ =	sdelay $0x1  }
0x19e: {  	[tilespmem:s31+$0xC810] =	vst v4  }
0x19f: {  	v5 =	vld [tilespmem:s30+$0x20]  }
0x1a0: {  	v6 =	vld [tilespmem:s30+$0xFFFFFFA0]  }
0x1a1: {  	v43 =	vld [tilespmem:s30+$0xFFFFFF20]  }
0x1a2: {  	v16 =	vld [tilespmem:s30+$0xA0];
	_ =	sdelay $0x3  }
0x1a3: {  	vm8 =	vlt.u32 v6, $0x1F;
	vm9 =	vlt.u32 v43, $0xC  }
0x1a4: {  	vm10 =	vlt.u32 v5, $0x7;
	vm11 =	vlt.u32 v16, $0x18;
	v6 =	vsel vm8, $0x3F800000, v0  }
0x1a5: {  	v5 =	vsel vm9, $0x3F800000, v0;
	v44 =	vsel vm10, $0x3F800000, v0;
	v16 =	vsel vm11, $0x3F800000, v0  }
0x1a6: {  	v5 =	vadd.f32 v6, v5;
	v6 =	vadd.f32 v16, v44;
	_ =	sdelay $0x1  }
0x1a7: {  	v5 =	vadd.f32 v6, v5;
	_ =	sdelay $0x1  }
0x1a8: {  	[tilespmem:s31+$0xC820] =	vst v5  }
0x1a9: {  	v6 =	vld [tilespmem:s30+$0xFFFFFF30]  }
0x1aa: {  	v45 =	vld [tilespmem:s30+$0xFFFFFFB0]  }
0x1ab: {  	v46 =	vld [tilespmem:s30+$0x30]  }
0x1ac: {  	v17 =	vld [tilespmem:s30+$0xB0];
	_ =	sdelay $0x3  }
0x1ad: {  	vm12 =	vlt.u32 v6, $0xC;
	vm13 =	vlt.u32 v45, $0x1F  }
0x1ae: {  	vm14 =	vlt.u32 v46, $0x7;
	vm15 =	vlt.u32 v17, $0x18;
	v6 =	vsel vm13, $0x3F800000, v0  }
0x1af: {  	v47 =	vsel vm14, $0x3F800000, v0;
	v48 =	vsel vm12, $0x3F800000, v0;
	v17 =	vsel vm15, $0x3F800000, v0  }
0x1b0: {  	v6 =	vadd.f32 v6, v48;
	v15 =	vadd.f32 v17, v47;
	_ =	sdelay $0x1  }
0x1b1: {  	v6 =	vadd.f32 v15, v6;
	_ =	sdelay $0x1  }
0x1b2: {  	[tilespmem:s31+$0xC830] =	vst v6  }
0x1b3: {  	v49 =	vld [tilespmem:s30+$0xC0]  }
0x1b4: {  	v50 =	vld [tilespmem:s30+$0xFFFFFF40]  }
0x1b5: {  	v51 =	vld [tilespmem:s30+$0x40]  }
0x1b6: {  	v18 =	vld [tilespmem:s30+$0xFFFFFFC0];
	_ =	sdelay $0x3  }
0x1b7: {  	vm4 =	vlt.u32 v49, $0x18;
	vm5 =	vlt.u32 v50, $0xC  }
0x1b8: {  	vm6 =	vlt.u32 v51, $0x7;
	vm7 =	vlt.u32 v18, $0x1F;
	v15 =	vsel vm4, $0x3F800000, v0  }
0x1b9: {  	v16 =	vsel vm5, $0x3F800000, v0;
	v17 =	vsel vm6, $0x3F800000, v0;
	v18 =	vsel vm7, $0x3F800000, v0  }
0x1ba: {  	v15 =	vadd.f32 v15, v17;
	v16 =	vadd.f32 v18, v16;
	_ =	sdelay $0x1  }
0x1bb: {  	v15 =	vadd.f32 v15, v16;
	_ =	sdelay $0x1  }
0x1bc: {  	[tilespmem:s31+$0xC840] =	vst v15  }
0x1bd: {  	v52 =	vld [tilespmem:s30+$0xD0]  }
0x1be: {  	v53 =	vld [tilespmem:s30+$0xFFFFFFD0]  }
0x1bf: {  	v54 =	vld [tilespmem:s30+$0xFFFFFF50]  }
0x1c0: {  	v19 =	vld [tilespmem:s30+$0x50];
	_ =	sdelay $0x3  }
0x1c1: {  	vm8 =	vlt.u32 v52, $0x18;
	vm9 =	vlt.u32 v53, $0x1F  }
0x1c2: {  	vm10 =	vlt.u32 v54, $0xC;
	vm11 =	vlt.u32 v19, $0x7;
	v55 =	vsel vm9, $0x3F800000, v0  }
0x1c3: {  	v56 =	vsel vm10, $0x3F800000, v0;
	v57 =	vsel vm11, $0x3F800000, v0;
	v58 =	vsel vm8, $0x3F800000, v0  }
0x1c4: {  	v16 =	vadd.f32 v55, v56;
	v59 =	vadd.f32 v58, v57;
	_ =	sdelay $0x1  }
0x1c5: {  	v16 =	vadd.f32 v59, v16;
	_ =	sdelay $0x1  }
0x1c6: {  	[tilespmem:s31+$0xC850] =	vst v16  }
0x1c7: {  	v1 =	vmul.f32 v1, v1;
	v2 =	vmul.f32 v2, v2;
	v60 =	vld [tilespmem:s30+$0xFFFFFF60]  }
0x1c8: {  	v3 =	vmul.f32 v3, v3;
	v61 =	vld [tilespmem:s30+$0xFFFFFFE0]  }
0x1c9: {  	v1 =	vadd.f32 v1, v7;
	v2 =	vadd.f32 v2, v8;
	v4 =	vmul.f32 v4, v4;
	v62 =	vld [tilespmem:s30+$0xE0]  }
0x1ca: {  	v3 =	vadd.f32 v3, v9;
	v5 =	vmul.f32 v5, v5;
	v6 =	vmul.f32 v6, v6;
	v20 =	vld [tilespmem:s30+$0x60]  }
0x1cb: {  	v4 =	vadd.f32 v4, v10;
	v7 =	vmul.f32 v15, v15;
	v8 =	vmul.f32 v16, v16  }
0x1cc: {  	v5 =	vadd.f32 v5, v11;
	v6 =	vadd.f32 v6, v12  }
0x1cd: {  	v7 =	vadd.f32 v7, v13;
	v8 =	vadd.f32 v8, v14  }
0x1ce: {  	vm12 =	vlt.u32 v60, $0xC;
	vm13 =	vlt.u32 v61, $0x1F;
	vm14 =	vlt.u32 v62, $0x18  }
0x1cf: {  	vm15 =	vlt.u32 v20, $0x7;
	v10 =	vsel vm12, $0x3F800000, v0;
	v63 =	vsel vm13, $0x3F800000, v0  }
0x1d0: {  	s0 =	simm.s32 $0x200;
	s1 =	simm.s32 $0x100;
	v9 =	vsel vm14, $0x3F800000, v0;
	v11 =	vsel vm15, $0x3F800000, v0;
	v10 =	vadd.f32 v63, v10  }
.LBB2_6:
0x1d1: {  	p0 =	sne.s32 s0, $0x4E00  }
0x1d2: {  	s30 =	sadd.s32 $0x200, s30;
	s21 =	smov.u32 s0;
	s0 =	sadd.s32 $0x200, s0  }
0x1d3: {  	v9 =	vadd.f32 v9, v11;
	_ =	sdelay $0x1  }
0x1d4: {  	v9 =	vadd.f32 v9, v10;
	_ =	sdelay $0x1  }
0x1d5: {  	[tilespmem:s31+$0xC860] =	vst v9;
	v9 =	vmul.f32 v9, v9  }
0x1d6: {  	v10 =	vld [tilespmem:s1+$0xFFFFFF70]  }
0x1d7: {  	v1 =	vadd.f32 v9, v1;
	v9 =	vld [tilespmem:s1+$0xF0]  }
0x1d8: {  	v11 =	vld [tilespmem:s1+$0x70]  }
0x1d9: {  	v12 =	vld [tilespmem:s1+$0xFFFFFFF0];
	s1 =	smov.u32 s30;
	_ =	sdelay $0x1  }
0x1da: {  	vm0 =	vlt.u32 v10, $0xC  }
0x1db: {  	v10 =	vsel vm0, $0x3F800000, v0;
	vm0 =	vlt.u32 v9, $0x18  }
0x1dc: {  	vm1 =	vlt.u32 v11, $0x7;
	v9 =	vsel vm0, $0x3F800000, v0  }
0x1dd: {  	vm0 =	vlt.u32 v12, $0x1F;
	v11 =	vsel vm1, $0x3F800000, v0  }
0x1de: {  	v12 =	vsel vm0, $0x3F800000, v0;
	v9 =	vadd.f32 v9, v11  }
0x1df: {  	v10 =	vadd.f32 v12, v10;
	_ =	sdelay $0x1  }
0x1e0: {  	v9 =	vadd.f32 v9, v10;
	_ =	sdelay $0x1  }
0x1e1: {  	[tilespmem:s31+$0xC870] =	vst v9;
	v9 =	vmul.f32 v9, v9  }
0x1e2: {  	v10 =	vld [tilespmem:s30+$0xFFFFFF00]  }
0x1e3: {  	v11 =	vld [tilespmem:s30+$0x80];
	v2 =	vadd.f32 v9, v2  }
0x1e4: {  	v9 =	vld [tilespmem:s30+$0x0]  }
0x1e5: {  	v12 =	vld [tilespmem:s30+$0xFFFFFF80];
	_ =	sdelay $0x1  }
0x1e6: {  	vm0 =	vlt.u32 v10, $0xC  }
0x1e7: {  	vm1 =	vlt.u32 v11, $0x18  }
0x1e8: {  	vm2 =	vlt.u32 v9, $0x7  }
0x1e9: {  	vm3 =	vlt.u32 v12, $0x1F;
	v9 =	vsel vm2, $0x3F800000, v0  }
0x1ea: {  	v10 =	vsel vm0, $0x3F800000, v0;
	v12 =	vsel vm1, $0x3F800000, v0;
	v11 =	vsel vm3, $0x3F800000, v0  }
0x1eb: {  	v9 =	vadd.f32 v12, v9;
	v10 =	vadd.f32 v11, v10;
	_ =	sdelay $0x1  }
0x1ec: {  	v9 =	vadd.f32 v9, v10  }
0x1ed: {  	s31 =	sshra.s32 s21, $0x2  }
0x1ee: {  	[tilespmem:s31+$0xC800] =	vst v9;
	v9 =	vmul.f32 v9, v9  }
0x1ef: {  	v10 =	vld [tilespmem:s30+$0x90]  }
0x1f0: {  	v3 =	vadd.f32 v9, v3;
	v9 =	vld [tilespmem:s30+$0xFFFFFF90]  }
0x1f1: {  	v11 =	vld [tilespmem:s30+$0x10]  }
0x1f2: {  	v12 =	vld [tilespmem:s30+$0xFFFFFF10];
	_ =	sdelay $0x1  }
0x1f3: {  	vm0 =	vlt.u32 v10, $0x18  }
0x1f4: {  	vm1 =	vlt.u32 v9, $0x1F;
	v9 =	vsel vm0, $0x3F800000, v0  }
0x1f5: {  	v10 =	vsel vm1, $0x3F800000, v0;
	vm0 =	vlt.u32 v11, $0x7  }
0x1f6: {  	vm1 =	vlt.u32 v12, $0xC;
	v11 =	vsel vm0, $0x3F800000, v0  }
0x1f7: {  	v12 =	vsel vm1, $0x3F800000, v0;
	v9 =	vadd.f32 v9, v11  }
0x1f8: {  	v10 =	vadd.f32 v10, v12;
	_ =	sdelay $0x1  }
0x1f9: {  	v9 =	vadd.f32 v9, v10;
	_ =	sdelay $0x1  }
0x1fa: {  	[tilespmem:s31+$0xC810] =	vst v9;
	v9 =	vmul.f32 v9, v9  }
0x1fb: {  	v10 =	vld [tilespmem:s30+$0x20]  }
0x1fc: {  	v4 =	vadd.f32 v9, v4;
	v9 =	vld [tilespmem:s30+$0xFFFFFFA0]  }
0x1fd: {  	v11 =	vld [tilespmem:s30+$0xFFFFFF20]  }
0x1fe: {  	v12 =	vld [tilespmem:s30+$0xA0];
	_ =	sdelay $0x2  }
0x1ff: {  	vm0 =	vlt.u32 v9, $0x1F  }
0x200: {  	vm1 =	vlt.u32 v11, $0xC;
	v9 =	vsel vm0, $0x3F800000, v0;
	vm0 =	vlt.u32 v10, $0x7  }
0x201: {  	v10 =	vsel vm1, $0x3F800000, v0;
	v11 =	vsel vm0, $0x3F800000, v0;
	vm0 =	vlt.u32 v12, $0x18  }
0x202: {  	v12 =	vsel vm0, $0x3F800000, v0;
	v9 =	vadd.f32 v9, v10  }
0x203: {  	v10 =	vadd.f32 v12, v11;
	_ =	sdelay $0x1  }
0x204: {  	v9 =	vadd.f32 v10, v9;
	_ =	sdelay $0x1  }
0x205: {  	[tilespmem:s31+$0xC820] =	vst v9;
	v9 =	vmul.f32 v9, v9  }
0x206: {  	v10 =	vld [tilespmem:s30+$0xFFFFFF30]  }
0x207: {  	v5 =	vadd.f32 v9, v5;
	v9 =	vld [tilespmem:s30+$0xFFFFFFB0]  }
0x208: {  	v11 =	vld [tilespmem:s30+$0x30]  }
0x209: {  	v12 =	vld [tilespmem:s30+$0xB0];
	_ =	sdelay $0x1  }
0x20a: {  	vm0 =	vlt.u32 v10, $0xC  }
0x20b: {  	vm1 =	vlt.u32 v9, $0x1F  }
0x20c: {  	v9 =	vsel vm1, $0x3F800000, v0;
	vm1 =	vlt.u32 v11, $0x7  }
0x20d: {  	v10 =	vsel vm1, $0x3F800000, v0;
	vm1 =	vlt.u32 v12, $0x18  }
0x20e: {  	v11 =	vsel vm0, $0x3F800000, v0;
	v12 =	vsel vm1, $0x3F800000, v0  }
0x20f: {  	v9 =	vadd.f32 v9, v11;
	v10 =	vadd.f32 v12, v10;
	_ =	sdelay $0x1  }
0x210: {  	v9 =	vadd.f32 v10, v9;
	_ =	sdelay $0x1  }
0x211: {  	[tilespmem:s31+$0xC830] =	vst v9;
	v9 =	vmul.f32 v9, v9  }
0x212: {  	v10 =	vld [tilespmem:s30+$0xC0]  }
0x213: {  	v6 =	vadd.f32 v9, v6;
	v9 =	vld [tilespmem:s30+$0xFFFFFF40]  }
0x214: {  	v11 =	vld [tilespmem:s30+$0x40]  }
0x215: {  	v12 =	vld [tilespmem:s30+$0xFFFFFFC0];
	_ =	sdelay $0x1  }
0x216: {  	vm0 =	vlt.u32 v10, $0x18  }
0x217: {  	vm1 =	vlt.u32 v9, $0xC;
	v9 =	vsel vm0, $0x3F800000, v0  }
0x218: {  	v10 =	vsel vm1, $0x3F800000, v0;
	vm0 =	vlt.u32 v11, $0x7  }
0x219: {  	vm1 =	vlt.u32 v12, $0x1F;
	v11 =	vsel vm0, $0x3F800000, v0  }
0x21a: {  	v12 =	vsel vm1, $0x3F800000, v0;
	v9 =	vadd.f32 v9, v11  }
0x21b: {  	v10 =	vadd.f32 v12, v10;
	_ =	sdelay $0x1  }
0x21c: {  	v9 =	vadd.f32 v9, v10;
	_ =	sdelay $0x1  }
0x21d: {  	[tilespmem:s31+$0xC840] =	vst v9;
	v9 =	vmul.f32 v9, v9  }
0x21e: {  	v10 =	vld [tilespmem:s30+$0xD0]  }
0x21f: {  	v7 =	vadd.f32 v9, v7;
	v9 =	vld [tilespmem:s30+$0xFFFFFFD0]  }
0x220: {  	v11 =	vld [tilespmem:s30+$0xFFFFFF50]  }
0x221: {  	v12 =	vld [tilespmem:s30+$0x50];
	_ =	sdelay $0x1  }
0x222: {  	vm0 =	vlt.u32 v10, $0x18  }
0x223: {  	vm1 =	vlt.u32 v9, $0x1F  }
0x224: {  	vm2 =	vlt.u32 v11, $0xC;
	v9 =	vsel vm1, $0x3F800000, v0  }
0x225: {  	v10 =	vsel vm2, $0x3F800000, v0;
	vm1 =	vlt.u32 v12, $0x7  }
0x226: {  	v12 =	vsel vm0, $0x3F800000, v0;
	v11 =	vsel vm1, $0x3F800000, v0;
	v9 =	vadd.f32 v9, v10  }
0x227: {  	v10 =	vadd.f32 v12, v11;
	_ =	sdelay $0x1  }
0x228: {  	v9 =	vadd.f32 v10, v9;
	_ =	sdelay $0x1  }
0x229: {  	[tilespmem:s31+$0xC850] =	vst v9;
	v9 =	vmul.f32 v9, v9  }
0x22a: {  	v10 =	vld [tilespmem:s30+$0xFFFFFF60]  }
0x22b: {  	v8 =	vadd.f32 v9, v8;
	v9 =	vld [tilespmem:s30+$0xFFFFFFE0]  }
0x22c: {  	v11 =	vld [tilespmem:s30+$0xE0]  }
0x22d: {  	v12 =	vld [tilespmem:s30+$0x60];
	_ =	sdelay $0x1  }
.Ltmp2:
0x22e: {  	vm0 =	vlt.u32 v10, $0xC;
	(pc) =	sbr.rel @p0 .LBB2_6-.Ltmp2, $4  }
0x22f: {  	vm1 =	vlt.u32 v9, $0x1F  }
0x230: {  	v10 =	vsel vm0, $0x3F800000, v0;
	vm0 =	vlt.u32 v11, $0x18  }
0x231: {  	v13 =	vsel vm1, $0x3F800000, v0;
	vm1 =	vlt.u32 v12, $0x7;
	v9 =	vsel vm0, $0x3F800000, v0  }
0x232: {  	v10 =	vadd.f32 v13, v10;
	v11 =	vsel vm1, $0x3F800000, v0  }
0x233: {  	v9 =	vadd.f32 v9, v11;
	_ =	sdelay $0x1  }
0x234: {  	v9 =	vadd.f32 v9, v10;
	_ =	sdelay $0x1  }
0x235: {  	[tilespmem:s31+$0xC860] =	vst v9  }
0x236: {  	v10 =	vld [tilespmem:s1+$0xFFFFFF70]  }
0x237: {  	v11 =	vld [tilespmem:s1+$0xF0]  }
0x238: {  	v12 =	vld [tilespmem:s1+$0x70]  }
0x239: {  	v13 =	vld [tilespmem:s1+$0xFFFFFFF0];
	_ =	sdelay $0x3  }
0x23a: {  	vm0 =	vlt.u32 v10, $0xC;
	vm12 =	vlt.u32 v11, $0x18  }
0x23b: {  	vm1 =	vlt.u32 v12, $0x7;
	vm2 =	vlt.u32 v13, $0x1F;
	v10 =	vsel vm0, $0x3F800000, v0  }
0x23c: {  	v11 =	vsel vm12, $0x3F800000, v0;
	v12 =	vsel vm1, $0x3F800000, v0;
	v13 =	vsel vm2, $0x3F800000, v0  }
0x23d: {  	v11 =	vadd.f32 v11, v12;
	v10 =	vadd.f32 v13, v10;
	_ =	sdelay $0x1  }
0x23e: {  	v10 =	vadd.f32 v11, v10;
	_ =	sdelay $0x1  }
0x23f: {  	s0 =	simm.s32 $0x0;
	[tilespmem:s31+$0xC870] =	vst v10  }
0x240: {  	[tilespmem:s0], [sflag:$0x1] =	stream.strided.gather [hbm4b:s8+s14], $0x5000, s15, s14, $0x38;
	[tilespmem:$0x10400] =	vst v63  }
0x241: {  	_ =	swait.ge [sflag:s18], $0x5000  }
0x242: {  	[sflag:s18] =	ssyncset.done $0x0  }
0x243: {  	s30 =	simm.s32 $0x5100;
	[sflag:s18] =	ssyncadd.s32 $0xFFFFB000  }
0x244: {  	v11 =	vld [tilespmem:s30+$0xFFFFFF00]  }
0x245: {  	v27 =	vld [tilespmem:s30+$0x80]  }
0x246: {  	v28 =	vld [tilespmem:s30+$0x0]  }
0x247: {  	v14 =	vld [tilespmem:s30+$0xFFFFFF80];
	_ =	sdelay $0x3  }
0x248: {  	vm13 =	vlt.u32 v11, $0xC;
	vm14 =	vlt.u32 v28, $0x7  }
0x249: {  	vm15 =	vlt.u32 v27, $0x18;
	vm3 =	vlt.u32 v14, $0x1F;
	v11 =	vsel vm14, $0x3F800000, v0  }
0x24a: {  	v29 =	vsel vm13, $0x3F800000, v0;
	v30 =	vsel vm3, $0x3F800000, v0;
	v31 =	vsel vm15, $0x3F800000, v0  }
0x24b: {  	v12 =	vadd.f32 v30, v29;
	v11 =	vadd.f32 v31, v11;
	_ =	sdelay $0x1  }
0x24c: {  	v11 =	vadd.f32 v11, v12  }
0x24d: {  	s31 =	simm.s32 $0x0  }
0x24e: {  	[tilespmem:s31+$0xDC00] =	vst v11  }
0x24f: {  	v32 =	vld [tilespmem:s30+$0x90]  }
0x250: {  	v33 =	vld [tilespmem:s30+$0xFFFFFF90]  }
0x251: {  	v34 =	vld [tilespmem:s30+$0x10]  }
0x252: {  	v15 =	vld [tilespmem:s30+$0xFFFFFF10];
	_ =	sdelay $0x3  }
0x253: {  	vm4 =	vlt.u32 v32, $0x18;
	vm5 =	vlt.u32 v33, $0x1F  }
0x254: {  	vm6 =	vlt.u32 v34, $0x7;
	vm7 =	vlt.u32 v15, $0xC;
	v12 =	vsel vm4, $0x3F800000, v0  }
0x255: {  	v13 =	vsel vm5, $0x3F800000, v0;
	v14 =	vsel vm6, $0x3F800000, v0;
	v15 =	vsel vm7, $0x3F800000, v0  }
0x256: {  	v12 =	vadd.f32 v12, v14;
	v13 =	vadd.f32 v13, v15;
	_ =	sdelay $0x1  }
0x257: {  	v12 =	vadd.f32 v12, v13;
	_ =	sdelay $0x1  }
0x258: {  	[tilespmem:s31+$0xDC10] =	vst v12  }
0x259: {  	v35 =	vld [tilespmem:s30+$0x20]  }
0x25a: {  	v36 =	vld [tilespmem:s30+$0xFFFFFFA0]  }
0x25b: {  	v37 =	vld [tilespmem:s30+$0xFFFFFF20]  }
0x25c: {  	v16 =	vld [tilespmem:s30+$0xA0];
	_ =	sdelay $0x3  }
0x25d: {  	vm8 =	vlt.u32 v36, $0x1F;
	vm9 =	vlt.u32 v37, $0xC  }
0x25e: {  	vm10 =	vlt.u32 v35, $0x7;
	vm11 =	vlt.u32 v16, $0x18;
	v14 =	vsel vm8, $0x3F800000, v0  }
0x25f: {  	v38 =	vsel vm9, $0x3F800000, v0;
	v39 =	vsel vm10, $0x3F800000, v0;
	v16 =	vsel vm11, $0x3F800000, v0  }
0x260: {  	v13 =	vadd.f32 v14, v38;
	v40 =	vadd.f32 v16, v39;
	_ =	sdelay $0x1  }
0x261: {  	v13 =	vadd.f32 v40, v13;
	_ =	sdelay $0x1  }
0x262: {  	[tilespmem:s31+$0xDC20] =	vst v13  }
0x263: {  	v41 =	vld [tilespmem:s30+$0xFFFFFF30]  }
0x264: {  	v42 =	vld [tilespmem:s30+$0xFFFFFFB0]  }
0x265: {  	v43 =	vld [tilespmem:s30+$0x30]  }
0x266: {  	v17 =	vld [tilespmem:s30+$0xB0];
	_ =	sdelay $0x3  }
0x267: {  	vm12 =	vlt.u32 v41, $0xC;
	vm13 =	vlt.u32 v42, $0x1F  }
0x268: {  	vm14 =	vlt.u32 v43, $0x7;
	vm15 =	vlt.u32 v17, $0x18;
	v44 =	vsel vm13, $0x3F800000, v0  }
0x269: {  	v45 =	vsel vm14, $0x3F800000, v0;
	v46 =	vsel vm12, $0x3F800000, v0;
	v17 =	vsel vm15, $0x3F800000, v0  }
0x26a: {  	v14 =	vadd.f32 v44, v46;
	v15 =	vadd.f32 v17, v45;
	_ =	sdelay $0x1  }
0x26b: {  	v14 =	vadd.f32 v15, v14;
	_ =	sdelay $0x1  }
0x26c: {  	[tilespmem:s31+$0xDC30] =	vst v14  }
0x26d: {  	v47 =	vld [tilespmem:s30+$0xC0]  }
0x26e: {  	v48 =	vld [tilespmem:s30+$0xFFFFFF40]  }
0x26f: {  	v49 =	vld [tilespmem:s30+$0x40]  }
0x270: {  	v18 =	vld [tilespmem:s30+$0xFFFFFFC0];
	_ =	sdelay $0x3  }
0x271: {  	vm4 =	vlt.u32 v47, $0x18;
	vm5 =	vlt.u32 v48, $0xC  }
0x272: {  	vm6 =	vlt.u32 v49, $0x7;
	vm7 =	vlt.u32 v18, $0x1F;
	v15 =	vsel vm4, $0x3F800000, v0  }
0x273: {  	v16 =	vsel vm5, $0x3F800000, v0;
	v17 =	vsel vm6, $0x3F800000, v0;
	v18 =	vsel vm7, $0x3F800000, v0  }
0x274: {  	v15 =	vadd.f32 v15, v17;
	v16 =	vadd.f32 v18, v16;
	_ =	sdelay $0x1  }
0x275: {  	v15 =	vadd.f32 v15, v16;
	_ =	sdelay $0x1  }
0x276: {  	[tilespmem:s31+$0xDC40] =	vst v15  }
0x277: {  	v50 =	vld [tilespmem:s30+$0xD0]  }
0x278: {  	v51 =	vld [tilespmem:s30+$0xFFFFFFD0]  }
0x279: {  	v52 =	vld [tilespmem:s30+$0xFFFFFF50]  }
0x27a: {  	v19 =	vld [tilespmem:s30+$0x50];
	_ =	sdelay $0x3  }
0x27b: {  	vm8 =	vlt.u32 v50, $0x18;
	vm9 =	vlt.u32 v51, $0x1F  }
0x27c: {  	vm10 =	vlt.u32 v52, $0xC;
	vm11 =	vlt.u32 v19, $0x7;
	v53 =	vsel vm9, $0x3F800000, v0  }
0x27d: {  	v54 =	vsel vm10, $0x3F800000, v0;
	v55 =	vsel vm11, $0x3F800000, v0;
	v56 =	vsel vm8, $0x3F800000, v0  }
0x27e: {  	v16 =	vadd.f32 v53, v54;
	v57 =	vadd.f32 v56, v55;
	_ =	sdelay $0x1  }
0x27f: {  	v16 =	vadd.f32 v57, v16;
	_ =	sdelay $0x1  }
0x280: {  	v9 =	vmul.f32 v9, v9;
	[tilespmem:s31+$0xDC50] =	vst v16  }
0x281: {  	v10 =	vmul.f32 v10, v10;
	v58 =	vld [tilespmem:s30+$0xFFFFFF60]  }
0x282: {  	v1 =	vadd.f32 v9, v1;
	v9 =	vmul.f32 v11, v11;
	v59 =	vld [tilespmem:s30+$0xFFFFFFE0]  }
0x283: {  	v2 =	vadd.f32 v10, v2;
	v10 =	vmul.f32 v12, v12;
	v11 =	vld [tilespmem:s30+$0xE0]  }
0x284: {  	v3 =	vadd.f32 v9, v3;
	v60 =	vmul.f32 v13, v13;
	v9 =	vmul.f32 v14, v14;
	v61 =	vld [tilespmem:s30+$0x60]  }
0x285: {  	v4 =	vadd.f32 v10, v4;
	v62 =	vmul.f32 v15, v15;
	v10 =	vmul.f32 v16, v16  }
0x286: {  	v5 =	vadd.f32 v60, v5;
	v6 =	vadd.f32 v9, v6  }
0x287: {  	v7 =	vadd.f32 v62, v7;
	v8 =	vadd.f32 v10, v8  }
0x288: {  	vm12 =	vlt.u32 v58, $0xC;
	vm13 =	vlt.u32 v59, $0x1F;
	vm14 =	vlt.u32 v11, $0x18  }
0x289: {  	vm15 =	vlt.u32 v61, $0x7;
	v10 =	vsel vm12, $0x3F800000, v0;
	v63 =	vsel vm13, $0x3F800000, v0  }
0x28a: {  	s1 =	simm.s32 $0x5100;
	s0 =	simm.s32 $0x200;
	v9 =	vsel vm14, $0x3F800000, v0;
	v11 =	vsel vm15, $0x3F800000, v0;
	v10 =	vadd.f32 v63, v10  }
.LBB2_8:
0x28b: {  	p0 =	sne.s32 s0, $0x4E00  }
0x28c: {  	s30 =	sadd.s32 $0x200, s30;
	s21 =	smov.u32 s0;
	s0 =	sadd.s32 $0x200, s0  }
0x28d: {  	v9 =	vadd.f32 v9, v11;
	_ =	sdelay $0x1  }
0x28e: {  	v9 =	vadd.f32 v9, v10;
	_ =	sdelay $0x1  }
0x28f: {  	[tilespmem:s31+$0xDC60] =	vst v9;
	v9 =	vmul.f32 v9, v9  }
0x290: {  	v10 =	vld [tilespmem:s1+$0xFFFFFF70]  }
0x291: {  	v1 =	vadd.f32 v9, v1;
	v9 =	vld [tilespmem:s1+$0xF0]  }
0x292: {  	v11 =	vld [tilespmem:s1+$0x70]  }
0x293: {  	v12 =	vld [tilespmem:s1+$0xFFFFFFF0];
	s1 =	smov.u32 s30;
	_ =	sdelay $0x1  }
0x294: {  	vm0 =	vlt.u32 v10, $0xC  }
0x295: {  	v10 =	vsel vm0, $0x3F800000, v0;
	vm0 =	vlt.u32 v9, $0x18  }
0x296: {  	vm1 =	vlt.u32 v11, $0x7;
	v9 =	vsel vm0, $0x3F800000, v0  }
0x297: {  	vm0 =	vlt.u32 v12, $0x1F;
	v11 =	vsel vm1, $0x3F800000, v0  }
0x298: {  	v12 =	vsel vm0, $0x3F800000, v0;
	v9 =	vadd.f32 v9, v11  }
0x299: {  	v10 =	vadd.f32 v12, v10;
	_ =	sdelay $0x1  }
0x29a: {  	v9 =	vadd.f32 v9, v10;
	_ =	sdelay $0x1  }
0x29b: {  	[tilespmem:s31+$0xDC70] =	vst v9;
	v9 =	vmul.f32 v9, v9  }
0x29c: {  	v10 =	vld [tilespmem:s30+$0xFFFFFF00]  }
0x29d: {  	v11 =	vld [tilespmem:s30+$0x80];
	v2 =	vadd.f32 v9, v2  }
0x29e: {  	v9 =	vld [tilespmem:s30+$0x0]  }
0x29f: {  	v12 =	vld [tilespmem:s30+$0xFFFFFF80];
	_ =	sdelay $0x1  }
0x2a0: {  	vm0 =	vlt.u32 v10, $0xC  }
0x2a1: {  	vm1 =	vlt.u32 v11, $0x18  }
0x2a2: {  	vm2 =	vlt.u32 v9, $0x7  }
0x2a3: {  	vm3 =	vlt.u32 v12, $0x1F;
	v9 =	vsel vm2, $0x3F800000, v0  }
0x2a4: {  	v10 =	vsel vm0, $0x3F800000, v0;
	v12 =	vsel vm1, $0x3F800000, v0;
	v11 =	vsel vm3, $0x3F800000, v0  }
0x2a5: {  	v9 =	vadd.f32 v12, v9;
	v10 =	vadd.f32 v11, v10;
	_ =	sdelay $0x1  }
0x2a6: {  	v9 =	vadd.f32 v9, v10  }
0x2a7: {  	s31 =	sshra.s32 s21, $0x2  }
0x2a8: {  	[tilespmem:s31+$0xDC00] =	vst v9;
	v9 =	vmul.f32 v9, v9  }
0x2a9: {  	v10 =	vld [tilespmem:s30+$0x90]  }
0x2aa: {  	v3 =	vadd.f32 v9, v3;
	v9 =	vld [tilespmem:s30+$0xFFFFFF90]  }
0x2ab: {  	v11 =	vld [tilespmem:s30+$0x10]  }
0x2ac: {  	v12 =	vld [tilespmem:s30+$0xFFFFFF10];
	_ =	sdelay $0x1  }
0x2ad: {  	vm0 =	vlt.u32 v10, $0x18  }
0x2ae: {  	vm1 =	vlt.u32 v9, $0x1F;
	v9 =	vsel vm0, $0x3F800000, v0  }
0x2af: {  	v10 =	vsel vm1, $0x3F800000, v0;
	vm0 =	vlt.u32 v11, $0x7  }
0x2b0: {  	vm1 =	vlt.u32 v12, $0xC;
	v11 =	vsel vm0, $0x3F800000, v0  }
0x2b1: {  	v12 =	vsel vm1, $0x3F800000, v0;
	v9 =	vadd.f32 v9, v11  }
0x2b2: {  	v10 =	vadd.f32 v10, v12;
	_ =	sdelay $0x1  }
0x2b3: {  	v9 =	vadd.f32 v9, v10;
	_ =	sdelay $0x1  }
0x2b4: {  	[tilespmem:s31+$0xDC10] =	vst v9;
	v9 =	vmul.f32 v9, v9  }
0x2b5: {  	v10 =	vld [tilespmem:s30+$0x20]  }
0x2b6: {  	v4 =	vadd.f32 v9, v4;
	v9 =	vld [tilespmem:s30+$0xFFFFFFA0]  }
0x2b7: {  	v11 =	vld [tilespmem:s30+$0xFFFFFF20]  }
0x2b8: {  	v12 =	vld [tilespmem:s30+$0xA0];
	_ =	sdelay $0x2  }
0x2b9: {  	vm0 =	vlt.u32 v9, $0x1F  }
0x2ba: {  	vm1 =	vlt.u32 v11, $0xC;
	v9 =	vsel vm0, $0x3F800000, v0;
	vm0 =	vlt.u32 v10, $0x7  }
0x2bb: {  	v10 =	vsel vm1, $0x3F800000, v0;
	v11 =	vsel vm0, $0x3F800000, v0;
	vm0 =	vlt.u32 v12, $0x18  }
0x2bc: {  	v12 =	vsel vm0, $0x3F800000, v0;
	v9 =	vadd.f32 v9, v10  }
0x2bd: {  	v10 =	vadd.f32 v12, v11;
	_ =	sdelay $0x1  }
0x2be: {  	v9 =	vadd.f32 v10, v9;
	_ =	sdelay $0x1  }
0x2bf: {  	[tilespmem:s31+$0xDC20] =	vst v9;
	v9 =	vmul.f32 v9, v9  }
0x2c0: {  	v10 =	vld [tilespmem:s30+$0xFFFFFF30]  }
0x2c1: {  	v5 =	vadd.f32 v9, v5;
	v9 =	vld [tilespmem:s30+$0xFFFFFFB0]  }
0x2c2: {  	v11 =	vld [tilespmem:s30+$0x30]  }
0x2c3: {  	v12 =	vld [tilespmem:s30+$0xB0];
	_ =	sdelay $0x1  }
0x2c4: {  	vm0 =	vlt.u32 v10, $0xC  }
0x2c5: {  	vm1 =	vlt.u32 v9, $0x1F  }
0x2c6: {  	v9 =	vsel vm1, $0x3F800000, v0;
	vm1 =	vlt.u32 v11, $0x7  }
0x2c7: {  	v10 =	vsel vm1, $0x3F800000, v0;
	vm1 =	vlt.u32 v12, $0x18  }
0x2c8: {  	v11 =	vsel vm0, $0x3F800000, v0;
	v12 =	vsel vm1, $0x3F800000, v0  }
0x2c9: {  	v9 =	vadd.f32 v9, v11;
	v10 =	vadd.f32 v12, v10;
	_ =	sdelay $0x1  }
0x2ca: {  	v9 =	vadd.f32 v10, v9;
	_ =	sdelay $0x1  }
0x2cb: {  	[tilespmem:s31+$0xDC30] =	vst v9;
	v9 =	vmul.f32 v9, v9  }
0x2cc: {  	v10 =	vld [tilespmem:s30+$0xC0]  }
0x2cd: {  	v6 =	vadd.f32 v9, v6;
	v9 =	vld [tilespmem:s30+$0xFFFFFF40]  }
0x2ce: {  	v11 =	vld [tilespmem:s30+$0x40]  }
0x2cf: {  	v12 =	vld [tilespmem:s30+$0xFFFFFFC0];
	_ =	sdelay $0x1  }
0x2d0: {  	vm0 =	vlt.u32 v10, $0x18  }
0x2d1: {  	vm1 =	vlt.u32 v9, $0xC;
	v9 =	vsel vm0, $0x3F800000, v0  }
0x2d2: {  	v10 =	vsel vm1, $0x3F800000, v0;
	vm0 =	vlt.u32 v11, $0x7  }
0x2d3: {  	vm1 =	vlt.u32 v12, $0x1F;
	v11 =	vsel vm0, $0x3F800000, v0  }
0x2d4: {  	v12 =	vsel vm1, $0x3F800000, v0;
	v9 =	vadd.f32 v9, v11  }
0x2d5: {  	v10 =	vadd.f32 v12, v10;
	_ =	sdelay $0x1  }
0x2d6: {  	v9 =	vadd.f32 v9, v10;
	_ =	sdelay $0x1  }
0x2d7: {  	[tilespmem:s31+$0xDC40] =	vst v9;
	v9 =	vmul.f32 v9, v9  }
0x2d8: {  	v10 =	vld [tilespmem:s30+$0xD0]  }
0x2d9: {  	v7 =	vadd.f32 v9, v7;
	v9 =	vld [tilespmem:s30+$0xFFFFFFD0]  }
0x2da: {  	v11 =	vld [tilespmem:s30+$0xFFFFFF50]  }
0x2db: {  	v12 =	vld [tilespmem:s30+$0x50];
	_ =	sdelay $0x1  }
0x2dc: {  	vm0 =	vlt.u32 v10, $0x18  }
0x2dd: {  	vm1 =	vlt.u32 v9, $0x1F  }
0x2de: {  	vm2 =	vlt.u32 v11, $0xC;
	v9 =	vsel vm1, $0x3F800000, v0  }
0x2df: {  	v10 =	vsel vm2, $0x3F800000, v0;
	vm1 =	vlt.u32 v12, $0x7  }
0x2e0: {  	v12 =	vsel vm0, $0x3F800000, v0;
	v11 =	vsel vm1, $0x3F800000, v0;
	v9 =	vadd.f32 v9, v10  }
0x2e1: {  	v10 =	vadd.f32 v12, v11;
	_ =	sdelay $0x1  }
0x2e2: {  	v9 =	vadd.f32 v10, v9;
	_ =	sdelay $0x1  }
0x2e3: {  	[tilespmem:s31+$0xDC50] =	vst v9;
	v9 =	vmul.f32 v9, v9  }
0x2e4: {  	v10 =	vld [tilespmem:s30+$0xFFFFFF60]  }
0x2e5: {  	v8 =	vadd.f32 v9, v8;
	v9 =	vld [tilespmem:s30+$0xFFFFFFE0]  }
0x2e6: {  	v11 =	vld [tilespmem:s30+$0xE0]  }
0x2e7: {  	v12 =	vld [tilespmem:s30+$0x60];
	_ =	sdelay $0x1  }
.Ltmp3:
0x2e8: {  	vm0 =	vlt.u32 v10, $0xC;
	(pc) =	sbr.rel @p0 .LBB2_8-.Ltmp3, $4  }
0x2e9: {  	vm1 =	vlt.u32 v9, $0x1F  }
0x2ea: {  	v10 =	vsel vm0, $0x3F800000, v0;
	vm0 =	vlt.u32 v11, $0x18  }
0x2eb: {  	v13 =	vsel vm1, $0x3F800000, v0;
	vm1 =	vlt.u32 v12, $0x7;
	v9 =	vsel vm0, $0x3F800000, v0  }
0x2ec: {  	v10 =	vadd.f32 v13, v10;
	v11 =	vsel vm1, $0x3F800000, v0  }
0x2ed: {  	v9 =	vadd.f32 v9, v11;
	_ =	sdelay $0x1  }
0x2ee: {  	v9 =	vadd.f32 v9, v10;
	_ =	sdelay $0x1  }
0x2ef: {  	[tilespmem:s31+$0xDC60] =	vst v9  }
0x2f0: {  	v10 =	vld [tilespmem:s1+$0xFFFFFF70]  }
0x2f1: {  	v11 =	vld [tilespmem:s1+$0xF0]  }
0x2f2: {  	v12 =	vld [tilespmem:s1+$0x70]  }
0x2f3: {  	v13 =	vld [tilespmem:s1+$0xFFFFFFF0];
	_ =	sdelay $0x3  }
0x2f4: {  	vm0 =	vlt.u32 v10, $0xC;
	vm12 =	vlt.u32 v11, $0x18  }
0x2f5: {  	vm1 =	vlt.u32 v12, $0x7;
	vm2 =	vlt.u32 v13, $0x1F;
	v10 =	vsel vm0, $0x3F800000, v0  }
0x2f6: {  	v11 =	vsel vm12, $0x3F800000, v0;
	v12 =	vsel vm1, $0x3F800000, v0;
	v13 =	vsel vm2, $0x3F800000, v0  }
0x2f7: {  	v11 =	vadd.f32 v11, v12;
	v10 =	vadd.f32 v13, v10;
	_ =	sdelay $0x1  }
0x2f8: {  	v10 =	vadd.f32 v11, v10;
	_ =	sdelay $0x1  }
0x2f9: {  	[tilespmem:s31+$0xDC70] =	vst v10  }
0x2fa: {  	_ =	swait.ge [sflag:s17], $0x5000  }
0x2fb: {  	[sflag:s17] =	ssyncset.done $0x0  }
0x2fc: {  	s31 =	simm.s32 $0x100;
	[sflag:s17] =	ssyncadd.s32 $0xFFFFB000  }
0x2fd: {  	v11 =	vld [tilespmem:s31+$0xFFFFFF00]  }
0x2fe: {  	v25 =	vld [tilespmem:s31+$0x80]  }
0x2ff: {  	v26 =	vld [tilespmem:s31+$0x0]  }
0x300: {  	v14 =	vld [tilespmem:s31+$0xFFFFFF80];
	_ =	sdelay $0x3  }
0x301: {  	vm13 =	vlt.u32 v11, $0xC;
	vm14 =	vlt.u32 v26, $0x7  }
0x302: {  	vm15 =	vlt.u32 v25, $0x18;
	vm3 =	vlt.u32 v14, $0x1F;
	v11 =	vsel vm14, $0x3F800000, v0  }
0x303: {  	v27 =	vsel vm13, $0x3F800000, v0;
	v28 =	vsel vm3, $0x3F800000, v0;
	v29 =	vsel vm15, $0x3F800000, v0  }
0x304: {  	v12 =	vadd.f32 v28, v27;
	v11 =	vadd.f32 v29, v11;
	_ =	sdelay $0x1  }
0x305: {  	v11 =	vadd.f32 v11, v12  }
0x306: {  	s30 =	simm.s32 $0x0  }
0x307: {  	[tilespmem:s30+$0xF000] =	vst v11  }
0x308: {  	v30 =	vld [tilespmem:s31+$0x90]  }
0x309: {  	v31 =	vld [tilespmem:s31+$0xFFFFFF90]  }
0x30a: {  	v32 =	vld [tilespmem:s31+$0x10]  }
0x30b: {  	v15 =	vld [tilespmem:s31+$0xFFFFFF10];
	_ =	sdelay $0x3  }
0x30c: {  	vm4 =	vlt.u32 v30, $0x18;
	vm5 =	vlt.u32 v31, $0x1F  }
0x30d: {  	vm6 =	vlt.u32 v32, $0x7;
	vm7 =	vlt.u32 v15, $0xC;
	v12 =	vsel vm4, $0x3F800000, v0  }
0x30e: {  	v13 =	vsel vm5, $0x3F800000, v0;
	v14 =	vsel vm6, $0x3F800000, v0;
	v15 =	vsel vm7, $0x3F800000, v0  }
0x30f: {  	v12 =	vadd.f32 v12, v14;
	v13 =	vadd.f32 v13, v15;
	_ =	sdelay $0x1  }
0x310: {  	v12 =	vadd.f32 v12, v13;
	_ =	sdelay $0x1  }
0x311: {  	[tilespmem:s30+$0xF010] =	vst v12  }
0x312: {  	v33 =	vld [tilespmem:s31+$0x20]  }
0x313: {  	v34 =	vld [tilespmem:s31+$0xFFFFFFA0]  }
0x314: {  	v35 =	vld [tilespmem:s31+$0xFFFFFF20]  }
0x315: {  	v16 =	vld [tilespmem:s31+$0xA0];
	_ =	sdelay $0x3  }
0x316: {  	vm8 =	vlt.u32 v34, $0x1F;
	vm9 =	vlt.u32 v35, $0xC  }
0x317: {  	vm10 =	vlt.u32 v33, $0x7;
	vm11 =	vlt.u32 v16, $0x18;
	v14 =	vsel vm8, $0x3F800000, v0  }
0x318: {  	v36 =	vsel vm9, $0x3F800000, v0;
	v37 =	vsel vm10, $0x3F800000, v0;
	v16 =	vsel vm11, $0x3F800000, v0  }
0x319: {  	v13 =	vadd.f32 v14, v36;
	v38 =	vadd.f32 v16, v37;
	_ =	sdelay $0x1  }
0x31a: {  	v13 =	vadd.f32 v38, v13;
	_ =	sdelay $0x1  }
0x31b: {  	[tilespmem:s30+$0xF020] =	vst v13  }
0x31c: {  	v39 =	vld [tilespmem:s31+$0xFFFFFF30]  }
0x31d: {  	v40 =	vld [tilespmem:s31+$0xFFFFFFB0]  }
0x31e: {  	v41 =	vld [tilespmem:s31+$0x30]  }
0x31f: {  	v17 =	vld [tilespmem:s31+$0xB0];
	_ =	sdelay $0x3  }
0x320: {  	vm12 =	vlt.u32 v39, $0xC;
	vm13 =	vlt.u32 v40, $0x1F  }
0x321: {  	vm14 =	vlt.u32 v41, $0x7;
	vm15 =	vlt.u32 v17, $0x18;
	v42 =	vsel vm13, $0x3F800000, v0  }
0x322: {  	v43 =	vsel vm14, $0x3F800000, v0;
	v44 =	vsel vm12, $0x3F800000, v0;
	v17 =	vsel vm15, $0x3F800000, v0  }
0x323: {  	v14 =	vadd.f32 v42, v44;
	v15 =	vadd.f32 v17, v43;
	_ =	sdelay $0x1  }
0x324: {  	v14 =	vadd.f32 v15, v14;
	_ =	sdelay $0x1  }
0x325: {  	[tilespmem:s30+$0xF030] =	vst v14  }
0x326: {  	v45 =	vld [tilespmem:s31+$0xC0]  }
0x327: {  	v46 =	vld [tilespmem:s31+$0xFFFFFF40]  }
0x328: {  	v47 =	vld [tilespmem:s31+$0x40]  }
0x329: {  	v18 =	vld [tilespmem:s31+$0xFFFFFFC0];
	_ =	sdelay $0x3  }
0x32a: {  	vm4 =	vlt.u32 v45, $0x18;
	vm5 =	vlt.u32 v46, $0xC  }
0x32b: {  	vm6 =	vlt.u32 v47, $0x7;
	vm7 =	vlt.u32 v18, $0x1F;
	v15 =	vsel vm4, $0x3F800000, v0  }
0x32c: {  	v16 =	vsel vm5, $0x3F800000, v0;
	v17 =	vsel vm6, $0x3F800000, v0;
	v18 =	vsel vm7, $0x3F800000, v0  }
0x32d: {  	v15 =	vadd.f32 v15, v17;
	v16 =	vadd.f32 v18, v16;
	_ =	sdelay $0x1  }
0x32e: {  	v15 =	vadd.f32 v15, v16;
	_ =	sdelay $0x1  }
0x32f: {  	[tilespmem:s30+$0xF040] =	vst v15  }
0x330: {  	v48 =	vld [tilespmem:s31+$0xD0]  }
0x331: {  	v49 =	vld [tilespmem:s31+$0xFFFFFFD0]  }
0x332: {  	v50 =	vld [tilespmem:s31+$0xFFFFFF50]  }
0x333: {  	v19 =	vld [tilespmem:s31+$0x50];
	_ =	sdelay $0x3  }
0x334: {  	vm8 =	vlt.u32 v48, $0x18;
	vm9 =	vlt.u32 v49, $0x1F  }
0x335: {  	vm10 =	vlt.u32 v50, $0xC;
	vm11 =	vlt.u32 v19, $0x7;
	v51 =	vsel vm9, $0x3F800000, v0  }
0x336: {  	v52 =	vsel vm10, $0x3F800000, v0;
	v53 =	vsel vm11, $0x3F800000, v0;
	v54 =	vsel vm8, $0x3F800000, v0  }
0x337: {  	v16 =	vadd.f32 v51, v52;
	v55 =	vadd.f32 v54, v53;
	_ =	sdelay $0x1  }
0x338: {  	v16 =	vadd.f32 v55, v16;
	_ =	sdelay $0x1  }
0x339: {  	v9 =	vmul.f32 v9, v9;
	[tilespmem:s30+$0xF050] =	vst v16  }
0x33a: {  	v10 =	vmul.f32 v10, v10;
	v56 =	vld [tilespmem:s31+$0xFFFFFF60]  }
0x33b: {  	v1 =	vadd.f32 v9, v1;
	v9 =	vmul.f32 v11, v11;
	v57 =	vld [tilespmem:s31+$0xFFFFFFE0]  }
0x33c: {  	v2 =	vadd.f32 v10, v2;
	v11 =	vmul.f32 v12, v12;
	v58 =	vld [tilespmem:s31+$0xE0]  }
0x33d: {  	v10 =	vadd.f32 v9, v3;
	v59 =	vmul.f32 v13, v13;
	v3 =	vmul.f32 v14, v14;
	v60 =	vld [tilespmem:s31+$0x60]  }
0x33e: {  	v11 =	vadd.f32 v11, v4;
	v61 =	vmul.f32 v15, v15;
	v62 =	vmul.f32 v16, v16  }
0x33f: {  	v9 =	vadd.f32 v59, v5;
	v5 =	vadd.f32 v3, v6  }
0x340: {  	v4 =	vadd.f32 v61, v7;
	v3 =	vadd.f32 v62, v8  }
0x341: {  	vm12 =	vlt.u32 v56, $0xC;
	vm13 =	vlt.u32 v57, $0x1F;
	vm14 =	vlt.u32 v58, $0x18  }
0x342: {  	vm15 =	vlt.u32 v60, $0x7;
	v6 =	vsel vm12, $0x3F800000, v0;
	v63 =	vsel vm13, $0x3F800000, v0  }
0x343: {  	s0 =	simm.s32 $0x200;
	s1 =	simm.s32 $0x100;
	v7 =	vsel vm14, $0x3F800000, v0;
	v8 =	vsel vm15, $0x3F800000, v0;
	v6 =	vadd.f32 v63, v6  }
.LBB2_10:
0x344: {  	p0 =	sne.s32 s0, $0x4E00  }
0x345: {  	s31 =	sadd.s32 $0x200, s31;
	s21 =	smov.u32 s0;
	s0 =	sadd.s32 $0x200, s0  }
0x346: {  	v7 =	vadd.f32 v7, v8;
	_ =	sdelay $0x1  }
0x347: {  	v6 =	vadd.f32 v7, v6;
	_ =	sdelay $0x1  }
0x348: {  	[tilespmem:s30+$0xF060] =	vst v6;
	v6 =	vmul.f32 v6, v6  }
0x349: {  	v7 =	vld [tilespmem:s1+$0xFFFFFF70]  }
0x34a: {  	v1 =	vadd.f32 v6, v1;
	v6 =	vld [tilespmem:s1+$0xF0]  }
0x34b: {  	v8 =	vld [tilespmem:s1+$0x70]  }
0x34c: {  	v12 =	vld [tilespmem:s1+$0xFFFFFFF0];
	s1 =	smov.u32 s31;
	_ =	sdelay $0x1  }
0x34d: {  	vm0 =	vlt.u32 v7, $0xC  }
0x34e: {  	v7 =	vsel vm0, $0x3F800000, v0;
	vm0 =	vlt.u32 v6, $0x18  }
0x34f: {  	vm1 =	vlt.u32 v8, $0x7;
	v6 =	vsel vm0, $0x3F800000, v0  }
0x350: {  	vm0 =	vlt.u32 v12, $0x1F;
	v8 =	vsel vm1, $0x3F800000, v0  }
0x351: {  	v12 =	vsel vm0, $0x3F800000, v0;
	v6 =	vadd.f32 v6, v8  }
0x352: {  	v7 =	vadd.f32 v12, v7;
	_ =	sdelay $0x1  }
0x353: {  	v6 =	vadd.f32 v6, v7;
	_ =	sdelay $0x1  }
0x354: {  	[tilespmem:s30+$0xF070] =	vst v6;
	v6 =	vmul.f32 v6, v6  }
0x355: {  	v7 =	vld [tilespmem:s31+$0xFFFFFF00]  }
0x356: {  	v8 =	vld [tilespmem:s31+$0x80];
	v2 =	vadd.f32 v6, v2  }
0x357: {  	v6 =	vld [tilespmem:s31+$0x0]  }
0x358: {  	v12 =	vld [tilespmem:s31+$0xFFFFFF80];
	_ =	sdelay $0x1  }
0x359: {  	vm0 =	vlt.u32 v7, $0xC  }
0x35a: {  	vm1 =	vlt.u32 v8, $0x18  }
0x35b: {  	vm2 =	vlt.u32 v6, $0x7  }
0x35c: {  	vm3 =	vlt.u32 v12, $0x1F;
	v6 =	vsel vm2, $0x3F800000, v0  }
0x35d: {  	v7 =	vsel vm0, $0x3F800000, v0;
	v12 =	vsel vm1, $0x3F800000, v0;
	v8 =	vsel vm3, $0x3F800000, v0  }
0x35e: {  	v6 =	vadd.f32 v12, v6;
	v7 =	vadd.f32 v8, v7;
	_ =	sdelay $0x1  }
0x35f: {  	v6 =	vadd.f32 v6, v7  }
0x360: {  	s30 =	sshra.s32 s21, $0x2  }
0x361: {  	[tilespmem:s30+$0xF000] =	vst v6;
	v6 =	vmul.f32 v6, v6  }
0x362: {  	v7 =	vld [tilespmem:s31+$0x90]  }
0x363: {  	v10 =	vadd.f32 v6, v10;
	v6 =	vld [tilespmem:s31+$0xFFFFFF90]  }
0x364: {  	v8 =	vld [tilespmem:s31+$0x10]  }
0x365: {  	v12 =	vld [tilespmem:s31+$0xFFFFFF10];
	_ =	sdelay $0x1  }
0x366: {  	vm0 =	vlt.u32 v7, $0x18  }
0x367: {  	vm1 =	vlt.u32 v6, $0x1F;
	v6 =	vsel vm0, $0x3F800000, v0  }
0x368: {  	v7 =	vsel vm1, $0x3F800000, v0;
	vm0 =	vlt.u32 v8, $0x7  }
0x369: {  	vm1 =	vlt.u32 v12, $0xC;
	v8 =	vsel vm0, $0x3F800000, v0  }
0x36a: {  	v12 =	vsel vm1, $0x3F800000, v0;
	v6 =	vadd.f32 v6, v8  }
0x36b: {  	v7 =	vadd.f32 v7, v12;
	_ =	sdelay $0x1  }
0x36c: {  	v6 =	vadd.f32 v6, v7;
	_ =	sdelay $0x1  }
0x36d: {  	[tilespmem:s30+$0xF010] =	vst v6;
	v6 =	vmul.f32 v6, v6  }
0x36e: {  	v7 =	vld [tilespmem:s31+$0x20]  }
0x36f: {  	v11 =	vadd.f32 v6, v11;
	v6 =	vld [tilespmem:s31+$0xFFFFFFA0]  }
0x370: {  	v8 =	vld [tilespmem:s31+$0xFFFFFF20]  }
0x371: {  	v12 =	vld [tilespmem:s31+$0xA0];
	_ =	sdelay $0x2  }
0x372: {  	vm0 =	vlt.u32 v6, $0x1F  }
0x373: {  	vm1 =	vlt.u32 v8, $0xC;
	v6 =	vsel vm0, $0x3F800000, v0;
	vm0 =	vlt.u32 v7, $0x7  }
0x374: {  	v7 =	vsel vm1, $0x3F800000, v0;
	v8 =	vsel vm0, $0x3F800000, v0;
	vm0 =	vlt.u32 v12, $0x18  }
0x375: {  	v12 =	vsel vm0, $0x3F800000, v0;
	v6 =	vadd.f32 v6, v7  }
0x376: {  	v7 =	vadd.f32 v12, v8;
	_ =	sdelay $0x1  }
0x377: {  	v6 =	vadd.f32 v7, v6;
	_ =	sdelay $0x1  }
0x378: {  	[tilespmem:s30+$0xF020] =	vst v6;
	v6 =	vmul.f32 v6, v6  }
0x379: {  	v7 =	vld [tilespmem:s31+$0xFFFFFF30]  }
0x37a: {  	v9 =	vadd.f32 v6, v9;
	v6 =	vld [tilespmem:s31+$0xFFFFFFB0]  }
0x37b: {  	v8 =	vld [tilespmem:s31+$0x30]  }
0x37c: {  	v12 =	vld [tilespmem:s31+$0xB0];
	_ =	sdelay $0x1  }
0x37d: {  	vm0 =	vlt.u32 v7, $0xC  }
0x37e: {  	vm1 =	vlt.u32 v6, $0x1F  }
0x37f: {  	v6 =	vsel vm1, $0x3F800000, v0;
	vm1 =	vlt.u32 v8, $0x7  }
0x380: {  	v7 =	vsel vm1, $0x3F800000, v0;
	vm1 =	vlt.u32 v12, $0x18  }
0x381: {  	v8 =	vsel vm0, $0x3F800000, v0;
	v12 =	vsel vm1, $0x3F800000, v0  }
0x382: {  	v6 =	vadd.f32 v6, v8;
	v7 =	vadd.f32 v12, v7;
	_ =	sdelay $0x1  }
0x383: {  	v6 =	vadd.f32 v7, v6;
	_ =	sdelay $0x1  }
0x384: {  	[tilespmem:s30+$0xF030] =	vst v6;
	v6 =	vmul.f32 v6, v6  }
0x385: {  	v7 =	vld [tilespmem:s31+$0xC0]  }
0x386: {  	v5 =	vadd.f32 v6, v5;
	v6 =	vld [tilespmem:s31+$0xFFFFFF40]  }
0x387: {  	v8 =	vld [tilespmem:s31+$0x40]  }
0x388: {  	v12 =	vld [tilespmem:s31+$0xFFFFFFC0];
	_ =	sdelay $0x1  }
0x389: {  	vm0 =	vlt.u32 v7, $0x18  }
0x38a: {  	vm1 =	vlt.u32 v6, $0xC;
	v6 =	vsel vm0, $0x3F800000, v0  }
0x38b: {  	v7 =	vsel vm1, $0x3F800000, v0;
	vm0 =	vlt.u32 v8, $0x7  }
0x38c: {  	vm1 =	vlt.u32 v12, $0x1F;
	v8 =	vsel vm0, $0x3F800000, v0  }
0x38d: {  	v12 =	vsel vm1, $0x3F800000, v0;
	v6 =	vadd.f32 v6, v8  }
0x38e: {  	v7 =	vadd.f32 v12, v7;
	_ =	sdelay $0x1  }
0x38f: {  	v6 =	vadd.f32 v6, v7;
	_ =	sdelay $0x1  }
0x390: {  	[tilespmem:s30+$0xF040] =	vst v6;
	v6 =	vmul.f32 v6, v6  }
0x391: {  	v7 =	vld [tilespmem:s31+$0xD0]  }
0x392: {  	v4 =	vadd.f32 v6, v4;
	v6 =	vld [tilespmem:s31+$0xFFFFFFD0]  }
0x393: {  	v8 =	vld [tilespmem:s31+$0xFFFFFF50]  }
0x394: {  	v12 =	vld [tilespmem:s31+$0x50];
	_ =	sdelay $0x1  }
0x395: {  	vm0 =	vlt.u32 v7, $0x18  }
0x396: {  	vm1 =	vlt.u32 v6, $0x1F  }
0x397: {  	vm2 =	vlt.u32 v8, $0xC;
	v6 =	vsel vm1, $0x3F800000, v0  }
0x398: {  	v7 =	vsel vm2, $0x3F800000, v0;
	vm1 =	vlt.u32 v12, $0x7  }
0x399: {  	v12 =	vsel vm0, $0x3F800000, v0;
	v8 =	vsel vm1, $0x3F800000, v0;
	v6 =	vadd.f32 v6, v7  }
0x39a: {  	v7 =	vadd.f32 v12, v8;
	_ =	sdelay $0x1  }
0x39b: {  	v6 =	vadd.f32 v7, v6;
	_ =	sdelay $0x1  }
0x39c: {  	[tilespmem:s30+$0xF050] =	vst v6;
	v6 =	vmul.f32 v6, v6  }
0x39d: {  	v7 =	vld [tilespmem:s31+$0xFFFFFF60]  }
0x39e: {  	v3 =	vadd.f32 v6, v3;
	v6 =	vld [tilespmem:s31+$0xFFFFFFE0]  }
0x39f: {  	v8 =	vld [tilespmem:s31+$0xE0]  }
0x3a0: {  	v12 =	vld [tilespmem:s31+$0x60];
	_ =	sdelay $0x1  }
.Ltmp4:
0x3a1: {  	vm0 =	vlt.u32 v7, $0xC;
	(pc) =	sbr.rel @p0 .LBB2_10-.Ltmp4, $4  }
0x3a2: {  	vm1 =	vlt.u32 v6, $0x1F  }
0x3a3: {  	v6 =	vsel vm0, $0x3F800000, v0;
	vm0 =	vlt.u32 v8, $0x18  }
0x3a4: {  	v13 =	vsel vm1, $0x3F800000, v0;
	vm1 =	vlt.u32 v12, $0x7;
	v7 =	vsel vm0, $0x3F800000, v0  }
0x3a5: {  	v6 =	vadd.f32 v13, v6;
	v8 =	vsel vm1, $0x3F800000, v0  }
0x3a6: {  	v7 =	vadd.f32 v7, v8;
	v8 =	vshra.s32 v10, $0x1;
	v10 =	vmul.f32 $5.000000000e-01, v10  }
0x3a7: {  	v12 =	vshra.s32 v11, $0x1;
	v11 =	vmul.f32 $5.000000000e-01, v11;
	v8 =	vsub.s32 $0x5F3759DF, v8  }
0x3a8: {  	v12 =	vsub.s32 $0x5F3759DF, v12;
	v13 =	vmul.f32 v8, v10  }
0x3a9: {  	v6 =	vadd.f32 v7, v6;
	v7 =	vmul.f32 v12, v11  }
0x3aa: {  	v13 =	vmul.f32 v8, v13  }
0x3ab: {  	[tilespmem:s30+$0xF060] =	vst v6;
	v7 =	vmul.f32 v12, v7  }
0x3ac: {  	v14 =	vld [tilespmem:s1+$0xFFFFFF70];
	v13 =	vsub.f32 $1.500000000e+00, v13  }
0x3ad: {  	v15 =	vld [tilespmem:s1+$0xF0];
	v7 =	vsub.f32 $1.500000000e+00, v7  }
0x3ae: {  	v16 =	vld [tilespmem:s1+$0x70];
	v8 =	vmul.f32 v8, v13  }
0x3af: {  	v13 =	vld [tilespmem:s1+$0xFFFFFFF0];
	v7 =	vmul.f32 v12, v7  }
0x3b0: {  	v12 =	vmul.f32 v8, v10  }
0x3b1: {  	vm0 =	vlt.u32 v14, $0xC;
	v14 =	vmul.f32 v7, v11  }
0x3b2: {  	v6 =	vmul.f32 v6, v6;
	vm14 =	vlt.u32 v15, $0x18;
	v12 =	vmul.f32 v12, v8  }
0x3b3: {  	vm1 =	vlt.u32 v16, $0x7;
	v17 =	vsel vm0, $0x3F800000, v0;
	v14 =	vmul.f32 v14, v7  }
0x3b4: {  	v15 =	vsel vm14, $0x3F800000, v0;
	vm15 =	vlt.u32 v13, $0x1F;
	v12 =	vsub.f32 $1.500000000e+00, v12  }
0x3b5: {  	v13 =	vsel vm1, $0x3F800000, v0;
	v16 =	vsel vm15, $0x3F800000, v0;
	v14 =	vsub.f32 $1.500000000e+00, v14  }
0x3b6: {  	v13 =	vadd.f32 v15, v13;
	v15 =	vadd.f32 v16, v17;
	v8 =	vmul.f32 v12, v8  }
0x3b7: {  	v7 =	vmul.f32 v14, v7;
	v12 =	vshra.s32 v9, $0x1;
	v9 =	vmul.f32 $5.000000000e-01, v9  }
0x3b8: {  	v6 =	vadd.f32 v6, v1;
	v12 =	vsub.s32 $0x5F3759DF, v12;
	v10 =	vmul.f32 v8, v10  }
0x3b9: {  	v13 =	vadd.f32 v13, v15;
	v11 =	vmul.f32 v7, v11;
	v14 =	vmul.f32 v12, v9  }
0x3ba: {  	v15 =	vshra.s32 v5, $0x1;
	v5 =	vmul.f32 $5.000000000e-01, v5;
	v10 =	vmul.f32 v10, v8  }
0x3bb: {  	v15 =	vsub.s32 $0x5F3759DF, v15;
	v11 =	vmul.f32 v11, v7;
	v14 =	vmul.f32 v12, v14  }
0x3bc: {  	v16 =	vmul.f32 v15, v5;
	v17 =	vmul.f32 v13, v13;
	v10 =	vsub.f32 $1.500000000e+00, v10  }
0x3bd: {  	v11 =	vsub.f32 $1.500000000e+00, v11;
	v14 =	vsub.f32 $1.500000000e+00, v14  }
0x3be: {  	v1 =	vmul.f32 v10, v8;
	v8 =	vmul.f32 v15, v16;
	v10 =	vadd.f32 v17, v2  }
0x3bf: {  	v2 =	vmul.f32 v11, v7;
	v7 =	vmul.f32 v12, v14;
	v11 =	vshra.s32 v4, $0x1  }
0x3c0: {  	v4 =	vmul.f32 $5.000000000e-01, v4;
	v12 =	vshra.s32 v3, $0x1;
	v3 =	vmul.f32 $5.000000000e-01, v3  }
0x3c1: {  	v16 =	vshra.s32 v6, $0x1;
	v11 =	vsub.s32 $0x5F3759DF, v11;
	v8 =	vsub.f32 $1.500000000e+00, v8  }
0x3c2: {  	v6 =	vmul.f32 $5.000000000e-01, v6;
	v12 =	vsub.s32 $0x5F3759DF, v12;
	v14 =	vmul.f32 v11, v4  }
0x3c3: {  	v16 =	vsub.s32 $0x5F3759DF, v16;
	v8 =	vmul.f32 v15, v8;
	v15 =	vmul.f32 v12, v3  }
0x3c4: {  	v17 =	vshra.s32 v10, $0x1;
	v10 =	vmul.f32 $5.000000000e-01, v10;
	v14 =	vmul.f32 v11, v14  }
0x3c5: {  	v18 =	vmul.f32 v16, v6;
	v17 =	vsub.s32 $0x5F3759DF, v17;
	v15 =	vmul.f32 v12, v15  }
0x3c6: {  	v20 =	vmul.f32 v7, v9;
	v19 =	vmul.f32 v17, v10;
	v14 =	vsub.f32 $1.500000000e+00, v14  }
0x3c7: {  	v18 =	vmul.f32 v16, v18;
	v21 =	vmul.f32 v8, v5;
	v15 =	vsub.f32 $1.500000000e+00, v15  }
0x3c8: {  	v19 =	vmul.f32 v17, v19;
	v11 =	vmul.f32 v11, v14  }
0x3c9: {  	v14 =	vsub.f32 $1.500000000e+00, v18;
	v57 =	vmul.f32 v21, v8;
	v12 =	vmul.f32 v12, v15  }
0x3ca: {  	v20 =	vmul.f32 v20, v7;
	v15 =	vsub.f32 $1.500000000e+00, v19;
	v58 =	vmul.f32 v11, v4  }
0x3cb: {  	v14 =	vmul.f32 v16, v14;
	v18 =	vsub.f32 $1.500000000e+00, v57;
	v16 =	vmul.f32 v12, v3  }
0x3cc: {  	v15 =	vmul.f32 v17, v15;
	v19 =	vmul.f32 v58, v11  }
0x3cd: {  	v17 =	vsub.f32 $1.500000000e+00, v20;
	v59 =	vmul.f32 v14, v6;
	v8 =	vmul.f32 v18, v8  }
0x3ce: {  	v16 =	vmul.f32 v16, v12;
	v60 =	vmul.f32 v15, v10  }
0x3cf: {  	v7 =	vmul.f32 v17, v7;
	v17 =	vsub.f32 $1.500000000e+00, v19;
	v61 =	vmul.f32 v59, v14  }
0x3d0: {  	v5 =	vmul.f32 v8, v5;
	v16 =	vsub.f32 $1.500000000e+00, v16;
	v62 =	vmul.f32 v60, v15  }
0x3d1: {  	v11 =	vmul.f32 v17, v11;
	v9 =	vmul.f32 v7, v9;
	v17 =	vsub.f32 $1.500000000e+00, v61  }
0x3d2: {  	v5 =	vmul.f32 v5, v8;
	v12 =	vmul.f32 v16, v12;
	v16 =	vsub.f32 $1.500000000e+00, v62  }
0x3d3: {  	v14 =	vmul.f32 v17, v14;
	v9 =	vmul.f32 v9, v7  }
0x3d4: {  	v4 =	vmul.f32 v11, v4;
	v15 =	vmul.f32 v16, v15  }
0x3d5: {  	v3 =	vmul.f32 v12, v3;
	v6 =	vmul.f32 v14, v6  }
0x3d6: {  	s0 =	simm.s32 $0x0;
	[tilespmem:s30+$0xF070] =	vst v13;
	v9 =	vsub.f32 $1.500000000e+00, v9;
	v4 =	vmul.f32 v4, v11;
	v10 =	vmul.f32 v15, v10  }
0x3d7: {  	v5 =	vsub.f32 $1.500000000e+00, v5;
	v16 =	vld [tilespmem:s0+$0xA000];
	v13 =	vmul.f32 v3, v12;
	v6 =	vmul.f32 v6, v14  }
0x3d8: {  	v17 =	vld [tilespmem:s0+$0xA010];
	v3 =	vmul.f32 v9, v7;
	v7 =	vsub.f32 $1.500000000e+00, v4;
	v10 =	vmul.f32 v10, v15  }
0x3d9: {  	v9 =	vld [tilespmem:s0+$0xA020];
	v4 =	vmul.f32 v5, v8;
	v13 =	vsub.f32 $1.500000000e+00, v13;
	v5 =	vsub.f32 $1.500000000e+00, v6  }
0x3da: {  	v8 =	vmul.f32 v7, v11;
	v63 =	vsub.f32 $1.500000000e+00, v10;
	v10 =	vld [tilespmem:s0+$0xA030]  }
0x3db: {  	v11 =	vld [tilespmem:s0+$0xA040];
	v6 =	vmul.f32 v13, v12;
	v7 =	vmul.f32 v5, v14  }
0x3dc: {  	v12 =	vld [tilespmem:s0+$0xA050];
	v5 =	vmul.f32 v63, v15;
	v15 =	vmul.f32 v16, v1  }
0x3dd: {  	s1 =	simm.s32 $0x200;
	v14 =	vmul.f32 v17, v2;
	v13 =	vld [tilespmem:s0+$0xA060]  }
.LBB2_12:
0x3de: {  	s21 =	sshra.s32 s1, $0x2;
	p0 =	sne.s32 s1, $0x4E00;
	[tilespmem:s0+$0xA000] =	vst v15;
	v9 =	vmul.f32 v9, v3;
	v15 =	vld [tilespmem:s0+$0xA070]  }
0x3df: {  	v16 =	vld [tilespmem:s21+$0xA000];
	[tilespmem:s0+$0xA010] =	vst v14;
	v10 =	vmul.f32 v10, v4  }
0x3e0: {  	v14 =	vld [tilespmem:s21+$0xA010];
	[tilespmem:s0+$0xA020] =	vst v9;
	v11 =	vmul.f32 v11, v8  }
.Ltmp5:
0x3e1: {  	v9 =	vld [tilespmem:s21+$0xA020];
	[tilespmem:s0+$0xA030] =	vst v10;
	v12 =	vmul.f32 v12, v6;
	(pc) =	sbr.rel @p0 .LBB2_12-.Ltmp5, $4  }
0x3e2: {  	v10 =	vld [tilespmem:s21+$0xA030];
	[tilespmem:s0+$0xA040] =	vst v11;
	v13 =	vmul.f32 v13, v7  }
0x3e3: {  	v11 =	vld [tilespmem:s21+$0xA040];
	[tilespmem:s0+$0xA050] =	vst v12;
	v17 =	vmul.f32 v15, v5  }
0x3e4: {  	v15 =	vmul.f32 v16, v1;
	v12 =	vld [tilespmem:s21+$0xA050];
	[tilespmem:s0+$0xA060] =	vst v13  }
0x3e5: {  	s1 =	sadd.s32 $0x200, s1;
	v14 =	vmul.f32 v14, v2;
	v13 =	vld [tilespmem:s21+$0xA060];
	[tilespmem:s0+$0xA070] =	vst v17;
	s0 =	smov.u32 s21  }
0x3e6: {  	[tilespmem:s0+$0xA000] =	vst v15;
	v9 =	vmul.f32 v9, v3;
	v15 =	vld [tilespmem:s0+$0xA070]  }
0x3e7: {  	[tilespmem:s0+$0xA010] =	vst v14;
	v10 =	vmul.f32 v10, v4  }
0x3e8: {  	[tilespmem:s0+$0xA020] =	vst v9;
	v9 =	vmul.f32 v11, v8  }
0x3e9: {  	[tilespmem:s0+$0xA030] =	vst v10;
	v10 =	vmul.f32 v12, v6  }
0x3ea: {  	[tilespmem:s0+$0xA040] =	vst v9;
	v9 =	vmul.f32 v13, v7  }
0x3eb: {  	[tilespmem:s0+$0xA050] =	vst v10;
	v10 =	vmul.f32 v15, v5  }
0x3ec: {  	[tilespmem:s0+$0xA060] =	vst v9  }
0x3ed: {  	s31 =	simm.s32 $0xA000;
	[tilespmem:s0+$0xA070] =	vst v10;
	s0 =	simm.s32 $0x0  }
0x3ee: {  	[hbm4b:s7+s19] =	stream.strided.scatter [tilespmem:s31], [sflag:$0x3], $0x1400, s20, s19, $0x38;
	[tilespmem:$0x10400] =	vst v63  }
0x3ef: {  	v12 =	vld [tilespmem:s0+$0xB400]  }
0x3f0: {  	v14 =	vld [tilespmem:s0+$0xB410]  }
0x3f1: {  	v13 =	vld [tilespmem:s0+$0xB420]  }
0x3f2: {  	v11 =	vld [tilespmem:s0+$0xB430]  }
0x3f3: {  	v9 =	vld [tilespmem:s0+$0xB440]  }
0x3f4: {  	v10 =	vld [tilespmem:s0+$0xB450];
	v15 =	vmul.f32 v12, v1  }
0x3f5: {  	s1 =	simm.s32 $0x200;
	v14 =	vmul.f32 v14, v2;
	v12 =	vld [tilespmem:s0+$0xB460]  }
.LBB2_14:
0x3f6: {  	s21 =	sshra.s32 s1, $0x2;
	p0 =	sne.s32 s1, $0x4E00;
	[tilespmem:s0+$0xB400] =	vst v15;
	v13 =	vmul.f32 v13, v3;
	v15 =	vld [tilespmem:s0+$0xB470]  }
0x3f7: {  	v16 =	vld [tilespmem:s21+$0xB400];
	[tilespmem:s0+$0xB410] =	vst v14;
	v11 =	vmul.f32 v11, v4  }
0x3f8: {  	v14 =	vld [tilespmem:s21+$0xB410];
	[tilespmem:s0+$0xB420] =	vst v13;
	v9 =	vmul.f32 v9, v8  }
.Ltmp6:
0x3f9: {  	v13 =	vld [tilespmem:s21+$0xB420];
	[tilespmem:s0+$0xB430] =	vst v11;
	v10 =	vmul.f32 v10, v6;
	(pc) =	sbr.rel @p0 .LBB2_14-.Ltmp6, $4  }
0x3fa: {  	v11 =	vld [tilespmem:s21+$0xB430];
	[tilespmem:s0+$0xB440] =	vst v9;
	v12 =	vmul.f32 v12, v7  }
0x3fb: {  	v9 =	vld [tilespmem:s21+$0xB440];
	[tilespmem:s0+$0xB450] =	vst v10;
	v17 =	vmul.f32 v15, v5  }
0x3fc: {  	v15 =	vmul.f32 v16, v1;
	v10 =	vld [tilespmem:s21+$0xB450];
	[tilespmem:s0+$0xB460] =	vst v12  }
0x3fd: {  	s1 =	sadd.s32 $0x200, s1;
	v14 =	vmul.f32 v14, v2;
	v12 =	vld [tilespmem:s21+$0xB460];
	[tilespmem:s0+$0xB470] =	vst v17;
	s0 =	smov.u32 s21  }
0x3fe: {  	[tilespmem:s0+$0xB400] =	vst v15;
	v13 =	vmul.f32 v13, v3;
	v15 =	vld [tilespmem:s0+$0xB470]  }
0x3ff: {  	[tilespmem:s0+$0xB410] =	vst v14;
	v11 =	vmul.f32 v11, v4  }
0x400: {  	[tilespmem:s0+$0xB420] =	vst v13;
	v9 =	vmul.f32 v9, v8  }
0x401: {  	[tilespmem:s0+$0xB430] =	vst v11;
	v10 =	vmul.f32 v10, v6  }
0x402: {  	[tilespmem:s0+$0xB440] =	vst v9;
	v9 =	vmul.f32 v12, v7  }
0x403: {  	[tilespmem:s0+$0xB450] =	vst v10;
	v10 =	vmul.f32 v15, v5  }
0x404: {  	[tilespmem:s0+$0xB460] =	vst v9  }
0x405: {  	[tilespmem:s0+$0xB470] =	vst v10;
	s0 =	simm.s32 $0x0  }
0x406: {  	[hbm4b:s9+s19] =	stream.strided.scatter [tilespmem:s22], [sflag:$0x4], $0x1400, s20, s19, $0x38;
	[tilespmem:$0x10400] =	vst v63  }
0x407: {  	v12 =	vld [tilespmem:s0+$0xC800]  }
0x408: {  	v14 =	vld [tilespmem:s0+$0xC810]  }
0x409: {  	v13 =	vld [tilespmem:s0+$0xC820]  }
0x40a: {  	v11 =	vld [tilespmem:s0+$0xC830]  }
0x40b: {  	v9 =	vld [tilespmem:s0+$0xC840]  }
0x40c: {  	v10 =	vld [tilespmem:s0+$0xC850];
	v15 =	vmul.f32 v12, v1  }
0x40d: {  	s1 =	simm.s32 $0x200;
	v14 =	vmul.f32 v14, v2;
	v12 =	vld [tilespmem:s0+$0xC860]  }
.LBB2_16:
0x40e: {  	s21 =	sshra.s32 s1, $0x2;
	p0 =	sne.s32 s1, $0x4E00;
	[tilespmem:s0+$0xC800] =	vst v15;
	v13 =	vmul.f32 v13, v3;
	v15 =	vld [tilespmem:s0+$0xC870]  }
0x40f: {  	v16 =	vld [tilespmem:s21+$0xC800];
	[tilespmem:s0+$0xC810] =	vst v14;
	v11 =	vmul.f32 v11, v4  }
0x410: {  	v14 =	vld [tilespmem:s21+$0xC810];
	[tilespmem:s0+$0xC820] =	vst v13;
	v9 =	vmul.f32 v9, v8  }
.Ltmp7:
0x411: {  	v13 =	vld [tilespmem:s21+$0xC820];
	[tilespmem:s0+$0xC830] =	vst v11;
	v10 =	vmul.f32 v10, v6;
	(pc) =	sbr.rel @p0 .LBB2_16-.Ltmp7, $4  }
0x412: {  	v11 =	vld [tilespmem:s21+$0xC830];
	[tilespmem:s0+$0xC840] =	vst v9;
	v12 =	vmul.f32 v12, v7  }
0x413: {  	v9 =	vld [tilespmem:s21+$0xC840];
	[tilespmem:s0+$0xC850] =	vst v10;
	v17 =	vmul.f32 v15, v5  }
0x414: {  	v15 =	vmul.f32 v16, v1;
	v10 =	vld [tilespmem:s21+$0xC850];
	[tilespmem:s0+$0xC860] =	vst v12  }
0x415: {  	s1 =	sadd.s32 $0x200, s1;
	v14 =	vmul.f32 v14, v2;
	v12 =	vld [tilespmem:s21+$0xC860];
	[tilespmem:s0+$0xC870] =	vst v17;
	s0 =	smov.u32 s21  }
0x416: {  	[tilespmem:s0+$0xC800] =	vst v15;
	v13 =	vmul.f32 v13, v3;
	v15 =	vld [tilespmem:s0+$0xC870]  }
0x417: {  	[tilespmem:s0+$0xC810] =	vst v14;
	v11 =	vmul.f32 v11, v4  }
0x418: {  	[tilespmem:s0+$0xC820] =	vst v13;
	v9 =	vmul.f32 v9, v8  }
0x419: {  	[tilespmem:s0+$0xC830] =	vst v11;
	v10 =	vmul.f32 v10, v6  }
0x41a: {  	[tilespmem:s0+$0xC840] =	vst v9;
	v9 =	vmul.f32 v12, v7  }
0x41b: {  	[tilespmem:s0+$0xC850] =	vst v10;
	v10 =	vmul.f32 v15, v5  }
0x41c: {  	[tilespmem:s0+$0xC860] =	vst v9  }
0x41d: {  	[tilespmem:s0+$0xC870] =	vst v10  }
0x41e: {  	_ =	swait.ge [sflag:s23], $0x1400  }
0x41f: {  	[sflag:s23] =	ssyncset.done $0x0  }
0x420: {  	s0 =	simm.s32 $0x0;
	[sflag:s23] =	ssyncadd.s32 $0xFFFFEC00  }
0x421: {  	[hbm4b:s10+s19] =	stream.strided.scatter [tilespmem:s24], [sflag:$0x3], $0x1400, s20, s19, $0x38;
	[tilespmem:$0x10400] =	vst v63  }
0x422: {  	v12 =	vld [tilespmem:s0+$0xDC00]  }
0x423: {  	v14 =	vld [tilespmem:s0+$0xDC10]  }
0x424: {  	v13 =	vld [tilespmem:s0+$0xDC20]  }
0x425: {  	v11 =	vld [tilespmem:s0+$0xDC30]  }
0x426: {  	v9 =	vld [tilespmem:s0+$0xDC40]  }
0x427: {  	v10 =	vld [tilespmem:s0+$0xDC50];
	v15 =	vmul.f32 v12, v1  }
0x428: {  	s1 =	simm.s32 $0x200;
	v14 =	vmul.f32 v14, v2;
	v12 =	vld [tilespmem:s0+$0xDC60]  }
.LBB2_18:
0x429: {  	s21 =	sshra.s32 s1, $0x2;
	p0 =	sne.s32 s1, $0x4E00;
	[tilespmem:s0+$0xDC00] =	vst v15;
	v13 =	vmul.f32 v13, v3;
	v15 =	vld [tilespmem:s0+$0xDC70]  }
0x42a: {  	v16 =	vld [tilespmem:s21+$0xDC00];
	[tilespmem:s0+$0xDC10] =	vst v14;
	v11 =	vmul.f32 v11, v4  }
0x42b: {  	v14 =	vld [tilespmem:s21+$0xDC10];
	[tilespmem:s0+$0xDC20] =	vst v13;
	v9 =	vmul.f32 v9, v8  }
.Ltmp8:
0x42c: {  	v13 =	vld [tilespmem:s21+$0xDC20];
	[tilespmem:s0+$0xDC30] =	vst v11;
	v10 =	vmul.f32 v10, v6;
	(pc) =	sbr.rel @p0 .LBB2_18-.Ltmp8, $4  }
0x42d: {  	v11 =	vld [tilespmem:s21+$0xDC30];
	[tilespmem:s0+$0xDC40] =	vst v9;
	v12 =	vmul.f32 v12, v7  }
0x42e: {  	v9 =	vld [tilespmem:s21+$0xDC40];
	[tilespmem:s0+$0xDC50] =	vst v10;
	v17 =	vmul.f32 v15, v5  }
0x42f: {  	v15 =	vmul.f32 v16, v1;
	v10 =	vld [tilespmem:s21+$0xDC50];
	[tilespmem:s0+$0xDC60] =	vst v12  }
0x430: {  	s1 =	sadd.s32 $0x200, s1;
	v14 =	vmul.f32 v14, v2;
	v12 =	vld [tilespmem:s21+$0xDC60];
	[tilespmem:s0+$0xDC70] =	vst v17;
	s0 =	smov.u32 s21  }
0x431: {  	[tilespmem:s0+$0xDC00] =	vst v15;
	v13 =	vmul.f32 v13, v3;
	v15 =	vld [tilespmem:s0+$0xDC70]  }
0x432: {  	[tilespmem:s0+$0xDC10] =	vst v14;
	v11 =	vmul.f32 v11, v4  }
0x433: {  	[tilespmem:s0+$0xDC20] =	vst v13;
	v9 =	vmul.f32 v9, v8  }
0x434: {  	[tilespmem:s0+$0xDC30] =	vst v11;
	v10 =	vmul.f32 v10, v6  }
0x435: {  	[tilespmem:s0+$0xDC40] =	vst v9;
	v9 =	vmul.f32 v12, v7  }
0x436: {  	[tilespmem:s0+$0xDC50] =	vst v10;
	v10 =	vmul.f32 v15, v5  }
0x437: {  	[tilespmem:s0+$0xDC60] =	vst v9  }
0x438: {  	[tilespmem:s0+$0xDC70] =	vst v10  }
0x439: {  	_ =	swait.ge [sflag:s25], $0x1400  }
0x43a: {  	[sflag:s25] =	ssyncset.done $0x0  }
0x43b: {  	s0 =	simm.s32 $0x0;
	[sflag:s25] =	ssyncadd.s32 $0xFFFFEC00  }
0x43c: {  	[hbm4b:s11+s19] =	stream.strided.scatter [tilespmem:s26], [sflag:$0x4], $0x1400, s20, s19, $0x38;
	[tilespmem:$0x10400] =	vst v63  }
0x43d: {  	v12 =	vld [tilespmem:s0+$0xF000]  }
0x43e: {  	v14 =	vld [tilespmem:s0+$0xF010]  }
0x43f: {  	v13 =	vld [tilespmem:s0+$0xF020]  }
0x440: {  	v11 =	vld [tilespmem:s0+$0xF030]  }
0x441: {  	v9 =	vld [tilespmem:s0+$0xF040]  }
0x442: {  	v10 =	vld [tilespmem:s0+$0xF050];
	v15 =	vmul.f32 v12, v1  }
0x443: {  	s1 =	simm.s32 $0x200;
	v14 =	vmul.f32 v14, v2;
	v12 =	vld [tilespmem:s0+$0xF060]  }
.LBB2_20:
0x444: {  	s21 =	sshra.s32 s1, $0x2;
	p0 =	sne.s32 s1, $0x4E00;
	[tilespmem:s0+$0xF000] =	vst v15;
	v13 =	vmul.f32 v13, v3;
	v15 =	vld [tilespmem:s0+$0xF070]  }
0x445: {  	v16 =	vld [tilespmem:s21+$0xF000];
	[tilespmem:s0+$0xF010] =	vst v14;
	v11 =	vmul.f32 v11, v4  }
0x446: {  	v14 =	vld [tilespmem:s21+$0xF010];
	[tilespmem:s0+$0xF020] =	vst v13;
	v9 =	vmul.f32 v9, v8  }
.Ltmp9:
0x447: {  	v13 =	vld [tilespmem:s21+$0xF020];
	[tilespmem:s0+$0xF030] =	vst v11;
	v10 =	vmul.f32 v10, v6;
	(pc) =	sbr.rel @p0 .LBB2_20-.Ltmp9, $4  }
0x448: {  	v11 =	vld [tilespmem:s21+$0xF030];
	[tilespmem:s0+$0xF040] =	vst v9;
	v12 =	vmul.f32 v12, v7  }
0x449: {  	v9 =	vld [tilespmem:s21+$0xF040];
	[tilespmem:s0+$0xF050] =	vst v10;
	v17 =	vmul.f32 v15, v5  }
0x44a: {  	v15 =	vmul.f32 v16, v1;
	v10 =	vld [tilespmem:s21+$0xF050];
	[tilespmem:s0+$0xF060] =	vst v12  }
0x44b: {  	s1 =	sadd.s32 $0x200, s1;
	v14 =	vmul.f32 v14, v2;
	v12 =	vld [tilespmem:s21+$0xF060];
	[tilespmem:s0+$0xF070] =	vst v17;
	s0 =	smov.u32 s21  }
0x44c: {  	[tilespmem:s0+$0xF000] =	vst v15;
	v1 =	vmul.f32 v13, v3;
	v2 =	vld [tilespmem:s0+$0xF070]  }
0x44d: {  	[tilespmem:s0+$0xF010] =	vst v14;
	v3 =	vmul.f32 v11, v4  }
0x44e: {  	[tilespmem:s0+$0xF020] =	vst v1;
	v1 =	vmul.f32 v9, v8  }
0x44f: {  	[tilespmem:s0+$0xF030] =	vst v3;
	v3 =	vmul.f32 v10, v6  }
0x450: {  	[tilespmem:s0+$0xF040] =	vst v1;
	v1 =	vmul.f32 v12, v7  }
0x451: {  	[tilespmem:s0+$0xF050] =	vst v3;
	v2 =	vmul.f32 v2, v5  }
0x452: {  	[tilespmem:s0+$0xF060] =	vst v1  }
0x453: {  	[tilespmem:s0+$0xF070] =	vst v2  }
0x454: {  	_ =	swait.ge [sflag:s23], $0x1400  }
0x455: {  	[sflag:s23] =	ssyncset.done $0x0  }
0x456: {  	s29 =	sadd.s32 $0x1, s29;
	[sflag:s23] =	ssyncadd.s32 $0xFFFFEC00  }
0x457: {  	[hbm4b:s12+s19] =	stream.strided.scatter [tilespmem:s28], [sflag:$0x3], $0x1400, s20, s19, $0x38;
	[tilespmem:$0x10400] =	vst v63  }
0x458: {  	p0 =	sne.s32 s29, s13;
	_ =	swait.ge [sflag:s25], $0x1400  }
.Ltmp10:
0x459: {  	[sflag:s25] =	ssyncset.done $0x0;
	(pc) =	sbr.rel @p0 .LBB2_1-.Ltmp10, $4  }
0x45a: {  	[sflag:s25] =	ssyncadd.s32 $0xFFFFEC00  }
0x45b: {  	_ =	swait.ge [sflag:s23], $0x1400  }
0x45c: {  	[sflag:s23] =	ssyncset.done $0x0  }
0x45d: {  	[sflag:s23] =	ssyncadd.s32 $0xFFFFEC00  }
0x45e: {  	_ =	sfence.sel $0x180000  }
0x45f: {  	[bflag:$0x0] =	sbarrier.arrive $0xFFFF  }
0x460: {  	_ =	strace $0x90000047  }
0x461: {  	s0 =	stileid.u32;
	[bflag:$0x2] =	sbarrier.arrive $0xFFFF  }
0x462: {  	p0 =	sne.s32 s0, $0x0;
	s0 =	rddreg [dreg:$0x2]  }
0x463: {  	s0 =	sadd.s32 @!p0 $0x100000, s0  }
0x464: {  	[sflag:s0] =	ssyncadd.tile.s32 @!p0 $0x1;
	_ =	shalt  }
.Lfunc_end2:
_tile_overlayer_lowered:
.L_overlay_start_2:
0x465: {  	(tag) =	ssettag $0x2  }
0x466: {  	s0 =	rddreg [dreg:$0x0];
	s2 =	stileid.u32  }
0x467: {  	s1 =	rddreg [dreg:$0x1];
	p0 =	sne.s32 s2, $0x0  }
0x468: {  	s3 =	rddreg [dreg:$0x2];
	[bflag:$0x3] =	sbarrier.arrive $0xFFFF;
	s2 =	simm.s32 @!p0 $0x1C05  }
0x469: {  	[timem:s3], [sflag:s2] =	dma.local @!p0 [hbm:s0], s1  }
0x46a: {  	s0 =	simm.s32 @!p0 $0x5  }
0x46b: {  	_ =	swait.ge @!p0 [sflag:s0], s1  }
0x46c: {  	s1 =	ssub.s32 @!p0 $0x0, s1;
	[sflag:s0] =	ssyncset.done @!p0 $0x0  }
0x46d: {  	[sflag:s0] =	ssyncadd.s32 @!p0 s1  }
0x46e: {  	[bflag:$0x3] =	sbarrier.arrive $0xFFFF  }
0x46f: {  	_ =	shalt  }

</sc_bundles>
